<compile_context>
chip_gen: v7x
topology: tpu7x:2x2x1
jax: 0.10.2.dev20260603
libtpu: 0.0.44.dev20260713+nightly
codegen_flags: <defaults>
</compile_context>

<pallas_src>
import jax
import jax.numpy as jnp
from jax import lax
from jax.experimental import pallas as pl
from jax.experimental.pallas import tpu as pltpu
from jax.experimental.pallas import tpu_sc as plsc

N = 4096
L = N * (N - 1) // 2
NUM_TILES = 32
ROWS_PER_TILE = N // NUM_TILES
LANES = 16
CHUNKS = N // LANES
WIN = N + LANES
UNROLL = 8
DEPTH = 4
CLASS_STEP = 32
NUM_CLS = CHUNKS // CLASS_STEP + 1


def _row_id(wid, t):
    return wid + (ROWS_PER_TILE - 1 - t) * NUM_TILES


def _win_params(i):
    s = i * (N - 2) - (i * (i - 1)) // 2 - 1
    cb = (i + 1) // LANES
    k = cb // CLASS_STEP
    base = k * (CLASS_STEP * LANES)
    wlen = WIN - base
    r = ((s + base) // LANES) * LANES
    r = pl.multiple_of(jnp.clip(r, 0, L - wlen), LANES)
    return s - r, r, cb, k


def _body(comp_hbm, out_hbm, *scratch):
    wins = scratch[0:DEPTH]
    rows = scratch[DEPTH:2 * DEPTH]
    sin = scratch[2 * DEPTH:3 * DEPTH]
    sout = scratch[3 * DEPTH:4 * DEPTH]

    cid = lax.axis_index("c")
    sid = lax.axis_index("s")
    wid = sid * 2 + cid

    lane = lax.iota(jnp.int32, LANES)

    def zero_chunk(c, _):
        z = jnp.zeros((LANES,), jnp.float32)
        for rb in rows:
            rb[pl.ds(c * LANES, LANES)] = z
        return 0
    lax.fori_loop(0, CHUNKS, zero_chunk, 0)

    def start_in(t, win, sem):
        i = _row_id(wid, t)
        _, r, _, k = _win_params(i)
        for ks in range(NUM_CLS):
            wlen = WIN - ks * (CLASS_STEP * LANES)
            pl.when(k == ks)(lambda wlen=wlen: pltpu.make_async_copy(
                comp_hbm.at[pl.ds(r, wlen)], win.at[pl.ds(0, wlen)],
                sem).start())

    def wait_in(t, win, sem):
        i = _row_id(wid, t)
        _, _, _, k = _win_params(i)
        for ks in range(NUM_CLS):
            wlen = WIN - ks * (CLASS_STEP * LANES)
            pl.when(k == ks)(lambda wlen=wlen: pltpu.make_async_copy(
                comp_hbm.at[pl.ds(0, wlen)], win.at[pl.ds(0, wlen)],
                sem).wait())

    def wait_out(row, sem):
        pltpu.make_async_copy(row, out_hbm.at[0], sem).wait()

    def build(rowbuf, win, i):
        d, _, cb, _ = _win_params(i)

        @pl.when(i < N - 1)
        def _():
            c16 = cb * LANES
            idx = jnp.maximum(lane + (d + c16), 0)
            v = plsc.load_gather(win, [idx])
            keep = (lane + c16) >= i + 1
            rowbuf[pl.ds(c16, LANES)] = jnp.where(keep, v, 0.0)

        @plsc.parallel_loop(cb + 1, CHUNKS, unroll=UNROLL)
        def _(c):
            c16 = c * LANES
            v = plsc.load_gather(win, [lane + (d + c16)])
            rowbuf[pl.ds(c16, LANES)] = v

    for t in range(DEPTH - 1):
        start_in(t, wins[t], sin[t])

    def group(g, _):
        t0 = DEPTH * g
        for b in range(DEPTH):
            t = t0 + b
            i = _row_id(wid, t)
            wait_in(t, wins[b], sin[b])
            pn = (b + DEPTH - 1) % DEPTH
            pl.when(t + DEPTH - 1 < ROWS_PER_TILE)(
                lambda t=t, pn=pn: start_in(t + DEPTH - 1, wins[pn], sin[pn]))
            pl.when(g > 0)(lambda b=b: wait_out(rows[b], sout[b]))
            build(rows[b], wins[b], i)
            pltpu.make_async_copy(rows[b], out_hbm.at[i], sout[b]).start()
        return 0
    lax.fori_loop(0, ROWS_PER_TILE // DEPTH, group, 0)

    for b in range(DEPTH):
        wait_out(rows[b], sout[b])


@jax.jit
def kernel(compressed_matrix):
    run = pl.kernel(
        _body,
        out_type=jax.ShapeDtypeStruct((N, N), jnp.float32),
        mesh=plsc.VectorSubcoreMesh(core_axis_name="c", subcore_axis_name="s"),
        scratch_types=(
            [pltpu.VMEM((WIN,), jnp.float32) for _ in range(DEPTH)]
            + [pltpu.VMEM((N,), jnp.float32) for _ in range(DEPTH)]
            + [pltpu.SemaphoreType.DMA for _ in range(2 * DEPTH)]
        ),
        compiler_params=pltpu.CompilerParams(needs_layout_passes=False),
    )
    return run(compressed_matrix)

# --- scband reference (transcript-rebuilt; emitter-appended) ---
"""Pipeline reference for scband-uncompress-transform-layer-49280454754919 (READ-ONLY COPY).

The authoritative reference and input builder live on the scoring server;
editing this copy changes nothing except your own understanding.
"""

import jax, jax.numpy as jnp
import numpy as np
import math

L = 8386560

def setup_inputs(seed: int = 0) -> dict:
    key = jax.random.key(seed)
    compressed_matrix = jax.random.normal(key, (L,), dtype=jnp.float32)
    return {"compressed_matrix": compressed_matrix}

def reference(compressed_matrix):
    Lc = compressed_matrix.shape[0]
    n = int(round(math.sqrt(2 * Lc))) + 1
    # torch.triu_indices(n, n, offset=1) is row-major, same as np.triu_indices(n, k=1)
    rows, cols = np.triu_indices(n, k=1)
    rows = jnp.asarray(rows, dtype=jnp.int32)
    cols = jnp.asarray(cols, dtype=jnp.int32)
    # sparse_coo_tensor(...).to_dense() with unique indices == scatter-set into zeros
    output = jnp.zeros((n, n), dtype=compressed_matrix.dtype).at[rows, cols].set(compressed_matrix)
    return output

if __name__ == "__main__":
    import jax
    _d = setup_inputs()
    print(jax.jit(kernel)(*tuple(_d.values())))

</pallas_src>

<mosaic_0001>
#map = affine_map<(d0, d1) -> (0)>
#map1 = affine_map<(d0, d1) -> (0, 0)>
module attributes {stable_mosaic.version = 14 : i64} {
  func.func @_body(%arg0: i32, %arg1: i32, %arg2: memref<8386560xf32, #tpu.memory_space<hbm>>, %arg3: memref<4096x4096xf32, #tpu.memory_space<hbm>>, %arg4: memref<4112xf32, #tpu.memory_space<vmem>>, %arg5: memref<4112xf32, #tpu.memory_space<vmem>>, %arg6: memref<4112xf32, #tpu.memory_space<vmem>>, %arg7: memref<4112xf32, #tpu.memory_space<vmem>>, %arg8: memref<4096xf32, #tpu.memory_space<vmem>>, %arg9: memref<4096xf32, #tpu.memory_space<vmem>>, %arg10: memref<4096xf32, #tpu.memory_space<vmem>>, %arg11: memref<4096xf32, #tpu.memory_space<vmem>>, %arg12: memref<!tpu.dma_semaphore, #tpu.memory_space<semaphore_mem>>, %arg13: memref<!tpu.dma_semaphore, #tpu.memory_space<semaphore_mem>>, %arg14: memref<!tpu.dma_semaphore, #tpu.memory_space<semaphore_mem>>, %arg15: memref<!tpu.dma_semaphore, #tpu.memory_space<semaphore_mem>>, %arg16: memref<!tpu.dma_semaphore, #tpu.memory_space<semaphore_mem>>, %arg17: memref<!tpu.dma_semaphore, #tpu.memory_space<semaphore_mem>>, %arg18: memref<!tpu.dma_semaphore, #tpu.memory_space<semaphore_mem>>, %arg19: memref<!tpu.dma_semaphore, #tpu.memory_space<semaphore_mem>>) attributes {dimension_semantics = [#tpu.dimension_semantics<core_parallel>, #tpu.dimension_semantics<subcore_parallel>], iteration_bounds = array<i64: 2, 16>, scalar_prefetch = 0 : i64, scratch_operands = 16 : i64, tpu.core_type = #tpu.core_type<sc_vector_subcore>, window_params = [{transform_indices = #map}, {transform_indices = #map1}]} {
    %mul3A = arith.constant 2 : i32
    %mul3A_0 = arith.muli %arg1, %mul3A : i32
    %add3A = arith.addi %mul3A_0, %arg0 : i32
    %iota3A = tpu.iota {dimensions = array<i32: 0>} : vector<16xi32>
    %scan3A = arith.constant 0 : i32
    %scan3A_1 = arith.constant 0 : i32
    %scan3A_2 = arith.constant 256 : i32
    %scan3A_3 = arith.addi %scan3A_1, %scan3A_2 : i32
    %scan3A_4 = arith.constant 1 : i32
    %scan3A_5 = scf.for %scan3A_528 = %scan3A_1 to %scan3A_3 step %scan3A_4 iter_args(%scan3A_529 = %scan3A) -> (i32)  : i32 {
      %broadcast_in_dim3A = arith.constant 0.000000e+00 : f32
      %broadcast_in_dim3A_530 = vector.broadcast %broadcast_in_dim3A : f32 to vector<16xf32>
      %mul3A_531 = arith.constant 16 : i32
      %mul3A_532 = arith.muli %scan3A_528, %mul3A_531 : i32
      %swap3A = arith.index_cast %mul3A_532 : i32 to index
      %swap3A_533 = tpu.vector_load %arg8[%swap3A] {strides = array<i32>} : memref<4096xf32, #tpu.memory_space<vmem>>, vector<16xf32>,
      tpu.vector_store %arg8[%swap3A], %broadcast_in_dim3A_530 {strides = array<i32>} : memref<4096xf32, #tpu.memory_space<vmem>>, vector<16xf32>,
      %mul3A_534 = arith.constant 16 : i32
      %mul3A_535 = arith.muli %scan3A_528, %mul3A_534 : i32
      %swap3A_536 = arith.index_cast %mul3A_535 : i32 to index
      %swap3A_537 = tpu.vector_load %arg9[%swap3A_536] {strides = array<i32>} : memref<4096xf32, #tpu.memory_space<vmem>>, vector<16xf32>,
      tpu.vector_store %arg9[%swap3A_536], %broadcast_in_dim3A_530 {strides = array<i32>} : memref<4096xf32, #tpu.memory_space<vmem>>, vector<16xf32>,
      %mul3A_538 = arith.constant 16 : i32
      %mul3A_539 = arith.muli %scan3A_528, %mul3A_538 : i32
      %swap3A_540 = arith.index_cast %mul3A_539 : i32 to index
      %swap3A_541 = tpu.vector_load %arg10[%swap3A_540] {strides = array<i32>} : memref<4096xf32, #tpu.memory_space<vmem>>, vector<16xf32>,
      tpu.vector_store %arg10[%swap3A_540], %broadcast_in_dim3A_530 {strides = array<i32>} : memref<4096xf32, #tpu.memory_space<vmem>>, vector<16xf32>,
      %mul3A_542 = arith.constant 16 : i32
      %mul3A_543 = arith.muli %scan3A_528, %mul3A_542 : i32
      %swap3A_544 = arith.index_cast %mul3A_543 : i32 to index
      %swap3A_545 = tpu.vector_load %arg11[%swap3A_544] {strides = array<i32>} : memref<4096xf32, #tpu.memory_space<vmem>>, vector<16xf32>,
      tpu.vector_store %arg11[%swap3A_544], %broadcast_in_dim3A_530 {strides = array<i32>} : memref<4096xf32, #tpu.memory_space<vmem>>, vector<16xf32>,
      %scan3A_546 = arith.constant 0 : i32
      scf.yield %scan3A_546 : i32
    }
    %scan3A_6 = arith.constant 256 : i32
    %add3A_7 = arith.constant 4064 : i32
    %add3A_8 = arith.addi %add3A, %add3A_7 : i32
    %mul3A_9 = arith.constant 4094 : i32
    %mul3A_10 = arith.muli %add3A_8, %mul3A_9 : i32
    %sub3A = arith.constant 1 : i32
    %sub3A_11 = arith.subi %add3A_8, %sub3A : i32
    %mul3A_12 = arith.muli %add3A_8, %sub3A_11 : i32
    %jit3A = arith.constant 2 : i32
    %div3A = arith.divsi %mul3A_12, %jit3A : i32
    %sign3A = arith.constant 0 : i32
    %sign3A_13 = arith.cmpi sgt, %mul3A_12, %sign3A : i32
    %sign3A_14 = arith.extui %sign3A_13 : i1 to i32
    %sign3A_15 = arith.constant 0 : i32
    %sign3A_16 = arith.cmpi slt, %mul3A_12, %sign3A_15 : i32
    %sign3A_17 = arith.extui %sign3A_16 : i1 to i32
    %sign3A_18 = arith.subi %sign3A_14, %sign3A_17 : i32
    %sign3A_19 = arith.constant 0 : i32
    %sign3A_20 = arith.cmpi sgt, %jit3A, %sign3A_19 : i32
    %sign3A_21 = arith.extui %sign3A_20 : i1 to i32
    %sign3A_22 = arith.constant 0 : i32
    %sign3A_23 = arith.cmpi slt, %jit3A, %sign3A_22 : i32
    %sign3A_24 = arith.extui %sign3A_23 : i1 to i32
    %sign3A_25 = arith.subi %sign3A_21, %sign3A_24 : i32
    %ne3A = arith.cmpi ne, %sign3A_18, %sign3A_25 : i32
    %rem3A = arith.remsi %mul3A_12, %jit3A : i32
    %ne3A_26 = arith.constant 0 : i32
    %ne3A_27 = arith.cmpi ne, %rem3A, %ne3A_26 : i32
    %and3A = arith.andi %ne3A, %ne3A_27 : i1
    %sub3A_28 = arith.constant 1 : i32
    %sub3A_29 = arith.subi %div3A, %sub3A_28 : i32
    %select_n3A = arith.select %and3A, %sub3A_29, %div3A : i32
    %sub3A_30 = arith.subi %mul3A_10, %select_n3A : i32
    %sub3A_31 = arith.constant 1 : i32
    %sub3A_32 = arith.subi %sub3A_30, %sub3A_31 : i32
    %add3A_33 = arith.constant 1 : i32
    %add3A_34 = arith.addi %add3A_8, %add3A_33 : i32
    %jit3A_35 = arith.constant 16 : i32
    %div3A_36 = arith.divsi %add3A_34, %jit3A_35 : i32
    %sign3A_37 = arith.constant 0 : i32
    %sign3A_38 = arith.cmpi sgt, %add3A_34, %sign3A_37 : i32
    %sign3A_39 = arith.extui %sign3A_38 : i1 to i32
    %sign3A_40 = arith.constant 0 : i32
    %sign3A_41 = arith.cmpi slt, %add3A_34, %sign3A_40 : i32
    %sign3A_42 = arith.extui %sign3A_41 : i1 to i32
    %sign3A_43 = arith.subi %sign3A_39, %sign3A_42 : i32
    %sign3A_44 = arith.constant 0 : i32
    %sign3A_45 = arith.cmpi sgt, %jit3A_35, %sign3A_44 : i32
    %sign3A_46 = arith.extui %sign3A_45 : i1 to i32
    %sign3A_47 = arith.constant 0 : i32
    %sign3A_48 = arith.cmpi slt, %jit3A_35, %sign3A_47 : i32
    %sign3A_49 = arith.extui %sign3A_48 : i1 to i32
    %sign3A_50 = arith.subi %sign3A_46, %sign3A_49 : i32
    %ne3A_51 = arith.cmpi ne, %sign3A_43, %sign3A_50 : i32
    %rem3A_52 = arith.remsi %add3A_34, %jit3A_35 : i32
    %ne3A_53 = arith.constant 0 : i32
    %ne3A_54 = arith.cmpi ne, %rem3A_52, %ne3A_53 : i32
    %and3A_55 = arith.andi %ne3A_51, %ne3A_54 : i1
    %sub3A_56 = arith.constant 1 : i32
    %sub3A_57 = arith.subi %div3A_36, %sub3A_56 : i32
    %select_n3A_58 = arith.select %and3A_55, %sub3A_57, %div3A_36 : i32
    %jit3A_59 = arith.constant 32 : i32
    %div3A_60 = arith.divsi %select_n3A_58, %jit3A_59 : i32
    %sign3A_61 = arith.constant 0 : i32
    %sign3A_62 = arith.cmpi sgt, %select_n3A_58, %sign3A_61 : i32
    %sign3A_63 = arith.extui %sign3A_62 : i1 to i32
    %sign3A_64 = arith.constant 0 : i32
    %sign3A_65 = arith.cmpi slt, %select_n3A_58, %sign3A_64 : i32
    %sign3A_66 = arith.extui %sign3A_65 : i1 to i32
    %sign3A_67 = arith.subi %sign3A_63, %sign3A_66 : i32
    %sign3A_68 = arith.constant 0 : i32
    %sign3A_69 = arith.cmpi sgt, %jit3A_59, %sign3A_68 : i32
    %sign3A_70 = arith.extui %sign3A_69 : i1 to i32
    %sign3A_71 = arith.constant 0 : i32
    %sign3A_72 = arith.cmpi slt, %jit3A_59, %sign3A_71 : i32
    %sign3A_73 = arith.extui %sign3A_72 : i1 to i32
    %sign3A_74 = arith.subi %sign3A_70, %sign3A_73 : i32
    %ne3A_75 = arith.cmpi ne, %sign3A_67, %sign3A_74 : i32
    %rem3A_76 = arith.remsi %select_n3A_58, %jit3A_59 : i32
    %ne3A_77 = arith.constant 0 : i32
    %ne3A_78 = arith.cmpi ne, %rem3A_76, %ne3A_77 : i32
    %and3A_79 = arith.andi %ne3A_75, %ne3A_78 : i1
    %sub3A_80 = arith.constant 1 : i32
    %sub3A_81 = arith.subi %div3A_60, %sub3A_80 : i32
    %select_n3A_82 = arith.select %and3A_79, %sub3A_81, %div3A_60 : i32
    %mul3A_83 = arith.constant 512 : i32
    %mul3A_84 = arith.muli %select_n3A_82, %mul3A_83 : i32
    %sub3A_85 = arith.constant 4112 : i32
    %sub3A_86 = arith.subi %sub3A_85, %mul3A_84 : i32
    %add3A_87 = arith.addi %sub3A_32, %mul3A_84 : i32
    %jit3A_88 = arith.constant 16 : i32
    %div3A_89 = arith.divsi %add3A_87, %jit3A_88 : i32
    %sign3A_90 = arith.constant 0 : i32
    %sign3A_91 = arith.cmpi sgt, %add3A_87, %sign3A_90 : i32
    %sign3A_92 = arith.extui %sign3A_91 : i1 to i32
    %sign3A_93 = arith.constant 0 : i32
    %sign3A_94 = arith.cmpi slt, %add3A_87, %sign3A_93 : i32
    %sign3A_95 = arith.extui %sign3A_94 : i1 to i32
    %sign3A_96 = arith.subi %sign3A_92, %sign3A_95 : i32
    %sign3A_97 = arith.constant 0 : i32
    %sign3A_98 = arith.cmpi sgt, %jit3A_88, %sign3A_97 : i32
    %sign3A_99 = arith.extui %sign3A_98 : i1 to i32
    %sign3A_100 = arith.constant 0 : i32
    %sign3A_101 = arith.cmpi slt, %jit3A_88, %sign3A_100 : i32
    %sign3A_102 = arith.extui %sign3A_101 : i1 to i32
    %sign3A_103 = arith.subi %sign3A_99, %sign3A_102 : i32
    %ne3A_104 = arith.cmpi ne, %sign3A_96, %sign3A_103 : i32
    %rem3A_105 = arith.remsi %add3A_87, %jit3A_88 : i32
    %ne3A_106 = arith.constant 0 : i32
    %ne3A_107 = arith.cmpi ne, %rem3A_105, %ne3A_106 : i32
    %and3A_108 = arith.andi %ne3A_104, %ne3A_107 : i1
    %sub3A_109 = arith.constant 1 : i32
    %sub3A_110 = arith.subi %div3A_89, %sub3A_109 : i32
    %select_n3A_111 = arith.select %and3A_108, %sub3A_110, %div3A_89 : i32
    %mul3A_112 = arith.constant 16 : i32
    %mul3A_113 = arith.muli %select_n3A_111, %mul3A_112 : i32
    %sub3A_114 = arith.constant 8386560 : i32
    %sub3A_115 = arith.subi %sub3A_114, %sub3A_86 : i32
    %jit3A_116 = arith.constant 0 : i32
    %max3A = arith.maxsi %jit3A_116, %mul3A_113 : i32
    %min3A = arith.minsi %sub3A_115, %max3A : i32
    %multiple_of3A = tpu.assume_multiple %min3A, 16 : i32
    %sub3A_117 = arith.subi %sub3A_32, %multiple_of3A : i32
    %eq3A = arith.constant 0 : i32
    %eq3A_118 = arith.cmpi eq, %select_n3A_82, %eq3A : i32
    %convert_element_type3A = arith.extui %eq3A_118 : i1 to i32
    %cond3A = arith.constant 0 : i32
    %cond3A_119 = arith.cmpi ne, %convert_element_type3A, %cond3A : i32
    scf.if %cond3A_119 {
      %dma_start3A = arith.constant 0 : i32
      %dma_start3A_528 = tpu.memref_slice %arg4[%dma_start3A] : memref<4112xf32, #tpu.memory_space<vmem>> -> memref<4112xf32, #tpu.memory_space<vmem>>
      %dma_start3A_529 = tpu.memref_slice %arg2[%multiple_of3A] : memref<8386560xf32, #tpu.memory_space<hbm>> -> memref<4112xf32, #tpu.memory_space<hbm>>
      %dma_start3A_530 = arith.constant 0 : i32
      %dma_start3A_531 = tpu.memref_slice %arg4[%dma_start3A_530] : memref<4112xf32, #tpu.memory_space<vmem>> -> memref<4112xf32, #tpu.memory_space<vmem>>
      %dma_start3A_532 = tpu.memref_slice %arg2[%multiple_of3A] : memref<8386560xf32, #tpu.memory_space<hbm>> -> memref<4112xf32, #tpu.memory_space<hbm>>
      tpu.enqueue_dma source(%dma_start3A_532 : memref<4112xf32, #tpu.memory_space<hbm>>) target(%dma_start3A_531 : memref<4112xf32, #tpu.memory_space<vmem>>) target_semaphore(%arg12 : memref<!tpu.dma_semaphore, #tpu.memory_space<semaphore_mem>>)
    } else {
    }
    %eq3A_120 = arith.constant 1 : i32
    %eq3A_121 = arith.cmpi eq, %select_n3A_82, %eq3A_120 : i32
    %convert_element_type3A_122 = arith.extui %eq3A_121 : i1 to i32
    %cond3A_123 = arith.constant 0 : i32
    %cond3A_124 = arith.cmpi ne, %convert_element_type3A_122, %cond3A_123 : i32
    scf.if %cond3A_124 {
      %dma_start3A = arith.constant 0 : i32
      %dma_start3A_528 = tpu.memref_slice %arg4[%dma_start3A] : memref<4112xf32, #tpu.memory_space<vmem>> -> memref<3600xf32, #tpu.memory_space<vmem>>
      %dma_start3A_529 = tpu.memref_slice %arg2[%multiple_of3A] : memref<8386560xf32, #tpu.memory_space<hbm>> -> memref<3600xf32, #tpu.memory_space<hbm>>
      %dma_start3A_530 = arith.constant 0 : i32
      %dma_start3A_531 = tpu.memref_slice %arg4[%dma_start3A_530] : memref<4112xf32, #tpu.memory_space<vmem>> -> memref<3600xf32, #tpu.memory_space<vmem>>
      %dma_start3A_532 = tpu.memref_slice %arg2[%multiple_of3A] : memref<8386560xf32, #tpu.memory_space<hbm>> -> memref<3600xf32, #tpu.memory_space<hbm>>
      tpu.enqueue_dma source(%dma_start3A_532 : memref<3600xf32, #tpu.memory_space<hbm>>) target(%dma_start3A_531 : memref<3600xf32, #tpu.memory_space<vmem>>) target_semaphore(%arg12 : memref<!tpu.dma_semaphore, #tpu.memory_space<semaphore_mem>>)
    } else {
    }
    %eq3A_125 = arith.constant 2 : i32
    %eq3A_126 = arith.cmpi eq, %select_n3A_82, %eq3A_125 : i32
    %convert_element_type3A_127 = arith.extui %eq3A_126 : i1 to i32
    %cond3A_128 = arith.constant 0 : i32
    %cond3A_129 = arith.cmpi ne, %convert_element_type3A_127, %cond3A_128 : i32
    scf.if %cond3A_129 {
      %dma_start3A = arith.constant 0 : i32
      %dma_start3A_528 = tpu.memref_slice %arg4[%dma_start3A] : memref<4112xf32, #tpu.memory_space<vmem>> -> memref<3088xf32, #tpu.memory_space<vmem>>
      %dma_start3A_529 = tpu.memref_slice %arg2[%multiple_of3A] : memref<8386560xf32, #tpu.memory_space<hbm>> -> memref<3088xf32, #tpu.memory_space<hbm>>
      %dma_start3A_530 = arith.constant 0 : i32
      %dma_start3A_531 = tpu.memref_slice %arg4[%dma_start3A_530] : memref<4112xf32, #tpu.memory_space<vmem>> -> memref<3088xf32, #tpu.memory_space<vmem>>
      %dma_start3A_532 = tpu.memref_slice %arg2[%multiple_of3A] : memref<8386560xf32, #tpu.memory_space<hbm>> -> memref<3088xf32, #tpu.memory_space<hbm>>
      tpu.enqueue_dma source(%dma_start3A_532 : memref<3088xf32, #tpu.memory_space<hbm>>) target(%dma_start3A_531 : memref<3088xf32, #tpu.memory_space<vmem>>) target_semaphore(%arg12 : memref<!tpu.dma_semaphore, #tpu.memory_space<semaphore_mem>>)
    } else {
    }
    %eq3A_130 = arith.constant 3 : i32
    %eq3A_131 = arith.cmpi eq, %select_n3A_82, %eq3A_130 : i32
    %convert_element_type3A_132 = arith.extui %eq3A_131 : i1 to i32
    %cond3A_133 = arith.constant 0 : i32
    %cond3A_134 = arith.cmpi ne, %convert_element_type3A_132, %cond3A_133 : i32
    scf.if %cond3A_134 {
      %dma_start3A = arith.constant 0 : i32
      %dma_start3A_528 = tpu.memref_slice %arg4[%dma_start3A] : memref<4112xf32, #tpu.memory_space<vmem>> -> memref<2576xf32, #tpu.memory_space<vmem>>
      %dma_start3A_529 = tpu.memref_slice %arg2[%multiple_of3A] : memref<8386560xf32, #tpu.memory_space<hbm>> -> memref<2576xf32, #tpu.memory_space<hbm>>
      %dma_start3A_530 = arith.constant 0 : i32
      %dma_start3A_531 = tpu.memref_slice %arg4[%dma_start3A_530] : memref<4112xf32, #tpu.memory_space<vmem>> -> memref<2576xf32, #tpu.memory_space<vmem>>
      %dma_start3A_532 = tpu.memref_slice %arg2[%multiple_of3A] : memref<8386560xf32, #tpu.memory_space<hbm>> -> memref<2576xf32, #tpu.memory_space<hbm>>
      tpu.enqueue_dma source(%dma_start3A_532 : memref<2576xf32, #tpu.memory_space<hbm>>) target(%dma_start3A_531 : memref<2576xf32, #tpu.memory_space<vmem>>) target_semaphore(%arg12 : memref<!tpu.dma_semaphore, #tpu.memory_space<semaphore_mem>>)
    } else {
    }
    %eq3A_135 = arith.constant 4 : i32
    %eq3A_136 = arith.cmpi eq, %select_n3A_82, %eq3A_135 : i32
    %convert_element_type3A_137 = arith.extui %eq3A_136 : i1 to i32
    %cond3A_138 = arith.constant 0 : i32
    %cond3A_139 = arith.cmpi ne, %convert_element_type3A_137, %cond3A_138 : i32
    scf.if %cond3A_139 {
      %dma_start3A = arith.constant 0 : i32
      %dma_start3A_528 = tpu.memref_slice %arg4[%dma_start3A] : memref<4112xf32, #tpu.memory_space<vmem>> -> memref<2064xf32, #tpu.memory_space<vmem>>
      %dma_start3A_529 = tpu.memref_slice %arg2[%multiple_of3A] : memref<8386560xf32, #tpu.memory_space<hbm>> -> memref<2064xf32, #tpu.memory_space<hbm>>
      %dma_start3A_530 = arith.constant 0 : i32
      %dma_start3A_531 = tpu.memref_slice %arg4[%dma_start3A_530] : memref<4112xf32, #tpu.memory_space<vmem>> -> memref<2064xf32, #tpu.memory_space<vmem>>
      %dma_start3A_532 = tpu.memref_slice %arg2[%multiple_of3A] : memref<8386560xf32, #tpu.memory_space<hbm>> -> memref<2064xf32, #tpu.memory_space<hbm>>
      tpu.enqueue_dma source(%dma_start3A_532 : memref<2064xf32, #tpu.memory_space<hbm>>) target(%dma_start3A_531 : memref<2064xf32, #tpu.memory_space<vmem>>) target_semaphore(%arg12 : memref<!tpu.dma_semaphore, #tpu.memory_space<semaphore_mem>>)
    } else {
    }
    %eq3A_140 = arith.constant 5 : i32
    %eq3A_141 = arith.cmpi eq, %select_n3A_82, %eq3A_140 : i32
    %convert_element_type3A_142 = arith.extui %eq3A_141 : i1 to i32
    %cond3A_143 = arith.constant 0 : i32
    %cond3A_144 = arith.cmpi ne, %convert_element_type3A_142, %cond3A_143 : i32
    scf.if %cond3A_144 {
      %dma_start3A = arith.constant 0 : i32
      %dma_start3A_528 = tpu.memref_slice %arg4[%dma_start3A] : memref<4112xf32, #tpu.memory_space<vmem>> -> memref<1552xf32, #tpu.memory_space<vmem>>
      %dma_start3A_529 = tpu.memref_slice %arg2[%multiple_of3A] : memref<8386560xf32, #tpu.memory_space<hbm>> -> memref<1552xf32, #tpu.memory_space<hbm>>
      %dma_start3A_530 = arith.constant 0 : i32
      %dma_start3A_531 = tpu.memref_slice %arg4[%dma_start3A_530] : memref<4112xf32, #tpu.memory_space<vmem>> -> memref<1552xf32, #tpu.memory_space<vmem>>
      %dma_start3A_532 = tpu.memref_slice %arg2[%multiple_of3A] : memref<8386560xf32, #tpu.memory_space<hbm>> -> memref<1552xf32, #tpu.memory_space<hbm>>
      tpu.enqueue_dma source(%dma_start3A_532 : memref<1552xf32, #tpu.memory_space<hbm>>) target(%dma_start3A_531 : memref<1552xf32, #tpu.memory_space<vmem>>) target_semaphore(%arg12 : memref<!tpu.dma_semaphore, #tpu.memory_space<semaphore_mem>>)
    } else {
    }
    %eq3A_145 = arith.constant 6 : i32
    %eq3A_146 = arith.cmpi eq, %select_n3A_82, %eq3A_145 : i32
    %convert_element_type3A_147 = arith.extui %eq3A_146 : i1 to i32
    %cond3A_148 = arith.constant 0 : i32
    %cond3A_149 = arith.cmpi ne, %convert_element_type3A_147, %cond3A_148 : i32
    scf.if %cond3A_149 {
      %dma_start3A = arith.constant 0 : i32
      %dma_start3A_528 = tpu.memref_slice %arg4[%dma_start3A] : memref<4112xf32, #tpu.memory_space<vmem>> -> memref<1040xf32, #tpu.memory_space<vmem>>
      %dma_start3A_529 = tpu.memref_slice %arg2[%multiple_of3A] : memref<8386560xf32, #tpu.memory_space<hbm>> -> memref<1040xf32, #tpu.memory_space<hbm>>
      %dma_start3A_530 = arith.constant 0 : i32
      %dma_start3A_531 = tpu.memref_slice %arg4[%dma_start3A_530] : memref<4112xf32, #tpu.memory_space<vmem>> -> memref<1040xf32, #tpu.memory_space<vmem>>
      %dma_start3A_532 = tpu.memref_slice %arg2[%multiple_of3A] : memref<8386560xf32, #tpu.memory_space<hbm>> -> memref<1040xf32, #tpu.memory_space<hbm>>
      tpu.enqueue_dma source(%dma_start3A_532 : memref<1040xf32, #tpu.memory_space<hbm>>) target(%dma_start3A_531 : memref<1040xf32, #tpu.memory_space<vmem>>) target_semaphore(%arg12 : memref<!tpu.dma_semaphore, #tpu.memory_space<semaphore_mem>>)
    } else {
    }
    %eq3A_150 = arith.constant 7 : i32
    %eq3A_151 = arith.cmpi eq, %select_n3A_82, %eq3A_150 : i32
    %convert_element_type3A_152 = arith.extui %eq3A_151 : i1 to i32
    %cond3A_153 = arith.constant 0 : i32
    %cond3A_154 = arith.cmpi ne, %convert_element_type3A_152, %cond3A_153 : i32
    scf.if %cond3A_154 {
      %dma_start3A = arith.constant 0 : i32
      %dma_start3A_528 = tpu.memref_slice %arg4[%dma_start3A] : memref<4112xf32, #tpu.memory_space<vmem>> -> memref<528xf32, #tpu.memory_space<vmem>>
      %dma_start3A_529 = tpu.memref_slice %arg2[%multiple_of3A] : memref<8386560xf32, #tpu.memory_space<hbm>> -> memref<528xf32, #tpu.memory_space<hbm>>
      %dma_start3A_530 = arith.constant 0 : i32
      %dma_start3A_531 = tpu.memref_slice %arg4[%dma_start3A_530] : memref<4112xf32, #tpu.memory_space<vmem>> -> memref<528xf32, #tpu.memory_space<vmem>>
      %dma_start3A_532 = tpu.memref_slice %arg2[%multiple_of3A] : memref<8386560xf32, #tpu.memory_space<hbm>> -> memref<528xf32, #tpu.memory_space<hbm>>
      tpu.enqueue_dma source(%dma_start3A_532 : memref<528xf32, #tpu.memory_space<hbm>>) target(%dma_start3A_531 : memref<528xf32, #tpu.memory_space<vmem>>) target_semaphore(%arg12 : memref<!tpu.dma_semaphore, #tpu.memory_space<semaphore_mem>>)
    } else {
    }
    %eq3A_155 = arith.constant 8 : i32
    %eq3A_156 = arith.cmpi eq, %select_n3A_82, %eq3A_155 : i32
    %convert_element_type3A_157 = arith.extui %eq3A_156 : i1 to i32
    %cond3A_158 = arith.constant 0 : i32
    %cond3A_159 = arith.cmpi ne, %convert_element_type3A_157, %cond3A_158 : i32
    scf.if %cond3A_159 {
      %dma_start3A = arith.constant 0 : i32
      %dma_start3A_528 = tpu.memref_slice %arg4[%dma_start3A] : memref<4112xf32, #tpu.memory_space<vmem>> -> memref<16xf32, #tpu.memory_space<vmem>>
      %dma_start3A_529 = tpu.memref_slice %arg2[%multiple_of3A] : memref<8386560xf32, #tpu.memory_space<hbm>> -> memref<16xf32, #tpu.memory_space<hbm>>
      %dma_start3A_530 = arith.constant 0 : i32
      %dma_start3A_531 = tpu.memref_slice %arg4[%dma_start3A_530] : memref<4112xf32, #tpu.memory_space<vmem>> -> memref<16xf32, #tpu.memory_space<vmem>>
      %dma_start3A_532 = tpu.memref_slice %arg2[%multiple_of3A] : memref<8386560xf32, #tpu.memory_space<hbm>> -> memref<16xf32, #tpu.memory_space<hbm>>
      tpu.enqueue_dma source(%dma_start3A_532 : memref<16xf32, #tpu.memory_space<hbm>>) target(%dma_start3A_531 : memref<16xf32, #tpu.memory_space<vmem>>) target_semaphore(%arg12 : memref<!tpu.dma_semaphore, #tpu.memory_space<semaphore_mem>>)
    } else {
    }
    %add3A_160 = arith.constant 4032 : i32
    %add3A_161 = arith.addi %add3A, %add3A_160 : i32
    %mul3A_162 = arith.constant 4094 : i32
    %mul3A_163 = arith.muli %add3A_161, %mul3A_162 : i32
    %sub3A_164 = arith.constant 1 : i32
    %sub3A_165 = arith.subi %add3A_161, %sub3A_164 : i32
    %mul3A_166 = arith.muli %add3A_161, %sub3A_165 : i32
    %jit3A_167 = arith.constant 2 : i32
    %div3A_168 = arith.divsi %mul3A_166, %jit3A_167 : i32
    %sign3A_169 = arith.constant 0 : i32
    %sign3A_170 = arith.cmpi sgt, %mul3A_166, %sign3A_169 : i32
    %sign3A_171 = arith.extui %sign3A_170 : i1 to i32
    %sign3A_172 = arith.constant 0 : i32
    %sign3A_173 = arith.cmpi slt, %mul3A_166, %sign3A_172 : i32
    %sign3A_174 = arith.extui %sign3A_173 : i1 to i32
    %sign3A_175 = arith.subi %sign3A_171, %sign3A_174 : i32
    %sign3A_176 = arith.constant 0 : i32
    %sign3A_177 = arith.cmpi sgt, %jit3A_167, %sign3A_176 : i32
    %sign3A_178 = arith.extui %sign3A_177 : i1 to i32
    %sign3A_179 = arith.constant 0 : i32
    %sign3A_180 = arith.cmpi slt, %jit3A_167, %sign3A_179 : i32
    %sign3A_181 = arith.extui %sign3A_180 : i1 to i32
    %sign3A_182 = arith.subi %sign3A_178, %sign3A_181 : i32
    %ne3A_183 = arith.cmpi ne, %sign3A_175, %sign3A_182 : i32
    %rem3A_184 = arith.remsi %mul3A_166, %jit3A_167 : i32
    %ne3A_185 = arith.constant 0 : i32
    %ne3A_186 = arith.cmpi ne, %rem3A_184, %ne3A_185 : i32
    %and3A_187 = arith.andi %ne3A_183, %ne3A_186 : i1
    %sub3A_188 = arith.constant 1 : i32
    %sub3A_189 = arith.subi %div3A_168, %sub3A_188 : i32
    %select_n3A_190 = arith.select %and3A_187, %sub3A_189, %div3A_168 : i32
    %sub3A_191 = arith.subi %mul3A_163, %select_n3A_190 : i32
    %sub3A_192 = arith.constant 1 : i32
    %sub3A_193 = arith.subi %sub3A_191, %sub3A_192 : i32
    %add3A_194 = arith.constant 1 : i32
    %add3A_195 = arith.addi %add3A_161, %add3A_194 : i32
    %jit3A_196 = arith.constant 16 : i32
    %div3A_197 = arith.divsi %add3A_195, %jit3A_196 : i32
    %sign3A_198 = arith.constant 0 : i32
    %sign3A_199 = arith.cmpi sgt, %add3A_195, %sign3A_198 : i32
    %sign3A_200 = arith.extui %sign3A_199 : i1 to i32
    %sign3A_201 = arith.constant 0 : i32
    %sign3A_202 = arith.cmpi slt, %add3A_195, %sign3A_201 : i32
    %sign3A_203 = arith.extui %sign3A_202 : i1 to i32
    %sign3A_204 = arith.subi %sign3A_200, %sign3A_203 : i32
    %sign3A_205 = arith.constant 0 : i32
    %sign3A_206 = arith.cmpi sgt, %jit3A_196, %sign3A_205 : i32
    %sign3A_207 = arith.extui %sign3A_206 : i1 to i32
    %sign3A_208 = arith.constant 0 : i32
    %sign3A_209 = arith.cmpi slt, %jit3A_196, %sign3A_208 : i32
    %sign3A_210 = arith.extui %sign3A_209 : i1 to i32
    %sign3A_211 = arith.subi %sign3A_207, %sign3A_210 : i32
    %ne3A_212 = arith.cmpi ne, %sign3A_204, %sign3A_211 : i32
    %rem3A_213 = arith.remsi %add3A_195, %jit3A_196 : i32
    %ne3A_214 = arith.constant 0 : i32
    %ne3A_215 = arith.cmpi ne, %rem3A_213, %ne3A_214 : i32
    %and3A_216 = arith.andi %ne3A_212, %ne3A_215 : i1
    %sub3A_217 = arith.constant 1 : i32
    %sub3A_218 = arith.subi %div3A_197, %sub3A_217 : i32
    %select_n3A_219 = arith.select %and3A_216, %sub3A_218, %div3A_197 : i32
    %jit3A_220 = arith.constant 32 : i32
    %div3A_221 = arith.divsi %select_n3A_219, %jit3A_220 : i32
    %sign3A_222 = arith.constant 0 : i32
    %sign3A_223 = arith.cmpi sgt, %select_n3A_219, %sign3A_222 : i32
    %sign3A_224 = arith.extui %sign3A_223 : i1 to i32
    %sign3A_225 = arith.constant 0 : i32
    %sign3A_226 = arith.cmpi slt, %select_n3A_219, %sign3A_225 : i32
    %sign3A_227 = arith.extui %sign3A_226 : i1 to i32
    %sign3A_228 = arith.subi %sign3A_224, %sign3A_227 : i32
    %sign3A_229 = arith.constant 0 : i32
    %sign3A_230 = arith.cmpi sgt, %jit3A_220, %sign3A_229 : i32
    %sign3A_231 = arith.extui %sign3A_230 : i1 to i32
    %sign3A_232 = arith.constant 0 : i32
    %sign3A_233 = arith.cmpi slt, %jit3A_220, %sign3A_232 : i32
    %sign3A_234 = arith.extui %sign3A_233 : i1 to i32
    %sign3A_235 = arith.subi %sign3A_231, %sign3A_234 : i32
    %ne3A_236 = arith.cmpi ne, %sign3A_228, %sign3A_235 : i32
    %rem3A_237 = arith.remsi %select_n3A_219, %jit3A_220 : i32
    %ne3A_238 = arith.constant 0 : i32
    %ne3A_239 = arith.cmpi ne, %rem3A_237, %ne3A_238 : i32
    %and3A_240 = arith.andi %ne3A_236, %ne3A_239 : i1
    %sub3A_241 = arith.constant 1 : i32
    %sub3A_242 = arith.subi %div3A_221, %sub3A_241 : i32
    %select_n3A_243 = arith.select %and3A_240, %sub3A_242, %div3A_221 : i32
    %mul3A_244 = arith.constant 512 : i32
    %mul3A_245 = arith.muli %select_n3A_243, %mul3A_244 : i32
    %sub3A_246 = arith.constant 4112 : i32
    %sub3A_247 = arith.subi %sub3A_246, %mul3A_245 : i32
    %add3A_248 = arith.addi %sub3A_193, %mul3A_245 : i32
    %jit3A_249 = arith.constant 16 : i32
    %div3A_250 = arith.divsi %add3A_248, %jit3A_249 : i32
    %sign3A_251 = arith.constant 0 : i32
    %sign3A_252 = arith.cmpi sgt, %add3A_248, %sign3A_251 : i32
    %sign3A_253 = arith.extui %sign3A_252 : i1 to i32
    %sign3A_254 = arith.constant 0 : i32
    %sign3A_255 = arith.cmpi slt, %add3A_248, %sign3A_254 : i32
    %sign3A_256 = arith.extui %sign3A_255 : i1 to i32
    %sign3A_257 = arith.subi %sign3A_253, %sign3A_256 : i32
    %sign3A_258 = arith.constant 0 : i32
    %sign3A_259 = arith.cmpi sgt, %jit3A_249, %sign3A_258 : i32
    %sign3A_260 = arith.extui %sign3A_259 : i1 to i32
    %sign3A_261 = arith.constant 0 : i32
    %sign3A_262 = arith.cmpi slt, %jit3A_249, %sign3A_261 : i32
    %sign3A_263 = arith.extui %sign3A_262 : i1 to i32
    %sign3A_264 = arith.subi %sign3A_260, %sign3A_263 : i32
    %ne3A_265 = arith.cmpi ne, %sign3A_257, %sign3A_264 : i32
    %rem3A_266 = arith.remsi %add3A_248, %jit3A_249 : i32
    %ne3A_267 = arith.constant 0 : i32
    %ne3A_268 = arith.cmpi ne, %rem3A_266, %ne3A_267 : i32
    %and3A_269 = arith.andi %ne3A_265, %ne3A_268 : i1
    %sub3A_270 = arith.constant 1 : i32
    %sub3A_271 = arith.subi %div3A_250, %sub3A_270 : i32
    %select_n3A_272 = arith.select %and3A_269, %sub3A_271, %div3A_250 : i32
    %mul3A_273 = arith.constant 16 : i32
    %mul3A_274 = arith.muli %select_n3A_272, %mul3A_273 : i32
    %sub3A_275 = arith.constant 8386560 : i32
    %sub3A_276 = arith.subi %sub3A_275, %sub3A_247 : i32
    %jit3A_277 = arith.constant 0 : i32
    %max3A_278 = arith.maxsi %jit3A_277, %mul3A_274 : i32
    %min3A_279 = arith.minsi %sub3A_276, %max3A_278 : i32
    %multiple_of3A_280 = tpu.assume_multiple %min3A_279, 16 : i32
    %sub3A_281 = arith.subi %sub3A_193, %multiple_of3A_280 : i32
    %eq3A_282 = arith.constant 0 : i32
    %eq3A_283 = arith.cmpi eq, %select_n3A_243, %eq3A_282 : i32
    %convert_element_type3A_284 = arith.extui %eq3A_283 : i1 to i32
    %cond3A_285 = arith.constant 0 : i32
    %cond3A_286 = arith.cmpi ne, %convert_element_type3A_284, %cond3A_285 : i32
    scf.if %cond3A_286 {
      %dma_start3A = arith.constant 0 : i32
      %dma_start3A_528 = tpu.memref_slice %arg5[%dma_start3A] : memref<4112xf32, #tpu.memory_space<vmem>> -> memref<4112xf32, #tpu.memory_space<vmem>>
      %dma_start3A_529 = tpu.memref_slice %arg2[%multiple_of3A_280] : memref<8386560xf32, #tpu.memory_space<hbm>> -> memref<4112xf32, #tpu.memory_space<hbm>>
      %dma_start3A_530 = arith.constant 0 : i32
      %dma_start3A_531 = tpu.memref_slice %arg5[%dma_start3A_530] : memref<4112xf32, #tpu.memory_space<vmem>> -> memref<4112xf32, #tpu.memory_space<vmem>>
      %dma_start3A_532 = tpu.memref_slice %arg2[%multiple_of3A_280] : memref<8386560xf32, #tpu.memory_space<hbm>> -> memref<4112xf32, #tpu.memory_space<hbm>>
      tpu.enqueue_dma source(%dma_start3A_532 : memref<4112xf32, #tpu.memory_space<hbm>>) target(%dma_start3A_531 : memref<4112xf32, #tpu.memory_space<vmem>>) target_semaphore(%arg13 : memref<!tpu.dma_semaphore, #tpu.memory_space<semaphore_mem>>)
    } else {
    }
    %eq3A_287 = arith.constant 1 : i32
    %eq3A_288 = arith.cmpi eq, %select_n3A_243, %eq3A_287 : i32
    %convert_element_type3A_289 = arith.extui %eq3A_288 : i1 to i32
    %cond3A_290 = arith.constant 0 : i32
    %cond3A_291 = arith.cmpi ne, %convert_element_type3A_289, %cond3A_290 : i32
    scf.if %cond3A_291 {
      %dma_start3A = arith.constant 0 : i32
      %dma_start3A_528 = tpu.memref_slice %arg5[%dma_start3A] : memref<4112xf32, #tpu.memory_space<vmem>> -> memref<3600xf32, #tpu.memory_space<vmem>>
      %dma_start3A_529 = tpu.memref_slice %arg2[%multiple_of3A_280] : memref<8386560xf32, #tpu.memory_space<hbm>> -> memref<3600xf32, #tpu.memory_space<hbm>>
      %dma_start3A_530 = arith.constant 0 : i32
      %dma_start3A_531 = tpu.memref_slice %arg5[%dma_start3A_530] : memref<4112xf32, #tpu.memory_space<vmem>> -> memref<3600xf32, #tpu.memory_space<vmem>>
      %dma_start3A_532 = tpu.memref_slice %arg2[%multiple_of3A_280] : memref<8386560xf32, #tpu.memory_space<hbm>> -> memref<3600xf32, #tpu.memory_space<hbm>>
      tpu.enqueue_dma source(%dma_start3A_532 : memref<3600xf32, #tpu.memory_space<hbm>>) target(%dma_start3A_531 : memref<3600xf32, #tpu.memory_space<vmem>>) target_semaphore(%arg13 : memref<!tpu.dma_semaphore, #tpu.memory_space<semaphore_mem>>)
    } else {
    }
    %eq3A_292 = arith.constant 2 : i32
    %eq3A_293 = arith.cmpi eq, %select_n3A_243, %eq3A_292 : i32
    %convert_element_type3A_294 = arith.extui %eq3A_293 : i1 to i32
    %cond3A_295 = arith.constant 0 : i32
    %cond3A_296 = arith.cmpi ne, %convert_element_type3A_294, %cond3A_295 : i32
    scf.if %cond3A_296 {
      %dma_start3A = arith.constant 0 : i32
      %dma_start3A_528 = tpu.memref_slice %arg5[%dma_start3A] : memref<4112xf32, #tpu.memory_space<vmem>> -> memref<3088xf32, #tpu.memory_space<vmem>>
      %dma_start3A_529 = tpu.memref_slice %arg2[%multiple_of3A_280] : memref<8386560xf32, #tpu.memory_space<hbm>> -> memref<3088xf32, #tpu.memory_space<hbm>>
      %dma_start3A_530 = arith.constant 0 : i32
      %dma_start3A_531 = tpu.memref_slice %arg5[%dma_start3A_530] : memref<4112xf32, #tpu.memory_space<vmem>> -> memref<3088xf32, #tpu.memory_space<vmem>>
      %dma_start3A_532 = tpu.memref_slice %arg2[%multiple_of3A_280] : memref<8386560xf32, #tpu.memory_space<hbm>> -> memref<3088xf32, #tpu.memory_space<hbm>>
      tpu.enqueue_dma source(%dma_start3A_532 : memref<3088xf32, #tpu.memory_space<hbm>>) target(%dma_start3A_531 : memref<3088xf32, #tpu.memory_space<vmem>>) target_semaphore(%arg13 : memref<!tpu.dma_semaphore, #tpu.memory_space<semaphore_mem>>)
    } else {
    }
    %eq3A_297 = arith.constant 3 : i32
    %eq3A_298 = arith.cmpi eq, %select_n3A_243, %eq3A_297 : i32
    %convert_element_type3A_299 = arith.extui %eq3A_298 : i1 to i32
    %cond3A_300 = arith.constant 0 : i32
    %cond3A_301 = arith.cmpi ne, %convert_element_type3A_299, %cond3A_300 : i32
    scf.if %cond3A_301 {
      %dma_start3A = arith.constant 0 : i32
      %dma_start3A_528 = tpu.memref_slice %arg5[%dma_start3A] : memref<4112xf32, #tpu.memory_space<vmem>> -> memref<2576xf32, #tpu.memory_space<vmem>>
      %dma_start3A_529 = tpu.memref_slice %arg2[%multiple_of3A_280] : memref<8386560xf32, #tpu.memory_space<hbm>> -> memref<2576xf32, #tpu.memory_space<hbm>>
      %dma_start3A_530 = arith.constant 0 : i32
      %dma_start3A_531 = tpu.memref_slice %arg5[%dma_start3A_530] : memref<4112xf32, #tpu.memory_space<vmem>> -> memref<2576xf32, #tpu.memory_space<vmem>>
      %dma_start3A_532 = tpu.memref_slice %arg2[%multiple_of3A_280] : memref<8386560xf32, #tpu.memory_space<hbm>> -> memref<2576xf32, #tpu.memory_space<hbm>>
      tpu.enqueue_dma source(%dma_start3A_532 : memref<2576xf32, #tpu.memory_space<hbm>>) target(%dma_start3A_531 : memref<2576xf32, #tpu.memory_space<vmem>>) target_semaphore(%arg13 : memref<!tpu.dma_semaphore, #tpu.memory_space<semaphore_mem>>)
    } else {
    }
    %eq3A_302 = arith.constant 4 : i32
    %eq3A_303 = arith.cmpi eq, %select_n3A_243, %eq3A_302 : i32
    %convert_element_type3A_304 = arith.extui %eq3A_303 : i1 to i32
    %cond3A_305 = arith.constant 0 : i32
    %cond3A_306 = arith.cmpi ne, %convert_element_type3A_304, %cond3A_305 : i32
    scf.if %cond3A_306 {
      %dma_start3A = arith.constant 0 : i32
      %dma_start3A_528 = tpu.memref_slice %arg5[%dma_start3A] : memref<4112xf32, #tpu.memory_space<vmem>> -> memref<2064xf32, #tpu.memory_space<vmem>>
      %dma_start3A_529 = tpu.memref_slice %arg2[%multiple_of3A_280] : memref<8386560xf32, #tpu.memory_space<hbm>> -> memref<2064xf32, #tpu.memory_space<hbm>>
      %dma_start3A_530 = arith.constant 0 : i32
      %dma_start3A_531 = tpu.memref_slice %arg5[%dma_start3A_530] : memref<4112xf32, #tpu.memory_space<vmem>> -> memref<2064xf32, #tpu.memory_space<vmem>>
      %dma_start3A_532 = tpu.memref_slice %arg2[%multiple_of3A_280] : memref<8386560xf32, #tpu.memory_space<hbm>> -> memref<2064xf32, #tpu.memory_space<hbm>>
      tpu.enqueue_dma source(%dma_start3A_532 : memref<2064xf32, #tpu.memory_space<hbm>>) target(%dma_start3A_531 : memref<2064xf32, #tpu.memory_space<vmem>>) target_semaphore(%arg13 : memref<!tpu.dma_semaphore, #tpu.memory_space<semaphore_mem>>)
    } else {
    }
    %eq3A_307 = arith.constant 5 : i32
    %eq3A_308 = arith.cmpi eq, %select_n3A_243, %eq3A_307 : i32
    %convert_element_type3A_309 = arith.extui %eq3A_308 : i1 to i32
    %cond3A_310 = arith.constant 0 : i32
    %cond3A_311 = arith.cmpi ne, %convert_element_type3A_309, %cond3A_310 : i32
    scf.if %cond3A_311 {
      %dma_start3A = arith.constant 0 : i32
      %dma_start3A_528 = tpu.memref_slice %arg5[%dma_start3A] : memref<4112xf32, #tpu.memory_space<vmem>> -> memref<1552xf32, #tpu.memory_space<vmem>>
      %dma_start3A_529 = tpu.memref_slice %arg2[%multiple_of3A_280] : memref<8386560xf32, #tpu.memory_space<hbm>> -> memref<1552xf32, #tpu.memory_space<hbm>>
      %dma_start3A_530 = arith.constant 0 : i32
      %dma_start3A_531 = tpu.memref_slice %arg5[%dma_start3A_530] : memref<4112xf32, #tpu.memory_space<vmem>> -> memref<1552xf32, #tpu.memory_space<vmem>>
      %dma_start3A_532 = tpu.memref_slice %arg2[%multiple_of3A_280] : memref<8386560xf32, #tpu.memory_space<hbm>> -> memref<1552xf32, #tpu.memory_space<hbm>>
      tpu.enqueue_dma source(%dma_start3A_532 : memref<1552xf32, #tpu.memory_space<hbm>>) target(%dma_start3A_531 : memref<1552xf32, #tpu.memory_space<vmem>>) target_semaphore(%arg13 : memref<!tpu.dma_semaphore, #tpu.memory_space<semaphore_mem>>)
    } else {
    }
    %eq3A_312 = arith.constant 6 : i32
    %eq3A_313 = arith.cmpi eq, %select_n3A_243, %eq3A_312 : i32
    %convert_element_type3A_314 = arith.extui %eq3A_313 : i1 to i32
    %cond3A_315 = arith.constant 0 : i32
    %cond3A_316 = arith.cmpi ne, %convert_element_type3A_314, %cond3A_315 : i32
    scf.if %cond3A_316 {
      %dma_start3A = arith.constant 0 : i32
      %dma_start3A_528 = tpu.memref_slice %arg5[%dma_start3A] : memref<4112xf32, #tpu.memory_space<vmem>> -> memref<1040xf32, #tpu.memory_space<vmem>>
      %dma_start3A_529 = tpu.memref_slice %arg2[%multiple_of3A_280] : memref<8386560xf32, #tpu.memory_space<hbm>> -> memref<1040xf32, #tpu.memory_space<hbm>>
      %dma_start3A_530 = arith.constant 0 : i32
      %dma_start3A_531 = tpu.memref_slice %arg5[%dma_start3A_530] : memref<4112xf32, #tpu.memory_space<vmem>> -> memref<1040xf32, #tpu.memory_space<vmem>>
      %dma_start3A_532 = tpu.memref_slice %arg2[%multiple_of3A_280] : memref<8386560xf32, #tpu.memory_space<hbm>> -> memref<1040xf32, #tpu.memory_space<hbm>>
      tpu.enqueue_dma source(%dma_start3A_532 : memref<1040xf32, #tpu.memory_space<hbm>>) target(%dma_start3A_531 : memref<1040xf32, #tpu.memory_space<vmem>>) target_semaphore(%arg13 : memref<!tpu.dma_semaphore, #tpu.memory_space<semaphore_mem>>)
    } else {
    }
    %eq3A_317 = arith.constant 7 : i32
    %eq3A_318 = arith.cmpi eq, %select_n3A_243, %eq3A_317 : i32
    %convert_element_type3A_319 = arith.extui %eq3A_318 : i1 to i32
    %cond3A_320 = arith.constant 0 : i32
    %cond3A_321 = arith.cmpi ne, %convert_element_type3A_319, %cond3A_320 : i32
    scf.if %cond3A_321 {
      %dma_start3A = arith.constant 0 : i32
      %dma_start3A_528 = tpu.memref_slice %arg5[%dma_start3A] : memref<4112xf32, #tpu.memory_space<vmem>> -> memref<528xf32, #tpu.memory_space<vmem>>
      %dma_start3A_529 = tpu.memref_slice %arg2[%multiple_of3A_280] : memref<8386560xf32, #tpu.memory_space<hbm>> -> memref<528xf32, #tpu.memory_space<hbm>>
      %dma_start3A_530 = arith.constant 0 : i32
      %dma_start3A_531 = tpu.memref_slice %arg5[%dma_start3A_530] : memref<4112xf32, #tpu.memory_space<vmem>> -> memref<528xf32, #tpu.memory_space<vmem>>
      %dma_start3A_532 = tpu.memref_slice %arg2[%multiple_of3A_280] : memref<8386560xf32, #tpu.memory_space<hbm>> -> memref<528xf32, #tpu.memory_space<hbm>>
      tpu.enqueue_dma source(%dma_start3A_532 : memref<528xf32, #tpu.memory_space<hbm>>) target(%dma_start3A_531 : memref<528xf32, #tpu.memory_space<vmem>>) target_semaphore(%arg13 : memref<!tpu.dma_semaphore, #tpu.memory_space<semaphore_mem>>)
    } else {
    }
    %eq3A_322 = arith.constant 8 : i32
    %eq3A_323 = arith.cmpi eq, %select_n3A_243, %eq3A_322 : i32
    %convert_element_type3A_324 = arith.extui %eq3A_323 : i1 to i32
    %cond3A_325 = arith.constant 0 : i32
    %cond3A_326 = arith.cmpi ne, %convert_element_type3A_324, %cond3A_325 : i32
    scf.if %cond3A_326 {
      %dma_start3A = arith.constant 0 : i32
      %dma_start3A_528 = tpu.memref_slice %arg5[%dma_start3A] : memref<4112xf32, #tpu.memory_space<vmem>> -> memref<16xf32, #tpu.memory_space<vmem>>
      %dma_start3A_529 = tpu.memref_slice %arg2[%multiple_of3A_280] : memref<8386560xf32, #tpu.memory_space<hbm>> -> memref<16xf32, #tpu.memory_space<hbm>>
      %dma_start3A_530 = arith.constant 0 : i32
      %dma_start3A_531 = tpu.memref_slice %arg5[%dma_start3A_530] : memref<4112xf32, #tpu.memory_space<vmem>> -> memref<16xf32, #tpu.memory_space<vmem>>
      %dma_start3A_532 = tpu.memref_slice %arg2[%multiple_of3A_280] : memref<8386560xf32, #tpu.memory_space<hbm>> -> memref<16xf32, #tpu.memory_space<hbm>>
      tpu.enqueue_dma source(%dma_start3A_532 : memref<16xf32, #tpu.memory_space<hbm>>) target(%dma_start3A_531 : memref<16xf32, #tpu.memory_space<vmem>>) target_semaphore(%arg13 : memref<!tpu.dma_semaphore, #tpu.memory_space<semaphore_mem>>)
    } else {
    }
    %add3A_327 = arith.constant 4000 : i32
    %add3A_328 = arith.addi %add3A, %add3A_327 : i32
    %mul3A_329 = arith.constant 4094 : i32
    %mul3A_330 = arith.muli %add3A_328, %mul3A_329 : i32
    %sub3A_331 = arith.constant 1 : i32
    %sub3A_332 = arith.subi %add3A_328, %sub3A_331 : i32
    %mul3A_333 = arith.muli %add3A_328, %sub3A_332 : i32
    %jit3A_334 = arith.constant 2 : i32
    %div3A_335 = arith.divsi %mul3A_333, %jit3A_334 : i32
    %sign3A_336 = arith.constant 0 : i32
    %sign3A_337 = arith.cmpi sgt, %mul3A_333, %sign3A_336 : i32
    %sign3A_338 = arith.extui %sign3A_337 : i1 to i32
    %sign3A_339 = arith.constant 0 : i32
    %sign3A_340 = arith.cmpi slt, %mul3A_333, %sign3A_339 : i32
    %sign3A_341 = arith.extui %sign3A_340 : i1 to i32
    %sign3A_342 = arith.subi %sign3A_338, %sign3A_341 : i32
    %sign3A_343 = arith.constant 0 : i32
    %sign3A_344 = arith.cmpi sgt, %jit3A_334, %sign3A_343 : i32
    %sign3A_345 = arith.extui %sign3A_344 : i1 to i32
    %sign3A_346 = arith.constant 0 : i32
    %sign3A_347 = arith.cmpi slt, %jit3A_334, %sign3A_346 : i32
    %sign3A_348 = arith.extui %sign3A_347 : i1 to i32
    %sign3A_349 = arith.subi %sign3A_345, %sign3A_348 : i32
    %ne3A_350 = arith.cmpi ne, %sign3A_342, %sign3A_349 : i32
    %rem3A_351 = arith.remsi %mul3A_333, %jit3A_334 : i32
    %ne3A_352 = arith.constant 0 : i32
    %ne3A_353 = arith.cmpi ne, %rem3A_351, %ne3A_352 : i32
    %and3A_354 = arith.andi %ne3A_350, %ne3A_353 : i1
    %sub3A_355 = arith.constant 1 : i32
    %sub3A_356 = arith.subi %div3A_335, %sub3A_355 : i32
    %select_n3A_357 = arith.select %and3A_354, %sub3A_356, %div3A_335 : i32
    %sub3A_358 = arith.subi %mul3A_330, %select_n3A_357 : i32
    %sub3A_359 = arith.constant 1 : i32
    %sub3A_360 = arith.subi %sub3A_358, %sub3A_359 : i32
    %add3A_361 = arith.constant 1 : i32
    %add3A_362 = arith.addi %add3A_328, %add3A_361 : i32
    %jit3A_363 = arith.constant 16 : i32
    %div3A_364 = arith.divsi %add3A_362, %jit3A_363 : i32
    %sign3A_365 = arith.constant 0 : i32
    %sign3A_366 = arith.cmpi sgt, %add3A_362, %sign3A_365 : i32
    %sign3A_367 = arith.extui %sign3A_366 : i1 to i32
    %sign3A_368 = arith.constant 0 : i32
    %sign3A_369 = arith.cmpi slt, %add3A_362, %sign3A_368 : i32
    %sign3A_370 = arith.extui %sign3A_369 : i1 to i32
    %sign3A_371 = arith.subi %sign3A_367, %sign3A_370 : i32
    %sign3A_372 = arith.constant 0 : i32
    %sign3A_373 = arith.cmpi sgt, %jit3A_363, %sign3A_372 : i32
    %sign3A_374 = arith.extui %sign3A_373 : i1 to i32
    %sign3A_375 = arith.constant 0 : i32
    %sign3A_376 = arith.cmpi slt, %jit3A_363, %sign3A_375 : i32
    %sign3A_377 = arith.extui %sign3A_376 : i1 to i32
    %sign3A_378 = arith.subi %sign3A_374, %sign3A_377 : i32
    %ne3A_379 = arith.cmpi ne, %sign3A_371, %sign3A_378 : i32
    %rem3A_380 = arith.remsi %add3A_362, %jit3A_363 : i32
    %ne3A_381 = arith.constant 0 : i32
    %ne3A_382 = arith.cmpi ne, %rem3A_380, %ne3A_381 : i32
    %and3A_383 = arith.andi %ne3A_379, %ne3A_382 : i1
    %sub3A_384 = arith.constant 1 : i32
    %sub3A_385 = arith.subi %div3A_364, %sub3A_384 : i32
    %select_n3A_386 = arith.select %and3A_383, %sub3A_385, %div3A_364 : i32
    %jit3A_387 = arith.constant 32 : i32
    %div3A_388 = arith.divsi %select_n3A_386, %jit3A_387 : i32
    %sign3A_389 = arith.constant 0 : i32
    %sign3A_390 = arith.cmpi sgt, %select_n3A_386, %sign3A_389 : i32
    %sign3A_391 = arith.extui %sign3A_390 : i1 to i32
    %sign3A_392 = arith.constant 0 : i32
    %sign3A_393 = arith.cmpi slt, %select_n3A_386, %sign3A_392 : i32
    %sign3A_394 = arith.extui %sign3A_393 : i1 to i32
    %sign3A_395 = arith.subi %sign3A_391, %sign3A_394 : i32
    %sign3A_396 = arith.constant 0 : i32
    %sign3A_397 = arith.cmpi sgt, %jit3A_387, %sign3A_396 : i32
    %sign3A_398 = arith.extui %sign3A_397 : i1 to i32
    %sign3A_399 = arith.constant 0 : i32
    %sign3A_400 = arith.cmpi slt, %jit3A_387, %sign3A_399 : i32
    %sign3A_401 = arith.extui %sign3A_400 : i1 to i32
    %sign3A_402 = arith.subi %sign3A_398, %sign3A_401 : i32
    %ne3A_403 = arith.cmpi ne, %sign3A_395, %sign3A_402 : i32
    %rem3A_404 = arith.remsi %select_n3A_386, %jit3A_387 : i32
    %ne3A_405 = arith.constant 0 : i32
    %ne3A_406 = arith.cmpi ne, %rem3A_404, %ne3A_405 : i32
    %and3A_407 = arith.andi %ne3A_403, %ne3A_406 : i1
    %sub3A_408 = arith.constant 1 : i32
    %sub3A_409 = arith.subi %div3A_388, %sub3A_408 : i32
    %select_n3A_410 = arith.select %and3A_407, %sub3A_409, %div3A_388 : i32
    %mul3A_411 = arith.constant 512 : i32
    %mul3A_412 = arith.muli %select_n3A_410, %mul3A_411 : i32
    %sub3A_413 = arith.constant 4112 : i32
    %sub3A_414 = arith.subi %sub3A_413, %mul3A_412 : i32
    %add3A_415 = arith.addi %sub3A_360, %mul3A_412 : i32
    %jit3A_416 = arith.constant 16 : i32
    %div3A_417 = arith.divsi %add3A_415, %jit3A_416 : i32
    %sign3A_418 = arith.constant 0 : i32
    %sign3A_419 = arith.cmpi sgt, %add3A_415, %sign3A_418 : i32
    %sign3A_420 = arith.extui %sign3A_419 : i1 to i32
    %sign3A_421 = arith.constant 0 : i32
    %sign3A_422 = arith.cmpi slt, %add3A_415, %sign3A_421 : i32
    %sign3A_423 = arith.extui %sign3A_422 : i1 to i32
    %sign3A_424 = arith.subi %sign3A_420, %sign3A_423 : i32
    %sign3A_425 = arith.constant 0 : i32
    %sign3A_426 = arith.cmpi sgt, %jit3A_416, %sign3A_425 : i32
    %sign3A_427 = arith.extui %sign3A_426 : i1 to i32
    %sign3A_428 = arith.constant 0 : i32
    %sign3A_429 = arith.cmpi slt, %jit3A_416, %sign3A_428 : i32
    %sign3A_430 = arith.extui %sign3A_429 : i1 to i32
    %sign3A_431 = arith.subi %sign3A_427, %sign3A_430 : i32
    %ne3A_432 = arith.cmpi ne, %sign3A_424, %sign3A_431 : i32
    %rem3A_433 = arith.remsi %add3A_415, %jit3A_416 : i32
    %ne3A_434 = arith.constant 0 : i32
    %ne3A_435 = arith.cmpi ne, %rem3A_433, %ne3A_434 : i32
    %and3A_436 = arith.andi %ne3A_432, %ne3A_435 : i1
    %sub3A_437 = arith.constant 1 : i32
    %sub3A_438 = arith.subi %div3A_417, %sub3A_437 : i32
    %select_n3A_439 = arith.select %and3A_436, %sub3A_438, %div3A_417 : i32
    %mul3A_440 = arith.constant 16 : i32
    %mul3A_441 = arith.muli %select_n3A_439, %mul3A_440 : i32
    %sub3A_442 = arith.constant 8386560 : i32
    %sub3A_443 = arith.subi %sub3A_442, %sub3A_414 : i32
    %jit3A_444 = arith.constant 0 : i32
    %max3A_445 = arith.maxsi %jit3A_444, %mul3A_441 : i32
    %min3A_446 = arith.minsi %sub3A_443, %max3A_445 : i32
    %multiple_of3A_447 = tpu.assume_multiple %min3A_446, 16 : i32
    %sub3A_448 = arith.subi %sub3A_360, %multiple_of3A_447 : i32
    %eq3A_449 = arith.constant 0 : i32
    %eq3A_450 = arith.cmpi eq, %select_n3A_410, %eq3A_449 : i32
    %convert_element_type3A_451 = arith.extui %eq3A_450 : i1 to i32
    %cond3A_452 = arith.constant 0 : i32
    %cond3A_453 = arith.cmpi ne, %convert_element_type3A_451, %cond3A_452 : i32
    scf.if %cond3A_453 {
      %dma_start3A = arith.constant 0 : i32
      %dma_start3A_528 = tpu.memref_slice %arg6[%dma_start3A] : memref<4112xf32, #tpu.memory_space<vmem>> -> memref<4112xf32, #tpu.memory_space<vmem>>
      %dma_start3A_529 = tpu.memref_slice %arg2[%multiple_of3A_447] : memref<8386560xf32, #tpu.memory_space<hbm>> -> memref<4112xf32, #tpu.memory_space<hbm>>
      %dma_start3A_530 = arith.constant 0 : i32
      %dma_start3A_531 = tpu.memref_slice %arg6[%dma_start3A_530] : memref<4112xf32, #tpu.memory_space<vmem>> -> memref<4112xf32, #tpu.memory_space<vmem>>
      %dma_start3A_532 = tpu.memref_slice %arg2[%multiple_of3A_447] : memref<8386560xf32, #tpu.memory_space<hbm>> -> memref<4112xf32, #tpu.memory_space<hbm>>
      tpu.enqueue_dma source(%dma_start3A_532 : memref<4112xf32, #tpu.memory_space<hbm>>) target(%dma_start3A_531 : memref<4112xf32, #tpu.memory_space<vmem>>) target_semaphore(%arg14 : memref<!tpu.dma_semaphore, #tpu.memory_space<semaphore_mem>>)
    } else {
    }
    %eq3A_454 = arith.constant 1 : i32
    %eq3A_455 = arith.cmpi eq, %select_n3A_410, %eq3A_454 : i32
    %convert_element_type3A_456 = arith.extui %eq3A_455 : i1 to i32
    %cond3A_457 = arith.constant 0 : i32
    %cond3A_458 = arith.cmpi ne, %convert_element_type3A_456, %cond3A_457 : i32
    scf.if %cond3A_458 {
      %dma_start3A = arith.constant 0 : i32
      %dma_start3A_528 = tpu.memref_slice %arg6[%dma_start3A] : memref<4112xf32, #tpu.memory_space<vmem>> -> memref<3600xf32, #tpu.memory_space<vmem>>
      %dma_start3A_529 = tpu.memref_slice %arg2[%multiple_of3A_447] : memref<8386560xf32, #tpu.memory_space<hbm>> -> memref<3600xf32, #tpu.memory_space<hbm>>
      %dma_start3A_530 = arith.constant 0 : i32
      %dma_start3A_531 = tpu.memref_slice %arg6[%dma_start3A_530] : memref<4112xf32, #tpu.memory_space<vmem>> -> memref<3600xf32, #tpu.memory_space<vmem>>
      %dma_start3A_532 = tpu.memref_slice %arg2[%multiple_of3A_447] : memref<8386560xf32, #tpu.memory_space<hbm>> -> memref<3600xf32, #tpu.memory_space<hbm>>
      tpu.enqueue_dma source(%dma_start3A_532 : memref<3600xf32, #tpu.memory_space<hbm>>) target(%dma_start3A_531 : memref<3600xf32, #tpu.memory_space<vmem>>) target_semaphore(%arg14 : memref<!tpu.dma_semaphore, #tpu.memory_space<semaphore_mem>>)
    } else {
    }
    %eq3A_459 = arith.constant 2 : i32
    %eq3A_460 = arith.cmpi eq, %select_n3A_410, %eq3A_459 : i32
    %convert_element_type3A_461 = arith.extui %eq3A_460 : i1 to i32
    %cond3A_462 = arith.constant 0 : i32
    %cond3A_463 = arith.cmpi ne, %convert_element_type3A_461, %cond3A_462 : i32
    scf.if %cond3A_463 {
      %dma_start3A = arith.constant 0 : i32
      %dma_start3A_528 = tpu.memref_slice %arg6[%dma_start3A] : memref<4112xf32, #tpu.memory_space<vmem>> -> memref<3088xf32, #tpu.memory_space<vmem>>
      %dma_start3A_529 = tpu.memref_slice %arg2[%multiple_of3A_447] : memref<8386560xf32, #tpu.memory_space<hbm>> -> memref<3088xf32, #tpu.memory_space<hbm>>
      %dma_start3A_530 = arith.constant 0 : i32
      %dma_start3A_531 = tpu.memref_slice %arg6[%dma_start3A_530] : memref<4112xf32, #tpu.memory_space<vmem>> -> memref<3088xf32, #tpu.memory_space<vmem>>
      %dma_start3A_532 = tpu.memref_slice %arg2[%multiple_of3A_447] : memref<8386560xf32, #tpu.memory_space<hbm>> -> memref<3088xf32, #tpu.memory_space<hbm>>
      tpu.enqueue_dma source(%dma_start3A_532 : memref<3088xf32, #tpu.memory_space<hbm>>) target(%dma_start3A_531 : memref<3088xf32, #tpu.memory_space<vmem>>) target_semaphore(%arg14 : memref<!tpu.dma_semaphore, #tpu.memory_space<semaphore_mem>>)
    } else {
    }
    %eq3A_464 = arith.constant 3 : i32
    %eq3A_465 = arith.cmpi eq, %select_n3A_410, %eq3A_464 : i32
    %convert_element_type3A_466 = arith.extui %eq3A_465 : i1 to i32
    %cond3A_467 = arith.constant 0 : i32
    %cond3A_468 = arith.cmpi ne, %convert_element_type3A_466, %cond3A_467 : i32
    scf.if %cond3A_468 {
      %dma_start3A = arith.constant 0 : i32
      %dma_start3A_528 = tpu.memref_slice %arg6[%dma_start3A] : memref<4112xf32, #tpu.memory_space<vmem>> -> memref<2576xf32, #tpu.memory_space<vmem>>
      %dma_start3A_529 = tpu.memref_slice %arg2[%multiple_of3A_447] : memref<8386560xf32, #tpu.memory_space<hbm>> -> memref<2576xf32, #tpu.memory_space<hbm>>
      %dma_start3A_530 = arith.constant 0 : i32
      %dma_start3A_531 = tpu.memref_slice %arg6[%dma_start3A_530] : memref<4112xf32, #tpu.memory_space<vmem>> -> memref<2576xf32, #tpu.memory_space<vmem>>
      %dma_start3A_532 = tpu.memref_slice %arg2[%multiple_of3A_447] : memref<8386560xf32, #tpu.memory_space<hbm>> -> memref<2576xf32, #tpu.memory_space<hbm>>
      tpu.enqueue_dma source(%dma_start3A_532 : memref<2576xf32, #tpu.memory_space<hbm>>) target(%dma_start3A_531 : memref<2576xf32, #tpu.memory_space<vmem>>) target_semaphore(%arg14 : memref<!tpu.dma_semaphore, #tpu.memory_space<semaphore_mem>>)
    } else {
    }
    %eq3A_469 = arith.constant 4 : i32
    %eq3A_470 = arith.cmpi eq, %select_n3A_410, %eq3A_469 : i32
    %convert_element_type3A_471 = arith.extui %eq3A_470 : i1 to i32
    %cond3A_472 = arith.constant 0 : i32
    %cond3A_473 = arith.cmpi ne, %convert_element_type3A_471, %cond3A_472 : i32
    scf.if %cond3A_473 {
      %dma_start3A = arith.constant 0 : i32
      %dma_start3A_528 = tpu.memref_slice %arg6[%dma_start3A] : memref<4112xf32, #tpu.memory_space<vmem>> -> memref<2064xf32, #tpu.memory_space<vmem>>
      %dma_start3A_529 = tpu.memref_slice %arg2[%multiple_of3A_447] : memref<8386560xf32, #tpu.memory_space<hbm>> -> memref<2064xf32, #tpu.memory_space<hbm>>
      %dma_start3A_530 = arith.constant 0 : i32
      %dma_start3A_531 = tpu.memref_slice %arg6[%dma_start3A_530] : memref<4112xf32, #tpu.memory_space<vmem>> -> memref<2064xf32, #tpu.memory_space<vmem>>
      %dma_start3A_532 = tpu.memref_slice %arg2[%multiple_of3A_447] : memref<8386560xf32, #tpu.memory_space<hbm>> -> memref<2064xf32, #tpu.memory_space<hbm>>
      tpu.enqueue_dma source(%dma_start3A_532 : memref<2064xf32, #tpu.memory_space<hbm>>) target(%dma_start3A_531 : memref<2064xf32, #tpu.memory_space<vmem>>) target_semaphore(%arg14 : memref<!tpu.dma_semaphore, #tpu.memory_space<semaphore_mem>>)
    } else {
    }
    %eq3A_474 = arith.constant 5 : i32
    %eq3A_475 = arith.cmpi eq, %select_n3A_410, %eq3A_474 : i32
    %convert_element_type3A_476 = arith.extui %eq3A_475 : i1 to i32
    %cond3A_477 = arith.constant 0 : i32
    %cond3A_478 = arith.cmpi ne, %convert_element_type3A_476, %cond3A_477 : i32
    scf.if %cond3A_478 {
      %dma_start3A = arith.constant 0 : i32
      %dma_start3A_528 = tpu.memref_slice %arg6[%dma_start3A] : memref<4112xf32, #tpu.memory_space<vmem>> -> memref<1552xf32, #tpu.memory_space<vmem>>
      %dma_start3A_529 = tpu.memref_slice %arg2[%multiple_of3A_447] : memref<8386560xf32, #tpu.memory_space<hbm>> -> memref<1552xf32, #tpu.memory_space<hbm>>
      %dma_start3A_530 = arith.constant 0 : i32
      %dma_start3A_531 = tpu.memref_slice %arg6[%dma_start3A_530] : memref<4112xf32, #tpu.memory_space<vmem>> -> memref<1552xf32, #tpu.memory_space<vmem>>
      %dma_start3A_532 = tpu.memref_slice %arg2[%multiple_of3A_447] : memref<8386560xf32, #tpu.memory_space<hbm>> -> memref<1552xf32, #tpu.memory_space<hbm>>
      tpu.enqueue_dma source(%dma_start3A_532 : memref<1552xf32, #tpu.memory_space<hbm>>) target(%dma_start3A_531 : memref<1552xf32, #tpu.memory_space<vmem>>) target_semaphore(%arg14 : memref<!tpu.dma_semaphore, #tpu.memory_space<semaphore_mem>>)
    } else {
    }
    %eq3A_479 = arith.constant 6 : i32
    %eq3A_480 = arith.cmpi eq, %select_n3A_410, %eq3A_479 : i32
    %convert_element_type3A_481 = arith.extui %eq3A_480 : i1 to i32
    %cond3A_482 = arith.constant 0 : i32
    %cond3A_483 = arith.cmpi ne, %convert_element_type3A_481, %cond3A_482 : i32
    scf.if %cond3A_483 {
      %dma_start3A = arith.constant 0 : i32
      %dma_start3A_528 = tpu.memref_slice %arg6[%dma_start3A] : memref<4112xf32, #tpu.memory_space<vmem>> -> memref<1040xf32, #tpu.memory_space<vmem>>
      %dma_start3A_529 = tpu.memref_slice %arg2[%multiple_of3A_447] : memref<8386560xf32, #tpu.memory_space<hbm>> -> memref<1040xf32, #tpu.memory_space<hbm>>
      %dma_start3A_530 = arith.constant 0 : i32
      %dma_start3A_531 = tpu.memref_slice %arg6[%dma_start3A_530] : memref<4112xf32, #tpu.memory_space<vmem>> -> memref<1040xf32, #tpu.memory_space<vmem>>
      %dma_start3A_532 = tpu.memref_slice %arg2[%multiple_of3A_447] : memref<8386560xf32, #tpu.memory_space<hbm>> -> memref<1040xf32, #tpu.memory_space<hbm>>
      tpu.enqueue_dma source(%dma_start3A_532 : memref<1040xf32, #tpu.memory_space<hbm>>) target(%dma_start3A_531 : memref<1040xf32, #tpu.memory_space<vmem>>) target_semaphore(%arg14 : memref<!tpu.dma_semaphore, #tpu.memory_space<semaphore_mem>>)
    } else {
    }
    %eq3A_484 = arith.constant 7 : i32
    %eq3A_485 = arith.cmpi eq, %select_n3A_410, %eq3A_484 : i32
    %convert_element_type3A_486 = arith.extui %eq3A_485 : i1 to i32
    %cond3A_487 = arith.constant 0 : i32
    %cond3A_488 = arith.cmpi ne, %convert_element_type3A_486, %cond3A_487 : i32
    scf.if %cond3A_488 {
      %dma_start3A = arith.constant 0 : i32
      %dma_start3A_528 = tpu.memref_slice %arg6[%dma_start3A] : memref<4112xf32, #tpu.memory_space<vmem>> -> memref<528xf32, #tpu.memory_space<vmem>>
      %dma_start3A_529 = tpu.memref_slice %arg2[%multiple_of3A_447] : memref<8386560xf32, #tpu.memory_space<hbm>> -> memref<528xf32, #tpu.memory_space<hbm>>
      %dma_start3A_530 = arith.constant 0 : i32
      %dma_start3A_531 = tpu.memref_slice %arg6[%dma_start3A_530] : memref<4112xf32, #tpu.memory_space<vmem>> -> memref<528xf32, #tpu.memory_space<vmem>>
      %dma_start3A_532 = tpu.memref_slice %arg2[%multiple_of3A_447] : memref<8386560xf32, #tpu.memory_space<hbm>> -> memref<528xf32, #tpu.memory_space<hbm>>
      tpu.enqueue_dma source(%dma_start3A_532 : memref<528xf32, #tpu.memory_space<hbm>>) target(%dma_start3A_531 : memref<528xf32, #tpu.memory_space<vmem>>) target_semaphore(%arg14 : memref<!tpu.dma_semaphore, #tpu.memory_space<semaphore_mem>>)
    } else {
    }
    %eq3A_489 = arith.constant 8 : i32
    %eq3A_490 = arith.cmpi eq, %select_n3A_410, %eq3A_489 : i32
    %convert_element_type3A_491 = arith.extui %eq3A_490 : i1 to i32
    %cond3A_492 = arith.constant 0 : i32
    %cond3A_493 = arith.cmpi ne, %convert_element_type3A_491, %cond3A_492 : i32
    scf.if %cond3A_493 {
      %dma_start3A = arith.constant 0 : i32
      %dma_start3A_528 = tpu.memref_slice %arg6[%dma_start3A] : memref<4112xf32, #tpu.memory_space<vmem>> -> memref<16xf32, #tpu.memory_space<vmem>>
      %dma_start3A_529 = tpu.memref_slice %arg2[%multiple_of3A_447] : memref<8386560xf32, #tpu.memory_space<hbm>> -> memref<16xf32, #tpu.memory_space<hbm>>
      %dma_start3A_530 = arith.constant 0 : i32
      %dma_start3A_531 = tpu.memref_slice %arg6[%dma_start3A_530] : memref<4112xf32, #tpu.memory_space<vmem>> -> memref<16xf32, #tpu.memory_space<vmem>>
      %dma_start3A_532 = tpu.memref_slice %arg2[%multiple_of3A_447] : memref<8386560xf32, #tpu.memory_space<hbm>> -> memref<16xf32, #tpu.memory_space<hbm>>
      tpu.enqueue_dma source(%dma_start3A_532 : memref<16xf32, #tpu.memory_space<hbm>>) target(%dma_start3A_531 : memref<16xf32, #tpu.memory_space<vmem>>) target_semaphore(%arg14 : memref<!tpu.dma_semaphore, #tpu.memory_space<semaphore_mem>>)
    } else {
    }
    %scan3A_494 = arith.constant 0 : i32
    %scan3A_495 = arith.constant 0 : i32
    %scan3A_496 = arith.constant 32 : i32
    %scan3A_497 = arith.addi %scan3A_495, %scan3A_496 : i32
    %scan3A_498 = arith.constant 1 : i32
    %scan3A_499 = scf.for %scan3A_528 = %scan3A_495 to %scan3A_497 step %scan3A_498 iter_args(%scan3A_529 = %scan3A_494) -> (i32)  : i32 {
      %mul3A_530 = arith.constant 4 : i32
      %mul3A_531 = arith.muli %mul3A_530, %scan3A_528 : i32
      %add3A_532 = arith.constant 0 : i32
      %add3A_533 = arith.addi %mul3A_531, %add3A_532 : i32
      %sub3A_534 = arith.constant 127 : i32
      %sub3A_535 = arith.subi %sub3A_534, %add3A_533 : i32
      %mul3A_536 = arith.constant 32 : i32
      %mul3A_537 = arith.muli %sub3A_535, %mul3A_536 : i32
      %add3A_538 = arith.addi %add3A, %mul3A_537 : i32
      %sub3A_539 = arith.constant 127 : i32
      %sub3A_540 = arith.subi %sub3A_539, %add3A_533 : i32
      %mul3A_541 = arith.constant 32 : i32
      %mul3A_542 = arith.muli %sub3A_540, %mul3A_541 : i32
      %add3A_543 = arith.addi %add3A, %mul3A_542 : i32
      %mul3A_544 = arith.constant 4094 : i32
      %mul3A_545 = arith.muli %add3A_543, %mul3A_544 : i32
      %sub3A_546 = arith.constant 1 : i32
      %sub3A_547 = arith.subi %add3A_543, %sub3A_546 : i32
      %mul3A_548 = arith.muli %add3A_543, %sub3A_547 : i32
      %jit3A_549 = arith.constant 2 : i32
      %div3A_550 = arith.divsi %mul3A_548, %jit3A_549 : i32
      %sign3A_551 = arith.constant 0 : i32
      %sign3A_552 = arith.cmpi sgt, %mul3A_548, %sign3A_551 : i32
      %sign3A_553 = arith.extui %sign3A_552 : i1 to i32
      %sign3A_554 = arith.constant 0 : i32
      %sign3A_555 = arith.cmpi slt, %mul3A_548, %sign3A_554 : i32
      %sign3A_556 = arith.extui %sign3A_555 : i1 to i32
      %sign3A_557 = arith.subi %sign3A_553, %sign3A_556 : i32
      %sign3A_558 = arith.constant 0 : i32
      %sign3A_559 = arith.cmpi sgt, %jit3A_549, %sign3A_558 : i32
      %sign3A_560 = arith.extui %sign3A_559 : i1 to i32
      %sign3A_561 = arith.constant 0 : i32
      %sign3A_562 = arith.cmpi slt, %jit3A_549, %sign3A_561 : i32
      %sign3A_563 = arith.extui %sign3A_562 : i1 to i32
      %sign3A_564 = arith.subi %sign3A_560, %sign3A_563 : i32
      %ne3A_565 = arith.cmpi ne, %sign3A_557, %sign3A_564 : i32
      %rem3A_566 = arith.remsi %mul3A_548, %jit3A_549 : i32
      %ne3A_567 = arith.constant 0 : i32
      %ne3A_568 = arith.cmpi ne, %rem3A_566, %ne3A_567 : i32
      %and3A_569 = arith.andi %ne3A_565, %ne3A_568 : i1
      %sub3A_570 = arith.constant 1 : i32
      %sub3A_571 = arith.subi %div3A_550, %sub3A_570 : i32
      %select_n3A_572 = arith.select %and3A_569, %sub3A_571, %div3A_550 : i32
      %sub3A_573 = arith.subi %mul3A_545, %select_n3A_572 : i32
      %sub3A_574 = arith.constant 1 : i32
      %sub3A_575 = arith.subi %sub3A_573, %sub3A_574 : i32
      %add3A_576 = arith.constant 1 : i32
      %add3A_577 = arith.addi %add3A_543, %add3A_576 : i32
      %jit3A_578 = arith.constant 16 : i32
      %div3A_579 = arith.divsi %add3A_577, %jit3A_578 : i32
      %sign3A_580 = arith.constant 0 : i32
      %sign3A_581 = arith.cmpi sgt, %add3A_577, %sign3A_580 : i32
      %sign3A_582 = arith.extui %sign3A_581 : i1 to i32
      %sign3A_583 = arith.constant 0 : i32
      %sign3A_584 = arith.cmpi slt, %add3A_577, %sign3A_583 : i32
      %sign3A_585 = arith.extui %sign3A_584 : i1 to i32
      %sign3A_586 = arith.subi %sign3A_582, %sign3A_585 : i32
      %sign3A_587 = arith.constant 0 : i32
      %sign3A_588 = arith.cmpi sgt, %jit3A_578, %sign3A_587 : i32
      %sign3A_589 = arith.extui %sign3A_588 : i1 to i32
      %sign3A_590 = arith.constant 0 : i32
      %sign3A_591 = arith.cmpi slt, %jit3A_578, %sign3A_590 : i32
      %sign3A_592 = arith.extui %sign3A_591 : i1 to i32
      %sign3A_593 = arith.subi %sign3A_589, %sign3A_592 : i32
      %ne3A_594 = arith.cmpi ne, %sign3A_586, %sign3A_593 : i32
      %rem3A_595 = arith.remsi %add3A_577, %jit3A_578 : i32
      %ne3A_596 = arith.constant 0 : i32
      %ne3A_597 = arith.cmpi ne, %rem3A_595, %ne3A_596 : i32
      %and3A_598 = arith.andi %ne3A_594, %ne3A_597 : i1
      %sub3A_599 = arith.constant 1 : i32
      %sub3A_600 = arith.subi %div3A_579, %sub3A_599 : i32
      %select_n3A_601 = arith.select %and3A_598, %sub3A_600, %div3A_579 : i32
      %jit3A_602 = arith.constant 32 : i32
      %div3A_603 = arith.divsi %select_n3A_601, %jit3A_602 : i32
      %sign3A_604 = arith.constant 0 : i32
      %sign3A_605 = arith.cmpi sgt, %select_n3A_601, %sign3A_604 : i32
      %sign3A_606 = arith.extui %sign3A_605 : i1 to i32
      %sign3A_607 = arith.constant 0 : i32
      %sign3A_608 = arith.cmpi slt, %select_n3A_601, %sign3A_607 : i32
      %sign3A_609 = arith.extui %sign3A_608 : i1 to i32
      %sign3A_610 = arith.subi %sign3A_606, %sign3A_609 : i32
      %sign3A_611 = arith.constant 0 : i32
      %sign3A_612 = arith.cmpi sgt, %jit3A_602, %sign3A_611 : i32
      %sign3A_613 = arith.extui %sign3A_612 : i1 to i32
      %sign3A_614 = arith.constant 0 : i32
      %sign3A_615 = arith.cmpi slt, %jit3A_602, %sign3A_614 : i32
      %sign3A_616 = arith.extui %sign3A_615 : i1 to i32
      %sign3A_617 = arith.subi %sign3A_613, %sign3A_616 : i32
      %ne3A_618 = arith.cmpi ne, %sign3A_610, %sign3A_617 : i32
      %rem3A_619 = arith.remsi %select_n3A_601, %jit3A_602 : i32
      %ne3A_620 = arith.constant 0 : i32
      %ne3A_621 = arith.cmpi ne, %rem3A_619, %ne3A_620 : i32
      %and3A_622 = arith.andi %ne3A_618, %ne3A_621 : i1
      %sub3A_623 = arith.constant 1 : i32
      %sub3A_624 = arith.subi %div3A_603, %sub3A_623 : i32
      %select_n3A_625 = arith.select %and3A_622, %sub3A_624, %div3A_603 : i32
      %mul3A_626 = arith.constant 512 : i32
      %mul3A_627 = arith.muli %select_n3A_625, %mul3A_626 : i32
      %sub3A_628 = arith.constant 4112 : i32
      %sub3A_629 = arith.subi %sub3A_628, %mul3A_627 : i32
      %add3A_630 = arith.addi %sub3A_575, %mul3A_627 : i32
      %jit3A_631 = arith.constant 16 : i32
      %div3A_632 = arith.divsi %add3A_630, %jit3A_631 : i32
      %sign3A_633 = arith.constant 0 : i32
      %sign3A_634 = arith.cmpi sgt, %add3A_630, %sign3A_633 : i32
      %sign3A_635 = arith.extui %sign3A_634 : i1 to i32
      %sign3A_636 = arith.constant 0 : i32
      %sign3A_637 = arith.cmpi slt, %add3A_630, %sign3A_636 : i32
      %sign3A_638 = arith.extui %sign3A_637 : i1 to i32
      %sign3A_639 = arith.subi %sign3A_635, %sign3A_638 : i32
      %sign3A_640 = arith.constant 0 : i32
      %sign3A_641 = arith.cmpi sgt, %jit3A_631, %sign3A_640 : i32
      %sign3A_642 = arith.extui %sign3A_641 : i1 to i32
      %sign3A_643 = arith.constant 0 : i32
      %sign3A_644 = arith.cmpi slt, %jit3A_631, %sign3A_643 : i32
      %sign3A_645 = arith.extui %sign3A_644 : i1 to i32
      %sign3A_646 = arith.subi %sign3A_642, %sign3A_645 : i32
      %ne3A_647 = arith.cmpi ne, %sign3A_639, %sign3A_646 : i32
      %rem3A_648 = arith.remsi %add3A_630, %jit3A_631 : i32
      %ne3A_649 = arith.constant 0 : i32
      %ne3A_650 = arith.cmpi ne, %rem3A_648, %ne3A_649 : i32
      %and3A_651 = arith.andi %ne3A_647, %ne3A_650 : i1
      %sub3A_652 = arith.constant 1 : i32
      %sub3A_653 = arith.subi %div3A_632, %sub3A_652 : i32
      %select_n3A_654 = arith.select %and3A_651, %sub3A_653, %div3A_632 : i32
      %mul3A_655 = arith.constant 16 : i32
      %mul3A_656 = arith.muli %select_n3A_654, %mul3A_655 : i32
      %sub3A_657 = arith.constant 8386560 : i32
      %sub3A_658 = arith.subi %sub3A_657, %sub3A_629 : i32
      %jit3A_659 = arith.constant 0 : i32
      %max3A_660 = arith.maxsi %jit3A_659, %mul3A_656 : i32
      %min3A_661 = arith.minsi %sub3A_658, %max3A_660 : i32
      %multiple_of3A_662 = tpu.assume_multiple %min3A_661, 16 : i32
      %sub3A_663 = arith.subi %sub3A_575, %multiple_of3A_662 : i32
      %eq3A_664 = arith.constant 0 : i32
      %eq3A_665 = arith.cmpi eq, %select_n3A_625, %eq3A_664 : i32
      %convert_element_type3A_666 = arith.extui %eq3A_665 : i1 to i32
      %cond3A_667 = arith.constant 0 : i32
      %cond3A_668 = arith.cmpi ne, %convert_element_type3A_666, %cond3A_667 : i32
      scf.if %cond3A_668 {
        %dma_wait3A_1833 = arith.constant 0 : i32
        %dma_wait3A_1834 = tpu.memref_slice %arg4[%dma_wait3A_1833] : memref<4112xf32, #tpu.memory_space<vmem>> -> memref<4112xf32, #tpu.memory_space<vmem>>
        %dma_wait3A_1835 = arith.constant 0 : i32
        %dma_wait3A_1836 = tpu.memref_slice %arg2[%dma_wait3A_1835] : memref<8386560xf32, #tpu.memory_space<hbm>> -> memref<4112xf32, #tpu.memory_space<hbm>>
        %dma_wait3A_1837 = arith.constant 0 : i32
        %dma_wait3A_1838 = tpu.memref_slice %arg4[%dma_wait3A_1837] : memref<4112xf32, #tpu.memory_space<vmem>> -> memref<4112xf32, #tpu.memory_space<vmem>>
        %dma_wait3A_1839 = arith.constant 0 : i32
        %dma_wait3A_1840 = tpu.memref_slice %arg2[%dma_wait3A_1839] : memref<8386560xf32, #tpu.memory_space<hbm>> -> memref<4112xf32, #tpu.memory_space<hbm>>
        tpu.wait_dma2 semaphore(%arg12 : memref<!tpu.dma_semaphore, #tpu.memory_space<semaphore_mem>>) src(%dma_wait3A_1840 : memref<4112xf32, #tpu.memory_space<hbm>>) dst(%dma_wait3A_1838 : memref<4112xf32, #tpu.memory_space<vmem>>)
      } else {
      }
      %eq3A_669 = arith.constant 1 : i32
      %eq3A_670 = arith.cmpi eq, %select_n3A_625, %eq3A_669 : i32
      %convert_element_type3A_671 = arith.extui %eq3A_670 : i1 to i32
      %cond3A_672 = arith.constant 0 : i32
      %cond3A_673 = arith.cmpi ne, %convert_element_type3A_671, %cond3A_672 : i32
      scf.if %cond3A_673 {
        %dma_wait3A_1833 = arith.constant 0 : i32
        %dma_wait3A_1834 = tpu.memref_slice %arg4[%dma_wait3A_1833] : memref<4112xf32, #tpu.memory_space<vmem>> -> memref<3600xf32, #tpu.memory_space<vmem>>
        %dma_wait3A_1835 = arith.constant 0 : i32
        %dma_wait3A_1836 = tpu.memref_slice %arg2[%dma_wait3A_1835] : memref<8386560xf32, #tpu.memory_space<hbm>> -> memref<3600xf32, #tpu.memory_space<hbm>>
        %dma_wait3A_1837 = arith.constant 0 : i32
        %dma_wait3A_1838 = tpu.memref_slice %arg4[%dma_wait3A_1837] : memref<4112xf32, #tpu.memory_space<vmem>> -> memref<3600xf32, #tpu.memory_space<vmem>>
        %dma_wait3A_1839 = arith.constant 0 : i32
        %dma_wait3A_1840 = tpu.memref_slice %arg2[%dma_wait3A_1839] : memref<8386560xf32, #tpu.memory_space<hbm>> -> memref<3600xf32, #tpu.memory_space<hbm>>
        tpu.wait_dma2 semaphore(%arg12 : memref<!tpu.dma_semaphore, #tpu.memory_space<semaphore_mem>>) src(%dma_wait3A_1840 : memref<3600xf32, #tpu.memory_space<hbm>>) dst(%dma_wait3A_1838 : memref<3600xf32, #tpu.memory_space<vmem>>)
      } else {
      }
      %eq3A_674 = arith.constant 2 : i32
      %eq3A_675 = arith.cmpi eq, %select_n3A_625, %eq3A_674 : i32
      %convert_element_type3A_676 = arith.extui %eq3A_675 : i1 to i32
      %cond3A_677 = arith.constant 0 : i32
      %cond3A_678 = arith.cmpi ne, %convert_element_type3A_676, %cond3A_677 : i32
      scf.if %cond3A_678 {
        %dma_wait3A_1833 = arith.constant 0 : i32
        %dma_wait3A_1834 = tpu.memref_slice %arg4[%dma_wait3A_1833] : memref<4112xf32, #tpu.memory_space<vmem>> -> memref<3088xf32, #tpu.memory_space<vmem>>
        %dma_wait3A_1835 = arith.constant 0 : i32
        %dma_wait3A_1836 = tpu.memref_slice %arg2[%dma_wait3A_1835] : memref<8386560xf32, #tpu.memory_space<hbm>> -> memref<3088xf32, #tpu.memory_space<hbm>>
        %dma_wait3A_1837 = arith.constant 0 : i32
        %dma_wait3A_1838 = tpu.memref_slice %arg4[%dma_wait3A_1837] : memref<4112xf32, #tpu.memory_space<vmem>> -> memref<3088xf32, #tpu.memory_space<vmem>>
        %dma_wait3A_1839 = arith.constant 0 : i32
        %dma_wait3A_1840 = tpu.memref_slice %arg2[%dma_wait3A_1839] : memref<8386560xf32, #tpu.memory_space<hbm>> -> memref<3088xf32, #tpu.memory_space<hbm>>
        tpu.wait_dma2 semaphore(%arg12 : memref<!tpu.dma_semaphore, #tpu.memory_space<semaphore_mem>>) src(%dma_wait3A_1840 : memref<3088xf32, #tpu.memory_space<hbm>>) dst(%dma_wait3A_1838 : memref<3088xf32, #tpu.memory_space<vmem>>)
      } else {
      }
      %eq3A_679 = arith.constant 3 : i32
      %eq3A_680 = arith.cmpi eq, %select_n3A_625, %eq3A_679 : i32
      %convert_element_type3A_681 = arith.extui %eq3A_680 : i1 to i32
      %cond3A_682 = arith.constant 0 : i32
      %cond3A_683 = arith.cmpi ne, %convert_element_type3A_681, %cond3A_682 : i32
      scf.if %cond3A_683 {
        %dma_wait3A_1833 = arith.constant 0 : i32
        %dma_wait3A_1834 = tpu.memref_slice %arg4[%dma_wait3A_1833] : memref<4112xf32, #tpu.memory_space<vmem>> -> memref<2576xf32, #tpu.memory_space<vmem>>
        %dma_wait3A_1835 = arith.constant 0 : i32
        %dma_wait3A_1836 = tpu.memref_slice %arg2[%dma_wait3A_1835] : memref<8386560xf32, #tpu.memory_space<hbm>> -> memref<2576xf32, #tpu.memory_space<hbm>>
        %dma_wait3A_1837 = arith.constant 0 : i32
        %dma_wait3A_1838 = tpu.memref_slice %arg4[%dma_wait3A_1837] : memref<4112xf32, #tpu.memory_space<vmem>> -> memref<2576xf32, #tpu.memory_space<vmem>>
        %dma_wait3A_1839 = arith.constant 0 : i32
        %dma_wait3A_1840 = tpu.memref_slice %arg2[%dma_wait3A_1839] : memref<8386560xf32, #tpu.memory_space<hbm>> -> memref<2576xf32, #tpu.memory_space<hbm>>
        tpu.wait_dma2 semaphore(%arg12 : memref<!tpu.dma_semaphore, #tpu.memory_space<semaphore_mem>>) src(%dma_wait3A_1840 : memref<2576xf32, #tpu.memory_space<hbm>>) dst(%dma_wait3A_1838 : memref<2576xf32, #tpu.memory_space<vmem>>)
      } else {
      }
      %eq3A_684 = arith.constant 4 : i32
      %eq3A_685 = arith.cmpi eq, %select_n3A_625, %eq3A_684 : i32
      %convert_element_type3A_686 = arith.extui %eq3A_685 : i1 to i32
      %cond3A_687 = arith.constant 0 : i32
      %cond3A_688 = arith.cmpi ne, %convert_element_type3A_686, %cond3A_687 : i32
      scf.if %cond3A_688 {
        %dma_wait3A_1833 = arith.constant 0 : i32
        %dma_wait3A_1834 = tpu.memref_slice %arg4[%dma_wait3A_1833] : memref<4112xf32, #tpu.memory_space<vmem>> -> memref<2064xf32, #tpu.memory_space<vmem>>
        %dma_wait3A_1835 = arith.constant 0 : i32
        %dma_wait3A_1836 = tpu.memref_slice %arg2[%dma_wait3A_1835] : memref<8386560xf32, #tpu.memory_space<hbm>> -> memref<2064xf32, #tpu.memory_space<hbm>>
        %dma_wait3A_1837 = arith.constant 0 : i32
        %dma_wait3A_1838 = tpu.memref_slice %arg4[%dma_wait3A_1837] : memref<4112xf32, #tpu.memory_space<vmem>> -> memref<2064xf32, #tpu.memory_space<vmem>>
        %dma_wait3A_1839 = arith.constant 0 : i32
        %dma_wait3A_1840 = tpu.memref_slice %arg2[%dma_wait3A_1839] : memref<8386560xf32, #tpu.memory_space<hbm>> -> memref<2064xf32, #tpu.memory_space<hbm>>
        tpu.wait_dma2 semaphore(%arg12 : memref<!tpu.dma_semaphore, #tpu.memory_space<semaphore_mem>>) src(%dma_wait3A_1840 : memref<2064xf32, #tpu.memory_space<hbm>>) dst(%dma_wait3A_1838 : memref<2064xf32, #tpu.memory_space<vmem>>)
      } else {
      }
      %eq3A_689 = arith.constant 5 : i32
      %eq3A_690 = arith.cmpi eq, %select_n3A_625, %eq3A_689 : i32
      %convert_element_type3A_691 = arith.extui %eq3A_690 : i1 to i32
      %cond3A_692 = arith.constant 0 : i32
      %cond3A_693 = arith.cmpi ne, %convert_element_type3A_691, %cond3A_692 : i32
      scf.if %cond3A_693 {
        %dma_wait3A_1833 = arith.constant 0 : i32
        %dma_wait3A_1834 = tpu.memref_slice %arg4[%dma_wait3A_1833] : memref<4112xf32, #tpu.memory_space<vmem>> -> memref<1552xf32, #tpu.memory_space<vmem>>
        %dma_wait3A_1835 = arith.constant 0 : i32
        %dma_wait3A_1836 = tpu.memref_slice %arg2[%dma_wait3A_1835] : memref<8386560xf32, #tpu.memory_space<hbm>> -> memref<1552xf32, #tpu.memory_space<hbm>>
        %dma_wait3A_1837 = arith.constant 0 : i32
        %dma_wait3A_1838 = tpu.memref_slice %arg4[%dma_wait3A_1837] : memref<4112xf32, #tpu.memory_space<vmem>> -> memref<1552xf32, #tpu.memory_space<vmem>>
        %dma_wait3A_1839 = arith.constant 0 : i32
        %dma_wait3A_1840 = tpu.memref_slice %arg2[%dma_wait3A_1839] : memref<8386560xf32, #tpu.memory_space<hbm>> -> memref<1552xf32, #tpu.memory_space<hbm>>
        tpu.wait_dma2 semaphore(%arg12 : memref<!tpu.dma_semaphore, #tpu.memory_space<semaphore_mem>>) src(%dma_wait3A_1840 : memref<1552xf32, #tpu.memory_space<hbm>>) dst(%dma_wait3A_1838 : memref<1552xf32, #tpu.memory_space<vmem>>)
      } else {
      }
      %eq3A_694 = arith.constant 6 : i32
      %eq3A_695 = arith.cmpi eq, %select_n3A_625, %eq3A_694 : i32
      %convert_element_type3A_696 = arith.extui %eq3A_695 : i1 to i32
      %cond3A_697 = arith.constant 0 : i32
      %cond3A_698 = arith.cmpi ne, %convert_element_type3A_696, %cond3A_697 : i32
      scf.if %cond3A_698 {
        %dma_wait3A_1833 = arith.constant 0 : i32
        %dma_wait3A_1834 = tpu.memref_slice %arg4[%dma_wait3A_1833] : memref<4112xf32, #tpu.memory_space<vmem>> -> memref<1040xf32, #tpu.memory_space<vmem>>
        %dma_wait3A_1835 = arith.constant 0 : i32
        %dma_wait3A_1836 = tpu.memref_slice %arg2[%dma_wait3A_1835] : memref<8386560xf32, #tpu.memory_space<hbm>> -> memref<1040xf32, #tpu.memory_space<hbm>>
        %dma_wait3A_1837 = arith.constant 0 : i32
        %dma_wait3A_1838 = tpu.memref_slice %arg4[%dma_wait3A_1837] : memref<4112xf32, #tpu.memory_space<vmem>> -> memref<1040xf32, #tpu.memory_space<vmem>>
        %dma_wait3A_1839 = arith.constant 0 : i32
        %dma_wait3A_1840 = tpu.memref_slice %arg2[%dma_wait3A_1839] : memref<8386560xf32, #tpu.memory_space<hbm>> -> memref<1040xf32, #tpu.memory_space<hbm>>
        tpu.wait_dma2 semaphore(%arg12 : memref<!tpu.dma_semaphore, #tpu.memory_space<semaphore_mem>>) src(%dma_wait3A_1840 : memref<1040xf32, #tpu.memory_space<hbm>>) dst(%dma_wait3A_1838 : memref<1040xf32, #tpu.memory_space<vmem>>)
      } else {
      }
      %eq3A_699 = arith.constant 7 : i32
      %eq3A_700 = arith.cmpi eq, %select_n3A_625, %eq3A_699 : i32
      %convert_element_type3A_701 = arith.extui %eq3A_700 : i1 to i32
      %cond3A_702 = arith.constant 0 : i32
      %cond3A_703 = arith.cmpi ne, %convert_element_type3A_701, %cond3A_702 : i32
      scf.if %cond3A_703 {
        %dma_wait3A_1833 = arith.constant 0 : i32
        %dma_wait3A_1834 = tpu.memref_slice %arg4[%dma_wait3A_1833] : memref<4112xf32, #tpu.memory_space<vmem>> -> memref<528xf32, #tpu.memory_space<vmem>>
        %dma_wait3A_1835 = arith.constant 0 : i32
        %dma_wait3A_1836 = tpu.memref_slice %arg2[%dma_wait3A_1835] : memref<8386560xf32, #tpu.memory_space<hbm>> -> memref<528xf32, #tpu.memory_space<hbm>>
        %dma_wait3A_1837 = arith.constant 0 : i32
        %dma_wait3A_1838 = tpu.memref_slice %arg4[%dma_wait3A_1837] : memref<4112xf32, #tpu.memory_space<vmem>> -> memref<528xf32, #tpu.memory_space<vmem>>
        %dma_wait3A_1839 = arith.constant 0 : i32
        %dma_wait3A_1840 = tpu.memref_slice %arg2[%dma_wait3A_1839] : memref<8386560xf32, #tpu.memory_space<hbm>> -> memref<528xf32, #tpu.memory_space<hbm>>
        tpu.wait_dma2 semaphore(%arg12 : memref<!tpu.dma_semaphore, #tpu.memory_space<semaphore_mem>>) src(%dma_wait3A_1840 : memref<528xf32, #tpu.memory_space<hbm>>) dst(%dma_wait3A_1838 : memref<528xf32, #tpu.memory_space<vmem>>)
      } else {
      }
      %eq3A_704 = arith.constant 8 : i32
      %eq3A_705 = arith.cmpi eq, %select_n3A_625, %eq3A_704 : i32
      %convert_element_type3A_706 = arith.extui %eq3A_705 : i1 to i32
      %cond3A_707 = arith.constant 0 : i32
      %cond3A_708 = arith.cmpi ne, %convert_element_type3A_706, %cond3A_707 : i32
      scf.if %cond3A_708 {
        %dma_wait3A_1833 = arith.constant 0 : i32
        %dma_wait3A_1834 = tpu.memref_slice %arg4[%dma_wait3A_1833] : memref<4112xf32, #tpu.memory_space<vmem>> -> memref<16xf32, #tpu.memory_space<vmem>>
        %dma_wait3A_1835 = arith.constant 0 : i32
        %dma_wait3A_1836 = tpu.memref_slice %arg2[%dma_wait3A_1835] : memref<8386560xf32, #tpu.memory_space<hbm>> -> memref<16xf32, #tpu.memory_space<hbm>>
        %dma_wait3A_1837 = arith.constant 0 : i32
        %dma_wait3A_1838 = tpu.memref_slice %arg4[%dma_wait3A_1837] : memref<4112xf32, #tpu.memory_space<vmem>> -> memref<16xf32, #tpu.memory_space<vmem>>
        %dma_wait3A_1839 = arith.constant 0 : i32
        %dma_wait3A_1840 = tpu.memref_slice %arg2[%dma_wait3A_1839] : memref<8386560xf32, #tpu.memory_space<hbm>> -> memref<16xf32, #tpu.memory_space<hbm>>
        tpu.wait_dma2 semaphore(%arg12 : memref<!tpu.dma_semaphore, #tpu.memory_space<semaphore_mem>>) src(%dma_wait3A_1840 : memref<16xf32, #tpu.memory_space<hbm>>) dst(%dma_wait3A_1838 : memref<16xf32, #tpu.memory_space<vmem>>)
      } else {
      }
      %add3A_709 = arith.constant 4 : i32
      %add3A_710 = arith.addi %add3A_533, %add3A_709 : i32
      %sub3A_711 = arith.constant 1 : i32
      %sub3A_712 = arith.subi %add3A_710, %sub3A_711 : i32
      %lt3A = arith.constant 128 : i32
      %lt3A_713 = arith.cmpi slt, %sub3A_712, %lt3A : i32
      %convert_element_type3A_714 = arith.extui %lt3A_713 : i1 to i32
      %cond3A_715 = arith.constant 0 : i32
      %cond3A_716 = arith.cmpi ne, %convert_element_type3A_714, %cond3A_715 : i32
      scf.if %cond3A_716 {
        %add3A_1833 = arith.constant 4 : i32
        %add3A_1834 = arith.addi %add3A_533, %add3A_1833 : i32
        %sub3A_1835 = arith.constant 1 : i32
        %sub3A_1836 = arith.subi %add3A_1834, %sub3A_1835 : i32
        %sub3A_1837 = arith.constant 127 : i32
        %sub3A_1838 = arith.subi %sub3A_1837, %sub3A_1836 : i32
        %mul3A_1839 = arith.constant 32 : i32
        %mul3A_1840 = arith.muli %sub3A_1838, %mul3A_1839 : i32
        %add3A_1841 = arith.addi %add3A, %mul3A_1840 : i32
        %mul3A_1842 = arith.constant 4094 : i32
        %mul3A_1843 = arith.muli %add3A_1841, %mul3A_1842 : i32
        %sub3A_1844 = arith.constant 1 : i32
        %sub3A_1845 = arith.subi %add3A_1841, %sub3A_1844 : i32
        %mul3A_1846 = arith.muli %add3A_1841, %sub3A_1845 : i32
        %jit3A_1847 = arith.constant 2 : i32
        %div3A_1848 = arith.divsi %mul3A_1846, %jit3A_1847 : i32
        %sign3A_1849 = arith.constant 0 : i32
        %sign3A_1850 = arith.cmpi sgt, %mul3A_1846, %sign3A_1849 : i32
        %sign3A_1851 = arith.extui %sign3A_1850 : i1 to i32
        %sign3A_1852 = arith.constant 0 : i32
        %sign3A_1853 = arith.cmpi slt, %mul3A_1846, %sign3A_1852 : i32
        %sign3A_1854 = arith.extui %sign3A_1853 : i1 to i32
        %sign3A_1855 = arith.subi %sign3A_1851, %sign3A_1854 : i32
        %sign3A_1856 = arith.constant 0 : i32
        %sign3A_1857 = arith.cmpi sgt, %jit3A_1847, %sign3A_1856 : i32
        %sign3A_1858 = arith.extui %sign3A_1857 : i1 to i32
        %sign3A_1859 = arith.constant 0 : i32
        %sign3A_1860 = arith.cmpi slt, %jit3A_1847, %sign3A_1859 : i32
        %sign3A_1861 = arith.extui %sign3A_1860 : i1 to i32
        %sign3A_1862 = arith.subi %sign3A_1858, %sign3A_1861 : i32
        %ne3A_1863 = arith.cmpi ne, %sign3A_1855, %sign3A_1862 : i32
        %rem3A_1864 = arith.remsi %mul3A_1846, %jit3A_1847 : i32
        %ne3A_1865 = arith.constant 0 : i32
        %ne3A_1866 = arith.cmpi ne, %rem3A_1864, %ne3A_1865 : i32
        %and3A_1867 = arith.andi %ne3A_1863, %ne3A_1866 : i1
        %sub3A_1868 = arith.constant 1 : i32
        %sub3A_1869 = arith.subi %div3A_1848, %sub3A_1868 : i32
        %select_n3A_1870 = arith.select %and3A_1867, %sub3A_1869, %div3A_1848 : i32
        %sub3A_1871 = arith.subi %mul3A_1843, %select_n3A_1870 : i32
        %sub3A_1872 = arith.constant 1 : i32
        %sub3A_1873 = arith.subi %sub3A_1871, %sub3A_1872 : i32
        %add3A_1874 = arith.constant 1 : i32
        %add3A_1875 = arith.addi %add3A_1841, %add3A_1874 : i32
        %jit3A_1876 = arith.constant 16 : i32
        %div3A_1877 = arith.divsi %add3A_1875, %jit3A_1876 : i32
        %sign3A_1878 = arith.constant 0 : i32
        %sign3A_1879 = arith.cmpi sgt, %add3A_1875, %sign3A_1878 : i32
        %sign3A_1880 = arith.extui %sign3A_1879 : i1 to i32
        %sign3A_1881 = arith.constant 0 : i32
        %sign3A_1882 = arith.cmpi slt, %add3A_1875, %sign3A_1881 : i32
        %sign3A_1883 = arith.extui %sign3A_1882 : i1 to i32
        %sign3A_1884 = arith.subi %sign3A_1880, %sign3A_1883 : i32
        %sign3A_1885 = arith.constant 0 : i32
        %sign3A_1886 = arith.cmpi sgt, %jit3A_1876, %sign3A_1885 : i32
        %sign3A_1887 = arith.extui %sign3A_1886 : i1 to i32
        %sign3A_1888 = arith.constant 0 : i32
        %sign3A_1889 = arith.cmpi slt, %jit3A_1876, %sign3A_1888 : i32
        %sign3A_1890 = arith.extui %sign3A_1889 : i1 to i32
        %sign3A_1891 = arith.subi %sign3A_1887, %sign3A_1890 : i32
        %ne3A_1892 = arith.cmpi ne, %sign3A_1884, %sign3A_1891 : i32
        %rem3A_1893 = arith.remsi %add3A_1875, %jit3A_1876 : i32
        %ne3A_1894 = arith.constant 0 : i32
        %ne3A_1895 = arith.cmpi ne, %rem3A_1893, %ne3A_1894 : i32
        %and3A_1896 = arith.andi %ne3A_1892, %ne3A_1895 : i1
        %sub3A_1897 = arith.constant 1 : i32
        %sub3A_1898 = arith.subi %div3A_1877, %sub3A_1897 : i32
        %select_n3A_1899 = arith.select %and3A_1896, %sub3A_1898, %div3A_1877 : i32
        %jit3A_1900 = arith.constant 32 : i32
        %div3A_1901 = arith.divsi %select_n3A_1899, %jit3A_1900 : i32
        %sign3A_1902 = arith.constant 0 : i32
        %sign3A_1903 = arith.cmpi sgt, %select_n3A_1899, %sign3A_1902 : i32
        %sign3A_1904 = arith.extui %sign3A_1903 : i1 to i32
        %sign3A_1905 = arith.constant 0 : i32
        %sign3A_1906 = arith.cmpi slt, %select_n3A_1899, %sign3A_1905 : i32
        %sign3A_1907 = arith.extui %sign3A_1906 : i1 to i32
        %sign3A_1908 = arith.subi %sign3A_1904, %sign3A_1907 : i32
        %sign3A_1909 = arith.constant 0 : i32
        %sign3A_1910 = arith.cmpi sgt, %jit3A_1900, %sign3A_1909 : i32
        %sign3A_1911 = arith.extui %sign3A_1910 : i1 to i32
        %sign3A_1912 = arith.constant 0 : i32
        %sign3A_1913 = arith.cmpi slt, %jit3A_1900, %sign3A_1912 : i32
        %sign3A_1914 = arith.extui %sign3A_1913 : i1 to i32
        %sign3A_1915 = arith.subi %sign3A_1911, %sign3A_1914 : i32
        %ne3A_1916 = arith.cmpi ne, %sign3A_1908, %sign3A_1915 : i32
        %rem3A_1917 = arith.remsi %select_n3A_1899, %jit3A_1900 : i32
        %ne3A_1918 = arith.constant 0 : i32
        %ne3A_1919 = arith.cmpi ne, %rem3A_1917, %ne3A_1918 : i32
        %and3A_1920 = arith.andi %ne3A_1916, %ne3A_1919 : i1
        %sub3A_1921 = arith.constant 1 : i32
        %sub3A_1922 = arith.subi %div3A_1901, %sub3A_1921 : i32
        %select_n3A_1923 = arith.select %and3A_1920, %sub3A_1922, %div3A_1901 : i32
        %mul3A_1924 = arith.constant 512 : i32
        %mul3A_1925 = arith.muli %select_n3A_1923, %mul3A_1924 : i32
        %sub3A_1926 = arith.constant 4112 : i32
        %sub3A_1927 = arith.subi %sub3A_1926, %mul3A_1925 : i32
        %add3A_1928 = arith.addi %sub3A_1873, %mul3A_1925 : i32
        %jit3A_1929 = arith.constant 16 : i32
        %div3A_1930 = arith.divsi %add3A_1928, %jit3A_1929 : i32
        %sign3A_1931 = arith.constant 0 : i32
        %sign3A_1932 = arith.cmpi sgt, %add3A_1928, %sign3A_1931 : i32
        %sign3A_1933 = arith.extui %sign3A_1932 : i1 to i32
        %sign3A_1934 = arith.constant 0 : i32
        %sign3A_1935 = arith.cmpi slt, %add3A_1928, %sign3A_1934 : i32
        %sign3A_1936 = arith.extui %sign3A_1935 : i1 to i32
        %sign3A_1937 = arith.subi %sign3A_1933, %sign3A_1936 : i32
        %sign3A_1938 = arith.constant 0 : i32
        %sign3A_1939 = arith.cmpi sgt, %jit3A_1929, %sign3A_1938 : i32
        %sign3A_1940 = arith.extui %sign3A_1939 : i1 to i32
        %sign3A_1941 = arith.constant 0 : i32
        %sign3A_1942 = arith.cmpi slt, %jit3A_1929, %sign3A_1941 : i32
        %sign3A_1943 = arith.extui %sign3A_1942 : i1 to i32
        %sign3A_1944 = arith.subi %sign3A_1940, %sign3A_1943 : i32
        %ne3A_1945 = arith.cmpi ne, %sign3A_1937, %sign3A_1944 : i32
        %rem3A_1946 = arith.remsi %add3A_1928, %jit3A_1929 : i32
        %ne3A_1947 = arith.constant 0 : i32
        %ne3A_1948 = arith.cmpi ne, %rem3A_1946, %ne3A_1947 : i32
        %and3A_1949 = arith.andi %ne3A_1945, %ne3A_1948 : i1
        %sub3A_1950 = arith.constant 1 : i32
        %sub3A_1951 = arith.subi %div3A_1930, %sub3A_1950 : i32
        %select_n3A_1952 = arith.select %and3A_1949, %sub3A_1951, %div3A_1930 : i32
        %mul3A_1953 = arith.constant 16 : i32
        %mul3A_1954 = arith.muli %select_n3A_1952, %mul3A_1953 : i32
        %sub3A_1955 = arith.constant 8386560 : i32
        %sub3A_1956 = arith.subi %sub3A_1955, %sub3A_1927 : i32
        %jit3A_1957 = arith.constant 0 : i32
        %max3A_1958 = arith.maxsi %jit3A_1957, %mul3A_1954 : i32
        %min3A_1959 = arith.minsi %sub3A_1956, %max3A_1958 : i32
        %multiple_of3A_1960 = tpu.assume_multiple %min3A_1959, 16 : i32
        %sub3A_1961 = arith.subi %sub3A_1873, %multiple_of3A_1960 : i32
        %eq3A_1962 = arith.constant 0 : i32
        %eq3A_1963 = arith.cmpi eq, %select_n3A_1923, %eq3A_1962 : i32
        %convert_element_type3A_1964 = arith.extui %eq3A_1963 : i1 to i32
        %cond3A_1965 = arith.constant 0 : i32
        %cond3A_1966 = arith.cmpi ne, %convert_element_type3A_1964, %cond3A_1965 : i32
        scf.if %cond3A_1966 {
          %dma_start3A_2007 = arith.constant 0 : i32
          %dma_start3A_2008 = tpu.memref_slice %arg7[%dma_start3A_2007] : memref<4112xf32, #tpu.memory_space<vmem>> -> memref<4112xf32, #tpu.memory_space<vmem>>
          %dma_start3A_2009 = tpu.memref_slice %arg2[%multiple_of3A_1960] : memref<8386560xf32, #tpu.memory_space<hbm>> -> memref<4112xf32, #tpu.memory_space<hbm>>
          %dma_start3A_2010 = arith.constant 0 : i32
          %dma_start3A_2011 = tpu.memref_slice %arg7[%dma_start3A_2010] : memref<4112xf32, #tpu.memory_space<vmem>> -> memref<4112xf32, #tpu.memory_space<vmem>>
          %dma_start3A_2012 = tpu.memref_slice %arg2[%multiple_of3A_1960] : memref<8386560xf32, #tpu.memory_space<hbm>> -> memref<4112xf32, #tpu.memory_space<hbm>>
          tpu.enqueue_dma source(%dma_start3A_2012 : memref<4112xf32, #tpu.memory_space<hbm>>) target(%dma_start3A_2011 : memref<4112xf32, #tpu.memory_space<vmem>>) target_semaphore(%arg15 : memref<!tpu.dma_semaphore, #tpu.memory_space<semaphore_mem>>)
        } else {
        }
        %eq3A_1967 = arith.constant 1 : i32
        %eq3A_1968 = arith.cmpi eq, %select_n3A_1923, %eq3A_1967 : i32
        %convert_element_type3A_1969 = arith.extui %eq3A_1968 : i1 to i32
        %cond3A_1970 = arith.constant 0 : i32
        %cond3A_1971 = arith.cmpi ne, %convert_element_type3A_1969, %cond3A_1970 : i32
        scf.if %cond3A_1971 {
          %dma_start3A_2007 = arith.constant 0 : i32
          %dma_start3A_2008 = tpu.memref_slice %arg7[%dma_start3A_2007] : memref<4112xf32, #tpu.memory_space<vmem>> -> memref<3600xf32, #tpu.memory_space<vmem>>
          %dma_start3A_2009 = tpu.memref_slice %arg2[%multiple_of3A_1960] : memref<8386560xf32, #tpu.memory_space<hbm>> -> memref<3600xf32, #tpu.memory_space<hbm>>
          %dma_start3A_2010 = arith.constant 0 : i32
          %dma_start3A_2011 = tpu.memref_slice %arg7[%dma_start3A_2010] : memref<4112xf32, #tpu.memory_space<vmem>> -> memref<3600xf32, #tpu.memory_space<vmem>>
          %dma_start3A_2012 = tpu.memref_slice %arg2[%multiple_of3A_1960] : memref<8386560xf32, #tpu.memory_space<hbm>> -> memref<3600xf32, #tpu.memory_space<hbm>>
          tpu.enqueue_dma source(%dma_start3A_2012 : memref<3600xf32, #tpu.memory_space<hbm>>) target(%dma_start3A_2011 : memref<3600xf32, #tpu.memory_space<vmem>>) target_semaphore(%arg15 : memref<!tpu.dma_semaphore, #tpu.memory_space<semaphore_mem>>)
        } else {
        }
        %eq3A_1972 = arith.constant 2 : i32
        %eq3A_1973 = arith.cmpi eq, %select_n3A_1923, %eq3A_1972 : i32
        %convert_element_type3A_1974 = arith.extui %eq3A_1973 : i1 to i32
        %cond3A_1975 = arith.constant 0 : i32
        %cond3A_1976 = arith.cmpi ne, %convert_element_type3A_1974, %cond3A_1975 : i32
        scf.if %cond3A_1976 {
          %dma_start3A_2007 = arith.constant 0 : i32
          %dma_start3A_2008 = tpu.memref_slice %arg7[%dma_start3A_2007] : memref<4112xf32, #tpu.memory_space<vmem>> -> memref<3088xf32, #tpu.memory_space<vmem>>
          %dma_start3A_2009 = tpu.memref_slice %arg2[%multiple_of3A_1960] : memref<8386560xf32, #tpu.memory_space<hbm>> -> memref<3088xf32, #tpu.memory_space<hbm>>
          %dma_start3A_2010 = arith.constant 0 : i32
          %dma_start3A_2011 = tpu.memref_slice %arg7[%dma_start3A_2010] : memref<4112xf32, #tpu.memory_space<vmem>> -> memref<3088xf32, #tpu.memory_space<vmem>>
          %dma_start3A_2012 = tpu.memref_slice %arg2[%multiple_of3A_1960] : memref<8386560xf32, #tpu.memory_space<hbm>> -> memref<3088xf32, #tpu.memory_space<hbm>>
          tpu.enqueue_dma source(%dma_start3A_2012 : memref<3088xf32, #tpu.memory_space<hbm>>) target(%dma_start3A_2011 : memref<3088xf32, #tpu.memory_space<vmem>>) target_semaphore(%arg15 : memref<!tpu.dma_semaphore, #tpu.memory_space<semaphore_mem>>)
        } else {
        }
        %eq3A_1977 = arith.constant 3 : i32
        %eq3A_1978 = arith.cmpi eq, %select_n3A_1923, %eq3A_1977 : i32
        %convert_element_type3A_1979 = arith.extui %eq3A_1978 : i1 to i32
        %cond3A_1980 = arith.constant 0 : i32
        %cond3A_1981 = arith.cmpi ne, %convert_element_type3A_1979, %cond3A_1980 : i32
        scf.if %cond3A_1981 {
          %dma_start3A_2007 = arith.constant 0 : i32
          %dma_start3A_2008 = tpu.memref_slice %arg7[%dma_start3A_2007] : memref<4112xf32, #tpu.memory_space<vmem>> -> memref<2576xf32, #tpu.memory_space<vmem>>
          %dma_start3A_2009 = tpu.memref_slice %arg2[%multiple_of3A_1960] : memref<8386560xf32, #tpu.memory_space<hbm>> -> memref<2576xf32, #tpu.memory_space<hbm>>
          %dma_start3A_2010 = arith.constant 0 : i32
          %dma_start3A_2011 = tpu.memref_slice %arg7[%dma_start3A_2010] : memref<4112xf32, #tpu.memory_space<vmem>> -> memref<2576xf32, #tpu.memory_space<vmem>>
          %dma_start3A_2012 = tpu.memref_slice %arg2[%multiple_of3A_1960] : memref<8386560xf32, #tpu.memory_space<hbm>> -> memref<2576xf32, #tpu.memory_space<hbm>>
          tpu.enqueue_dma source(%dma_start3A_2012 : memref<2576xf32, #tpu.memory_space<hbm>>) target(%dma_start3A_2011 : memref<2576xf32, #tpu.memory_space<vmem>>) target_semaphore(%arg15 : memref<!tpu.dma_semaphore, #tpu.memory_space<semaphore_mem>>)
        } else {
        }
        %eq3A_1982 = arith.constant 4 : i32
        %eq3A_1983 = arith.cmpi eq, %select_n3A_1923, %eq3A_1982 : i32
        %convert_element_type3A_1984 = arith.extui %eq3A_1983 : i1 to i32
        %cond3A_1985 = arith.constant 0 : i32
        %cond3A_1986 = arith.cmpi ne, %convert_element_type3A_1984, %cond3A_1985 : i32
        scf.if %cond3A_1986 {
          %dma_start3A_2007 = arith.constant 0 : i32
          %dma_start3A_2008 = tpu.memref_slice %arg7[%dma_start3A_2007] : memref<4112xf32, #tpu.memory_space<vmem>> -> memref<2064xf32, #tpu.memory_space<vmem>>
          %dma_start3A_2009 = tpu.memref_slice %arg2[%multiple_of3A_1960] : memref<8386560xf32, #tpu.memory_space<hbm>> -> memref<2064xf32, #tpu.memory_space<hbm>>
          %dma_start3A_2010 = arith.constant 0 : i32
          %dma_start3A_2011 = tpu.memref_slice %arg7[%dma_start3A_2010] : memref<4112xf32, #tpu.memory_space<vmem>> -> memref<2064xf32, #tpu.memory_space<vmem>>
          %dma_start3A_2012 = tpu.memref_slice %arg2[%multiple_of3A_1960] : memref<8386560xf32, #tpu.memory_space<hbm>> -> memref<2064xf32, #tpu.memory_space<hbm>>
          tpu.enqueue_dma source(%dma_start3A_2012 : memref<2064xf32, #tpu.memory_space<hbm>>) target(%dma_start3A_2011 : memref<2064xf32, #tpu.memory_space<vmem>>) target_semaphore(%arg15 : memref<!tpu.dma_semaphore, #tpu.memory_space<semaphore_mem>>)
        } else {
        }
        %eq3A_1987 = arith.constant 5 : i32
        %eq3A_1988 = arith.cmpi eq, %select_n3A_1923, %eq3A_1987 : i32
        %convert_element_type3A_1989 = arith.extui %eq3A_1988 : i1 to i32
        %cond3A_1990 = arith.constant 0 : i32
        %cond3A_1991 = arith.cmpi ne, %convert_element_type3A_1989, %cond3A_1990 : i32
        scf.if %cond3A_1991 {
          %dma_start3A_2007 = arith.constant 0 : i32
          %dma_start3A_2008 = tpu.memref_slice %arg7[%dma_start3A_2007] : memref<4112xf32, #tpu.memory_space<vmem>> -> memref<1552xf32, #tpu.memory_space<vmem>>
          %dma_start3A_2009 = tpu.memref_slice %arg2[%multiple_of3A_1960] : memref<8386560xf32, #tpu.memory_space<hbm>> -> memref<1552xf32, #tpu.memory_space<hbm>>
          %dma_start3A_2010 = arith.constant 0 : i32
          %dma_start3A_2011 = tpu.memref_slice %arg7[%dma_start3A_2010] : memref<4112xf32, #tpu.memory_space<vmem>> -> memref<1552xf32, #tpu.memory_space<vmem>>
          %dma_start3A_2012 = tpu.memref_slice %arg2[%multiple_of3A_1960] : memref<8386560xf32, #tpu.memory_space<hbm>> -> memref<1552xf32, #tpu.memory_space<hbm>>
          tpu.enqueue_dma source(%dma_start3A_2012 : memref<1552xf32, #tpu.memory_space<hbm>>) target(%dma_start3A_2011 : memref<1552xf32, #tpu.memory_space<vmem>>) target_semaphore(%arg15 : memref<!tpu.dma_semaphore, #tpu.memory_space<semaphore_mem>>)
        } else {
        }
        %eq3A_1992 = arith.constant 6 : i32
        %eq3A_1993 = arith.cmpi eq, %select_n3A_1923, %eq3A_1992 : i32
        %convert_element_type3A_1994 = arith.extui %eq3A_1993 : i1 to i32
        %cond3A_1995 = arith.constant 0 : i32
        %cond3A_1996 = arith.cmpi ne, %convert_element_type3A_1994, %cond3A_1995 : i32
        scf.if %cond3A_1996 {
          %dma_start3A_2007 = arith.constant 0 : i32
          %dma_start3A_2008 = tpu.memref_slice %arg7[%dma_start3A_2007] : memref<4112xf32, #tpu.memory_space<vmem>> -> memref<1040xf32, #tpu.memory_space<vmem>>
          %dma_start3A_2009 = tpu.memref_slice %arg2[%multiple_of3A_1960] : memref<8386560xf32, #tpu.memory_space<hbm>> -> memref<1040xf32, #tpu.memory_space<hbm>>
          %dma_start3A_2010 = arith.constant 0 : i32
          %dma_start3A_2011 = tpu.memref_slice %arg7[%dma_start3A_2010] : memref<4112xf32, #tpu.memory_space<vmem>> -> memref<1040xf32, #tpu.memory_space<vmem>>
          %dma_start3A_2012 = tpu.memref_slice %arg2[%multiple_of3A_1960] : memref<8386560xf32, #tpu.memory_space<hbm>> -> memref<1040xf32, #tpu.memory_space<hbm>>
          tpu.enqueue_dma source(%dma_start3A_2012 : memref<1040xf32, #tpu.memory_space<hbm>>) target(%dma_start3A_2011 : memref<1040xf32, #tpu.memory_space<vmem>>) target_semaphore(%arg15 : memref<!tpu.dma_semaphore, #tpu.memory_space<semaphore_mem>>)
        } else {
        }
        %eq3A_1997 = arith.constant 7 : i32
        %eq3A_1998 = arith.cmpi eq, %select_n3A_1923, %eq3A_1997 : i32
        %convert_element_type3A_1999 = arith.extui %eq3A_1998 : i1 to i32
        %cond3A_2000 = arith.constant 0 : i32
        %cond3A_2001 = arith.cmpi ne, %convert_element_type3A_1999, %cond3A_2000 : i32
        scf.if %cond3A_2001 {
          %dma_start3A_2007 = arith.constant 0 : i32
          %dma_start3A_2008 = tpu.memref_slice %arg7[%dma_start3A_2007] : memref<4112xf32, #tpu.memory_space<vmem>> -> memref<528xf32, #tpu.memory_space<vmem>>
          %dma_start3A_2009 = tpu.memref_slice %arg2[%multiple_of3A_1960] : memref<8386560xf32, #tpu.memory_space<hbm>> -> memref<528xf32, #tpu.memory_space<hbm>>
          %dma_start3A_2010 = arith.constant 0 : i32
          %dma_start3A_2011 = tpu.memref_slice %arg7[%dma_start3A_2010] : memref<4112xf32, #tpu.memory_space<vmem>> -> memref<528xf32, #tpu.memory_space<vmem>>
          %dma_start3A_2012 = tpu.memref_slice %arg2[%multiple_of3A_1960] : memref<8386560xf32, #tpu.memory_space<hbm>> -> memref<528xf32, #tpu.memory_space<hbm>>
          tpu.enqueue_dma source(%dma_start3A_2012 : memref<528xf32, #tpu.memory_space<hbm>>) target(%dma_start3A_2011 : memref<528xf32, #tpu.memory_space<vmem>>) target_semaphore(%arg15 : memref<!tpu.dma_semaphore, #tpu.memory_space<semaphore_mem>>)
        } else {
        }
        %eq3A_2002 = arith.constant 8 : i32
        %eq3A_2003 = arith.cmpi eq, %select_n3A_1923, %eq3A_2002 : i32
        %convert_element_type3A_2004 = arith.extui %eq3A_2003 : i1 to i32
        %cond3A_2005 = arith.constant 0 : i32
        %cond3A_2006 = arith.cmpi ne, %convert_element_type3A_2004, %cond3A_2005 : i32
        scf.if %cond3A_2006 {
          %dma_start3A_2007 = arith.constant 0 : i32
          %dma_start3A_2008 = tpu.memref_slice %arg7[%dma_start3A_2007] : memref<4112xf32, #tpu.memory_space<vmem>> -> memref<16xf32, #tpu.memory_space<vmem>>
          %dma_start3A_2009 = tpu.memref_slice %arg2[%multiple_of3A_1960] : memref<8386560xf32, #tpu.memory_space<hbm>> -> memref<16xf32, #tpu.memory_space<hbm>>
          %dma_start3A_2010 = arith.constant 0 : i32
          %dma_start3A_2011 = tpu.memref_slice %arg7[%dma_start3A_2010] : memref<4112xf32, #tpu.memory_space<vmem>> -> memref<16xf32, #tpu.memory_space<vmem>>
          %dma_start3A_2012 = tpu.memref_slice %arg2[%multiple_of3A_1960] : memref<8386560xf32, #tpu.memory_space<hbm>> -> memref<16xf32, #tpu.memory_space<hbm>>
          tpu.enqueue_dma source(%dma_start3A_2012 : memref<16xf32, #tpu.memory_space<hbm>>) target(%dma_start3A_2011 : memref<16xf32, #tpu.memory_space<vmem>>) target_semaphore(%arg15 : memref<!tpu.dma_semaphore, #tpu.memory_space<semaphore_mem>>)
        } else {
        }
      } else {
      }
      %gt3A = arith.constant 0 : i32
      %gt3A_717 = arith.cmpi sgt, %scan3A_528, %gt3A : i32
      %convert_element_type3A_718 = arith.extui %gt3A_717 : i1 to i32
      %cond3A_719 = arith.constant 0 : i32
      %cond3A_720 = arith.cmpi ne, %convert_element_type3A_718, %cond3A_719 : i32
      scf.if %cond3A_720 {
        %dma_wait3A_1833 = arith.constant 0 : i32
        %dma_wait3A_1834 = arith.constant 0 : i32
        %dma_wait3A_1835 = tpu.memref_slice %arg3[%dma_wait3A_1833, %dma_wait3A_1834] : memref<4096x4096xf32, #tpu.memory_space<hbm>> -> memref<1x4096xf32, #tpu.memory_space<hbm>>
        %dma_wait3A_1836 = tpu.memref_squeeze %dma_wait3A_1835 : memref<1x4096xf32, #tpu.memory_space<hbm>> -> memref<4096xf32, #tpu.memory_space<hbm>>
        %dma_wait3A_1837 = arith.constant 0 : i32
        %dma_wait3A_1838 = tpu.memref_slice %arg3[%dma_wait3A_1833, %dma_wait3A_1837] : memref<4096x4096xf32, #tpu.memory_space<hbm>> -> memref<1x4096xf32, #tpu.memory_space<hbm>>
        %dma_wait3A_1839 = tpu.memref_squeeze %dma_wait3A_1838 : memref<1x4096xf32, #tpu.memory_space<hbm>> -> memref<4096xf32, #tpu.memory_space<hbm>>
        tpu.wait_dma2 semaphore(%arg16 : memref<!tpu.dma_semaphore, #tpu.memory_space<semaphore_mem>>) src(%arg8 : memref<4096xf32, #tpu.memory_space<vmem>>) dst(%dma_wait3A_1839 : memref<4096xf32, #tpu.memory_space<hbm>>)
      } else {
      }
      %mul3A_721 = arith.constant 4094 : i32
      %mul3A_722 = arith.muli %add3A_538, %mul3A_721 : i32
      %sub3A_723 = arith.constant 1 : i32
      %sub3A_724 = arith.subi %add3A_538, %sub3A_723 : i32
      %mul3A_725 = arith.muli %add3A_538, %sub3A_724 : i32
      %jit3A_726 = arith.constant 2 : i32
      %div3A_727 = arith.divsi %mul3A_725, %jit3A_726 : i32
      %sign3A_728 = arith.constant 0 : i32
      %sign3A_729 = arith.cmpi sgt, %mul3A_725, %sign3A_728 : i32
      %sign3A_730 = arith.extui %sign3A_729 : i1 to i32
      %sign3A_731 = arith.constant 0 : i32
      %sign3A_732 = arith.cmpi slt, %mul3A_725, %sign3A_731 : i32
      %sign3A_733 = arith.extui %sign3A_732 : i1 to i32
      %sign3A_734 = arith.subi %sign3A_730, %sign3A_733 : i32
      %sign3A_735 = arith.constant 0 : i32
      %sign3A_736 = arith.cmpi sgt, %jit3A_726, %sign3A_735 : i32
      %sign3A_737 = arith.extui %sign3A_736 : i1 to i32
      %sign3A_738 = arith.constant 0 : i32
      %sign3A_739 = arith.cmpi slt, %jit3A_726, %sign3A_738 : i32
      %sign3A_740 = arith.extui %sign3A_739 : i1 to i32
      %sign3A_741 = arith.subi %sign3A_737, %sign3A_740 : i32
      %ne3A_742 = arith.cmpi ne, %sign3A_734, %sign3A_741 : i32
      %rem3A_743 = arith.remsi %mul3A_725, %jit3A_726 : i32
      %ne3A_744 = arith.constant 0 : i32
      %ne3A_745 = arith.cmpi ne, %rem3A_743, %ne3A_744 : i32
      %and3A_746 = arith.andi %ne3A_742, %ne3A_745 : i1
      %sub3A_747 = arith.constant 1 : i32
      %sub3A_748 = arith.subi %div3A_727, %sub3A_747 : i32
      %select_n3A_749 = arith.select %and3A_746, %sub3A_748, %div3A_727 : i32
      %sub3A_750 = arith.subi %mul3A_722, %select_n3A_749 : i32
      %sub3A_751 = arith.constant 1 : i32
      %sub3A_752 = arith.subi %sub3A_750, %sub3A_751 : i32
      %add3A_753 = arith.constant 1 : i32
      %add3A_754 = arith.addi %add3A_538, %add3A_753 : i32
      %jit3A_755 = arith.constant 16 : i32
      %div3A_756 = arith.divsi %add3A_754, %jit3A_755 : i32
      %sign3A_757 = arith.constant 0 : i32
      %sign3A_758 = arith.cmpi sgt, %add3A_754, %sign3A_757 : i32
      %sign3A_759 = arith.extui %sign3A_758 : i1 to i32
      %sign3A_760 = arith.constant 0 : i32
      %sign3A_761 = arith.cmpi slt, %add3A_754, %sign3A_760 : i32
      %sign3A_762 = arith.extui %sign3A_761 : i1 to i32
      %sign3A_763 = arith.subi %sign3A_759, %sign3A_762 : i32
      %sign3A_764 = arith.constant 0 : i32
      %sign3A_765 = arith.cmpi sgt, %jit3A_755, %sign3A_764 : i32
      %sign3A_766 = arith.extui %sign3A_765 : i1 to i32
      %sign3A_767 = arith.constant 0 : i32
      %sign3A_768 = arith.cmpi slt, %jit3A_755, %sign3A_767 : i32
      %sign3A_769 = arith.extui %sign3A_768 : i1 to i32
      %sign3A_770 = arith.subi %sign3A_766, %sign3A_769 : i32
      %ne3A_771 = arith.cmpi ne, %sign3A_763, %sign3A_770 : i32
      %rem3A_772 = arith.remsi %add3A_754, %jit3A_755 : i32
      %ne3A_773 = arith.constant 0 : i32
      %ne3A_774 = arith.cmpi ne, %rem3A_772, %ne3A_773 : i32
      %and3A_775 = arith.andi %ne3A_771, %ne3A_774 : i1
      %sub3A_776 = arith.constant 1 : i32
      %sub3A_777 = arith.subi %div3A_756, %sub3A_776 : i32
      %select_n3A_778 = arith.select %and3A_775, %sub3A_777, %div3A_756 : i32
      %jit3A_779 = arith.constant 32 : i32
      %div3A_780 = arith.divsi %select_n3A_778, %jit3A_779 : i32
      %sign3A_781 = arith.constant 0 : i32
      %sign3A_782 = arith.cmpi sgt, %select_n3A_778, %sign3A_781 : i32
      %sign3A_783 = arith.extui %sign3A_782 : i1 to i32
      %sign3A_784 = arith.constant 0 : i32
      %sign3A_785 = arith.cmpi slt, %select_n3A_778, %sign3A_784 : i32
      %sign3A_786 = arith.extui %sign3A_785 : i1 to i32
      %sign3A_787 = arith.subi %sign3A_783, %sign3A_786 : i32
      %sign3A_788 = arith.constant 0 : i32
      %sign3A_789 = arith.cmpi sgt, %jit3A_779, %sign3A_788 : i32
      %sign3A_790 = arith.extui %sign3A_789 : i1 to i32
      %sign3A_791 = arith.constant 0 : i32
      %sign3A_792 = arith.cmpi slt, %jit3A_779, %sign3A_791 : i32
      %sign3A_793 = arith.extui %sign3A_792 : i1 to i32
      %sign3A_794 = arith.subi %sign3A_790, %sign3A_793 : i32
      %ne3A_795 = arith.cmpi ne, %sign3A_787, %sign3A_794 : i32
      %rem3A_796 = arith.remsi %select_n3A_778, %jit3A_779 : i32
      %ne3A_797 = arith.constant 0 : i32
      %ne3A_798 = arith.cmpi ne, %rem3A_796, %ne3A_797 : i32
      %and3A_799 = arith.andi %ne3A_795, %ne3A_798 : i1
      %sub3A_800 = arith.constant 1 : i32
      %sub3A_801 = arith.subi %div3A_780, %sub3A_800 : i32
      %select_n3A_802 = arith.select %and3A_799, %sub3A_801, %div3A_780 : i32
      %mul3A_803 = arith.constant 512 : i32
      %mul3A_804 = arith.muli %select_n3A_802, %mul3A_803 : i32
      %sub3A_805 = arith.constant 4112 : i32
      %sub3A_806 = arith.subi %sub3A_805, %mul3A_804 : i32
      %add3A_807 = arith.addi %sub3A_752, %mul3A_804 : i32
      %jit3A_808 = arith.constant 16 : i32
      %div3A_809 = arith.divsi %add3A_807, %jit3A_808 : i32
      %sign3A_810 = arith.constant 0 : i32
      %sign3A_811 = arith.cmpi sgt, %add3A_807, %sign3A_810 : i32
      %sign3A_812 = arith.extui %sign3A_811 : i1 to i32
      %sign3A_813 = arith.constant 0 : i32
      %sign3A_814 = arith.cmpi slt, %add3A_807, %sign3A_813 : i32
      %sign3A_815 = arith.extui %sign3A_814 : i1 to i32
      %sign3A_816 = arith.subi %sign3A_812, %sign3A_815 : i32
      %sign3A_817 = arith.constant 0 : i32
      %sign3A_818 = arith.cmpi sgt, %jit3A_808, %sign3A_817 : i32
      %sign3A_819 = arith.extui %sign3A_818 : i1 to i32
      %sign3A_820 = arith.constant 0 : i32
      %sign3A_821 = arith.cmpi slt, %jit3A_808, %sign3A_820 : i32
      %sign3A_822 = arith.extui %sign3A_821 : i1 to i32
      %sign3A_823 = arith.subi %sign3A_819, %sign3A_822 : i32
      %ne3A_824 = arith.cmpi ne, %sign3A_816, %sign3A_823 : i32
      %rem3A_825 = arith.remsi %add3A_807, %jit3A_808 : i32
      %ne3A_826 = arith.constant 0 : i32
      %ne3A_827 = arith.cmpi ne, %rem3A_825, %ne3A_826 : i32
      %and3A_828 = arith.andi %ne3A_824, %ne3A_827 : i1
      %sub3A_829 = arith.constant 1 : i32
      %sub3A_830 = arith.subi %div3A_809, %sub3A_829 : i32
      %select_n3A_831 = arith.select %and3A_828, %sub3A_830, %div3A_809 : i32
      %mul3A_832 = arith.constant 16 : i32
      %mul3A_833 = arith.muli %select_n3A_831, %mul3A_832 : i32
      %sub3A_834 = arith.constant 8386560 : i32
      %sub3A_835 = arith.subi %sub3A_834, %sub3A_806 : i32
      %jit3A_836 = arith.constant 0 : i32
      %max3A_837 = arith.maxsi %jit3A_836, %mul3A_833 : i32
      %min3A_838 = arith.minsi %sub3A_835, %max3A_837 : i32
      %multiple_of3A_839 = tpu.assume_multiple %min3A_838, 16 : i32
      %sub3A_840 = arith.subi %sub3A_752, %multiple_of3A_839 : i32
      %lt3A_841 = arith.constant 4095 : i32
      %lt3A_842 = arith.cmpi slt, %add3A_538, %lt3A_841 : i32
      %convert_element_type3A_843 = arith.extui %lt3A_842 : i1 to i32
      %cond3A_844 = arith.constant 0 : i32
      %cond3A_845 = arith.cmpi ne, %convert_element_type3A_843, %cond3A_844 : i32
      scf.if %cond3A_845 {
        %mul3A_1833 = arith.constant 16 : i32
        %mul3A_1834 = arith.muli %select_n3A_778, %mul3A_1833 : i32
        %add3A_1835 = arith.addi %sub3A_840, %mul3A_1834 : i32
        %add3A_1836 = vector.broadcast %add3A_1835 : i32 to vector<16xi32>
        %add3A_1837 = arith.addi %iota3A, %add3A_1836 : vector<16xi32>
        %max3A_1838 = arith.constant 0 : i32
        %max3A_1839 = vector.broadcast %max3A_1838 : i32 to vector<16xi32>
        %max3A_1840 = arith.maxsi %add3A_1837, %max3A_1839 : vector<16xi32>
        %gather3A = tpu.vector_load_idx %arg4[%max3A_1840] : memref<4112xf32, #tpu.memory_space<vmem>>[vector<16xi32>], vector<16xf32>,
        %add3A_1841 = vector.broadcast %mul3A_1834 : i32 to vector<16xi32>
        %add3A_1842 = arith.addi %iota3A, %add3A_1841 : vector<16xi32>
        %add3A_1843 = arith.constant 1 : i32
        %add3A_1844 = arith.addi %add3A_538, %add3A_1843 : i32
        %ge3A = vector.broadcast %add3A_1844 : i32 to vector<16xi32>
        %ge3A_1845 = arith.cmpi sge, %add3A_1842, %ge3A : vector<16xi32>
        %jit3A_1846 = arith.constant 0.000000e+00 : f32
        %broadcast_in_dim3A = vector.broadcast %jit3A_1846 : f32 to vector<16xf32>
        %select_n3A_1847 = arith.select %ge3A_1845, %gather3A, %broadcast_in_dim3A : vector<16xi1>, vector<16xf32>
        %swap3A = arith.index_cast %mul3A_1834 : i32 to index
        %swap3A_1848 = tpu.vector_load %arg8[%swap3A] {strides = array<i32>} : memref<4096xf32, #tpu.memory_space<vmem>>, vector<16xf32>,
        tpu.vector_store %arg8[%swap3A], %select_n3A_1847 {strides = array<i32>} : memref<4096xf32, #tpu.memory_space<vmem>>, vector<16xf32>,
      } else {
      }
      %add3A_846 = arith.constant 1 : i32
      %add3A_847 = arith.addi %select_n3A_778, %add3A_846 : i32
      %parallel_loop3A = arith.constant 256 : i32
      %parallel_loop3A_848 = arith.constant 1 : i32
      scf.for %parallel_loop3A_1833 = %add3A_847 to %parallel_loop3A step %parallel_loop3A_848  : i32 {
        %parallel_loop3A_1834 = arith.constant 16 : i32
        %parallel_loop3A_1835 = arith.muli %parallel_loop3A_1833, %parallel_loop3A_1834 : i32
        %parallel_loop3A_1836 = arith.addi %sub3A_840, %parallel_loop3A_1835 : i32
        %parallel_loop3A_1837 = vector.broadcast %parallel_loop3A_1836 : i32 to vector<16xi32>
        %parallel_loop3A_1838 = arith.addi %iota3A, %parallel_loop3A_1837 : vector<16xi32>
        %parallel_loop3A_1839 = tpu.vector_load_idx %arg4[%parallel_loop3A_1838] : memref<4112xf32, #tpu.memory_space<vmem>>[vector<16xi32>], vector<16xf32>,
        %parallel_loop3A_1840 = arith.index_cast %parallel_loop3A_1835 : i32 to index
        %parallel_loop3A_1841 = tpu.vector_load %arg8[%parallel_loop3A_1840] {strides = array<i32>} : memref<4096xf32, #tpu.memory_space<vmem>>, vector<16xf32>,
        tpu.vector_store %arg8[%parallel_loop3A_1840], %parallel_loop3A_1839 {strides = array<i32>} : memref<4096xf32, #tpu.memory_space<vmem>>, vector<16xf32>,
      } {sc.loop_unroll_factor = 8 : i64, sc.parallel_access}
      %dma_start3A = arith.constant 0 : i32
      %dma_start3A_849 = tpu.memref_slice %arg3[%add3A_538, %dma_start3A] : memref<4096x4096xf32, #tpu.memory_space<hbm>> -> memref<1x4096xf32, #tpu.memory_space<hbm>>
      %dma_start3A_850 = tpu.memref_squeeze %dma_start3A_849 : memref<1x4096xf32, #tpu.memory_space<hbm>> -> memref<4096xf32, #tpu.memory_space<hbm>>
      %dma_start3A_851 = arith.constant 0 : i32
      %dma_start3A_852 = tpu.memref_slice %arg3[%add3A_538, %dma_start3A_851] : memref<4096x4096xf32, #tpu.memory_space<hbm>> -> memref<1x4096xf32, #tpu.memory_space<hbm>>
      %dma_start3A_853 = tpu.memref_squeeze %dma_start3A_852 : memref<1x4096xf32, #tpu.memory_space<hbm>> -> memref<4096xf32, #tpu.memory_space<hbm>>
      tpu.enqueue_dma source(%arg8 : memref<4096xf32, #tpu.memory_space<vmem>>) target(%dma_start3A_853 : memref<4096xf32, #tpu.memory_space<hbm>>) target_semaphore(%arg16 : memref<!tpu.dma_semaphore, #tpu.memory_space<semaphore_mem>>)
      %add3A_854 = arith.constant 1 : i32
      %add3A_855 = arith.addi %mul3A_531, %add3A_854 : i32
      %sub3A_856 = arith.constant 127 : i32
      %sub3A_857 = arith.subi %sub3A_856, %add3A_855 : i32
      %mul3A_858 = arith.constant 32 : i32
      %mul3A_859 = arith.muli %sub3A_857, %mul3A_858 : i32
      %add3A_860 = arith.addi %add3A, %mul3A_859 : i32
      %sub3A_861 = arith.constant 127 : i32
      %sub3A_862 = arith.subi %sub3A_861, %add3A_855 : i32
      %mul3A_863 = arith.constant 32 : i32
      %mul3A_864 = arith.muli %sub3A_862, %mul3A_863 : i32
      %add3A_865 = arith.addi %add3A, %mul3A_864 : i32
      %mul3A_866 = arith.constant 4094 : i32
      %mul3A_867 = arith.muli %add3A_865, %mul3A_866 : i32
      %sub3A_868 = arith.constant 1 : i32
      %sub3A_869 = arith.subi %add3A_865, %sub3A_868 : i32
      %mul3A_870 = arith.muli %add3A_865, %sub3A_869 : i32
      %jit3A_871 = arith.constant 2 : i32
      %div3A_872 = arith.divsi %mul3A_870, %jit3A_871 : i32
      %sign3A_873 = arith.constant 0 : i32
      %sign3A_874 = arith.cmpi sgt, %mul3A_870, %sign3A_873 : i32
      %sign3A_875 = arith.extui %sign3A_874 : i1 to i32
      %sign3A_876 = arith.constant 0 : i32
      %sign3A_877 = arith.cmpi slt, %mul3A_870, %sign3A_876 : i32
      %sign3A_878 = arith.extui %sign3A_877 : i1 to i32
      %sign3A_879 = arith.subi %sign3A_875, %sign3A_878 : i32
      %sign3A_880 = arith.constant 0 : i32
      %sign3A_881 = arith.cmpi sgt, %jit3A_871, %sign3A_880 : i32
      %sign3A_882 = arith.extui %sign3A_881 : i1 to i32
      %sign3A_883 = arith.constant 0 : i32
      %sign3A_884 = arith.cmpi slt, %jit3A_871, %sign3A_883 : i32
      %sign3A_885 = arith.extui %sign3A_884 : i1 to i32
      %sign3A_886 = arith.subi %sign3A_882, %sign3A_885 : i32
      %ne3A_887 = arith.cmpi ne, %sign3A_879, %sign3A_886 : i32
      %rem3A_888 = arith.remsi %mul3A_870, %jit3A_871 : i32
      %ne3A_889 = arith.constant 0 : i32
      %ne3A_890 = arith.cmpi ne, %rem3A_888, %ne3A_889 : i32
      %and3A_891 = arith.andi %ne3A_887, %ne3A_890 : i1
      %sub3A_892 = arith.constant 1 : i32
      %sub3A_893 = arith.subi %div3A_872, %sub3A_892 : i32
      %select_n3A_894 = arith.select %and3A_891, %sub3A_893, %div3A_872 : i32
      %sub3A_895 = arith.subi %mul3A_867, %select_n3A_894 : i32
      %sub3A_896 = arith.constant 1 : i32
      %sub3A_897 = arith.subi %sub3A_895, %sub3A_896 : i32
      %add3A_898 = arith.constant 1 : i32
      %add3A_899 = arith.addi %add3A_865, %add3A_898 : i32
      %jit3A_900 = arith.constant 16 : i32
      %div3A_901 = arith.divsi %add3A_899, %jit3A_900 : i32
      %sign3A_902 = arith.constant 0 : i32
      %sign3A_903 = arith.cmpi sgt, %add3A_899, %sign3A_902 : i32
      %sign3A_904 = arith.extui %sign3A_903 : i1 to i32
      %sign3A_905 = arith.constant 0 : i32
      %sign3A_906 = arith.cmpi slt, %add3A_899, %sign3A_905 : i32
      %sign3A_907 = arith.extui %sign3A_906 : i1 to i32
      %sign3A_908 = arith.subi %sign3A_904, %sign3A_907 : i32
      %sign3A_909 = arith.constant 0 : i32
      %sign3A_910 = arith.cmpi sgt, %jit3A_900, %sign3A_909 : i32
      %sign3A_911 = arith.extui %sign3A_910 : i1 to i32
      %sign3A_912 = arith.constant 0 : i32
      %sign3A_913 = arith.cmpi slt, %jit3A_900, %sign3A_912 : i32
      %sign3A_914 = arith.extui %sign3A_913 : i1 to i32
      %sign3A_915 = arith.subi %sign3A_911, %sign3A_914 : i32
      %ne3A_916 = arith.cmpi ne, %sign3A_908, %sign3A_915 : i32
      %rem3A_917 = arith.remsi %add3A_899, %jit3A_900 : i32
      %ne3A_918 = arith.constant 0 : i32
      %ne3A_919 = arith.cmpi ne, %rem3A_917, %ne3A_918 : i32
      %and3A_920 = arith.andi %ne3A_916, %ne3A_919 : i1
      %sub3A_921 = arith.constant 1 : i32
      %sub3A_922 = arith.subi %div3A_901, %sub3A_921 : i32
      %select_n3A_923 = arith.select %and3A_920, %sub3A_922, %div3A_901 : i32
      %jit3A_924 = arith.constant 32 : i32
      %div3A_925 = arith.divsi %select_n3A_923, %jit3A_924 : i32
      %sign3A_926 = arith.constant 0 : i32
      %sign3A_927 = arith.cmpi sgt, %select_n3A_923, %sign3A_926 : i32
      %sign3A_928 = arith.extui %sign3A_927 : i1 to i32
      %sign3A_929 = arith.constant 0 : i32
      %sign3A_930 = arith.cmpi slt, %select_n3A_923, %sign3A_929 : i32
      %sign3A_931 = arith.extui %sign3A_930 : i1 to i32
      %sign3A_932 = arith.subi %sign3A_928, %sign3A_931 : i32
      %sign3A_933 = arith.constant 0 : i32
      %sign3A_934 = arith.cmpi sgt, %jit3A_924, %sign3A_933 : i32
      %sign3A_935 = arith.extui %sign3A_934 : i1 to i32
      %sign3A_936 = arith.constant 0 : i32
      %sign3A_937 = arith.cmpi slt, %jit3A_924, %sign3A_936 : i32
      %sign3A_938 = arith.extui %sign3A_937 : i1 to i32
      %sign3A_939 = arith.subi %sign3A_935, %sign3A_938 : i32
      %ne3A_940 = arith.cmpi ne, %sign3A_932, %sign3A_939 : i32
      %rem3A_941 = arith.remsi %select_n3A_923, %jit3A_924 : i32
      %ne3A_942 = arith.constant 0 : i32
      %ne3A_943 = arith.cmpi ne, %rem3A_941, %ne3A_942 : i32
      %and3A_944 = arith.andi %ne3A_940, %ne3A_943 : i1
      %sub3A_945 = arith.constant 1 : i32
      %sub3A_946 = arith.subi %div3A_925, %sub3A_945 : i32
      %select_n3A_947 = arith.select %and3A_944, %sub3A_946, %div3A_925 : i32
      %mul3A_948 = arith.constant 512 : i32
      %mul3A_949 = arith.muli %select_n3A_947, %mul3A_948 : i32
      %sub3A_950 = arith.constant 4112 : i32
      %sub3A_951 = arith.subi %sub3A_950, %mul3A_949 : i32
      %add3A_952 = arith.addi %sub3A_897, %mul3A_949 : i32
      %jit3A_953 = arith.constant 16 : i32
      %div3A_954 = arith.divsi %add3A_952, %jit3A_953 : i32
      %sign3A_955 = arith.constant 0 : i32
      %sign3A_956 = arith.cmpi sgt, %add3A_952, %sign3A_955 : i32
      %sign3A_957 = arith.extui %sign3A_956 : i1 to i32
      %sign3A_958 = arith.constant 0 : i32
      %sign3A_959 = arith.cmpi slt, %add3A_952, %sign3A_958 : i32
      %sign3A_960 = arith.extui %sign3A_959 : i1 to i32
      %sign3A_961 = arith.subi %sign3A_957, %sign3A_960 : i32
      %sign3A_962 = arith.constant 0 : i32
      %sign3A_963 = arith.cmpi sgt, %jit3A_953, %sign3A_962 : i32
      %sign3A_964 = arith.extui %sign3A_963 : i1 to i32
      %sign3A_965 = arith.constant 0 : i32
      %sign3A_966 = arith.cmpi slt, %jit3A_953, %sign3A_965 : i32
      %sign3A_967 = arith.extui %sign3A_966 : i1 to i32
      %sign3A_968 = arith.subi %sign3A_964, %sign3A_967 : i32
      %ne3A_969 = arith.cmpi ne, %sign3A_961, %sign3A_968 : i32
      %rem3A_970 = arith.remsi %add3A_952, %jit3A_953 : i32
      %ne3A_971 = arith.constant 0 : i32
      %ne3A_972 = arith.cmpi ne, %rem3A_970, %ne3A_971 : i32
      %and3A_973 = arith.andi %ne3A_969, %ne3A_972 : i1
      %sub3A_974 = arith.constant 1 : i32
      %sub3A_975 = arith.subi %div3A_954, %sub3A_974 : i32
      %select_n3A_976 = arith.select %and3A_973, %sub3A_975, %div3A_954 : i32
      %mul3A_977 = arith.constant 16 : i32
      %mul3A_978 = arith.muli %select_n3A_976, %mul3A_977 : i32
      %sub3A_979 = arith.constant 8386560 : i32
      %sub3A_980 = arith.subi %sub3A_979, %sub3A_951 : i32
      %jit3A_981 = arith.constant 0 : i32
      %max3A_982 = arith.maxsi %jit3A_981, %mul3A_978 : i32
      %min3A_983 = arith.minsi %sub3A_980, %max3A_982 : i32
      %multiple_of3A_984 = tpu.assume_multiple %min3A_983, 16 : i32
      %sub3A_985 = arith.subi %sub3A_897, %multiple_of3A_984 : i32
      %eq3A_986 = arith.constant 0 : i32
      %eq3A_987 = arith.cmpi eq, %select_n3A_947, %eq3A_986 : i32
      %convert_element_type3A_988 = arith.extui %eq3A_987 : i1 to i32
      %cond3A_989 = arith.constant 0 : i32
      %cond3A_990 = arith.cmpi ne, %convert_element_type3A_988, %cond3A_989 : i32
      scf.if %cond3A_990 {
        %dma_wait3A_1833 = arith.constant 0 : i32
        %dma_wait3A_1834 = tpu.memref_slice %arg5[%dma_wait3A_1833] : memref<4112xf32, #tpu.memory_space<vmem>> -> memref<4112xf32, #tpu.memory_space<vmem>>
        %dma_wait3A_1835 = arith.constant 0 : i32
        %dma_wait3A_1836 = tpu.memref_slice %arg2[%dma_wait3A_1835] : memref<8386560xf32, #tpu.memory_space<hbm>> -> memref<4112xf32, #tpu.memory_space<hbm>>
        %dma_wait3A_1837 = arith.constant 0 : i32
        %dma_wait3A_1838 = tpu.memref_slice %arg5[%dma_wait3A_1837] : memref<4112xf32, #tpu.memory_space<vmem>> -> memref<4112xf32, #tpu.memory_space<vmem>>
        %dma_wait3A_1839 = arith.constant 0 : i32
        %dma_wait3A_1840 = tpu.memref_slice %arg2[%dma_wait3A_1839] : memref<8386560xf32, #tpu.memory_space<hbm>> -> memref<4112xf32, #tpu.memory_space<hbm>>
        tpu.wait_dma2 semaphore(%arg13 : memref<!tpu.dma_semaphore, #tpu.memory_space<semaphore_mem>>) src(%dma_wait3A_1840 : memref<4112xf32, #tpu.memory_space<hbm>>) dst(%dma_wait3A_1838 : memref<4112xf32, #tpu.memory_space<vmem>>)
      } else {
      }
      %eq3A_991 = arith.constant 1 : i32
      %eq3A_992 = arith.cmpi eq, %select_n3A_947, %eq3A_991 : i32
      %convert_element_type3A_993 = arith.extui %eq3A_992 : i1 to i32
      %cond3A_994 = arith.constant 0 : i32
      %cond3A_995 = arith.cmpi ne, %convert_element_type3A_993, %cond3A_994 : i32
      scf.if %cond3A_995 {
        %dma_wait3A_1833 = arith.constant 0 : i32
        %dma_wait3A_1834 = tpu.memref_slice %arg5[%dma_wait3A_1833] : memref<4112xf32, #tpu.memory_space<vmem>> -> memref<3600xf32, #tpu.memory_space<vmem>>
        %dma_wait3A_1835 = arith.constant 0 : i32
        %dma_wait3A_1836 = tpu.memref_slice %arg2[%dma_wait3A_1835] : memref<8386560xf32, #tpu.memory_space<hbm>> -> memref<3600xf32, #tpu.memory_space<hbm>>
        %dma_wait3A_1837 = arith.constant 0 : i32
        %dma_wait3A_1838 = tpu.memref_slice %arg5[%dma_wait3A_1837] : memref<4112xf32, #tpu.memory_space<vmem>> -> memref<3600xf32, #tpu.memory_space<vmem>>
        %dma_wait3A_1839 = arith.constant 0 : i32
        %dma_wait3A_1840 = tpu.memref_slice %arg2[%dma_wait3A_1839] : memref<8386560xf32, #tpu.memory_space<hbm>> -> memref<3600xf32, #tpu.memory_space<hbm>>
        tpu.wait_dma2 semaphore(%arg13 : memref<!tpu.dma_semaphore, #tpu.memory_space<semaphore_mem>>) src(%dma_wait3A_1840 : memref<3600xf32, #tpu.memory_space<hbm>>) dst(%dma_wait3A_1838 : memref<3600xf32, #tpu.memory_space<vmem>>)
      } else {
      }
      %eq3A_996 = arith.constant 2 : i32
      %eq3A_997 = arith.cmpi eq, %select_n3A_947, %eq3A_996 : i32
      %convert_element_type3A_998 = arith.extui %eq3A_997 : i1 to i32
      %cond3A_999 = arith.constant 0 : i32
      %cond3A_1000 = arith.cmpi ne, %convert_element_type3A_998, %cond3A_999 : i32
      scf.if %cond3A_1000 {
        %dma_wait3A_1833 = arith.constant 0 : i32
        %dma_wait3A_1834 = tpu.memref_slice %arg5[%dma_wait3A_1833] : memref<4112xf32, #tpu.memory_space<vmem>> -> memref<3088xf32, #tpu.memory_space<vmem>>
        %dma_wait3A_1835 = arith.constant 0 : i32
        %dma_wait3A_1836 = tpu.memref_slice %arg2[%dma_wait3A_1835] : memref<8386560xf32, #tpu.memory_space<hbm>> -> memref<3088xf32, #tpu.memory_space<hbm>>
        %dma_wait3A_1837 = arith.constant 0 : i32
        %dma_wait3A_1838 = tpu.memref_slice %arg5[%dma_wait3A_1837] : memref<4112xf32, #tpu.memory_space<vmem>> -> memref<3088xf32, #tpu.memory_space<vmem>>
        %dma_wait3A_1839 = arith.constant 0 : i32
        %dma_wait3A_1840 = tpu.memref_slice %arg2[%dma_wait3A_1839] : memref<8386560xf32, #tpu.memory_space<hbm>> -> memref<3088xf32, #tpu.memory_space<hbm>>
        tpu.wait_dma2 semaphore(%arg13 : memref<!tpu.dma_semaphore, #tpu.memory_space<semaphore_mem>>) src(%dma_wait3A_1840 : memref<3088xf32, #tpu.memory_space<hbm>>) dst(%dma_wait3A_1838 : memref<3088xf32, #tpu.memory_space<vmem>>)
      } else {
      }
      %eq3A_1001 = arith.constant 3 : i32
      %eq3A_1002 = arith.cmpi eq, %select_n3A_947, %eq3A_1001 : i32
      %convert_element_type3A_1003 = arith.extui %eq3A_1002 : i1 to i32
      %cond3A_1004 = arith.constant 0 : i32
      %cond3A_1005 = arith.cmpi ne, %convert_element_type3A_1003, %cond3A_1004 : i32
      scf.if %cond3A_1005 {
        %dma_wait3A_1833 = arith.constant 0 : i32
        %dma_wait3A_1834 = tpu.memref_slice %arg5[%dma_wait3A_1833] : memref<4112xf32, #tpu.memory_space<vmem>> -> memref<2576xf32, #tpu.memory_space<vmem>>
        %dma_wait3A_1835 = arith.constant 0 : i32
        %dma_wait3A_1836 = tpu.memref_slice %arg2[%dma_wait3A_1835] : memref<8386560xf32, #tpu.memory_space<hbm>> -> memref<2576xf32, #tpu.memory_space<hbm>>
        %dma_wait3A_1837 = arith.constant 0 : i32
        %dma_wait3A_1838 = tpu.memref_slice %arg5[%dma_wait3A_1837] : memref<4112xf32, #tpu.memory_space<vmem>> -> memref<2576xf32, #tpu.memory_space<vmem>>
        %dma_wait3A_1839 = arith.constant 0 : i32
        %dma_wait3A_1840 = tpu.memref_slice %arg2[%dma_wait3A_1839] : memref<8386560xf32, #tpu.memory_space<hbm>> -> memref<2576xf32, #tpu.memory_space<hbm>>
        tpu.wait_dma2 semaphore(%arg13 : memref<!tpu.dma_semaphore, #tpu.memory_space<semaphore_mem>>) src(%dma_wait3A_1840 : memref<2576xf32, #tpu.memory_space<hbm>>) dst(%dma_wait3A_1838 : memref<2576xf32, #tpu.memory_space<vmem>>)
      } else {
      }
      %eq3A_1006 = arith.constant 4 : i32
      %eq3A_1007 = arith.cmpi eq, %select_n3A_947, %eq3A_1006 : i32
      %convert_element_type3A_1008 = arith.extui %eq3A_1007 : i1 to i32
      %cond3A_1009 = arith.constant 0 : i32
      %cond3A_1010 = arith.cmpi ne, %convert_element_type3A_1008, %cond3A_1009 : i32
      scf.if %cond3A_1010 {
        %dma_wait3A_1833 = arith.constant 0 : i32
        %dma_wait3A_1834 = tpu.memref_slice %arg5[%dma_wait3A_1833] : memref<4112xf32, #tpu.memory_space<vmem>> -> memref<2064xf32, #tpu.memory_space<vmem>>
        %dma_wait3A_1835 = arith.constant 0 : i32
        %dma_wait3A_1836 = tpu.memref_slice %arg2[%dma_wait3A_1835] : memref<8386560xf32, #tpu.memory_space<hbm>> -> memref<2064xf32, #tpu.memory_space<hbm>>
        %dma_wait3A_1837 = arith.constant 0 : i32
        %dma_wait3A_1838 = tpu.memref_slice %arg5[%dma_wait3A_1837] : memref<4112xf32, #tpu.memory_space<vmem>> -> memref<2064xf32, #tpu.memory_space<vmem>>
        %dma_wait3A_1839 = arith.constant 0 : i32
        %dma_wait3A_1840 = tpu.memref_slice %arg2[%dma_wait3A_1839] : memref<8386560xf32, #tpu.memory_space<hbm>> -> memref<2064xf32, #tpu.memory_space<hbm>>
        tpu.wait_dma2 semaphore(%arg13 : memref<!tpu.dma_semaphore, #tpu.memory_space<semaphore_mem>>) src(%dma_wait3A_1840 : memref<2064xf32, #tpu.memory_space<hbm>>) dst(%dma_wait3A_1838 : memref<2064xf32, #tpu.memory_space<vmem>>)
      } else {
      }
      %eq3A_1011 = arith.constant 5 : i32
      %eq3A_1012 = arith.cmpi eq, %select_n3A_947, %eq3A_1011 : i32
      %convert_element_type3A_1013 = arith.extui %eq3A_1012 : i1 to i32
      %cond3A_1014 = arith.constant 0 : i32
      %cond3A_1015 = arith.cmpi ne, %convert_element_type3A_1013, %cond3A_1014 : i32
      scf.if %cond3A_1015 {
        %dma_wait3A_1833 = arith.constant 0 : i32
        %dma_wait3A_1834 = tpu.memref_slice %arg5[%dma_wait3A_1833] : memref<4112xf32, #tpu.memory_space<vmem>> -> memref<1552xf32, #tpu.memory_space<vmem>>
        %dma_wait3A_1835 = arith.constant 0 : i32
        %dma_wait3A_1836 = tpu.memref_slice %arg2[%dma_wait3A_1835] : memref<8386560xf32, #tpu.memory_space<hbm>> -> memref<1552xf32, #tpu.memory_space<hbm>>
        %dma_wait3A_1837 = arith.constant 0 : i32
        %dma_wait3A_1838 = tpu.memref_slice %arg5[%dma_wait3A_1837] : memref<4112xf32, #tpu.memory_space<vmem>> -> memref<1552xf32, #tpu.memory_space<vmem>>
        %dma_wait3A_1839 = arith.constant 0 : i32
        %dma_wait3A_1840 = tpu.memref_slice %arg2[%dma_wait3A_1839] : memref<8386560xf32, #tpu.memory_space<hbm>> -> memref<1552xf32, #tpu.memory_space<hbm>>
        tpu.wait_dma2 semaphore(%arg13 : memref<!tpu.dma_semaphore, #tpu.memory_space<semaphore_mem>>) src(%dma_wait3A_1840 : memref<1552xf32, #tpu.memory_space<hbm>>) dst(%dma_wait3A_1838 : memref<1552xf32, #tpu.memory_space<vmem>>)
      } else {
      }
      %eq3A_1016 = arith.constant 6 : i32
      %eq3A_1017 = arith.cmpi eq, %select_n3A_947, %eq3A_1016 : i32
      %convert_element_type3A_1018 = arith.extui %eq3A_1017 : i1 to i32
      %cond3A_1019 = arith.constant 0 : i32
      %cond3A_1020 = arith.cmpi ne, %convert_element_type3A_1018, %cond3A_1019 : i32
      scf.if %cond3A_1020 {
        %dma_wait3A_1833 = arith.constant 0 : i32
        %dma_wait3A_1834 = tpu.memref_slice %arg5[%dma_wait3A_1833] : memref<4112xf32, #tpu.memory_space<vmem>> -> memref<1040xf32, #tpu.memory_space<vmem>>
        %dma_wait3A_1835 = arith.constant 0 : i32
        %dma_wait3A_1836 = tpu.memref_slice %arg2[%dma_wait3A_1835] : memref<8386560xf32, #tpu.memory_space<hbm>> -> memref<1040xf32, #tpu.memory_space<hbm>>
        %dma_wait3A_1837 = arith.constant 0 : i32
        %dma_wait3A_1838 = tpu.memref_slice %arg5[%dma_wait3A_1837] : memref<4112xf32, #tpu.memory_space<vmem>> -> memref<1040xf32, #tpu.memory_space<vmem>>
        %dma_wait3A_1839 = arith.constant 0 : i32
        %dma_wait3A_1840 = tpu.memref_slice %arg2[%dma_wait3A_1839] : memref<8386560xf32, #tpu.memory_space<hbm>> -> memref<1040xf32, #tpu.memory_space<hbm>>
        tpu.wait_dma2 semaphore(%arg13 : memref<!tpu.dma_semaphore, #tpu.memory_space<semaphore_mem>>) src(%dma_wait3A_1840 : memref<1040xf32, #tpu.memory_space<hbm>>) dst(%dma_wait3A_1838 : memref<1040xf32, #tpu.memory_space<vmem>>)
      } else {
      }
      %eq3A_1021 = arith.constant 7 : i32
      %eq3A_1022 = arith.cmpi eq, %select_n3A_947, %eq3A_1021 : i32
      %convert_element_type3A_1023 = arith.extui %eq3A_1022 : i1 to i32
      %cond3A_1024 = arith.constant 0 : i32
      %cond3A_1025 = arith.cmpi ne, %convert_element_type3A_1023, %cond3A_1024 : i32
      scf.if %cond3A_1025 {
        %dma_wait3A_1833 = arith.constant 0 : i32
        %dma_wait3A_1834 = tpu.memref_slice %arg5[%dma_wait3A_1833] : memref<4112xf32, #tpu.memory_space<vmem>> -> memref<528xf32, #tpu.memory_space<vmem>>
        %dma_wait3A_1835 = arith.constant 0 : i32
        %dma_wait3A_1836 = tpu.memref_slice %arg2[%dma_wait3A_1835] : memref<8386560xf32, #tpu.memory_space<hbm>> -> memref<528xf32, #tpu.memory_space<hbm>>
        %dma_wait3A_1837 = arith.constant 0 : i32
        %dma_wait3A_1838 = tpu.memref_slice %arg5[%dma_wait3A_1837] : memref<4112xf32, #tpu.memory_space<vmem>> -> memref<528xf32, #tpu.memory_space<vmem>>
        %dma_wait3A_1839 = arith.constant 0 : i32
        %dma_wait3A_1840 = tpu.memref_slice %arg2[%dma_wait3A_1839] : memref<8386560xf32, #tpu.memory_space<hbm>> -> memref<528xf32, #tpu.memory_space<hbm>>
        tpu.wait_dma2 semaphore(%arg13 : memref<!tpu.dma_semaphore, #tpu.memory_space<semaphore_mem>>) src(%dma_wait3A_1840 : memref<528xf32, #tpu.memory_space<hbm>>) dst(%dma_wait3A_1838 : memref<528xf32, #tpu.memory_space<vmem>>)
      } else {
      }
      %eq3A_1026 = arith.constant 8 : i32
      %eq3A_1027 = arith.cmpi eq, %select_n3A_947, %eq3A_1026 : i32
      %convert_element_type3A_1028 = arith.extui %eq3A_1027 : i1 to i32
      %cond3A_1029 = arith.constant 0 : i32
      %cond3A_1030 = arith.cmpi ne, %convert_element_type3A_1028, %cond3A_1029 : i32
      scf.if %cond3A_1030 {
        %dma_wait3A_1833 = arith.constant 0 : i32
        %dma_wait3A_1834 = tpu.memref_slice %arg5[%dma_wait3A_1833] : memref<4112xf32, #tpu.memory_space<vmem>> -> memref<16xf32, #tpu.memory_space<vmem>>
        %dma_wait3A_1835 = arith.constant 0 : i32
        %dma_wait3A_1836 = tpu.memref_slice %arg2[%dma_wait3A_1835] : memref<8386560xf32, #tpu.memory_space<hbm>> -> memref<16xf32, #tpu.memory_space<hbm>>
        %dma_wait3A_1837 = arith.constant 0 : i32
        %dma_wait3A_1838 = tpu.memref_slice %arg5[%dma_wait3A_1837] : memref<4112xf32, #tpu.memory_space<vmem>> -> memref<16xf32, #tpu.memory_space<vmem>>
        %dma_wait3A_1839 = arith.constant 0 : i32
        %dma_wait3A_1840 = tpu.memref_slice %arg2[%dma_wait3A_1839] : memref<8386560xf32, #tpu.memory_space<hbm>> -> memref<16xf32, #tpu.memory_space<hbm>>
        tpu.wait_dma2 semaphore(%arg13 : memref<!tpu.dma_semaphore, #tpu.memory_space<semaphore_mem>>) src(%dma_wait3A_1840 : memref<16xf32, #tpu.memory_space<hbm>>) dst(%dma_wait3A_1838 : memref<16xf32, #tpu.memory_space<vmem>>)
      } else {
      }
      %add3A_1031 = arith.constant 4 : i32
      %add3A_1032 = arith.addi %add3A_855, %add3A_1031 : i32
      %sub3A_1033 = arith.constant 1 : i32
      %sub3A_1034 = arith.subi %add3A_1032, %sub3A_1033 : i32
      %lt3A_1035 = arith.constant 128 : i32
      %lt3A_1036 = arith.cmpi slt, %sub3A_1034, %lt3A_1035 : i32
      %convert_element_type3A_1037 = arith.extui %lt3A_1036 : i1 to i32
      %cond3A_1038 = arith.constant 0 : i32
      %cond3A_1039 = arith.cmpi ne, %convert_element_type3A_1037, %cond3A_1038 : i32
      scf.if %cond3A_1039 {
        %add3A_1833 = arith.constant 4 : i32
        %add3A_1834 = arith.addi %add3A_855, %add3A_1833 : i32
        %sub3A_1835 = arith.constant 1 : i32
        %sub3A_1836 = arith.subi %add3A_1834, %sub3A_1835 : i32
        %sub3A_1837 = arith.constant 127 : i32
        %sub3A_1838 = arith.subi %sub3A_1837, %sub3A_1836 : i32
        %mul3A_1839 = arith.constant 32 : i32
        %mul3A_1840 = arith.muli %sub3A_1838, %mul3A_1839 : i32
        %add3A_1841 = arith.addi %add3A, %mul3A_1840 : i32
        %mul3A_1842 = arith.constant 4094 : i32
        %mul3A_1843 = arith.muli %add3A_1841, %mul3A_1842 : i32
        %sub3A_1844 = arith.constant 1 : i32
        %sub3A_1845 = arith.subi %add3A_1841, %sub3A_1844 : i32
        %mul3A_1846 = arith.muli %add3A_1841, %sub3A_1845 : i32
        %jit3A_1847 = arith.constant 2 : i32
        %div3A_1848 = arith.divsi %mul3A_1846, %jit3A_1847 : i32
        %sign3A_1849 = arith.constant 0 : i32
        %sign3A_1850 = arith.cmpi sgt, %mul3A_1846, %sign3A_1849 : i32
        %sign3A_1851 = arith.extui %sign3A_1850 : i1 to i32
        %sign3A_1852 = arith.constant 0 : i32
        %sign3A_1853 = arith.cmpi slt, %mul3A_1846, %sign3A_1852 : i32
        %sign3A_1854 = arith.extui %sign3A_1853 : i1 to i32
        %sign3A_1855 = arith.subi %sign3A_1851, %sign3A_1854 : i32
        %sign3A_1856 = arith.constant 0 : i32
        %sign3A_1857 = arith.cmpi sgt, %jit3A_1847, %sign3A_1856 : i32
        %sign3A_1858 = arith.extui %sign3A_1857 : i1 to i32
        %sign3A_1859 = arith.constant 0 : i32
        %sign3A_1860 = arith.cmpi slt, %jit3A_1847, %sign3A_1859 : i32
        %sign3A_1861 = arith.extui %sign3A_1860 : i1 to i32
        %sign3A_1862 = arith.subi %sign3A_1858, %sign3A_1861 : i32
        %ne3A_1863 = arith.cmpi ne, %sign3A_1855, %sign3A_1862 : i32
        %rem3A_1864 = arith.remsi %mul3A_1846, %jit3A_1847 : i32
        %ne3A_1865 = arith.constant 0 : i32
        %ne3A_1866 = arith.cmpi ne, %rem3A_1864, %ne3A_1865 : i32
        %and3A_1867 = arith.andi %ne3A_1863, %ne3A_1866 : i1
        %sub3A_1868 = arith.constant 1 : i32
        %sub3A_1869 = arith.subi %div3A_1848, %sub3A_1868 : i32
        %select_n3A_1870 = arith.select %and3A_1867, %sub3A_1869, %div3A_1848 : i32
        %sub3A_1871 = arith.subi %mul3A_1843, %select_n3A_1870 : i32
        %sub3A_1872 = arith.constant 1 : i32
        %sub3A_1873 = arith.subi %sub3A_1871, %sub3A_1872 : i32
        %add3A_1874 = arith.constant 1 : i32
        %add3A_1875 = arith.addi %add3A_1841, %add3A_1874 : i32
        %jit3A_1876 = arith.constant 16 : i32
        %div3A_1877 = arith.divsi %add3A_1875, %jit3A_1876 : i32
        %sign3A_1878 = arith.constant 0 : i32
        %sign3A_1879 = arith.cmpi sgt, %add3A_1875, %sign3A_1878 : i32
        %sign3A_1880 = arith.extui %sign3A_1879 : i1 to i32
        %sign3A_1881 = arith.constant 0 : i32
        %sign3A_1882 = arith.cmpi slt, %add3A_1875, %sign3A_1881 : i32
        %sign3A_1883 = arith.extui %sign3A_1882 : i1 to i32
        %sign3A_1884 = arith.subi %sign3A_1880, %sign3A_1883 : i32
        %sign3A_1885 = arith.constant 0 : i32
        %sign3A_1886 = arith.cmpi sgt, %jit3A_1876, %sign3A_1885 : i32
        %sign3A_1887 = arith.extui %sign3A_1886 : i1 to i32
        %sign3A_1888 = arith.constant 0 : i32
        %sign3A_1889 = arith.cmpi slt, %jit3A_1876, %sign3A_1888 : i32
        %sign3A_1890 = arith.extui %sign3A_1889 : i1 to i32
        %sign3A_1891 = arith.subi %sign3A_1887, %sign3A_1890 : i32
        %ne3A_1892 = arith.cmpi ne, %sign3A_1884, %sign3A_1891 : i32
        %rem3A_1893 = arith.remsi %add3A_1875, %jit3A_1876 : i32
        %ne3A_1894 = arith.constant 0 : i32
        %ne3A_1895 = arith.cmpi ne, %rem3A_1893, %ne3A_1894 : i32
        %and3A_1896 = arith.andi %ne3A_1892, %ne3A_1895 : i1
        %sub3A_1897 = arith.constant 1 : i32
        %sub3A_1898 = arith.subi %div3A_1877, %sub3A_1897 : i32
        %select_n3A_1899 = arith.select %and3A_1896, %sub3A_1898, %div3A_1877 : i32
        %jit3A_1900 = arith.constant 32 : i32
        %div3A_1901 = arith.divsi %select_n3A_1899, %jit3A_1900 : i32
        %sign3A_1902 = arith.constant 0 : i32
        %sign3A_1903 = arith.cmpi sgt, %select_n3A_1899, %sign3A_1902 : i32
        %sign3A_1904 = arith.extui %sign3A_1903 : i1 to i32
        %sign3A_1905 = arith.constant 0 : i32
        %sign3A_1906 = arith.cmpi slt, %select_n3A_1899, %sign3A_1905 : i32
        %sign3A_1907 = arith.extui %sign3A_1906 : i1 to i32
        %sign3A_1908 = arith.subi %sign3A_1904, %sign3A_1907 : i32
        %sign3A_1909 = arith.constant 0 : i32
        %sign3A_1910 = arith.cmpi sgt, %jit3A_1900, %sign3A_1909 : i32
        %sign3A_1911 = arith.extui %sign3A_1910 : i1 to i32
        %sign3A_1912 = arith.constant 0 : i32
        %sign3A_1913 = arith.cmpi slt, %jit3A_1900, %sign3A_1912 : i32
        %sign3A_1914 = arith.extui %sign3A_1913 : i1 to i32
        %sign3A_1915 = arith.subi %sign3A_1911, %sign3A_1914 : i32
        %ne3A_1916 = arith.cmpi ne, %sign3A_1908, %sign3A_1915 : i32
        %rem3A_1917 = arith.remsi %select_n3A_1899, %jit3A_1900 : i32
        %ne3A_1918 = arith.constant 0 : i32
        %ne3A_1919 = arith.cmpi ne, %rem3A_1917, %ne3A_1918 : i32
        %and3A_1920 = arith.andi %ne3A_1916, %ne3A_1919 : i1
        %sub3A_1921 = arith.constant 1 : i32
        %sub3A_1922 = arith.subi %div3A_1901, %sub3A_1921 : i32
        %select_n3A_1923 = arith.select %and3A_1920, %sub3A_1922, %div3A_1901 : i32
        %mul3A_1924 = arith.constant 512 : i32
        %mul3A_1925 = arith.muli %select_n3A_1923, %mul3A_1924 : i32
        %sub3A_1926 = arith.constant 4112 : i32
        %sub3A_1927 = arith.subi %sub3A_1926, %mul3A_1925 : i32
        %add3A_1928 = arith.addi %sub3A_1873, %mul3A_1925 : i32
        %jit3A_1929 = arith.constant 16 : i32
        %div3A_1930 = arith.divsi %add3A_1928, %jit3A_1929 : i32
        %sign3A_1931 = arith.constant 0 : i32
        %sign3A_1932 = arith.cmpi sgt, %add3A_1928, %sign3A_1931 : i32
        %sign3A_1933 = arith.extui %sign3A_1932 : i1 to i32
        %sign3A_1934 = arith.constant 0 : i32
        %sign3A_1935 = arith.cmpi slt, %add3A_1928, %sign3A_1934 : i32
        %sign3A_1936 = arith.extui %sign3A_1935 : i1 to i32
        %sign3A_1937 = arith.subi %sign3A_1933, %sign3A_1936 : i32
        %sign3A_1938 = arith.constant 0 : i32
        %sign3A_1939 = arith.cmpi sgt, %jit3A_1929, %sign3A_1938 : i32
        %sign3A_1940 = arith.extui %sign3A_1939 : i1 to i32
        %sign3A_1941 = arith.constant 0 : i32
        %sign3A_1942 = arith.cmpi slt, %jit3A_1929, %sign3A_1941 : i32
        %sign3A_1943 = arith.extui %sign3A_1942 : i1 to i32
        %sign3A_1944 = arith.subi %sign3A_1940, %sign3A_1943 : i32
        %ne3A_1945 = arith.cmpi ne, %sign3A_1937, %sign3A_1944 : i32
        %rem3A_1946 = arith.remsi %add3A_1928, %jit3A_1929 : i32
        %ne3A_1947 = arith.constant 0 : i32
        %ne3A_1948 = arith.cmpi ne, %rem3A_1946, %ne3A_1947 : i32
        %and3A_1949 = arith.andi %ne3A_1945, %ne3A_1948 : i1
        %sub3A_1950 = arith.constant 1 : i32
        %sub3A_1951 = arith.subi %div3A_1930, %sub3A_1950 : i32
        %select_n3A_1952 = arith.select %and3A_1949, %sub3A_1951, %div3A_1930 : i32
        %mul3A_1953 = arith.constant 16 : i32
        %mul3A_1954 = arith.muli %select_n3A_1952, %mul3A_1953 : i32
        %sub3A_1955 = arith.constant 8386560 : i32
        %sub3A_1956 = arith.subi %sub3A_1955, %sub3A_1927 : i32
        %jit3A_1957 = arith.constant 0 : i32
        %max3A_1958 = arith.maxsi %jit3A_1957, %mul3A_1954 : i32
        %min3A_1959 = arith.minsi %sub3A_1956, %max3A_1958 : i32
        %multiple_of3A_1960 = tpu.assume_multiple %min3A_1959, 16 : i32
        %sub3A_1961 = arith.subi %sub3A_1873, %multiple_of3A_1960 : i32
        %eq3A_1962 = arith.constant 0 : i32
        %eq3A_1963 = arith.cmpi eq, %select_n3A_1923, %eq3A_1962 : i32
        %convert_element_type3A_1964 = arith.extui %eq3A_1963 : i1 to i32
        %cond3A_1965 = arith.constant 0 : i32
        %cond3A_1966 = arith.cmpi ne, %convert_element_type3A_1964, %cond3A_1965 : i32
        scf.if %cond3A_1966 {
          %dma_start3A_2007 = arith.constant 0 : i32
          %dma_start3A_2008 = tpu.memref_slice %arg4[%dma_start3A_2007] : memref<4112xf32, #tpu.memory_space<vmem>> -> memref<4112xf32, #tpu.memory_space<vmem>>
          %dma_start3A_2009 = tpu.memref_slice %arg2[%multiple_of3A_1960] : memref<8386560xf32, #tpu.memory_space<hbm>> -> memref<4112xf32, #tpu.memory_space<hbm>>
          %dma_start3A_2010 = arith.constant 0 : i32
          %dma_start3A_2011 = tpu.memref_slice %arg4[%dma_start3A_2010] : memref<4112xf32, #tpu.memory_space<vmem>> -> memref<4112xf32, #tpu.memory_space<vmem>>
          %dma_start3A_2012 = tpu.memref_slice %arg2[%multiple_of3A_1960] : memref<8386560xf32, #tpu.memory_space<hbm>> -> memref<4112xf32, #tpu.memory_space<hbm>>
          tpu.enqueue_dma source(%dma_start3A_2012 : memref<4112xf32, #tpu.memory_space<hbm>>) target(%dma_start3A_2011 : memref<4112xf32, #tpu.memory_space<vmem>>) target_semaphore(%arg12 : memref<!tpu.dma_semaphore, #tpu.memory_space<semaphore_mem>>)
        } else {
        }
        %eq3A_1967 = arith.constant 1 : i32
        %eq3A_1968 = arith.cmpi eq, %select_n3A_1923, %eq3A_1967 : i32
        %convert_element_type3A_1969 = arith.extui %eq3A_1968 : i1 to i32
        %cond3A_1970 = arith.constant 0 : i32
        %cond3A_1971 = arith.cmpi ne, %convert_element_type3A_1969, %cond3A_1970 : i32
        scf.if %cond3A_1971 {
          %dma_start3A_2007 = arith.constant 0 : i32
          %dma_start3A_2008 = tpu.memref_slice %arg4[%dma_start3A_2007] : memref<4112xf32, #tpu.memory_space<vmem>> -> memref<3600xf32, #tpu.memory_space<vmem>>
          %dma_start3A_2009 = tpu.memref_slice %arg2[%multiple_of3A_1960] : memref<8386560xf32, #tpu.memory_space<hbm>> -> memref<3600xf32, #tpu.memory_space<hbm>>
          %dma_start3A_2010 = arith.constant 0 : i32
          %dma_start3A_2011 = tpu.memref_slice %arg4[%dma_start3A_2010] : memref<4112xf32, #tpu.memory_space<vmem>> -> memref<3600xf32, #tpu.memory_space<vmem>>
          %dma_start3A_2012 = tpu.memref_slice %arg2[%multiple_of3A_1960] : memref<8386560xf32, #tpu.memory_space<hbm>> -> memref<3600xf32, #tpu.memory_space<hbm>>
          tpu.enqueue_dma source(%dma_start3A_2012 : memref<3600xf32, #tpu.memory_space<hbm>>) target(%dma_start3A_2011 : memref<3600xf32, #tpu.memory_space<vmem>>) target_semaphore(%arg12 : memref<!tpu.dma_semaphore, #tpu.memory_space<semaphore_mem>>)
        } else {
        }
        %eq3A_1972 = arith.constant 2 : i32
        %eq3A_1973 = arith.cmpi eq, %select_n3A_1923, %eq3A_1972 : i32
        %convert_element_type3A_1974 = arith.extui %eq3A_1973 : i1 to i32
        %cond3A_1975 = arith.constant 0 : i32
        %cond3A_1976 = arith.cmpi ne, %convert_element_type3A_1974, %cond3A_1975 : i32
        scf.if %cond3A_1976 {
          %dma_start3A_2007 = arith.constant 0 : i32
          %dma_start3A_2008 = tpu.memref_slice %arg4[%dma_start3A_2007] : memref<4112xf32, #tpu.memory_space<vmem>> -> memref<3088xf32, #tpu.memory_space<vmem>>
          %dma_start3A_2009 = tpu.memref_slice %arg2[%multiple_of3A_1960] : memref<8386560xf32, #tpu.memory_space<hbm>> -> memref<3088xf32, #tpu.memory_space<hbm>>
          %dma_start3A_2010 = arith.constant 0 : i32
          %dma_start3A_2011 = tpu.memref_slice %arg4[%dma_start3A_2010] : memref<4112xf32, #tpu.memory_space<vmem>> -> memref<3088xf32, #tpu.memory_space<vmem>>
          %dma_start3A_2012 = tpu.memref_slice %arg2[%multiple_of3A_1960] : memref<8386560xf32, #tpu.memory_space<hbm>> -> memref<3088xf32, #tpu.memory_space<hbm>>
          tpu.enqueue_dma source(%dma_start3A_2012 : memref<3088xf32, #tpu.memory_space<hbm>>) target(%dma_start3A_2011 : memref<3088xf32, #tpu.memory_space<vmem>>) target_semaphore(%arg12 : memref<!tpu.dma_semaphore, #tpu.memory_space<semaphore_mem>>)
        } else {
        }
        %eq3A_1977 = arith.constant 3 : i32
        %eq3A_1978 = arith.cmpi eq, %select_n3A_1923, %eq3A_1977 : i32
        %convert_element_type3A_1979 = arith.extui %eq3A_1978 : i1 to i32
        %cond3A_1980 = arith.constant 0 : i32
        %cond3A_1981 = arith.cmpi ne, %convert_element_type3A_1979, %cond3A_1980 : i32
        scf.if %cond3A_1981 {
          %dma_start3A_2007 = arith.constant 0 : i32
          %dma_start3A_2008 = tpu.memref_slice %arg4[%dma_start3A_2007] : memref<4112xf32, #tpu.memory_space<vmem>> -> memref<2576xf32, #tpu.memory_space<vmem>>
          %dma_start3A_2009 = tpu.memref_slice %arg2[%multiple_of3A_1960] : memref<8386560xf32, #tpu.memory_space<hbm>> -> memref<2576xf32, #tpu.memory_space<hbm>>
          %dma_start3A_2010 = arith.constant 0 : i32
          %dma_start3A_2011 = tpu.memref_slice %arg4[%dma_start3A_2010] : memref<4112xf32, #tpu.memory_space<vmem>> -> memref<2576xf32, #tpu.memory_space<vmem>>
          %dma_start3A_2012 = tpu.memref_slice %arg2[%multiple_of3A_1960] : memref<8386560xf32, #tpu.memory_space<hbm>> -> memref<2576xf32, #tpu.memory_space<hbm>>
          tpu.enqueue_dma source(%dma_start3A_2012 : memref<2576xf32, #tpu.memory_space<hbm>>) target(%dma_start3A_2011 : memref<2576xf32, #tpu.memory_space<vmem>>) target_semaphore(%arg12 : memref<!tpu.dma_semaphore, #tpu.memory_space<semaphore_mem>>)
        } else {
        }
        %eq3A_1982 = arith.constant 4 : i32
        %eq3A_1983 = arith.cmpi eq, %select_n3A_1923, %eq3A_1982 : i32
        %convert_element_type3A_1984 = arith.extui %eq3A_1983 : i1 to i32
        %cond3A_1985 = arith.constant 0 : i32
        %cond3A_1986 = arith.cmpi ne, %convert_element_type3A_1984, %cond3A_1985 : i32
        scf.if %cond3A_1986 {
          %dma_start3A_2007 = arith.constant 0 : i32
          %dma_start3A_2008 = tpu.memref_slice %arg4[%dma_start3A_2007] : memref<4112xf32, #tpu.memory_space<vmem>> -> memref<2064xf32, #tpu.memory_space<vmem>>
          %dma_start3A_2009 = tpu.memref_slice %arg2[%multiple_of3A_1960] : memref<8386560xf32, #tpu.memory_space<hbm>> -> memref<2064xf32, #tpu.memory_space<hbm>>
          %dma_start3A_2010 = arith.constant 0 : i32
          %dma_start3A_2011 = tpu.memref_slice %arg4[%dma_start3A_2010] : memref<4112xf32, #tpu.memory_space<vmem>> -> memref<2064xf32, #tpu.memory_space<vmem>>
          %dma_start3A_2012 = tpu.memref_slice %arg2[%multiple_of3A_1960] : memref<8386560xf32, #tpu.memory_space<hbm>> -> memref<2064xf32, #tpu.memory_space<hbm>>
          tpu.enqueue_dma source(%dma_start3A_2012 : memref<2064xf32, #tpu.memory_space<hbm>>) target(%dma_start3A_2011 : memref<2064xf32, #tpu.memory_space<vmem>>) target_semaphore(%arg12 : memref<!tpu.dma_semaphore, #tpu.memory_space<semaphore_mem>>)
        } else {
        }
        %eq3A_1987 = arith.constant 5 : i32
        %eq3A_1988 = arith.cmpi eq, %select_n3A_1923, %eq3A_1987 : i32
        %convert_element_type3A_1989 = arith.extui %eq3A_1988 : i1 to i32
        %cond3A_1990 = arith.constant 0 : i32
        %cond3A_1991 = arith.cmpi ne, %convert_element_type3A_1989, %cond3A_1990 : i32
        scf.if %cond3A_1991 {
          %dma_start3A_2007 = arith.constant 0 : i32
          %dma_start3A_2008 = tpu.memref_slice %arg4[%dma_start3A_2007] : memref<4112xf32, #tpu.memory_space<vmem>> -> memref<1552xf32, #tpu.memory_space<vmem>>
          %dma_start3A_2009 = tpu.memref_slice %arg2[%multiple_of3A_1960] : memref<8386560xf32, #tpu.memory_space<hbm>> -> memref<1552xf32, #tpu.memory_space<hbm>>
          %dma_start3A_2010 = arith.constant 0 : i32
          %dma_start3A_2011 = tpu.memref_slice %arg4[%dma_start3A_2010] : memref<4112xf32, #tpu.memory_space<vmem>> -> memref<1552xf32, #tpu.memory_space<vmem>>
          %dma_start3A_2012 = tpu.memref_slice %arg2[%multiple_of3A_1960] : memref<8386560xf32, #tpu.memory_space<hbm>> -> memref<1552xf32, #tpu.memory_space<hbm>>
          tpu.enqueue_dma source(%dma_start3A_2012 : memref<1552xf32, #tpu.memory_space<hbm>>) target(%dma_start3A_2011 : memref<1552xf32, #tpu.memory_space<vmem>>) target_semaphore(%arg12 : memref<!tpu.dma_semaphore, #tpu.memory_space<semaphore_mem>>)
        } else {
        }
        %eq3A_1992 = arith.constant 6 : i32
        %eq3A_1993 = arith.cmpi eq, %select_n3A_1923, %eq3A_1992 : i32
        %convert_element_type3A_1994 = arith.extui %eq3A_1993 : i1 to i32
        %cond3A_1995 = arith.constant 0 : i32
        %cond3A_1996 = arith.cmpi ne, %convert_element_type3A_1994, %cond3A_1995 : i32
        scf.if %cond3A_1996 {
          %dma_start3A_2007 = arith.constant 0 : i32
          %dma_start3A_2008 = tpu.memref_slice %arg4[%dma_start3A_2007] : memref<4112xf32, #tpu.memory_space<vmem>> -> memref<1040xf32, #tpu.memory_space<vmem>>
          %dma_start3A_2009 = tpu.memref_slice %arg2[%multiple_of3A_1960] : memref<8386560xf32, #tpu.memory_space<hbm>> -> memref<1040xf32, #tpu.memory_space<hbm>>
          %dma_start3A_2010 = arith.constant 0 : i32
          %dma_start3A_2011 = tpu.memref_slice %arg4[%dma_start3A_2010] : memref<4112xf32, #tpu.memory_space<vmem>> -> memref<1040xf32, #tpu.memory_space<vmem>>
          %dma_start3A_2012 = tpu.memref_slice %arg2[%multiple_of3A_1960] : memref<8386560xf32, #tpu.memory_space<hbm>> -> memref<1040xf32, #tpu.memory_space<hbm>>
          tpu.enqueue_dma source(%dma_start3A_2012 : memref<1040xf32, #tpu.memory_space<hbm>>) target(%dma_start3A_2011 : memref<1040xf32, #tpu.memory_space<vmem>>) target_semaphore(%arg12 : memref<!tpu.dma_semaphore, #tpu.memory_space<semaphore_mem>>)
        } else {
        }
        %eq3A_1997 = arith.constant 7 : i32
        %eq3A_1998 = arith.cmpi eq, %select_n3A_1923, %eq3A_1997 : i32
        %convert_element_type3A_1999 = arith.extui %eq3A_1998 : i1 to i32
        %cond3A_2000 = arith.constant 0 : i32
        %cond3A_2001 = arith.cmpi ne, %convert_element_type3A_1999, %cond3A_2000 : i32
        scf.if %cond3A_2001 {
          %dma_start3A_2007 = arith.constant 0 : i32
          %dma_start3A_2008 = tpu.memref_slice %arg4[%dma_start3A_2007] : memref<4112xf32, #tpu.memory_space<vmem>> -> memref<528xf32, #tpu.memory_space<vmem>>
          %dma_start3A_2009 = tpu.memref_slice %arg2[%multiple_of3A_1960] : memref<8386560xf32, #tpu.memory_space<hbm>> -> memref<528xf32, #tpu.memory_space<hbm>>
          %dma_start3A_2010 = arith.constant 0 : i32
          %dma_start3A_2011 = tpu.memref_slice %arg4[%dma_start3A_2010] : memref<4112xf32, #tpu.memory_space<vmem>> -> memref<528xf32, #tpu.memory_space<vmem>>
          %dma_start3A_2012 = tpu.memref_slice %arg2[%multiple_of3A_1960] : memref<8386560xf32, #tpu.memory_space<hbm>> -> memref<528xf32, #tpu.memory_space<hbm>>
          tpu.enqueue_dma source(%dma_start3A_2012 : memref<528xf32, #tpu.memory_space<hbm>>) target(%dma_start3A_2011 : memref<528xf32, #tpu.memory_space<vmem>>) target_semaphore(%arg12 : memref<!tpu.dma_semaphore, #tpu.memory_space<semaphore_mem>>)
        } else {
        }
        %eq3A_2002 = arith.constant 8 : i32
        %eq3A_2003 = arith.cmpi eq, %select_n3A_1923, %eq3A_2002 : i32
        %convert_element_type3A_2004 = arith.extui %eq3A_2003 : i1 to i32
        %cond3A_2005 = arith.constant 0 : i32
        %cond3A_2006 = arith.cmpi ne, %convert_element_type3A_2004, %cond3A_2005 : i32
        scf.if %cond3A_2006 {
          %dma_start3A_2007 = arith.constant 0 : i32
          %dma_start3A_2008 = tpu.memref_slice %arg4[%dma_start3A_2007] : memref<4112xf32, #tpu.memory_space<vmem>> -> memref<16xf32, #tpu.memory_space<vmem>>
          %dma_start3A_2009 = tpu.memref_slice %arg2[%multiple_of3A_1960] : memref<8386560xf32, #tpu.memory_space<hbm>> -> memref<16xf32, #tpu.memory_space<hbm>>
          %dma_start3A_2010 = arith.constant 0 : i32
          %dma_start3A_2011 = tpu.memref_slice %arg4[%dma_start3A_2010] : memref<4112xf32, #tpu.memory_space<vmem>> -> memref<16xf32, #tpu.memory_space<vmem>>
          %dma_start3A_2012 = tpu.memref_slice %arg2[%multiple_of3A_1960] : memref<8386560xf32, #tpu.memory_space<hbm>> -> memref<16xf32, #tpu.memory_space<hbm>>
          tpu.enqueue_dma source(%dma_start3A_2012 : memref<16xf32, #tpu.memory_space<hbm>>) target(%dma_start3A_2011 : memref<16xf32, #tpu.memory_space<vmem>>) target_semaphore(%arg12 : memref<!tpu.dma_semaphore, #tpu.memory_space<semaphore_mem>>)
        } else {
        }
      } else {
      }
      %gt3A_1040 = arith.constant 0 : i32
      %gt3A_1041 = arith.cmpi sgt, %scan3A_528, %gt3A_1040 : i32
      %convert_element_type3A_1042 = arith.extui %gt3A_1041 : i1 to i32
      %cond3A_1043 = arith.constant 0 : i32
      %cond3A_1044 = arith.cmpi ne, %convert_element_type3A_1042, %cond3A_1043 : i32
      scf.if %cond3A_1044 {
        %dma_wait3A_1833 = arith.constant 0 : i32
        %dma_wait3A_1834 = arith.constant 0 : i32
        %dma_wait3A_1835 = tpu.memref_slice %arg3[%dma_wait3A_1833, %dma_wait3A_1834] : memref<4096x4096xf32, #tpu.memory_space<hbm>> -> memref<1x4096xf32, #tpu.memory_space<hbm>>
        %dma_wait3A_1836 = tpu.memref_squeeze %dma_wait3A_1835 : memref<1x4096xf32, #tpu.memory_space<hbm>> -> memref<4096xf32, #tpu.memory_space<hbm>>
        %dma_wait3A_1837 = arith.constant 0 : i32
        %dma_wait3A_1838 = tpu.memref_slice %arg3[%dma_wait3A_1833, %dma_wait3A_1837] : memref<4096x4096xf32, #tpu.memory_space<hbm>> -> memref<1x4096xf32, #tpu.memory_space<hbm>>
        %dma_wait3A_1839 = tpu.memref_squeeze %dma_wait3A_1838 : memref<1x4096xf32, #tpu.memory_space<hbm>> -> memref<4096xf32, #tpu.memory_space<hbm>>
        tpu.wait_dma2 semaphore(%arg17 : memref<!tpu.dma_semaphore, #tpu.memory_space<semaphore_mem>>) src(%arg9 : memref<4096xf32, #tpu.memory_space<vmem>>) dst(%dma_wait3A_1839 : memref<4096xf32, #tpu.memory_space<hbm>>)
      } else {
      }
      %mul3A_1045 = arith.constant 4094 : i32
      %mul3A_1046 = arith.muli %add3A_860, %mul3A_1045 : i32
      %sub3A_1047 = arith.constant 1 : i32
      %sub3A_1048 = arith.subi %add3A_860, %sub3A_1047 : i32
      %mul3A_1049 = arith.muli %add3A_860, %sub3A_1048 : i32
      %jit3A_1050 = arith.constant 2 : i32
      %div3A_1051 = arith.divsi %mul3A_1049, %jit3A_1050 : i32
      %sign3A_1052 = arith.constant 0 : i32
      %sign3A_1053 = arith.cmpi sgt, %mul3A_1049, %sign3A_1052 : i32
      %sign3A_1054 = arith.extui %sign3A_1053 : i1 to i32
      %sign3A_1055 = arith.constant 0 : i32
      %sign3A_1056 = arith.cmpi slt, %mul3A_1049, %sign3A_1055 : i32
      %sign3A_1057 = arith.extui %sign3A_1056 : i1 to i32
      %sign3A_1058 = arith.subi %sign3A_1054, %sign3A_1057 : i32
      %sign3A_1059 = arith.constant 0 : i32
      %sign3A_1060 = arith.cmpi sgt, %jit3A_1050, %sign3A_1059 : i32
      %sign3A_1061 = arith.extui %sign3A_1060 : i1 to i32
      %sign3A_1062 = arith.constant 0 : i32
      %sign3A_1063 = arith.cmpi slt, %jit3A_1050, %sign3A_1062 : i32
      %sign3A_1064 = arith.extui %sign3A_1063 : i1 to i32
      %sign3A_1065 = arith.subi %sign3A_1061, %sign3A_1064 : i32
      %ne3A_1066 = arith.cmpi ne, %sign3A_1058, %sign3A_1065 : i32
      %rem3A_1067 = arith.remsi %mul3A_1049, %jit3A_1050 : i32
      %ne3A_1068 = arith.constant 0 : i32
      %ne3A_1069 = arith.cmpi ne, %rem3A_1067, %ne3A_1068 : i32
      %and3A_1070 = arith.andi %ne3A_1066, %ne3A_1069 : i1
      %sub3A_1071 = arith.constant 1 : i32
      %sub3A_1072 = arith.subi %div3A_1051, %sub3A_1071 : i32
      %select_n3A_1073 = arith.select %and3A_1070, %sub3A_1072, %div3A_1051 : i32
      %sub3A_1074 = arith.subi %mul3A_1046, %select_n3A_1073 : i32
      %sub3A_1075 = arith.constant 1 : i32
      %sub3A_1076 = arith.subi %sub3A_1074, %sub3A_1075 : i32
      %add3A_1077 = arith.constant 1 : i32
      %add3A_1078 = arith.addi %add3A_860, %add3A_1077 : i32
      %jit3A_1079 = arith.constant 16 : i32
      %div3A_1080 = arith.divsi %add3A_1078, %jit3A_1079 : i32
      %sign3A_1081 = arith.constant 0 : i32
      %sign3A_1082 = arith.cmpi sgt, %add3A_1078, %sign3A_1081 : i32
      %sign3A_1083 = arith.extui %sign3A_1082 : i1 to i32
      %sign3A_1084 = arith.constant 0 : i32
      %sign3A_1085 = arith.cmpi slt, %add3A_1078, %sign3A_1084 : i32
      %sign3A_1086 = arith.extui %sign3A_1085 : i1 to i32
      %sign3A_1087 = arith.subi %sign3A_1083, %sign3A_1086 : i32
      %sign3A_1088 = arith.constant 0 : i32
      %sign3A_1089 = arith.cmpi sgt, %jit3A_1079, %sign3A_1088 : i32
      %sign3A_1090 = arith.extui %sign3A_1089 : i1 to i32
      %sign3A_1091 = arith.constant 0 : i32
      %sign3A_1092 = arith.cmpi slt, %jit3A_1079, %sign3A_1091 : i32
      %sign3A_1093 = arith.extui %sign3A_1092 : i1 to i32
      %sign3A_1094 = arith.subi %sign3A_1090, %sign3A_1093 : i32
      %ne3A_1095 = arith.cmpi ne, %sign3A_1087, %sign3A_1094 : i32
      %rem3A_1096 = arith.remsi %add3A_1078, %jit3A_1079 : i32
      %ne3A_1097 = arith.constant 0 : i32
      %ne3A_1098 = arith.cmpi ne, %rem3A_1096, %ne3A_1097 : i32
      %and3A_1099 = arith.andi %ne3A_1095, %ne3A_1098 : i1
      %sub3A_1100 = arith.constant 1 : i32
      %sub3A_1101 = arith.subi %div3A_1080, %sub3A_1100 : i32
      %select_n3A_1102 = arith.select %and3A_1099, %sub3A_1101, %div3A_1080 : i32
      %jit3A_1103 = arith.constant 32 : i32
      %div3A_1104 = arith.divsi %select_n3A_1102, %jit3A_1103 : i32
      %sign3A_1105 = arith.constant 0 : i32
      %sign3A_1106 = arith.cmpi sgt, %select_n3A_1102, %sign3A_1105 : i32
      %sign3A_1107 = arith.extui %sign3A_1106 : i1 to i32
      %sign3A_1108 = arith.constant 0 : i32
      %sign3A_1109 = arith.cmpi slt, %select_n3A_1102, %sign3A_1108 : i32
      %sign3A_1110 = arith.extui %sign3A_1109 : i1 to i32
      %sign3A_1111 = arith.subi %sign3A_1107, %sign3A_1110 : i32
      %sign3A_1112 = arith.constant 0 : i32
      %sign3A_1113 = arith.cmpi sgt, %jit3A_1103, %sign3A_1112 : i32
      %sign3A_1114 = arith.extui %sign3A_1113 : i1 to i32
      %sign3A_1115 = arith.constant 0 : i32
      %sign3A_1116 = arith.cmpi slt, %jit3A_1103, %sign3A_1115 : i32
      %sign3A_1117 = arith.extui %sign3A_1116 : i1 to i32
      %sign3A_1118 = arith.subi %sign3A_1114, %sign3A_1117 : i32
      %ne3A_1119 = arith.cmpi ne, %sign3A_1111, %sign3A_1118 : i32
      %rem3A_1120 = arith.remsi %select_n3A_1102, %jit3A_1103 : i32
      %ne3A_1121 = arith.constant 0 : i32
      %ne3A_1122 = arith.cmpi ne, %rem3A_1120, %ne3A_1121 : i32
      %and3A_1123 = arith.andi %ne3A_1119, %ne3A_1122 : i1
      %sub3A_1124 = arith.constant 1 : i32
      %sub3A_1125 = arith.subi %div3A_1104, %sub3A_1124 : i32
      %select_n3A_1126 = arith.select %and3A_1123, %sub3A_1125, %div3A_1104 : i32
      %mul3A_1127 = arith.constant 512 : i32
      %mul3A_1128 = arith.muli %select_n3A_1126, %mul3A_1127 : i32
      %sub3A_1129 = arith.constant 4112 : i32
      %sub3A_1130 = arith.subi %sub3A_1129, %mul3A_1128 : i32
      %add3A_1131 = arith.addi %sub3A_1076, %mul3A_1128 : i32
      %jit3A_1132 = arith.constant 16 : i32
      %div3A_1133 = arith.divsi %add3A_1131, %jit3A_1132 : i32
      %sign3A_1134 = arith.constant 0 : i32
      %sign3A_1135 = arith.cmpi sgt, %add3A_1131, %sign3A_1134 : i32
      %sign3A_1136 = arith.extui %sign3A_1135 : i1 to i32
      %sign3A_1137 = arith.constant 0 : i32
      %sign3A_1138 = arith.cmpi slt, %add3A_1131, %sign3A_1137 : i32
      %sign3A_1139 = arith.extui %sign3A_1138 : i1 to i32
      %sign3A_1140 = arith.subi %sign3A_1136, %sign3A_1139 : i32
      %sign3A_1141 = arith.constant 0 : i32
      %sign3A_1142 = arith.cmpi sgt, %jit3A_1132, %sign3A_1141 : i32
      %sign3A_1143 = arith.extui %sign3A_1142 : i1 to i32
      %sign3A_1144 = arith.constant 0 : i32
      %sign3A_1145 = arith.cmpi slt, %jit3A_1132, %sign3A_1144 : i32
      %sign3A_1146 = arith.extui %sign3A_1145 : i1 to i32
      %sign3A_1147 = arith.subi %sign3A_1143, %sign3A_1146 : i32
      %ne3A_1148 = arith.cmpi ne, %sign3A_1140, %sign3A_1147 : i32
      %rem3A_1149 = arith.remsi %add3A_1131, %jit3A_1132 : i32
      %ne3A_1150 = arith.constant 0 : i32
      %ne3A_1151 = arith.cmpi ne, %rem3A_1149, %ne3A_1150 : i32
      %and3A_1152 = arith.andi %ne3A_1148, %ne3A_1151 : i1
      %sub3A_1153 = arith.constant 1 : i32
      %sub3A_1154 = arith.subi %div3A_1133, %sub3A_1153 : i32
      %select_n3A_1155 = arith.select %and3A_1152, %sub3A_1154, %div3A_1133 : i32
      %mul3A_1156 = arith.constant 16 : i32
      %mul3A_1157 = arith.muli %select_n3A_1155, %mul3A_1156 : i32
      %sub3A_1158 = arith.constant 8386560 : i32
      %sub3A_1159 = arith.subi %sub3A_1158, %sub3A_1130 : i32
      %jit3A_1160 = arith.constant 0 : i32
      %max3A_1161 = arith.maxsi %jit3A_1160, %mul3A_1157 : i32
      %min3A_1162 = arith.minsi %sub3A_1159, %max3A_1161 : i32
      %multiple_of3A_1163 = tpu.assume_multiple %min3A_1162, 16 : i32
      %sub3A_1164 = arith.subi %sub3A_1076, %multiple_of3A_1163 : i32
      %lt3A_1165 = arith.constant 4095 : i32
      %lt3A_1166 = arith.cmpi slt, %add3A_860, %lt3A_1165 : i32
      %convert_element_type3A_1167 = arith.extui %lt3A_1166 : i1 to i32
      %cond3A_1168 = arith.constant 0 : i32
      %cond3A_1169 = arith.cmpi ne, %convert_element_type3A_1167, %cond3A_1168 : i32
      scf.if %cond3A_1169 {
        %mul3A_1833 = arith.constant 16 : i32
        %mul3A_1834 = arith.muli %select_n3A_1102, %mul3A_1833 : i32
        %add3A_1835 = arith.addi %sub3A_1164, %mul3A_1834 : i32
        %add3A_1836 = vector.broadcast %add3A_1835 : i32 to vector<16xi32>
        %add3A_1837 = arith.addi %iota3A, %add3A_1836 : vector<16xi32>
        %max3A_1838 = arith.constant 0 : i32
        %max3A_1839 = vector.broadcast %max3A_1838 : i32 to vector<16xi32>
        %max3A_1840 = arith.maxsi %add3A_1837, %max3A_1839 : vector<16xi32>
        %gather3A = tpu.vector_load_idx %arg5[%max3A_1840] : memref<4112xf32, #tpu.memory_space<vmem>>[vector<16xi32>], vector<16xf32>,
        %add3A_1841 = vector.broadcast %mul3A_1834 : i32 to vector<16xi32>
        %add3A_1842 = arith.addi %iota3A, %add3A_1841 : vector<16xi32>
        %add3A_1843 = arith.constant 1 : i32
        %add3A_1844 = arith.addi %add3A_860, %add3A_1843 : i32
        %ge3A = vector.broadcast %add3A_1844 : i32 to vector<16xi32>
        %ge3A_1845 = arith.cmpi sge, %add3A_1842, %ge3A : vector<16xi32>
        %jit3A_1846 = arith.constant 0.000000e+00 : f32
        %broadcast_in_dim3A = vector.broadcast %jit3A_1846 : f32 to vector<16xf32>
        %select_n3A_1847 = arith.select %ge3A_1845, %gather3A, %broadcast_in_dim3A : vector<16xi1>, vector<16xf32>
        %swap3A = arith.index_cast %mul3A_1834 : i32 to index
        %swap3A_1848 = tpu.vector_load %arg9[%swap3A] {strides = array<i32>} : memref<4096xf32, #tpu.memory_space<vmem>>, vector<16xf32>,
        tpu.vector_store %arg9[%swap3A], %select_n3A_1847 {strides = array<i32>} : memref<4096xf32, #tpu.memory_space<vmem>>, vector<16xf32>,
      } else {
      }
      %add3A_1170 = arith.constant 1 : i32
      %add3A_1171 = arith.addi %select_n3A_1102, %add3A_1170 : i32
      %parallel_loop3A_1172 = arith.constant 256 : i32
      %parallel_loop3A_1173 = arith.constant 1 : i32
      scf.for %parallel_loop3A_1833 = %add3A_1171 to %parallel_loop3A_1172 step %parallel_loop3A_1173  : i32 {
        %parallel_loop3A_1834 = arith.constant 16 : i32
        %parallel_loop3A_1835 = arith.muli %parallel_loop3A_1833, %parallel_loop3A_1834 : i32
        %parallel_loop3A_1836 = arith.addi %sub3A_1164, %parallel_loop3A_1835 : i32
        %parallel_loop3A_1837 = vector.broadcast %parallel_loop3A_1836 : i32 to vector<16xi32>
        %parallel_loop3A_1838 = arith.addi %iota3A, %parallel_loop3A_1837 : vector<16xi32>
        %parallel_loop3A_1839 = tpu.vector_load_idx %arg5[%parallel_loop3A_1838] : memref<4112xf32, #tpu.memory_space<vmem>>[vector<16xi32>], vector<16xf32>,
        %parallel_loop3A_1840 = arith.index_cast %parallel_loop3A_1835 : i32 to index
        %parallel_loop3A_1841 = tpu.vector_load %arg9[%parallel_loop3A_1840] {strides = array<i32>} : memref<4096xf32, #tpu.memory_space<vmem>>, vector<16xf32>,
        tpu.vector_store %arg9[%parallel_loop3A_1840], %parallel_loop3A_1839 {strides = array<i32>} : memref<4096xf32, #tpu.memory_space<vmem>>, vector<16xf32>,
      } {sc.loop_unroll_factor = 8 : i64, sc.parallel_access}
      %dma_start3A_1174 = arith.constant 0 : i32
      %dma_start3A_1175 = tpu.memref_slice %arg3[%add3A_860, %dma_start3A_1174] : memref<4096x4096xf32, #tpu.memory_space<hbm>> -> memref<1x4096xf32, #tpu.memory_space<hbm>>
      %dma_start3A_1176 = tpu.memref_squeeze %dma_start3A_1175 : memref<1x4096xf32, #tpu.memory_space<hbm>> -> memref<4096xf32, #tpu.memory_space<hbm>>
      %dma_start3A_1177 = arith.constant 0 : i32
      %dma_start3A_1178 = tpu.memref_slice %arg3[%add3A_860, %dma_start3A_1177] : memref<4096x4096xf32, #tpu.memory_space<hbm>> -> memref<1x4096xf32, #tpu.memory_space<hbm>>
      %dma_start3A_1179 = tpu.memref_squeeze %dma_start3A_1178 : memref<1x4096xf32, #tpu.memory_space<hbm>> -> memref<4096xf32, #tpu.memory_space<hbm>>
      tpu.enqueue_dma source(%arg9 : memref<4096xf32, #tpu.memory_space<vmem>>) target(%dma_start3A_1179 : memref<4096xf32, #tpu.memory_space<hbm>>) target_semaphore(%arg17 : memref<!tpu.dma_semaphore, #tpu.memory_space<semaphore_mem>>)
      %add3A_1180 = arith.constant 2 : i32
      %add3A_1181 = arith.addi %mul3A_531, %add3A_1180 : i32
      %sub3A_1182 = arith.constant 127 : i32
      %sub3A_1183 = arith.subi %sub3A_1182, %add3A_1181 : i32
      %mul3A_1184 = arith.constant 32 : i32
      %mul3A_1185 = arith.muli %sub3A_1183, %mul3A_1184 : i32
      %add3A_1186 = arith.addi %add3A, %mul3A_1185 : i32
      %sub3A_1187 = arith.constant 127 : i32
      %sub3A_1188 = arith.subi %sub3A_1187, %add3A_1181 : i32
      %mul3A_1189 = arith.constant 32 : i32
      %mul3A_1190 = arith.muli %sub3A_1188, %mul3A_1189 : i32
      %add3A_1191 = arith.addi %add3A, %mul3A_1190 : i32
      %mul3A_1192 = arith.constant 4094 : i32
      %mul3A_1193 = arith.muli %add3A_1191, %mul3A_1192 : i32
      %sub3A_1194 = arith.constant 1 : i32
      %sub3A_1195 = arith.subi %add3A_1191, %sub3A_1194 : i32
      %mul3A_1196 = arith.muli %add3A_1191, %sub3A_1195 : i32
      %jit3A_1197 = arith.constant 2 : i32
      %div3A_1198 = arith.divsi %mul3A_1196, %jit3A_1197 : i32
      %sign3A_1199 = arith.constant 0 : i32
      %sign3A_1200 = arith.cmpi sgt, %mul3A_1196, %sign3A_1199 : i32
      %sign3A_1201 = arith.extui %sign3A_1200 : i1 to i32
      %sign3A_1202 = arith.constant 0 : i32
      %sign3A_1203 = arith.cmpi slt, %mul3A_1196, %sign3A_1202 : i32
      %sign3A_1204 = arith.extui %sign3A_1203 : i1 to i32
      %sign3A_1205 = arith.subi %sign3A_1201, %sign3A_1204 : i32
      %sign3A_1206 = arith.constant 0 : i32
      %sign3A_1207 = arith.cmpi sgt, %jit3A_1197, %sign3A_1206 : i32
      %sign3A_1208 = arith.extui %sign3A_1207 : i1 to i32
      %sign3A_1209 = arith.constant 0 : i32
      %sign3A_1210 = arith.cmpi slt, %jit3A_1197, %sign3A_1209 : i32
      %sign3A_1211 = arith.extui %sign3A_1210 : i1 to i32
      %sign3A_1212 = arith.subi %sign3A_1208, %sign3A_1211 : i32
      %ne3A_1213 = arith.cmpi ne, %sign3A_1205, %sign3A_1212 : i32
      %rem3A_1214 = arith.remsi %mul3A_1196, %jit3A_1197 : i32
      %ne3A_1215 = arith.constant 0 : i32
      %ne3A_1216 = arith.cmpi ne, %rem3A_1214, %ne3A_1215 : i32
      %and3A_1217 = arith.andi %ne3A_1213, %ne3A_1216 : i1
      %sub3A_1218 = arith.constant 1 : i32
      %sub3A_1219 = arith.subi %div3A_1198, %sub3A_1218 : i32
      %select_n3A_1220 = arith.select %and3A_1217, %sub3A_1219, %div3A_1198 : i32
      %sub3A_1221 = arith.subi %mul3A_1193, %select_n3A_1220 : i32
      %sub3A_1222 = arith.constant 1 : i32
      %sub3A_1223 = arith.subi %sub3A_1221, %sub3A_1222 : i32
      %add3A_1224 = arith.constant 1 : i32
      %add3A_1225 = arith.addi %add3A_1191, %add3A_1224 : i32
      %jit3A_1226 = arith.constant 16 : i32
      %div3A_1227 = arith.divsi %add3A_1225, %jit3A_1226 : i32
      %sign3A_1228 = arith.constant 0 : i32
      %sign3A_1229 = arith.cmpi sgt, %add3A_1225, %sign3A_1228 : i32
      %sign3A_1230 = arith.extui %sign3A_1229 : i1 to i32
      %sign3A_1231 = arith.constant 0 : i32
      %sign3A_1232 = arith.cmpi slt, %add3A_1225, %sign3A_1231 : i32
      %sign3A_1233 = arith.extui %sign3A_1232 : i1 to i32
      %sign3A_1234 = arith.subi %sign3A_1230, %sign3A_1233 : i32
      %sign3A_1235 = arith.constant 0 : i32
      %sign3A_1236 = arith.cmpi sgt, %jit3A_1226, %sign3A_1235 : i32
      %sign3A_1237 = arith.extui %sign3A_1236 : i1 to i32
      %sign3A_1238 = arith.constant 0 : i32
      %sign3A_1239 = arith.cmpi slt, %jit3A_1226, %sign3A_1238 : i32
      %sign3A_1240 = arith.extui %sign3A_1239 : i1 to i32
      %sign3A_1241 = arith.subi %sign3A_1237, %sign3A_1240 : i32
      %ne3A_1242 = arith.cmpi ne, %sign3A_1234, %sign3A_1241 : i32
      %rem3A_1243 = arith.remsi %add3A_1225, %jit3A_1226 : i32
      %ne3A_1244 = arith.constant 0 : i32
      %ne3A_1245 = arith.cmpi ne, %rem3A_1243, %ne3A_1244 : i32
      %and3A_1246 = arith.andi %ne3A_1242, %ne3A_1245 : i1
      %sub3A_1247 = arith.constant 1 : i32
      %sub3A_1248 = arith.subi %div3A_1227, %sub3A_1247 : i32
      %select_n3A_1249 = arith.select %and3A_1246, %sub3A_1248, %div3A_1227 : i32
      %jit3A_1250 = arith.constant 32 : i32
      %div3A_1251 = arith.divsi %select_n3A_1249, %jit3A_1250 : i32
      %sign3A_1252 = arith.constant 0 : i32
      %sign3A_1253 = arith.cmpi sgt, %select_n3A_1249, %sign3A_1252 : i32
      %sign3A_1254 = arith.extui %sign3A_1253 : i1 to i32
      %sign3A_1255 = arith.constant 0 : i32
      %sign3A_1256 = arith.cmpi slt, %select_n3A_1249, %sign3A_1255 : i32
      %sign3A_1257 = arith.extui %sign3A_1256 : i1 to i32
      %sign3A_1258 = arith.subi %sign3A_1254, %sign3A_1257 : i32
      %sign3A_1259 = arith.constant 0 : i32
      %sign3A_1260 = arith.cmpi sgt, %jit3A_1250, %sign3A_1259 : i32
      %sign3A_1261 = arith.extui %sign3A_1260 : i1 to i32
      %sign3A_1262 = arith.constant 0 : i32
      %sign3A_1263 = arith.cmpi slt, %jit3A_1250, %sign3A_1262 : i32
      %sign3A_1264 = arith.extui %sign3A_1263 : i1 to i32
      %sign3A_1265 = arith.subi %sign3A_1261, %sign3A_1264 : i32
      %ne3A_1266 = arith.cmpi ne, %sign3A_1258, %sign3A_1265 : i32
      %rem3A_1267 = arith.remsi %select_n3A_1249, %jit3A_1250 : i32
      %ne3A_1268 = arith.constant 0 : i32
      %ne3A_1269 = arith.cmpi ne, %rem3A_1267, %ne3A_1268 : i32
      %and3A_1270 = arith.andi %ne3A_1266, %ne3A_1269 : i1
      %sub3A_1271 = arith.constant 1 : i32
      %sub3A_1272 = arith.subi %div3A_1251, %sub3A_1271 : i32
      %select_n3A_1273 = arith.select %and3A_1270, %sub3A_1272, %div3A_1251 : i32
      %mul3A_1274 = arith.constant 512 : i32
      %mul3A_1275 = arith.muli %select_n3A_1273, %mul3A_1274 : i32
      %sub3A_1276 = arith.constant 4112 : i32
      %sub3A_1277 = arith.subi %sub3A_1276, %mul3A_1275 : i32
      %add3A_1278 = arith.addi %sub3A_1223, %mul3A_1275 : i32
      %jit3A_1279 = arith.constant 16 : i32
      %div3A_1280 = arith.divsi %add3A_1278, %jit3A_1279 : i32
      %sign3A_1281 = arith.constant 0 : i32
      %sign3A_1282 = arith.cmpi sgt, %add3A_1278, %sign3A_1281 : i32
      %sign3A_1283 = arith.extui %sign3A_1282 : i1 to i32
      %sign3A_1284 = arith.constant 0 : i32
      %sign3A_1285 = arith.cmpi slt, %add3A_1278, %sign3A_1284 : i32
      %sign3A_1286 = arith.extui %sign3A_1285 : i1 to i32
      %sign3A_1287 = arith.subi %sign3A_1283, %sign3A_1286 : i32
      %sign3A_1288 = arith.constant 0 : i32
      %sign3A_1289 = arith.cmpi sgt, %jit3A_1279, %sign3A_1288 : i32
      %sign3A_1290 = arith.extui %sign3A_1289 : i1 to i32
      %sign3A_1291 = arith.constant 0 : i32
      %sign3A_1292 = arith.cmpi slt, %jit3A_1279, %sign3A_1291 : i32
      %sign3A_1293 = arith.extui %sign3A_1292 : i1 to i32
      %sign3A_1294 = arith.subi %sign3A_1290, %sign3A_1293 : i32
      %ne3A_1295 = arith.cmpi ne, %sign3A_1287, %sign3A_1294 : i32
      %rem3A_1296 = arith.remsi %add3A_1278, %jit3A_1279 : i32
      %ne3A_1297 = arith.constant 0 : i32
      %ne3A_1298 = arith.cmpi ne, %rem3A_1296, %ne3A_1297 : i32
      %and3A_1299 = arith.andi %ne3A_1295, %ne3A_1298 : i1
      %sub3A_1300 = arith.constant 1 : i32
      %sub3A_1301 = arith.subi %div3A_1280, %sub3A_1300 : i32
      %select_n3A_1302 = arith.select %and3A_1299, %sub3A_1301, %div3A_1280 : i32
      %mul3A_1303 = arith.constant 16 : i32
      %mul3A_1304 = arith.muli %select_n3A_1302, %mul3A_1303 : i32
      %sub3A_1305 = arith.constant 8386560 : i32
      %sub3A_1306 = arith.subi %sub3A_1305, %sub3A_1277 : i32
      %jit3A_1307 = arith.constant 0 : i32
      %max3A_1308 = arith.maxsi %jit3A_1307, %mul3A_1304 : i32
      %min3A_1309 = arith.minsi %sub3A_1306, %max3A_1308 : i32
      %multiple_of3A_1310 = tpu.assume_multiple %min3A_1309, 16 : i32
      %sub3A_1311 = arith.subi %sub3A_1223, %multiple_of3A_1310 : i32
      %eq3A_1312 = arith.constant 0 : i32
      %eq3A_1313 = arith.cmpi eq, %select_n3A_1273, %eq3A_1312 : i32
      %convert_element_type3A_1314 = arith.extui %eq3A_1313 : i1 to i32
      %cond3A_1315 = arith.constant 0 : i32
      %cond3A_1316 = arith.cmpi ne, %convert_element_type3A_1314, %cond3A_1315 : i32
      scf.if %cond3A_1316 {
        %dma_wait3A_1833 = arith.constant 0 : i32
        %dma_wait3A_1834 = tpu.memref_slice %arg6[%dma_wait3A_1833] : memref<4112xf32, #tpu.memory_space<vmem>> -> memref<4112xf32, #tpu.memory_space<vmem>>
        %dma_wait3A_1835 = arith.constant 0 : i32
        %dma_wait3A_1836 = tpu.memref_slice %arg2[%dma_wait3A_1835] : memref<8386560xf32, #tpu.memory_space<hbm>> -> memref<4112xf32, #tpu.memory_space<hbm>>
        %dma_wait3A_1837 = arith.constant 0 : i32
        %dma_wait3A_1838 = tpu.memref_slice %arg6[%dma_wait3A_1837] : memref<4112xf32, #tpu.memory_space<vmem>> -> memref<4112xf32, #tpu.memory_space<vmem>>
        %dma_wait3A_1839 = arith.constant 0 : i32
        %dma_wait3A_1840 = tpu.memref_slice %arg2[%dma_wait3A_1839] : memref<8386560xf32, #tpu.memory_space<hbm>> -> memref<4112xf32, #tpu.memory_space<hbm>>
        tpu.wait_dma2 semaphore(%arg14 : memref<!tpu.dma_semaphore, #tpu.memory_space<semaphore_mem>>) src(%dma_wait3A_1840 : memref<4112xf32, #tpu.memory_space<hbm>>) dst(%dma_wait3A_1838 : memref<4112xf32, #tpu.memory_space<vmem>>)
      } else {
      }
      %eq3A_1317 = arith.constant 1 : i32
      %eq3A_1318 = arith.cmpi eq, %select_n3A_1273, %eq3A_1317 : i32
      %convert_element_type3A_1319 = arith.extui %eq3A_1318 : i1 to i32
      %cond3A_1320 = arith.constant 0 : i32
      %cond3A_1321 = arith.cmpi ne, %convert_element_type3A_1319, %cond3A_1320 : i32
      scf.if %cond3A_1321 {
        %dma_wait3A_1833 = arith.constant 0 : i32
        %dma_wait3A_1834 = tpu.memref_slice %arg6[%dma_wait3A_1833] : memref<4112xf32, #tpu.memory_space<vmem>> -> memref<3600xf32, #tpu.memory_space<vmem>>
        %dma_wait3A_1835 = arith.constant 0 : i32
        %dma_wait3A_1836 = tpu.memref_slice %arg2[%dma_wait3A_1835] : memref<8386560xf32, #tpu.memory_space<hbm>> -> memref<3600xf32, #tpu.memory_space<hbm>>
        %dma_wait3A_1837 = arith.constant 0 : i32
        %dma_wait3A_1838 = tpu.memref_slice %arg6[%dma_wait3A_1837] : memref<4112xf32, #tpu.memory_space<vmem>> -> memref<3600xf32, #tpu.memory_space<vmem>>
        %dma_wait3A_1839 = arith.constant 0 : i32
        %dma_wait3A_1840 = tpu.memref_slice %arg2[%dma_wait3A_1839] : memref<8386560xf32, #tpu.memory_space<hbm>> -> memref<3600xf32, #tpu.memory_space<hbm>>
        tpu.wait_dma2 semaphore(%arg14 : memref<!tpu.dma_semaphore, #tpu.memory_space<semaphore_mem>>) src(%dma_wait3A_1840 : memref<3600xf32, #tpu.memory_space<hbm>>) dst(%dma_wait3A_1838 : memref<3600xf32, #tpu.memory_space<vmem>>)
      } else {
      }
      %eq3A_1322 = arith.constant 2 : i32
      %eq3A_1323 = arith.cmpi eq, %select_n3A_1273, %eq3A_1322 : i32
      %convert_element_type3A_1324 = arith.extui %eq3A_1323 : i1 to i32
      %cond3A_1325 = arith.constant 0 : i32
      %cond3A_1326 = arith.cmpi ne, %convert_element_type3A_1324, %cond3A_1325 : i32
      scf.if %cond3A_1326 {
        %dma_wait3A_1833 = arith.constant 0 : i32
        %dma_wait3A_1834 = tpu.memref_slice %arg6[%dma_wait3A_1833] : memref<4112xf32, #tpu.memory_space<vmem>> -> memref<3088xf32, #tpu.memory_space<vmem>>
        %dma_wait3A_1835 = arith.constant 0 : i32
        %dma_wait3A_1836 = tpu.memref_slice %arg2[%dma_wait3A_1835] : memref<8386560xf32, #tpu.memory_space<hbm>> -> memref<3088xf32, #tpu.memory_space<hbm>>
        %dma_wait3A_1837 = arith.constant 0 : i32
        %dma_wait3A_1838 = tpu.memref_slice %arg6[%dma_wait3A_1837] : memref<4112xf32, #tpu.memory_space<vmem>> -> memref<3088xf32, #tpu.memory_space<vmem>>
        %dma_wait3A_1839 = arith.constant 0 : i32
        %dma_wait3A_1840 = tpu.memref_slice %arg2[%dma_wait3A_1839] : memref<8386560xf32, #tpu.memory_space<hbm>> -> memref<3088xf32, #tpu.memory_space<hbm>>
        tpu.wait_dma2 semaphore(%arg14 : memref<!tpu.dma_semaphore, #tpu.memory_space<semaphore_mem>>) src(%dma_wait3A_1840 : memref<3088xf32, #tpu.memory_space<hbm>>) dst(%dma_wait3A_1838 : memref<3088xf32, #tpu.memory_space<vmem>>)
      } else {
      }
      %eq3A_1327 = arith.constant 3 : i32
      %eq3A_1328 = arith.cmpi eq, %select_n3A_1273, %eq3A_1327 : i32
      %convert_element_type3A_1329 = arith.extui %eq3A_1328 : i1 to i32
      %cond3A_1330 = arith.constant 0 : i32
      %cond3A_1331 = arith.cmpi ne, %convert_element_type3A_1329, %cond3A_1330 : i32
      scf.if %cond3A_1331 {
        %dma_wait3A_1833 = arith.constant 0 : i32
        %dma_wait3A_1834 = tpu.memref_slice %arg6[%dma_wait3A_1833] : memref<4112xf32, #tpu.memory_space<vmem>> -> memref<2576xf32, #tpu.memory_space<vmem>>
        %dma_wait3A_1835 = arith.constant 0 : i32
        %dma_wait3A_1836 = tpu.memref_slice %arg2[%dma_wait3A_1835] : memref<8386560xf32, #tpu.memory_space<hbm>> -> memref<2576xf32, #tpu.memory_space<hbm>>
        %dma_wait3A_1837 = arith.constant 0 : i32
        %dma_wait3A_1838 = tpu.memref_slice %arg6[%dma_wait3A_1837] : memref<4112xf32, #tpu.memory_space<vmem>> -> memref<2576xf32, #tpu.memory_space<vmem>>
        %dma_wait3A_1839 = arith.constant 0 : i32
        %dma_wait3A_1840 = tpu.memref_slice %arg2[%dma_wait3A_1839] : memref<8386560xf32, #tpu.memory_space<hbm>> -> memref<2576xf32, #tpu.memory_space<hbm>>
        tpu.wait_dma2 semaphore(%arg14 : memref<!tpu.dma_semaphore, #tpu.memory_space<semaphore_mem>>) src(%dma_wait3A_1840 : memref<2576xf32, #tpu.memory_space<hbm>>) dst(%dma_wait3A_1838 : memref<2576xf32, #tpu.memory_space<vmem>>)
      } else {
      }
      %eq3A_1332 = arith.constant 4 : i32
      %eq3A_1333 = arith.cmpi eq, %select_n3A_1273, %eq3A_1332 : i32
      %convert_element_type3A_1334 = arith.extui %eq3A_1333 : i1 to i32
      %cond3A_1335 = arith.constant 0 : i32
      %cond3A_1336 = arith.cmpi ne, %convert_element_type3A_1334, %cond3A_1335 : i32
      scf.if %cond3A_1336 {
        %dma_wait3A_1833 = arith.constant 0 : i32
        %dma_wait3A_1834 = tpu.memref_slice %arg6[%dma_wait3A_1833] : memref<4112xf32, #tpu.memory_space<vmem>> -> memref<2064xf32, #tpu.memory_space<vmem>>
        %dma_wait3A_1835 = arith.constant 0 : i32
        %dma_wait3A_1836 = tpu.memref_slice %arg2[%dma_wait3A_1835] : memref<8386560xf32, #tpu.memory_space<hbm>> -> memref<2064xf32, #tpu.memory_space<hbm>>
        %dma_wait3A_1837 = arith.constant 0 : i32
        %dma_wait3A_1838 = tpu.memref_slice %arg6[%dma_wait3A_1837] : memref<4112xf32, #tpu.memory_space<vmem>> -> memref<2064xf32, #tpu.memory_space<vmem>>
        %dma_wait3A_1839 = arith.constant 0 : i32
        %dma_wait3A_1840 = tpu.memref_slice %arg2[%dma_wait3A_1839] : memref<8386560xf32, #tpu.memory_space<hbm>> -> memref<2064xf32, #tpu.memory_space<hbm>>
        tpu.wait_dma2 semaphore(%arg14 : memref<!tpu.dma_semaphore, #tpu.memory_space<semaphore_mem>>) src(%dma_wait3A_1840 : memref<2064xf32, #tpu.memory_space<hbm>>) dst(%dma_wait3A_1838 : memref<2064xf32, #tpu.memory_space<vmem>>)
      } else {
      }
      %eq3A_1337 = arith.constant 5 : i32
      %eq3A_1338 = arith.cmpi eq, %select_n3A_1273, %eq3A_1337 : i32
      %convert_element_type3A_1339 = arith.extui %eq3A_1338 : i1 to i32
      %cond3A_1340 = arith.constant 0 : i32
      %cond3A_1341 = arith.cmpi ne, %convert_element_type3A_1339, %cond3A_1340 : i32
      scf.if %cond3A_1341 {
        %dma_wait3A_1833 = arith.constant 0 : i32
        %dma_wait3A_1834 = tpu.memref_slice %arg6[%dma_wait3A_1833] : memref<4112xf32, #tpu.memory_space<vmem>> -> memref<1552xf32, #tpu.memory_space<vmem>>
        %dma_wait3A_1835 = arith.constant 0 : i32
        %dma_wait3A_1836 = tpu.memref_slice %arg2[%dma_wait3A_1835] : memref<8386560xf32, #tpu.memory_space<hbm>> -> memref<1552xf32, #tpu.memory_space<hbm>>
        %dma_wait3A_1837 = arith.constant 0 : i32
        %dma_wait3A_1838 = tpu.memref_slice %arg6[%dma_wait3A_1837] : memref<4112xf32, #tpu.memory_space<vmem>> -> memref<1552xf32, #tpu.memory_space<vmem>>
        %dma_wait3A_1839 = arith.constant 0 : i32
        %dma_wait3A_1840 = tpu.memref_slice %arg2[%dma_wait3A_1839] : memref<8386560xf32, #tpu.memory_space<hbm>> -> memref<1552xf32, #tpu.memory_space<hbm>>
        tpu.wait_dma2 semaphore(%arg14 : memref<!tpu.dma_semaphore, #tpu.memory_space<semaphore_mem>>) src(%dma_wait3A_1840 : memref<1552xf32, #tpu.memory_space<hbm>>) dst(%dma_wait3A_1838 : memref<1552xf32, #tpu.memory_space<vmem>>)
      } else {
      }
      %eq3A_1342 = arith.constant 6 : i32
      %eq3A_1343 = arith.cmpi eq, %select_n3A_1273, %eq3A_1342 : i32
      %convert_element_type3A_1344 = arith.extui %eq3A_1343 : i1 to i32
      %cond3A_1345 = arith.constant 0 : i32
      %cond3A_1346 = arith.cmpi ne, %convert_element_type3A_1344, %cond3A_1345 : i32
      scf.if %cond3A_1346 {
        %dma_wait3A_1833 = arith.constant 0 : i32
        %dma_wait3A_1834 = tpu.memref_slice %arg6[%dma_wait3A_1833] : memref<4112xf32, #tpu.memory_space<vmem>> -> memref<1040xf32, #tpu.memory_space<vmem>>
        %dma_wait3A_1835 = arith.constant 0 : i32
        %dma_wait3A_1836 = tpu.memref_slice %arg2[%dma_wait3A_1835] : memref<8386560xf32, #tpu.memory_space<hbm>> -> memref<1040xf32, #tpu.memory_space<hbm>>
        %dma_wait3A_1837 = arith.constant 0 : i32
        %dma_wait3A_1838 = tpu.memref_slice %arg6[%dma_wait3A_1837] : memref<4112xf32, #tpu.memory_space<vmem>> -> memref<1040xf32, #tpu.memory_space<vmem>>
        %dma_wait3A_1839 = arith.constant 0 : i32
        %dma_wait3A_1840 = tpu.memref_slice %arg2[%dma_wait3A_1839] : memref<8386560xf32, #tpu.memory_space<hbm>> -> memref<1040xf32, #tpu.memory_space<hbm>>
        tpu.wait_dma2 semaphore(%arg14 : memref<!tpu.dma_semaphore, #tpu.memory_space<semaphore_mem>>) src(%dma_wait3A_1840 : memref<1040xf32, #tpu.memory_space<hbm>>) dst(%dma_wait3A_1838 : memref<1040xf32, #tpu.memory_space<vmem>>)
      } else {
      }
      %eq3A_1347 = arith.constant 7 : i32
      %eq3A_1348 = arith.cmpi eq, %select_n3A_1273, %eq3A_1347 : i32
      %convert_element_type3A_1349 = arith.extui %eq3A_1348 : i1 to i32
      %cond3A_1350 = arith.constant 0 : i32
      %cond3A_1351 = arith.cmpi ne, %convert_element_type3A_1349, %cond3A_1350 : i32
      scf.if %cond3A_1351 {
        %dma_wait3A_1833 = arith.constant 0 : i32
        %dma_wait3A_1834 = tpu.memref_slice %arg6[%dma_wait3A_1833] : memref<4112xf32, #tpu.memory_space<vmem>> -> memref<528xf32, #tpu.memory_space<vmem>>
        %dma_wait3A_1835 = arith.constant 0 : i32
        %dma_wait3A_1836 = tpu.memref_slice %arg2[%dma_wait3A_1835] : memref<8386560xf32, #tpu.memory_space<hbm>> -> memref<528xf32, #tpu.memory_space<hbm>>
        %dma_wait3A_1837 = arith.constant 0 : i32
        %dma_wait3A_1838 = tpu.memref_slice %arg6[%dma_wait3A_1837] : memref<4112xf32, #tpu.memory_space<vmem>> -> memref<528xf32, #tpu.memory_space<vmem>>
        %dma_wait3A_1839 = arith.constant 0 : i32
        %dma_wait3A_1840 = tpu.memref_slice %arg2[%dma_wait3A_1839] : memref<8386560xf32, #tpu.memory_space<hbm>> -> memref<528xf32, #tpu.memory_space<hbm>>
        tpu.wait_dma2 semaphore(%arg14 : memref<!tpu.dma_semaphore, #tpu.memory_space<semaphore_mem>>) src(%dma_wait3A_1840 : memref<528xf32, #tpu.memory_space<hbm>>) dst(%dma_wait3A_1838 : memref<528xf32, #tpu.memory_space<vmem>>)
      } else {
      }
      %eq3A_1352 = arith.constant 8 : i32
      %eq3A_1353 = arith.cmpi eq, %select_n3A_1273, %eq3A_1352 : i32
      %convert_element_type3A_1354 = arith.extui %eq3A_1353 : i1 to i32
      %cond3A_1355 = arith.constant 0 : i32
      %cond3A_1356 = arith.cmpi ne, %convert_element_type3A_1354, %cond3A_1355 : i32
      scf.if %cond3A_1356 {
        %dma_wait3A_1833 = arith.constant 0 : i32
        %dma_wait3A_1834 = tpu.memref_slice %arg6[%dma_wait3A_1833] : memref<4112xf32, #tpu.memory_space<vmem>> -> memref<16xf32, #tpu.memory_space<vmem>>
        %dma_wait3A_1835 = arith.constant 0 : i32
        %dma_wait3A_1836 = tpu.memref_slice %arg2[%dma_wait3A_1835] : memref<8386560xf32, #tpu.memory_space<hbm>> -> memref<16xf32, #tpu.memory_space<hbm>>
        %dma_wait3A_1837 = arith.constant 0 : i32
        %dma_wait3A_1838 = tpu.memref_slice %arg6[%dma_wait3A_1837] : memref<4112xf32, #tpu.memory_space<vmem>> -> memref<16xf32, #tpu.memory_space<vmem>>
        %dma_wait3A_1839 = arith.constant 0 : i32
        %dma_wait3A_1840 = tpu.memref_slice %arg2[%dma_wait3A_1839] : memref<8386560xf32, #tpu.memory_space<hbm>> -> memref<16xf32, #tpu.memory_space<hbm>>
        tpu.wait_dma2 semaphore(%arg14 : memref<!tpu.dma_semaphore, #tpu.memory_space<semaphore_mem>>) src(%dma_wait3A_1840 : memref<16xf32, #tpu.memory_space<hbm>>) dst(%dma_wait3A_1838 : memref<16xf32, #tpu.memory_space<vmem>>)
      } else {
      }
      %add3A_1357 = arith.constant 4 : i32
      %add3A_1358 = arith.addi %add3A_1181, %add3A_1357 : i32
      %sub3A_1359 = arith.constant 1 : i32
      %sub3A_1360 = arith.subi %add3A_1358, %sub3A_1359 : i32
      %lt3A_1361 = arith.constant 128 : i32
      %lt3A_1362 = arith.cmpi slt, %sub3A_1360, %lt3A_1361 : i32
      %convert_element_type3A_1363 = arith.extui %lt3A_1362 : i1 to i32
      %cond3A_1364 = arith.constant 0 : i32
      %cond3A_1365 = arith.cmpi ne, %convert_element_type3A_1363, %cond3A_1364 : i32
      scf.if %cond3A_1365 {
        %add3A_1833 = arith.constant 4 : i32
        %add3A_1834 = arith.addi %add3A_1181, %add3A_1833 : i32
        %sub3A_1835 = arith.constant 1 : i32
        %sub3A_1836 = arith.subi %add3A_1834, %sub3A_1835 : i32
        %sub3A_1837 = arith.constant 127 : i32
        %sub3A_1838 = arith.subi %sub3A_1837, %sub3A_1836 : i32
        %mul3A_1839 = arith.constant 32 : i32
        %mul3A_1840 = arith.muli %sub3A_1838, %mul3A_1839 : i32
        %add3A_1841 = arith.addi %add3A, %mul3A_1840 : i32
        %mul3A_1842 = arith.constant 4094 : i32
        %mul3A_1843 = arith.muli %add3A_1841, %mul3A_1842 : i32
        %sub3A_1844 = arith.constant 1 : i32
        %sub3A_1845 = arith.subi %add3A_1841, %sub3A_1844 : i32
        %mul3A_1846 = arith.muli %add3A_1841, %sub3A_1845 : i32
        %jit3A_1847 = arith.constant 2 : i32
        %div3A_1848 = arith.divsi %mul3A_1846, %jit3A_1847 : i32
        %sign3A_1849 = arith.constant 0 : i32
        %sign3A_1850 = arith.cmpi sgt, %mul3A_1846, %sign3A_1849 : i32
        %sign3A_1851 = arith.extui %sign3A_1850 : i1 to i32
        %sign3A_1852 = arith.constant 0 : i32
        %sign3A_1853 = arith.cmpi slt, %mul3A_1846, %sign3A_1852 : i32
        %sign3A_1854 = arith.extui %sign3A_1853 : i1 to i32
        %sign3A_1855 = arith.subi %sign3A_1851, %sign3A_1854 : i32
        %sign3A_1856 = arith.constant 0 : i32
        %sign3A_1857 = arith.cmpi sgt, %jit3A_1847, %sign3A_1856 : i32
        %sign3A_1858 = arith.extui %sign3A_1857 : i1 to i32
        %sign3A_1859 = arith.constant 0 : i32
        %sign3A_1860 = arith.cmpi slt, %jit3A_1847, %sign3A_1859 : i32
        %sign3A_1861 = arith.extui %sign3A_1860 : i1 to i32
        %sign3A_1862 = arith.subi %sign3A_1858, %sign3A_1861 : i32
        %ne3A_1863 = arith.cmpi ne, %sign3A_1855, %sign3A_1862 : i32
        %rem3A_1864 = arith.remsi %mul3A_1846, %jit3A_1847 : i32
        %ne3A_1865 = arith.constant 0 : i32
        %ne3A_1866 = arith.cmpi ne, %rem3A_1864, %ne3A_1865 : i32
        %and3A_1867 = arith.andi %ne3A_1863, %ne3A_1866 : i1
        %sub3A_1868 = arith.constant 1 : i32
        %sub3A_1869 = arith.subi %div3A_1848, %sub3A_1868 : i32
        %select_n3A_1870 = arith.select %and3A_1867, %sub3A_1869, %div3A_1848 : i32
        %sub3A_1871 = arith.subi %mul3A_1843, %select_n3A_1870 : i32
        %sub3A_1872 = arith.constant 1 : i32
        %sub3A_1873 = arith.subi %sub3A_1871, %sub3A_1872 : i32
        %add3A_1874 = arith.constant 1 : i32
        %add3A_1875 = arith.addi %add3A_1841, %add3A_1874 : i32
        %jit3A_1876 = arith.constant 16 : i32
        %div3A_1877 = arith.divsi %add3A_1875, %jit3A_1876 : i32
        %sign3A_1878 = arith.constant 0 : i32
        %sign3A_1879 = arith.cmpi sgt, %add3A_1875, %sign3A_1878 : i32
        %sign3A_1880 = arith.extui %sign3A_1879 : i1 to i32
        %sign3A_1881 = arith.constant 0 : i32
        %sign3A_1882 = arith.cmpi slt, %add3A_1875, %sign3A_1881 : i32
        %sign3A_1883 = arith.extui %sign3A_1882 : i1 to i32
        %sign3A_1884 = arith.subi %sign3A_1880, %sign3A_1883 : i32
        %sign3A_1885 = arith.constant 0 : i32
        %sign3A_1886 = arith.cmpi sgt, %jit3A_1876, %sign3A_1885 : i32
        %sign3A_1887 = arith.extui %sign3A_1886 : i1 to i32
        %sign3A_1888 = arith.constant 0 : i32
        %sign3A_1889 = arith.cmpi slt, %jit3A_1876, %sign3A_1888 : i32
        %sign3A_1890 = arith.extui %sign3A_1889 : i1 to i32
        %sign3A_1891 = arith.subi %sign3A_1887, %sign3A_1890 : i32
        %ne3A_1892 = arith.cmpi ne, %sign3A_1884, %sign3A_1891 : i32
        %rem3A_1893 = arith.remsi %add3A_1875, %jit3A_1876 : i32
        %ne3A_1894 = arith.constant 0 : i32
        %ne3A_1895 = arith.cmpi ne, %rem3A_1893, %ne3A_1894 : i32
        %and3A_1896 = arith.andi %ne3A_1892, %ne3A_1895 : i1
        %sub3A_1897 = arith.constant 1 : i32
        %sub3A_1898 = arith.subi %div3A_1877, %sub3A_1897 : i32
        %select_n3A_1899 = arith.select %and3A_1896, %sub3A_1898, %div3A_1877 : i32
        %jit3A_1900 = arith.constant 32 : i32
        %div3A_1901 = arith.divsi %select_n3A_1899, %jit3A_1900 : i32
        %sign3A_1902 = arith.constant 0 : i32
        %sign3A_1903 = arith.cmpi sgt, %select_n3A_1899, %sign3A_1902 : i32
        %sign3A_1904 = arith.extui %sign3A_1903 : i1 to i32
        %sign3A_1905 = arith.constant 0 : i32
        %sign3A_1906 = arith.cmpi slt, %select_n3A_1899, %sign3A_1905 : i32
        %sign3A_1907 = arith.extui %sign3A_1906 : i1 to i32
        %sign3A_1908 = arith.subi %sign3A_1904, %sign3A_1907 : i32
        %sign3A_1909 = arith.constant 0 : i32
        %sign3A_1910 = arith.cmpi sgt, %jit3A_1900, %sign3A_1909 : i32
        %sign3A_1911 = arith.extui %sign3A_1910 : i1 to i32
        %sign3A_1912 = arith.constant 0 : i32
        %sign3A_1913 = arith.cmpi slt, %jit3A_1900, %sign3A_1912 : i32
        %sign3A_1914 = arith.extui %sign3A_1913 : i1 to i32
        %sign3A_1915 = arith.subi %sign3A_1911, %sign3A_1914 : i32
        %ne3A_1916 = arith.cmpi ne, %sign3A_1908, %sign3A_1915 : i32
        %rem3A_1917 = arith.remsi %select_n3A_1899, %jit3A_1900 : i32
        %ne3A_1918 = arith.constant 0 : i32
        %ne3A_1919 = arith.cmpi ne, %rem3A_1917, %ne3A_1918 : i32
        %and3A_1920 = arith.andi %ne3A_1916, %ne3A_1919 : i1
        %sub3A_1921 = arith.constant 1 : i32
        %sub3A_1922 = arith.subi %div3A_1901, %sub3A_1921 : i32
        %select_n3A_1923 = arith.select %and3A_1920, %sub3A_1922, %div3A_1901 : i32
        %mul3A_1924 = arith.constant 512 : i32
        %mul3A_1925 = arith.muli %select_n3A_1923, %mul3A_1924 : i32
        %sub3A_1926 = arith.constant 4112 : i32
        %sub3A_1927 = arith.subi %sub3A_1926, %mul3A_1925 : i32
        %add3A_1928 = arith.addi %sub3A_1873, %mul3A_1925 : i32
        %jit3A_1929 = arith.constant 16 : i32
        %div3A_1930 = arith.divsi %add3A_1928, %jit3A_1929 : i32
        %sign3A_1931 = arith.constant 0 : i32
        %sign3A_1932 = arith.cmpi sgt, %add3A_1928, %sign3A_1931 : i32
        %sign3A_1933 = arith.extui %sign3A_1932 : i1 to i32
        %sign3A_1934 = arith.constant 0 : i32
        %sign3A_1935 = arith.cmpi slt, %add3A_1928, %sign3A_1934 : i32
        %sign3A_1936 = arith.extui %sign3A_1935 : i1 to i32
        %sign3A_1937 = arith.subi %sign3A_1933, %sign3A_1936 : i32
        %sign3A_1938 = arith.constant 0 : i32
        %sign3A_1939 = arith.cmpi sgt, %jit3A_1929, %sign3A_1938 : i32
        %sign3A_1940 = arith.extui %sign3A_1939 : i1 to i32
        %sign3A_1941 = arith.constant 0 : i32
        %sign3A_1942 = arith.cmpi slt, %jit3A_1929, %sign3A_1941 : i32
        %sign3A_1943 = arith.extui %sign3A_1942 : i1 to i32
        %sign3A_1944 = arith.subi %sign3A_1940, %sign3A_1943 : i32
        %ne3A_1945 = arith.cmpi ne, %sign3A_1937, %sign3A_1944 : i32
        %rem3A_1946 = arith.remsi %add3A_1928, %jit3A_1929 : i32
        %ne3A_1947 = arith.constant 0 : i32
        %ne3A_1948 = arith.cmpi ne, %rem3A_1946, %ne3A_1947 : i32
        %and3A_1949 = arith.andi %ne3A_1945, %ne3A_1948 : i1
        %sub3A_1950 = arith.constant 1 : i32
        %sub3A_1951 = arith.subi %div3A_1930, %sub3A_1950 : i32
        %select_n3A_1952 = arith.select %and3A_1949, %sub3A_1951, %div3A_1930 : i32
        %mul3A_1953 = arith.constant 16 : i32
        %mul3A_1954 = arith.muli %select_n3A_1952, %mul3A_1953 : i32
        %sub3A_1955 = arith.constant 8386560 : i32
        %sub3A_1956 = arith.subi %sub3A_1955, %sub3A_1927 : i32
        %jit3A_1957 = arith.constant 0 : i32
        %max3A_1958 = arith.maxsi %jit3A_1957, %mul3A_1954 : i32
        %min3A_1959 = arith.minsi %sub3A_1956, %max3A_1958 : i32
        %multiple_of3A_1960 = tpu.assume_multiple %min3A_1959, 16 : i32
        %sub3A_1961 = arith.subi %sub3A_1873, %multiple_of3A_1960 : i32
        %eq3A_1962 = arith.constant 0 : i32
        %eq3A_1963 = arith.cmpi eq, %select_n3A_1923, %eq3A_1962 : i32
        %convert_element_type3A_1964 = arith.extui %eq3A_1963 : i1 to i32
        %cond3A_1965 = arith.constant 0 : i32
        %cond3A_1966 = arith.cmpi ne, %convert_element_type3A_1964, %cond3A_1965 : i32
        scf.if %cond3A_1966 {
          %dma_start3A_2007 = arith.constant 0 : i32
          %dma_start3A_2008 = tpu.memref_slice %arg5[%dma_start3A_2007] : memref<4112xf32, #tpu.memory_space<vmem>> -> memref<4112xf32, #tpu.memory_space<vmem>>
          %dma_start3A_2009 = tpu.memref_slice %arg2[%multiple_of3A_1960] : memref<8386560xf32, #tpu.memory_space<hbm>> -> memref<4112xf32, #tpu.memory_space<hbm>>
          %dma_start3A_2010 = arith.constant 0 : i32
          %dma_start3A_2011 = tpu.memref_slice %arg5[%dma_start3A_2010] : memref<4112xf32, #tpu.memory_space<vmem>> -> memref<4112xf32, #tpu.memory_space<vmem>>
          %dma_start3A_2012 = tpu.memref_slice %arg2[%multiple_of3A_1960] : memref<8386560xf32, #tpu.memory_space<hbm>> -> memref<4112xf32, #tpu.memory_space<hbm>>
          tpu.enqueue_dma source(%dma_start3A_2012 : memref<4112xf32, #tpu.memory_space<hbm>>) target(%dma_start3A_2011 : memref<4112xf32, #tpu.memory_space<vmem>>) target_semaphore(%arg13 : memref<!tpu.dma_semaphore, #tpu.memory_space<semaphore_mem>>)
        } else {
        }
        %eq3A_1967 = arith.constant 1 : i32
        %eq3A_1968 = arith.cmpi eq, %select_n3A_1923, %eq3A_1967 : i32
        %convert_element_type3A_1969 = arith.extui %eq3A_1968 : i1 to i32
        %cond3A_1970 = arith.constant 0 : i32
        %cond3A_1971 = arith.cmpi ne, %convert_element_type3A_1969, %cond3A_1970 : i32
        scf.if %cond3A_1971 {
          %dma_start3A_2007 = arith.constant 0 : i32
          %dma_start3A_2008 = tpu.memref_slice %arg5[%dma_start3A_2007] : memref<4112xf32, #tpu.memory_space<vmem>> -> memref<3600xf32, #tpu.memory_space<vmem>>
          %dma_start3A_2009 = tpu.memref_slice %arg2[%multiple_of3A_1960] : memref<8386560xf32, #tpu.memory_space<hbm>> -> memref<3600xf32, #tpu.memory_space<hbm>>
          %dma_start3A_2010 = arith.constant 0 : i32
          %dma_start3A_2011 = tpu.memref_slice %arg5[%dma_start3A_2010] : memref<4112xf32, #tpu.memory_space<vmem>> -> memref<3600xf32, #tpu.memory_space<vmem>>
          %dma_start3A_2012 = tpu.memref_slice %arg2[%multiple_of3A_1960] : memref<8386560xf32, #tpu.memory_space<hbm>> -> memref<3600xf32, #tpu.memory_space<hbm>>
          tpu.enqueue_dma source(%dma_start3A_2012 : memref<3600xf32, #tpu.memory_space<hbm>>) target(%dma_start3A_2011 : memref<3600xf32, #tpu.memory_space<vmem>>) target_semaphore(%arg13 : memref<!tpu.dma_semaphore, #tpu.memory_space<semaphore_mem>>)
        } else {
        }
        %eq3A_1972 = arith.constant 2 : i32
        %eq3A_1973 = arith.cmpi eq, %select_n3A_1923, %eq3A_1972 : i32
        %convert_element_type3A_1974 = arith.extui %eq3A_1973 : i1 to i32
        %cond3A_1975 = arith.constant 0 : i32
        %cond3A_1976 = arith.cmpi ne, %convert_element_type3A_1974, %cond3A_1975 : i32
        scf.if %cond3A_1976 {
          %dma_start3A_2007 = arith.constant 0 : i32
          %dma_start3A_2008 = tpu.memref_slice %arg5[%dma_start3A_2007] : memref<4112xf32, #tpu.memory_space<vmem>> -> memref<3088xf32, #tpu.memory_space<vmem>>
          %dma_start3A_2009 = tpu.memref_slice %arg2[%multiple_of3A_1960] : memref<8386560xf32, #tpu.memory_space<hbm>> -> memref<3088xf32, #tpu.memory_space<hbm>>
          %dma_start3A_2010 = arith.constant 0 : i32
          %dma_start3A_2011 = tpu.memref_slice %arg5[%dma_start3A_2010] : memref<4112xf32, #tpu.memory_space<vmem>> -> memref<3088xf32, #tpu.memory_space<vmem>>
          %dma_start3A_2012 = tpu.memref_slice %arg2[%multiple_of3A_1960] : memref<8386560xf32, #tpu.memory_space<hbm>> -> memref<3088xf32, #tpu.memory_space<hbm>>
          tpu.enqueue_dma source(%dma_start3A_2012 : memref<3088xf32, #tpu.memory_space<hbm>>) target(%dma_start3A_2011 : memref<3088xf32, #tpu.memory_space<vmem>>) target_semaphore(%arg13 : memref<!tpu.dma_semaphore, #tpu.memory_space<semaphore_mem>>)
        } else {
        }
        %eq3A_1977 = arith.constant 3 : i32
        %eq3A_1978 = arith.cmpi eq, %select_n3A_1923, %eq3A_1977 : i32
        %convert_element_type3A_1979 = arith.extui %eq3A_1978 : i1 to i32
        %cond3A_1980 = arith.constant 0 : i32
        %cond3A_1981 = arith.cmpi ne, %convert_element_type3A_1979, %cond3A_1980 : i32
        scf.if %cond3A_1981 {
          %dma_start3A_2007 = arith.constant 0 : i32
          %dma_start3A_2008 = tpu.memref_slice %arg5[%dma_start3A_2007] : memref<4112xf32, #tpu.memory_space<vmem>> -> memref<2576xf32, #tpu.memory_space<vmem>>
          %dma_start3A_2009 = tpu.memref_slice %arg2[%multiple_of3A_1960] : memref<8386560xf32, #tpu.memory_space<hbm>> -> memref<2576xf32, #tpu.memory_space<hbm>>
          %dma_start3A_2010 = arith.constant 0 : i32
          %dma_start3A_2011 = tpu.memref_slice %arg5[%dma_start3A_2010] : memref<4112xf32, #tpu.memory_space<vmem>> -> memref<2576xf32, #tpu.memory_space<vmem>>
          %dma_start3A_2012 = tpu.memref_slice %arg2[%multiple_of3A_1960] : memref<8386560xf32, #tpu.memory_space<hbm>> -> memref<2576xf32, #tpu.memory_space<hbm>>
          tpu.enqueue_dma source(%dma_start3A_2012 : memref<2576xf32, #tpu.memory_space<hbm>>) target(%dma_start3A_2011 : memref<2576xf32, #tpu.memory_space<vmem>>) target_semaphore(%arg13 : memref<!tpu.dma_semaphore, #tpu.memory_space<semaphore_mem>>)
        } else {
        }
        %eq3A_1982 = arith.constant 4 : i32
        %eq3A_1983 = arith.cmpi eq, %select_n3A_1923, %eq3A_1982 : i32
        %convert_element_type3A_1984 = arith.extui %eq3A_1983 : i1 to i32
        %cond3A_1985 = arith.constant 0 : i32
        %cond3A_1986 = arith.cmpi ne, %convert_element_type3A_1984, %cond3A_1985 : i32
        scf.if %cond3A_1986 {
          %dma_start3A_2007 = arith.constant 0 : i32
          %dma_start3A_2008 = tpu.memref_slice %arg5[%dma_start3A_2007] : memref<4112xf32, #tpu.memory_space<vmem>> -> memref<2064xf32, #tpu.memory_space<vmem>>
          %dma_start3A_2009 = tpu.memref_slice %arg2[%multiple_of3A_1960] : memref<8386560xf32, #tpu.memory_space<hbm>> -> memref<2064xf32, #tpu.memory_space<hbm>>
          %dma_start3A_2010 = arith.constant 0 : i32
          %dma_start3A_2011 = tpu.memref_slice %arg5[%dma_start3A_2010] : memref<4112xf32, #tpu.memory_space<vmem>> -> memref<2064xf32, #tpu.memory_space<vmem>>
          %dma_start3A_2012 = tpu.memref_slice %arg2[%multiple_of3A_1960] : memref<8386560xf32, #tpu.memory_space<hbm>> -> memref<2064xf32, #tpu.memory_space<hbm>>
          tpu.enqueue_dma source(%dma_start3A_2012 : memref<2064xf32, #tpu.memory_space<hbm>>) target(%dma_start3A_2011 : memref<2064xf32, #tpu.memory_space<vmem>>) target_semaphore(%arg13 : memref<!tpu.dma_semaphore, #tpu.memory_space<semaphore_mem>>)
        } else {
        }
        %eq3A_1987 = arith.constant 5 : i32
        %eq3A_1988 = arith.cmpi eq, %select_n3A_1923, %eq3A_1987 : i32
        %convert_element_type3A_1989 = arith.extui %eq3A_1988 : i1 to i32
        %cond3A_1990 = arith.constant 0 : i32
        %cond3A_1991 = arith.cmpi ne, %convert_element_type3A_1989, %cond3A_1990 : i32
        scf.if %cond3A_1991 {
          %dma_start3A_2007 = arith.constant 0 : i32
          %dma_start3A_2008 = tpu.memref_slice %arg5[%dma_start3A_2007] : memref<4112xf32, #tpu.memory_space<vmem>> -> memref<1552xf32, #tpu.memory_space<vmem>>
          %dma_start3A_2009 = tpu.memref_slice %arg2[%multiple_of3A_1960] : memref<8386560xf32, #tpu.memory_space<hbm>> -> memref<1552xf32, #tpu.memory_space<hbm>>
          %dma_start3A_2010 = arith.constant 0 : i32
          %dma_start3A_2011 = tpu.memref_slice %arg5[%dma_start3A_2010] : memref<4112xf32, #tpu.memory_space<vmem>> -> memref<1552xf32, #tpu.memory_space<vmem>>
          %dma_start3A_2012 = tpu.memref_slice %arg2[%multiple_of3A_1960] : memref<8386560xf32, #tpu.memory_space<hbm>> -> memref<1552xf32, #tpu.memory_space<hbm>>
          tpu.enqueue_dma source(%dma_start3A_2012 : memref<1552xf32, #tpu.memory_space<hbm>>) target(%dma_start3A_2011 : memref<1552xf32, #tpu.memory_space<vmem>>) target_semaphore(%arg13 : memref<!tpu.dma_semaphore, #tpu.memory_space<semaphore_mem>>)
        } else {
        }
        %eq3A_1992 = arith.constant 6 : i32
        %eq3A_1993 = arith.cmpi eq, %select_n3A_1923, %eq3A_1992 : i32
        %convert_element_type3A_1994 = arith.extui %eq3A_1993 : i1 to i32
        %cond3A_1995 = arith.constant 0 : i32
        %cond3A_1996 = arith.cmpi ne, %convert_element_type3A_1994, %cond3A_1995 : i32
        scf.if %cond3A_1996 {
          %dma_start3A_2007 = arith.constant 0 : i32
          %dma_start3A_2008 = tpu.memref_slice %arg5[%dma_start3A_2007] : memref<4112xf32, #tpu.memory_space<vmem>> -> memref<1040xf32, #tpu.memory_space<vmem>>
          %dma_start3A_2009 = tpu.memref_slice %arg2[%multiple_of3A_1960] : memref<8386560xf32, #tpu.memory_space<hbm>> -> memref<1040xf32, #tpu.memory_space<hbm>>
          %dma_start3A_2010 = arith.constant 0 : i32
          %dma_start3A_2011 = tpu.memref_slice %arg5[%dma_start3A_2010] : memref<4112xf32, #tpu.memory_space<vmem>> -> memref<1040xf32, #tpu.memory_space<vmem>>
          %dma_start3A_2012 = tpu.memref_slice %arg2[%multiple_of3A_1960] : memref<8386560xf32, #tpu.memory_space<hbm>> -> memref<1040xf32, #tpu.memory_space<hbm>>
          tpu.enqueue_dma source(%dma_start3A_2012 : memref<1040xf32, #tpu.memory_space<hbm>>) target(%dma_start3A_2011 : memref<1040xf32, #tpu.memory_space<vmem>>) target_semaphore(%arg13 : memref<!tpu.dma_semaphore, #tpu.memory_space<semaphore_mem>>)
        } else {
        }
        %eq3A_1997 = arith.constant 7 : i32
        %eq3A_1998 = arith.cmpi eq, %select_n3A_1923, %eq3A_1997 : i32
        %convert_element_type3A_1999 = arith.extui %eq3A_1998 : i1 to i32
        %cond3A_2000 = arith.constant 0 : i32
        %cond3A_2001 = arith.cmpi ne, %convert_element_type3A_1999, %cond3A_2000 : i32
        scf.if %cond3A_2001 {
          %dma_start3A_2007 = arith.constant 0 : i32
          %dma_start3A_2008 = tpu.memref_slice %arg5[%dma_start3A_2007] : memref<4112xf32, #tpu.memory_space<vmem>> -> memref<528xf32, #tpu.memory_space<vmem>>
          %dma_start3A_2009 = tpu.memref_slice %arg2[%multiple_of3A_1960] : memref<8386560xf32, #tpu.memory_space<hbm>> -> memref<528xf32, #tpu.memory_space<hbm>>
          %dma_start3A_2010 = arith.constant 0 : i32
          %dma_start3A_2011 = tpu.memref_slice %arg5[%dma_start3A_2010] : memref<4112xf32, #tpu.memory_space<vmem>> -> memref<528xf32, #tpu.memory_space<vmem>>
          %dma_start3A_2012 = tpu.memref_slice %arg2[%multiple_of3A_1960] : memref<8386560xf32, #tpu.memory_space<hbm>> -> memref<528xf32, #tpu.memory_space<hbm>>
          tpu.enqueue_dma source(%dma_start3A_2012 : memref<528xf32, #tpu.memory_space<hbm>>) target(%dma_start3A_2011 : memref<528xf32, #tpu.memory_space<vmem>>) target_semaphore(%arg13 : memref<!tpu.dma_semaphore, #tpu.memory_space<semaphore_mem>>)
        } else {
        }
        %eq3A_2002 = arith.constant 8 : i32
        %eq3A_2003 = arith.cmpi eq, %select_n3A_1923, %eq3A_2002 : i32
        %convert_element_type3A_2004 = arith.extui %eq3A_2003 : i1 to i32
        %cond3A_2005 = arith.constant 0 : i32
        %cond3A_2006 = arith.cmpi ne, %convert_element_type3A_2004, %cond3A_2005 : i32
        scf.if %cond3A_2006 {
          %dma_start3A_2007 = arith.constant 0 : i32
          %dma_start3A_2008 = tpu.memref_slice %arg5[%dma_start3A_2007] : memref<4112xf32, #tpu.memory_space<vmem>> -> memref<16xf32, #tpu.memory_space<vmem>>
          %dma_start3A_2009 = tpu.memref_slice %arg2[%multiple_of3A_1960] : memref<8386560xf32, #tpu.memory_space<hbm>> -> memref<16xf32, #tpu.memory_space<hbm>>
          %dma_start3A_2010 = arith.constant 0 : i32
          %dma_start3A_2011 = tpu.memref_slice %arg5[%dma_start3A_2010] : memref<4112xf32, #tpu.memory_space<vmem>> -> memref<16xf32, #tpu.memory_space<vmem>>
          %dma_start3A_2012 = tpu.memref_slice %arg2[%multiple_of3A_1960] : memref<8386560xf32, #tpu.memory_space<hbm>> -> memref<16xf32, #tpu.memory_space<hbm>>
          tpu.enqueue_dma source(%dma_start3A_2012 : memref<16xf32, #tpu.memory_space<hbm>>) target(%dma_start3A_2011 : memref<16xf32, #tpu.memory_space<vmem>>) target_semaphore(%arg13 : memref<!tpu.dma_semaphore, #tpu.memory_space<semaphore_mem>>)
        } else {
        }
      } else {
      }
      %gt3A_1366 = arith.constant 0 : i32
      %gt3A_1367 = arith.cmpi sgt, %scan3A_528, %gt3A_1366 : i32
      %convert_element_type3A_1368 = arith.extui %gt3A_1367 : i1 to i32
      %cond3A_1369 = arith.constant 0 : i32
      %cond3A_1370 = arith.cmpi ne, %convert_element_type3A_1368, %cond3A_1369 : i32
      scf.if %cond3A_1370 {
        %dma_wait3A_1833 = arith.constant 0 : i32
        %dma_wait3A_1834 = arith.constant 0 : i32
        %dma_wait3A_1835 = tpu.memref_slice %arg3[%dma_wait3A_1833, %dma_wait3A_1834] : memref<4096x4096xf32, #tpu.memory_space<hbm>> -> memref<1x4096xf32, #tpu.memory_space<hbm>>
        %dma_wait3A_1836 = tpu.memref_squeeze %dma_wait3A_1835 : memref<1x4096xf32, #tpu.memory_space<hbm>> -> memref<4096xf32, #tpu.memory_space<hbm>>
        %dma_wait3A_1837 = arith.constant 0 : i32
        %dma_wait3A_1838 = tpu.memref_slice %arg3[%dma_wait3A_1833, %dma_wait3A_1837] : memref<4096x4096xf32, #tpu.memory_space<hbm>> -> memref<1x4096xf32, #tpu.memory_space<hbm>>
        %dma_wait3A_1839 = tpu.memref_squeeze %dma_wait3A_1838 : memref<1x4096xf32, #tpu.memory_space<hbm>> -> memref<4096xf32, #tpu.memory_space<hbm>>
        tpu.wait_dma2 semaphore(%arg18 : memref<!tpu.dma_semaphore, #tpu.memory_space<semaphore_mem>>) src(%arg10 : memref<4096xf32, #tpu.memory_space<vmem>>) dst(%dma_wait3A_1839 : memref<4096xf32, #tpu.memory_space<hbm>>)
      } else {
      }
      %mul3A_1371 = arith.constant 4094 : i32
      %mul3A_1372 = arith.muli %add3A_1186, %mul3A_1371 : i32
      %sub3A_1373 = arith.constant 1 : i32
      %sub3A_1374 = arith.subi %add3A_1186, %sub3A_1373 : i32
      %mul3A_1375 = arith.muli %add3A_1186, %sub3A_1374 : i32
      %jit3A_1376 = arith.constant 2 : i32
      %div3A_1377 = arith.divsi %mul3A_1375, %jit3A_1376 : i32
      %sign3A_1378 = arith.constant 0 : i32
      %sign3A_1379 = arith.cmpi sgt, %mul3A_1375, %sign3A_1378 : i32
      %sign3A_1380 = arith.extui %sign3A_1379 : i1 to i32
      %sign3A_1381 = arith.constant 0 : i32
      %sign3A_1382 = arith.cmpi slt, %mul3A_1375, %sign3A_1381 : i32
      %sign3A_1383 = arith.extui %sign3A_1382 : i1 to i32
      %sign3A_1384 = arith.subi %sign3A_1380, %sign3A_1383 : i32
      %sign3A_1385 = arith.constant 0 : i32
      %sign3A_1386 = arith.cmpi sgt, %jit3A_1376, %sign3A_1385 : i32
      %sign3A_1387 = arith.extui %sign3A_1386 : i1 to i32
      %sign3A_1388 = arith.constant 0 : i32
      %sign3A_1389 = arith.cmpi slt, %jit3A_1376, %sign3A_1388 : i32
      %sign3A_1390 = arith.extui %sign3A_1389 : i1 to i32
      %sign3A_1391 = arith.subi %sign3A_1387, %sign3A_1390 : i32
      %ne3A_1392 = arith.cmpi ne, %sign3A_1384, %sign3A_1391 : i32
      %rem3A_1393 = arith.remsi %mul3A_1375, %jit3A_1376 : i32
      %ne3A_1394 = arith.constant 0 : i32
      %ne3A_1395 = arith.cmpi ne, %rem3A_1393, %ne3A_1394 : i32
      %and3A_1396 = arith.andi %ne3A_1392, %ne3A_1395 : i1
      %sub3A_1397 = arith.constant 1 : i32
      %sub3A_1398 = arith.subi %div3A_1377, %sub3A_1397 : i32
      %select_n3A_1399 = arith.select %and3A_1396, %sub3A_1398, %div3A_1377 : i32
      %sub3A_1400 = arith.subi %mul3A_1372, %select_n3A_1399 : i32
      %sub3A_1401 = arith.constant 1 : i32
      %sub3A_1402 = arith.subi %sub3A_1400, %sub3A_1401 : i32
      %add3A_1403 = arith.constant 1 : i32
      %add3A_1404 = arith.addi %add3A_1186, %add3A_1403 : i32
      %jit3A_1405 = arith.constant 16 : i32
      %div3A_1406 = arith.divsi %add3A_1404, %jit3A_1405 : i32
      %sign3A_1407 = arith.constant 0 : i32
      %sign3A_1408 = arith.cmpi sgt, %add3A_1404, %sign3A_1407 : i32
      %sign3A_1409 = arith.extui %sign3A_1408 : i1 to i32
      %sign3A_1410 = arith.constant 0 : i32
      %sign3A_1411 = arith.cmpi slt, %add3A_1404, %sign3A_1410 : i32
      %sign3A_1412 = arith.extui %sign3A_1411 : i1 to i32
      %sign3A_1413 = arith.subi %sign3A_1409, %sign3A_1412 : i32
      %sign3A_1414 = arith.constant 0 : i32
      %sign3A_1415 = arith.cmpi sgt, %jit3A_1405, %sign3A_1414 : i32
      %sign3A_1416 = arith.extui %sign3A_1415 : i1 to i32
      %sign3A_1417 = arith.constant 0 : i32
      %sign3A_1418 = arith.cmpi slt, %jit3A_1405, %sign3A_1417 : i32
      %sign3A_1419 = arith.extui %sign3A_1418 : i1 to i32
      %sign3A_1420 = arith.subi %sign3A_1416, %sign3A_1419 : i32
      %ne3A_1421 = arith.cmpi ne, %sign3A_1413, %sign3A_1420 : i32
      %rem3A_1422 = arith.remsi %add3A_1404, %jit3A_1405 : i32
      %ne3A_1423 = arith.constant 0 : i32
      %ne3A_1424 = arith.cmpi ne, %rem3A_1422, %ne3A_1423 : i32
      %and3A_1425 = arith.andi %ne3A_1421, %ne3A_1424 : i1
      %sub3A_1426 = arith.constant 1 : i32
      %sub3A_1427 = arith.subi %div3A_1406, %sub3A_1426 : i32
      %select_n3A_1428 = arith.select %and3A_1425, %sub3A_1427, %div3A_1406 : i32
      %jit3A_1429 = arith.constant 32 : i32
      %div3A_1430 = arith.divsi %select_n3A_1428, %jit3A_1429 : i32
      %sign3A_1431 = arith.constant 0 : i32
      %sign3A_1432 = arith.cmpi sgt, %select_n3A_1428, %sign3A_1431 : i32
      %sign3A_1433 = arith.extui %sign3A_1432 : i1 to i32
      %sign3A_1434 = arith.constant 0 : i32
      %sign3A_1435 = arith.cmpi slt, %select_n3A_1428, %sign3A_1434 : i32
      %sign3A_1436 = arith.extui %sign3A_1435 : i1 to i32
      %sign3A_1437 = arith.subi %sign3A_1433, %sign3A_1436 : i32
      %sign3A_1438 = arith.constant 0 : i32
      %sign3A_1439 = arith.cmpi sgt, %jit3A_1429, %sign3A_1438 : i32
      %sign3A_1440 = arith.extui %sign3A_1439 : i1 to i32
      %sign3A_1441 = arith.constant 0 : i32
      %sign3A_1442 = arith.cmpi slt, %jit3A_1429, %sign3A_1441 : i32
      %sign3A_1443 = arith.extui %sign3A_1442 : i1 to i32
      %sign3A_1444 = arith.subi %sign3A_1440, %sign3A_1443 : i32
      %ne3A_1445 = arith.cmpi ne, %sign3A_1437, %sign3A_1444 : i32
      %rem3A_1446 = arith.remsi %select_n3A_1428, %jit3A_1429 : i32
      %ne3A_1447 = arith.constant 0 : i32
      %ne3A_1448 = arith.cmpi ne, %rem3A_1446, %ne3A_1447 : i32
      %and3A_1449 = arith.andi %ne3A_1445, %ne3A_1448 : i1
      %sub3A_1450 = arith.constant 1 : i32
      %sub3A_1451 = arith.subi %div3A_1430, %sub3A_1450 : i32
      %select_n3A_1452 = arith.select %and3A_1449, %sub3A_1451, %div3A_1430 : i32
      %mul3A_1453 = arith.constant 512 : i32
      %mul3A_1454 = arith.muli %select_n3A_1452, %mul3A_1453 : i32
      %sub3A_1455 = arith.constant 4112 : i32
      %sub3A_1456 = arith.subi %sub3A_1455, %mul3A_1454 : i32
      %add3A_1457 = arith.addi %sub3A_1402, %mul3A_1454 : i32
      %jit3A_1458 = arith.constant 16 : i32
      %div3A_1459 = arith.divsi %add3A_1457, %jit3A_1458 : i32
      %sign3A_1460 = arith.constant 0 : i32
      %sign3A_1461 = arith.cmpi sgt, %add3A_1457, %sign3A_1460 : i32
      %sign3A_1462 = arith.extui %sign3A_1461 : i1 to i32
      %sign3A_1463 = arith.constant 0 : i32
      %sign3A_1464 = arith.cmpi slt, %add3A_1457, %sign3A_1463 : i32
      %sign3A_1465 = arith.extui %sign3A_1464 : i1 to i32
      %sign3A_1466 = arith.subi %sign3A_1462, %sign3A_1465 : i32
      %sign3A_1467 = arith.constant 0 : i32
      %sign3A_1468 = arith.cmpi sgt, %jit3A_1458, %sign3A_1467 : i32
      %sign3A_1469 = arith.extui %sign3A_1468 : i1 to i32
      %sign3A_1470 = arith.constant 0 : i32
      %sign3A_1471 = arith.cmpi slt, %jit3A_1458, %sign3A_1470 : i32
      %sign3A_1472 = arith.extui %sign3A_1471 : i1 to i32
      %sign3A_1473 = arith.subi %sign3A_1469, %sign3A_1472 : i32
      %ne3A_1474 = arith.cmpi ne, %sign3A_1466, %sign3A_1473 : i32
      %rem3A_1475 = arith.remsi %add3A_1457, %jit3A_1458 : i32
      %ne3A_1476 = arith.constant 0 : i32
      %ne3A_1477 = arith.cmpi ne, %rem3A_1475, %ne3A_1476 : i32
      %and3A_1478 = arith.andi %ne3A_1474, %ne3A_1477 : i1
      %sub3A_1479 = arith.constant 1 : i32
      %sub3A_1480 = arith.subi %div3A_1459, %sub3A_1479 : i32
      %select_n3A_1481 = arith.select %and3A_1478, %sub3A_1480, %div3A_1459 : i32
      %mul3A_1482 = arith.constant 16 : i32
      %mul3A_1483 = arith.muli %select_n3A_1481, %mul3A_1482 : i32
      %sub3A_1484 = arith.constant 8386560 : i32
      %sub3A_1485 = arith.subi %sub3A_1484, %sub3A_1456 : i32
      %jit3A_1486 = arith.constant 0 : i32
      %max3A_1487 = arith.maxsi %jit3A_1486, %mul3A_1483 : i32
      %min3A_1488 = arith.minsi %sub3A_1485, %max3A_1487 : i32
      %multiple_of3A_1489 = tpu.assume_multiple %min3A_1488, 16 : i32
      %sub3A_1490 = arith.subi %sub3A_1402, %multiple_of3A_1489 : i32
      %lt3A_1491 = arith.constant 4095 : i32
      %lt3A_1492 = arith.cmpi slt, %add3A_1186, %lt3A_1491 : i32
      %convert_element_type3A_1493 = arith.extui %lt3A_1492 : i1 to i32
      %cond3A_1494 = arith.constant 0 : i32
      %cond3A_1495 = arith.cmpi ne, %convert_element_type3A_1493, %cond3A_1494 : i32
      scf.if %cond3A_1495 {
        %mul3A_1833 = arith.constant 16 : i32
        %mul3A_1834 = arith.muli %select_n3A_1428, %mul3A_1833 : i32
        %add3A_1835 = arith.addi %sub3A_1490, %mul3A_1834 : i32
        %add3A_1836 = vector.broadcast %add3A_1835 : i32 to vector<16xi32>
        %add3A_1837 = arith.addi %iota3A, %add3A_1836 : vector<16xi32>
        %max3A_1838 = arith.constant 0 : i32
        %max3A_1839 = vector.broadcast %max3A_1838 : i32 to vector<16xi32>
        %max3A_1840 = arith.maxsi %add3A_1837, %max3A_1839 : vector<16xi32>
        %gather3A = tpu.vector_load_idx %arg6[%max3A_1840] : memref<4112xf32, #tpu.memory_space<vmem>>[vector<16xi32>], vector<16xf32>,
        %add3A_1841 = vector.broadcast %mul3A_1834 : i32 to vector<16xi32>
        %add3A_1842 = arith.addi %iota3A, %add3A_1841 : vector<16xi32>
        %add3A_1843 = arith.constant 1 : i32
        %add3A_1844 = arith.addi %add3A_1186, %add3A_1843 : i32
        %ge3A = vector.broadcast %add3A_1844 : i32 to vector<16xi32>
        %ge3A_1845 = arith.cmpi sge, %add3A_1842, %ge3A : vector<16xi32>
        %jit3A_1846 = arith.constant 0.000000e+00 : f32
        %broadcast_in_dim3A = vector.broadcast %jit3A_1846 : f32 to vector<16xf32>
        %select_n3A_1847 = arith.select %ge3A_1845, %gather3A, %broadcast_in_dim3A : vector<16xi1>, vector<16xf32>
        %swap3A = arith.index_cast %mul3A_1834 : i32 to index
        %swap3A_1848 = tpu.vector_load %arg10[%swap3A] {strides = array<i32>} : memref<4096xf32, #tpu.memory_space<vmem>>, vector<16xf32>,
        tpu.vector_store %arg10[%swap3A], %select_n3A_1847 {strides = array<i32>} : memref<4096xf32, #tpu.memory_space<vmem>>, vector<16xf32>,
      } else {
      }
      %add3A_1496 = arith.constant 1 : i32
      %add3A_1497 = arith.addi %select_n3A_1428, %add3A_1496 : i32
      %parallel_loop3A_1498 = arith.constant 256 : i32
      %parallel_loop3A_1499 = arith.constant 1 : i32
      scf.for %parallel_loop3A_1833 = %add3A_1497 to %parallel_loop3A_1498 step %parallel_loop3A_1499  : i32 {
        %parallel_loop3A_1834 = arith.constant 16 : i32
        %parallel_loop3A_1835 = arith.muli %parallel_loop3A_1833, %parallel_loop3A_1834 : i32
        %parallel_loop3A_1836 = arith.addi %sub3A_1490, %parallel_loop3A_1835 : i32
        %parallel_loop3A_1837 = vector.broadcast %parallel_loop3A_1836 : i32 to vector<16xi32>
        %parallel_loop3A_1838 = arith.addi %iota3A, %parallel_loop3A_1837 : vector<16xi32>
        %parallel_loop3A_1839 = tpu.vector_load_idx %arg6[%parallel_loop3A_1838] : memref<4112xf32, #tpu.memory_space<vmem>>[vector<16xi32>], vector<16xf32>,
        %parallel_loop3A_1840 = arith.index_cast %parallel_loop3A_1835 : i32 to index
        %parallel_loop3A_1841 = tpu.vector_load %arg10[%parallel_loop3A_1840] {strides = array<i32>} : memref<4096xf32, #tpu.memory_space<vmem>>, vector<16xf32>,
        tpu.vector_store %arg10[%parallel_loop3A_1840], %parallel_loop3A_1839 {strides = array<i32>} : memref<4096xf32, #tpu.memory_space<vmem>>, vector<16xf32>,
      } {sc.loop_unroll_factor = 8 : i64, sc.parallel_access}
      %dma_start3A_1500 = arith.constant 0 : i32
      %dma_start3A_1501 = tpu.memref_slice %arg3[%add3A_1186, %dma_start3A_1500] : memref<4096x4096xf32, #tpu.memory_space<hbm>> -> memref<1x4096xf32, #tpu.memory_space<hbm>>
      %dma_start3A_1502 = tpu.memref_squeeze %dma_start3A_1501 : memref<1x4096xf32, #tpu.memory_space<hbm>> -> memref<4096xf32, #tpu.memory_space<hbm>>
      %dma_start3A_1503 = arith.constant 0 : i32
      %dma_start3A_1504 = tpu.memref_slice %arg3[%add3A_1186, %dma_start3A_1503] : memref<4096x4096xf32, #tpu.memory_space<hbm>> -> memref<1x4096xf32, #tpu.memory_space<hbm>>
      %dma_start3A_1505 = tpu.memref_squeeze %dma_start3A_1504 : memref<1x4096xf32, #tpu.memory_space<hbm>> -> memref<4096xf32, #tpu.memory_space<hbm>>
      tpu.enqueue_dma source(%arg10 : memref<4096xf32, #tpu.memory_space<vmem>>) target(%dma_start3A_1505 : memref<4096xf32, #tpu.memory_space<hbm>>) target_semaphore(%arg18 : memref<!tpu.dma_semaphore, #tpu.memory_space<semaphore_mem>>)
      %add3A_1506 = arith.constant 3 : i32
      %add3A_1507 = arith.addi %mul3A_531, %add3A_1506 : i32
      %sub3A_1508 = arith.constant 127 : i32
      %sub3A_1509 = arith.subi %sub3A_1508, %add3A_1507 : i32
      %mul3A_1510 = arith.constant 32 : i32
      %mul3A_1511 = arith.muli %sub3A_1509, %mul3A_1510 : i32
      %add3A_1512 = arith.addi %add3A, %mul3A_1511 : i32
      %sub3A_1513 = arith.constant 127 : i32
      %sub3A_1514 = arith.subi %sub3A_1513, %add3A_1507 : i32
      %mul3A_1515 = arith.constant 32 : i32
      %mul3A_1516 = arith.muli %sub3A_1514, %mul3A_1515 : i32
      %add3A_1517 = arith.addi %add3A, %mul3A_1516 : i32
      %mul3A_1518 = arith.constant 4094 : i32
      %mul3A_1519 = arith.muli %add3A_1517, %mul3A_1518 : i32
      %sub3A_1520 = arith.constant 1 : i32
      %sub3A_1521 = arith.subi %add3A_1517, %sub3A_1520 : i32
      %mul3A_1522 = arith.muli %add3A_1517, %sub3A_1521 : i32
      %jit3A_1523 = arith.constant 2 : i32
      %div3A_1524 = arith.divsi %mul3A_1522, %jit3A_1523 : i32
      %sign3A_1525 = arith.constant 0 : i32
      %sign3A_1526 = arith.cmpi sgt, %mul3A_1522, %sign3A_1525 : i32
      %sign3A_1527 = arith.extui %sign3A_1526 : i1 to i32
      %sign3A_1528 = arith.constant 0 : i32
      %sign3A_1529 = arith.cmpi slt, %mul3A_1522, %sign3A_1528 : i32
      %sign3A_1530 = arith.extui %sign3A_1529 : i1 to i32
      %sign3A_1531 = arith.subi %sign3A_1527, %sign3A_1530 : i32
      %sign3A_1532 = arith.constant 0 : i32
      %sign3A_1533 = arith.cmpi sgt, %jit3A_1523, %sign3A_1532 : i32
      %sign3A_1534 = arith.extui %sign3A_1533 : i1 to i32
      %sign3A_1535 = arith.constant 0 : i32
      %sign3A_1536 = arith.cmpi slt, %jit3A_1523, %sign3A_1535 : i32
      %sign3A_1537 = arith.extui %sign3A_1536 : i1 to i32
      %sign3A_1538 = arith.subi %sign3A_1534, %sign3A_1537 : i32
      %ne3A_1539 = arith.cmpi ne, %sign3A_1531, %sign3A_1538 : i32
      %rem3A_1540 = arith.remsi %mul3A_1522, %jit3A_1523 : i32
      %ne3A_1541 = arith.constant 0 : i32
      %ne3A_1542 = arith.cmpi ne, %rem3A_1540, %ne3A_1541 : i32
      %and3A_1543 = arith.andi %ne3A_1539, %ne3A_1542 : i1
      %sub3A_1544 = arith.constant 1 : i32
      %sub3A_1545 = arith.subi %div3A_1524, %sub3A_1544 : i32
      %select_n3A_1546 = arith.select %and3A_1543, %sub3A_1545, %div3A_1524 : i32
      %sub3A_1547 = arith.subi %mul3A_1519, %select_n3A_1546 : i32
      %sub3A_1548 = arith.constant 1 : i32
      %sub3A_1549 = arith.subi %sub3A_1547, %sub3A_1548 : i32
      %add3A_1550 = arith.constant 1 : i32
      %add3A_1551 = arith.addi %add3A_1517, %add3A_1550 : i32
      %jit3A_1552 = arith.constant 16 : i32
      %div3A_1553 = arith.divsi %add3A_1551, %jit3A_1552 : i32
      %sign3A_1554 = arith.constant 0 : i32
      %sign3A_1555 = arith.cmpi sgt, %add3A_1551, %sign3A_1554 : i32
      %sign3A_1556 = arith.extui %sign3A_1555 : i1 to i32
      %sign3A_1557 = arith.constant 0 : i32
      %sign3A_1558 = arith.cmpi slt, %add3A_1551, %sign3A_1557 : i32
      %sign3A_1559 = arith.extui %sign3A_1558 : i1 to i32
      %sign3A_1560 = arith.subi %sign3A_1556, %sign3A_1559 : i32
      %sign3A_1561 = arith.constant 0 : i32
      %sign3A_1562 = arith.cmpi sgt, %jit3A_1552, %sign3A_1561 : i32
      %sign3A_1563 = arith.extui %sign3A_1562 : i1 to i32
      %sign3A_1564 = arith.constant 0 : i32
      %sign3A_1565 = arith.cmpi slt, %jit3A_1552, %sign3A_1564 : i32
      %sign3A_1566 = arith.extui %sign3A_1565 : i1 to i32
      %sign3A_1567 = arith.subi %sign3A_1563, %sign3A_1566 : i32
      %ne3A_1568 = arith.cmpi ne, %sign3A_1560, %sign3A_1567 : i32
      %rem3A_1569 = arith.remsi %add3A_1551, %jit3A_1552 : i32
      %ne3A_1570 = arith.constant 0 : i32
      %ne3A_1571 = arith.cmpi ne, %rem3A_1569, %ne3A_1570 : i32
      %and3A_1572 = arith.andi %ne3A_1568, %ne3A_1571 : i1
      %sub3A_1573 = arith.constant 1 : i32
      %sub3A_1574 = arith.subi %div3A_1553, %sub3A_1573 : i32
      %select_n3A_1575 = arith.select %and3A_1572, %sub3A_1574, %div3A_1553 : i32
      %jit3A_1576 = arith.constant 32 : i32
      %div3A_1577 = arith.divsi %select_n3A_1575, %jit3A_1576 : i32
      %sign3A_1578 = arith.constant 0 : i32
      %sign3A_1579 = arith.cmpi sgt, %select_n3A_1575, %sign3A_1578 : i32
      %sign3A_1580 = arith.extui %sign3A_1579 : i1 to i32
      %sign3A_1581 = arith.constant 0 : i32
      %sign3A_1582 = arith.cmpi slt, %select_n3A_1575, %sign3A_1581 : i32
      %sign3A_1583 = arith.extui %sign3A_1582 : i1 to i32
      %sign3A_1584 = arith.subi %sign3A_1580, %sign3A_1583 : i32
      %sign3A_1585 = arith.constant 0 : i32
      %sign3A_1586 = arith.cmpi sgt, %jit3A_1576, %sign3A_1585 : i32
      %sign3A_1587 = arith.extui %sign3A_1586 : i1 to i32
      %sign3A_1588 = arith.constant 0 : i32
      %sign3A_1589 = arith.cmpi slt, %jit3A_1576, %sign3A_1588 : i32
      %sign3A_1590 = arith.extui %sign3A_1589 : i1 to i32
      %sign3A_1591 = arith.subi %sign3A_1587, %sign3A_1590 : i32
      %ne3A_1592 = arith.cmpi ne, %sign3A_1584, %sign3A_1591 : i32
      %rem3A_1593 = arith.remsi %select_n3A_1575, %jit3A_1576 : i32
      %ne3A_1594 = arith.constant 0 : i32
      %ne3A_1595 = arith.cmpi ne, %rem3A_1593, %ne3A_1594 : i32
      %and3A_1596 = arith.andi %ne3A_1592, %ne3A_1595 : i1
      %sub3A_1597 = arith.constant 1 : i32
      %sub3A_1598 = arith.subi %div3A_1577, %sub3A_1597 : i32
      %select_n3A_1599 = arith.select %and3A_1596, %sub3A_1598, %div3A_1577 : i32
      %mul3A_1600 = arith.constant 512 : i32
      %mul3A_1601 = arith.muli %select_n3A_1599, %mul3A_1600 : i32
      %sub3A_1602 = arith.constant 4112 : i32
      %sub3A_1603 = arith.subi %sub3A_1602, %mul3A_1601 : i32
      %add3A_1604 = arith.addi %sub3A_1549, %mul3A_1601 : i32
      %jit3A_1605 = arith.constant 16 : i32
      %div3A_1606 = arith.divsi %add3A_1604, %jit3A_1605 : i32
      %sign3A_1607 = arith.constant 0 : i32
      %sign3A_1608 = arith.cmpi sgt, %add3A_1604, %sign3A_1607 : i32
      %sign3A_1609 = arith.extui %sign3A_1608 : i1 to i32
      %sign3A_1610 = arith.constant 0 : i32
      %sign3A_1611 = arith.cmpi slt, %add3A_1604, %sign3A_1610 : i32
      %sign3A_1612 = arith.extui %sign3A_1611 : i1 to i32
      %sign3A_1613 = arith.subi %sign3A_1609, %sign3A_1612 : i32
      %sign3A_1614 = arith.constant 0 : i32
      %sign3A_1615 = arith.cmpi sgt, %jit3A_1605, %sign3A_1614 : i32
      %sign3A_1616 = arith.extui %sign3A_1615 : i1 to i32
      %sign3A_1617 = arith.constant 0 : i32
      %sign3A_1618 = arith.cmpi slt, %jit3A_1605, %sign3A_1617 : i32
      %sign3A_1619 = arith.extui %sign3A_1618 : i1 to i32
      %sign3A_1620 = arith.subi %sign3A_1616, %sign3A_1619 : i32
      %ne3A_1621 = arith.cmpi ne, %sign3A_1613, %sign3A_1620 : i32
      %rem3A_1622 = arith.remsi %add3A_1604, %jit3A_1605 : i32
      %ne3A_1623 = arith.constant 0 : i32
      %ne3A_1624 = arith.cmpi ne, %rem3A_1622, %ne3A_1623 : i32
      %and3A_1625 = arith.andi %ne3A_1621, %ne3A_1624 : i1
      %sub3A_1626 = arith.constant 1 : i32
      %sub3A_1627 = arith.subi %div3A_1606, %sub3A_1626 : i32
      %select_n3A_1628 = arith.select %and3A_1625, %sub3A_1627, %div3A_1606 : i32
      %mul3A_1629 = arith.constant 16 : i32
      %mul3A_1630 = arith.muli %select_n3A_1628, %mul3A_1629 : i32
      %sub3A_1631 = arith.constant 8386560 : i32
      %sub3A_1632 = arith.subi %sub3A_1631, %sub3A_1603 : i32
      %jit3A_1633 = arith.constant 0 : i32
      %max3A_1634 = arith.maxsi %jit3A_1633, %mul3A_1630 : i32
      %min3A_1635 = arith.minsi %sub3A_1632, %max3A_1634 : i32
      %multiple_of3A_1636 = tpu.assume_multiple %min3A_1635, 16 : i32
      %sub3A_1637 = arith.subi %sub3A_1549, %multiple_of3A_1636 : i32
      %eq3A_1638 = arith.constant 0 : i32
      %eq3A_1639 = arith.cmpi eq, %select_n3A_1599, %eq3A_1638 : i32
      %convert_element_type3A_1640 = arith.extui %eq3A_1639 : i1 to i32
      %cond3A_1641 = arith.constant 0 : i32
      %cond3A_1642 = arith.cmpi ne, %convert_element_type3A_1640, %cond3A_1641 : i32
      scf.if %cond3A_1642 {
        %dma_wait3A_1833 = arith.constant 0 : i32
        %dma_wait3A_1834 = tpu.memref_slice %arg7[%dma_wait3A_1833] : memref<4112xf32, #tpu.memory_space<vmem>> -> memref<4112xf32, #tpu.memory_space<vmem>>
        %dma_wait3A_1835 = arith.constant 0 : i32
        %dma_wait3A_1836 = tpu.memref_slice %arg2[%dma_wait3A_1835] : memref<8386560xf32, #tpu.memory_space<hbm>> -> memref<4112xf32, #tpu.memory_space<hbm>>
        %dma_wait3A_1837 = arith.constant 0 : i32
        %dma_wait3A_1838 = tpu.memref_slice %arg7[%dma_wait3A_1837] : memref<4112xf32, #tpu.memory_space<vmem>> -> memref<4112xf32, #tpu.memory_space<vmem>>
        %dma_wait3A_1839 = arith.constant 0 : i32
        %dma_wait3A_1840 = tpu.memref_slice %arg2[%dma_wait3A_1839] : memref<8386560xf32, #tpu.memory_space<hbm>> -> memref<4112xf32, #tpu.memory_space<hbm>>
        tpu.wait_dma2 semaphore(%arg15 : memref<!tpu.dma_semaphore, #tpu.memory_space<semaphore_mem>>) src(%dma_wait3A_1840 : memref<4112xf32, #tpu.memory_space<hbm>>) dst(%dma_wait3A_1838 : memref<4112xf32, #tpu.memory_space<vmem>>)
      } else {
      }
      %eq3A_1643 = arith.constant 1 : i32
      %eq3A_1644 = arith.cmpi eq, %select_n3A_1599, %eq3A_1643 : i32
      %convert_element_type3A_1645 = arith.extui %eq3A_1644 : i1 to i32
      %cond3A_1646 = arith.constant 0 : i32
      %cond3A_1647 = arith.cmpi ne, %convert_element_type3A_1645, %cond3A_1646 : i32
      scf.if %cond3A_1647 {
        %dma_wait3A_1833 = arith.constant 0 : i32
        %dma_wait3A_1834 = tpu.memref_slice %arg7[%dma_wait3A_1833] : memref<4112xf32, #tpu.memory_space<vmem>> -> memref<3600xf32, #tpu.memory_space<vmem>>
        %dma_wait3A_1835 = arith.constant 0 : i32
        %dma_wait3A_1836 = tpu.memref_slice %arg2[%dma_wait3A_1835] : memref<8386560xf32, #tpu.memory_space<hbm>> -> memref<3600xf32, #tpu.memory_space<hbm>>
        %dma_wait3A_1837 = arith.constant 0 : i32
        %dma_wait3A_1838 = tpu.memref_slice %arg7[%dma_wait3A_1837] : memref<4112xf32, #tpu.memory_space<vmem>> -> memref<3600xf32, #tpu.memory_space<vmem>>
        %dma_wait3A_1839 = arith.constant 0 : i32
        %dma_wait3A_1840 = tpu.memref_slice %arg2[%dma_wait3A_1839] : memref<8386560xf32, #tpu.memory_space<hbm>> -> memref<3600xf32, #tpu.memory_space<hbm>>
        tpu.wait_dma2 semaphore(%arg15 : memref<!tpu.dma_semaphore, #tpu.memory_space<semaphore_mem>>) src(%dma_wait3A_1840 : memref<3600xf32, #tpu.memory_space<hbm>>) dst(%dma_wait3A_1838 : memref<3600xf32, #tpu.memory_space<vmem>>)
      } else {
      }
      %eq3A_1648 = arith.constant 2 : i32
      %eq3A_1649 = arith.cmpi eq, %select_n3A_1599, %eq3A_1648 : i32
      %convert_element_type3A_1650 = arith.extui %eq3A_1649 : i1 to i32
      %cond3A_1651 = arith.constant 0 : i32
      %cond3A_1652 = arith.cmpi ne, %convert_element_type3A_1650, %cond3A_1651 : i32
      scf.if %cond3A_1652 {
        %dma_wait3A_1833 = arith.constant 0 : i32
        %dma_wait3A_1834 = tpu.memref_slice %arg7[%dma_wait3A_1833] : memref<4112xf32, #tpu.memory_space<vmem>> -> memref<3088xf32, #tpu.memory_space<vmem>>
        %dma_wait3A_1835 = arith.constant 0 : i32
        %dma_wait3A_1836 = tpu.memref_slice %arg2[%dma_wait3A_1835] : memref<8386560xf32, #tpu.memory_space<hbm>> -> memref<3088xf32, #tpu.memory_space<hbm>>
        %dma_wait3A_1837 = arith.constant 0 : i32
        %dma_wait3A_1838 = tpu.memref_slice %arg7[%dma_wait3A_1837] : memref<4112xf32, #tpu.memory_space<vmem>> -> memref<3088xf32, #tpu.memory_space<vmem>>
        %dma_wait3A_1839 = arith.constant 0 : i32
        %dma_wait3A_1840 = tpu.memref_slice %arg2[%dma_wait3A_1839] : memref<8386560xf32, #tpu.memory_space<hbm>> -> memref<3088xf32, #tpu.memory_space<hbm>>
        tpu.wait_dma2 semaphore(%arg15 : memref<!tpu.dma_semaphore, #tpu.memory_space<semaphore_mem>>) src(%dma_wait3A_1840 : memref<3088xf32, #tpu.memory_space<hbm>>) dst(%dma_wait3A_1838 : memref<3088xf32, #tpu.memory_space<vmem>>)
      } else {
      }
      %eq3A_1653 = arith.constant 3 : i32
      %eq3A_1654 = arith.cmpi eq, %select_n3A_1599, %eq3A_1653 : i32
      %convert_element_type3A_1655 = arith.extui %eq3A_1654 : i1 to i32
      %cond3A_1656 = arith.constant 0 : i32
      %cond3A_1657 = arith.cmpi ne, %convert_element_type3A_1655, %cond3A_1656 : i32
      scf.if %cond3A_1657 {
        %dma_wait3A_1833 = arith.constant 0 : i32
        %dma_wait3A_1834 = tpu.memref_slice %arg7[%dma_wait3A_1833] : memref<4112xf32, #tpu.memory_space<vmem>> -> memref<2576xf32, #tpu.memory_space<vmem>>
        %dma_wait3A_1835 = arith.constant 0 : i32
        %dma_wait3A_1836 = tpu.memref_slice %arg2[%dma_wait3A_1835] : memref<8386560xf32, #tpu.memory_space<hbm>> -> memref<2576xf32, #tpu.memory_space<hbm>>
        %dma_wait3A_1837 = arith.constant 0 : i32
        %dma_wait3A_1838 = tpu.memref_slice %arg7[%dma_wait3A_1837] : memref<4112xf32, #tpu.memory_space<vmem>> -> memref<2576xf32, #tpu.memory_space<vmem>>
        %dma_wait3A_1839 = arith.constant 0 : i32
        %dma_wait3A_1840 = tpu.memref_slice %arg2[%dma_wait3A_1839] : memref<8386560xf32, #tpu.memory_space<hbm>> -> memref<2576xf32, #tpu.memory_space<hbm>>
        tpu.wait_dma2 semaphore(%arg15 : memref<!tpu.dma_semaphore, #tpu.memory_space<semaphore_mem>>) src(%dma_wait3A_1840 : memref<2576xf32, #tpu.memory_space<hbm>>) dst(%dma_wait3A_1838 : memref<2576xf32, #tpu.memory_space<vmem>>)
      } else {
      }
      %eq3A_1658 = arith.constant 4 : i32
      %eq3A_1659 = arith.cmpi eq, %select_n3A_1599, %eq3A_1658 : i32
      %convert_element_type3A_1660 = arith.extui %eq3A_1659 : i1 to i32
      %cond3A_1661 = arith.constant 0 : i32
      %cond3A_1662 = arith.cmpi ne, %convert_element_type3A_1660, %cond3A_1661 : i32
      scf.if %cond3A_1662 {
        %dma_wait3A_1833 = arith.constant 0 : i32
        %dma_wait3A_1834 = tpu.memref_slice %arg7[%dma_wait3A_1833] : memref<4112xf32, #tpu.memory_space<vmem>> -> memref<2064xf32, #tpu.memory_space<vmem>>
        %dma_wait3A_1835 = arith.constant 0 : i32
        %dma_wait3A_1836 = tpu.memref_slice %arg2[%dma_wait3A_1835] : memref<8386560xf32, #tpu.memory_space<hbm>> -> memref<2064xf32, #tpu.memory_space<hbm>>
        %dma_wait3A_1837 = arith.constant 0 : i32
        %dma_wait3A_1838 = tpu.memref_slice %arg7[%dma_wait3A_1837] : memref<4112xf32, #tpu.memory_space<vmem>> -> memref<2064xf32, #tpu.memory_space<vmem>>
        %dma_wait3A_1839 = arith.constant 0 : i32
        %dma_wait3A_1840 = tpu.memref_slice %arg2[%dma_wait3A_1839] : memref<8386560xf32, #tpu.memory_space<hbm>> -> memref<2064xf32, #tpu.memory_space<hbm>>
        tpu.wait_dma2 semaphore(%arg15 : memref<!tpu.dma_semaphore, #tpu.memory_space<semaphore_mem>>) src(%dma_wait3A_1840 : memref<2064xf32, #tpu.memory_space<hbm>>) dst(%dma_wait3A_1838 : memref<2064xf32, #tpu.memory_space<vmem>>)
      } else {
      }
      %eq3A_1663 = arith.constant 5 : i32
      %eq3A_1664 = arith.cmpi eq, %select_n3A_1599, %eq3A_1663 : i32
      %convert_element_type3A_1665 = arith.extui %eq3A_1664 : i1 to i32
      %cond3A_1666 = arith.constant 0 : i32
      %cond3A_1667 = arith.cmpi ne, %convert_element_type3A_1665, %cond3A_1666 : i32
      scf.if %cond3A_1667 {
        %dma_wait3A_1833 = arith.constant 0 : i32
        %dma_wait3A_1834 = tpu.memref_slice %arg7[%dma_wait3A_1833] : memref<4112xf32, #tpu.memory_space<vmem>> -> memref<1552xf32, #tpu.memory_space<vmem>>
        %dma_wait3A_1835 = arith.constant 0 : i32
        %dma_wait3A_1836 = tpu.memref_slice %arg2[%dma_wait3A_1835] : memref<8386560xf32, #tpu.memory_space<hbm>> -> memref<1552xf32, #tpu.memory_space<hbm>>
        %dma_wait3A_1837 = arith.constant 0 : i32
        %dma_wait3A_1838 = tpu.memref_slice %arg7[%dma_wait3A_1837] : memref<4112xf32, #tpu.memory_space<vmem>> -> memref<1552xf32, #tpu.memory_space<vmem>>
        %dma_wait3A_1839 = arith.constant 0 : i32
        %dma_wait3A_1840 = tpu.memref_slice %arg2[%dma_wait3A_1839] : memref<8386560xf32, #tpu.memory_space<hbm>> -> memref<1552xf32, #tpu.memory_space<hbm>>
        tpu.wait_dma2 semaphore(%arg15 : memref<!tpu.dma_semaphore, #tpu.memory_space<semaphore_mem>>) src(%dma_wait3A_1840 : memref<1552xf32, #tpu.memory_space<hbm>>) dst(%dma_wait3A_1838 : memref<1552xf32, #tpu.memory_space<vmem>>)
      } else {
      }
      %eq3A_1668 = arith.constant 6 : i32
      %eq3A_1669 = arith.cmpi eq, %select_n3A_1599, %eq3A_1668 : i32
      %convert_element_type3A_1670 = arith.extui %eq3A_1669 : i1 to i32
      %cond3A_1671 = arith.constant 0 : i32
      %cond3A_1672 = arith.cmpi ne, %convert_element_type3A_1670, %cond3A_1671 : i32
      scf.if %cond3A_1672 {
        %dma_wait3A_1833 = arith.constant 0 : i32
        %dma_wait3A_1834 = tpu.memref_slice %arg7[%dma_wait3A_1833] : memref<4112xf32, #tpu.memory_space<vmem>> -> memref<1040xf32, #tpu.memory_space<vmem>>
        %dma_wait3A_1835 = arith.constant 0 : i32
        %dma_wait3A_1836 = tpu.memref_slice %arg2[%dma_wait3A_1835] : memref<8386560xf32, #tpu.memory_space<hbm>> -> memref<1040xf32, #tpu.memory_space<hbm>>
        %dma_wait3A_1837 = arith.constant 0 : i32
        %dma_wait3A_1838 = tpu.memref_slice %arg7[%dma_wait3A_1837] : memref<4112xf32, #tpu.memory_space<vmem>> -> memref<1040xf32, #tpu.memory_space<vmem>>
        %dma_wait3A_1839 = arith.constant 0 : i32
        %dma_wait3A_1840 = tpu.memref_slice %arg2[%dma_wait3A_1839] : memref<8386560xf32, #tpu.memory_space<hbm>> -> memref<1040xf32, #tpu.memory_space<hbm>>
        tpu.wait_dma2 semaphore(%arg15 : memref<!tpu.dma_semaphore, #tpu.memory_space<semaphore_mem>>) src(%dma_wait3A_1840 : memref<1040xf32, #tpu.memory_space<hbm>>) dst(%dma_wait3A_1838 : memref<1040xf32, #tpu.memory_space<vmem>>)
      } else {
      }
      %eq3A_1673 = arith.constant 7 : i32
      %eq3A_1674 = arith.cmpi eq, %select_n3A_1599, %eq3A_1673 : i32
      %convert_element_type3A_1675 = arith.extui %eq3A_1674 : i1 to i32
      %cond3A_1676 = arith.constant 0 : i32
      %cond3A_1677 = arith.cmpi ne, %convert_element_type3A_1675, %cond3A_1676 : i32
      scf.if %cond3A_1677 {
        %dma_wait3A_1833 = arith.constant 0 : i32
        %dma_wait3A_1834 = tpu.memref_slice %arg7[%dma_wait3A_1833] : memref<4112xf32, #tpu.memory_space<vmem>> -> memref<528xf32, #tpu.memory_space<vmem>>
        %dma_wait3A_1835 = arith.constant 0 : i32
        %dma_wait3A_1836 = tpu.memref_slice %arg2[%dma_wait3A_1835] : memref<8386560xf32, #tpu.memory_space<hbm>> -> memref<528xf32, #tpu.memory_space<hbm>>
        %dma_wait3A_1837 = arith.constant 0 : i32
        %dma_wait3A_1838 = tpu.memref_slice %arg7[%dma_wait3A_1837] : memref<4112xf32, #tpu.memory_space<vmem>> -> memref<528xf32, #tpu.memory_space<vmem>>
        %dma_wait3A_1839 = arith.constant 0 : i32
        %dma_wait3A_1840 = tpu.memref_slice %arg2[%dma_wait3A_1839] : memref<8386560xf32, #tpu.memory_space<hbm>> -> memref<528xf32, #tpu.memory_space<hbm>>
        tpu.wait_dma2 semaphore(%arg15 : memref<!tpu.dma_semaphore, #tpu.memory_space<semaphore_mem>>) src(%dma_wait3A_1840 : memref<528xf32, #tpu.memory_space<hbm>>) dst(%dma_wait3A_1838 : memref<528xf32, #tpu.memory_space<vmem>>)
      } else {
      }
      %eq3A_1678 = arith.constant 8 : i32
      %eq3A_1679 = arith.cmpi eq, %select_n3A_1599, %eq3A_1678 : i32
      %convert_element_type3A_1680 = arith.extui %eq3A_1679 : i1 to i32
      %cond3A_1681 = arith.constant 0 : i32
      %cond3A_1682 = arith.cmpi ne, %convert_element_type3A_1680, %cond3A_1681 : i32
      scf.if %cond3A_1682 {
        %dma_wait3A_1833 = arith.constant 0 : i32
        %dma_wait3A_1834 = tpu.memref_slice %arg7[%dma_wait3A_1833] : memref<4112xf32, #tpu.memory_space<vmem>> -> memref<16xf32, #tpu.memory_space<vmem>>
        %dma_wait3A_1835 = arith.constant 0 : i32
        %dma_wait3A_1836 = tpu.memref_slice %arg2[%dma_wait3A_1835] : memref<8386560xf32, #tpu.memory_space<hbm>> -> memref<16xf32, #tpu.memory_space<hbm>>
        %dma_wait3A_1837 = arith.constant 0 : i32
        %dma_wait3A_1838 = tpu.memref_slice %arg7[%dma_wait3A_1837] : memref<4112xf32, #tpu.memory_space<vmem>> -> memref<16xf32, #tpu.memory_space<vmem>>
        %dma_wait3A_1839 = arith.constant 0 : i32
        %dma_wait3A_1840 = tpu.memref_slice %arg2[%dma_wait3A_1839] : memref<8386560xf32, #tpu.memory_space<hbm>> -> memref<16xf32, #tpu.memory_space<hbm>>
        tpu.wait_dma2 semaphore(%arg15 : memref<!tpu.dma_semaphore, #tpu.memory_space<semaphore_mem>>) src(%dma_wait3A_1840 : memref<16xf32, #tpu.memory_space<hbm>>) dst(%dma_wait3A_1838 : memref<16xf32, #tpu.memory_space<vmem>>)
      } else {
      }
      %add3A_1683 = arith.constant 4 : i32
      %add3A_1684 = arith.addi %add3A_1507, %add3A_1683 : i32
      %sub3A_1685 = arith.constant 1 : i32
      %sub3A_1686 = arith.subi %add3A_1684, %sub3A_1685 : i32
      %lt3A_1687 = arith.constant 128 : i32
      %lt3A_1688 = arith.cmpi slt, %sub3A_1686, %lt3A_1687 : i32
      %convert_element_type3A_1689 = arith.extui %lt3A_1688 : i1 to i32
      %cond3A_1690 = arith.constant 0 : i32
      %cond3A_1691 = arith.cmpi ne, %convert_element_type3A_1689, %cond3A_1690 : i32
      scf.if %cond3A_1691 {
        %add3A_1833 = arith.constant 4 : i32
        %add3A_1834 = arith.addi %add3A_1507, %add3A_1833 : i32
        %sub3A_1835 = arith.constant 1 : i32
        %sub3A_1836 = arith.subi %add3A_1834, %sub3A_1835 : i32
        %sub3A_1837 = arith.constant 127 : i32
        %sub3A_1838 = arith.subi %sub3A_1837, %sub3A_1836 : i32
        %mul3A_1839 = arith.constant 32 : i32
        %mul3A_1840 = arith.muli %sub3A_1838, %mul3A_1839 : i32
        %add3A_1841 = arith.addi %add3A, %mul3A_1840 : i32
        %mul3A_1842 = arith.constant 4094 : i32
        %mul3A_1843 = arith.muli %add3A_1841, %mul3A_1842 : i32
        %sub3A_1844 = arith.constant 1 : i32
        %sub3A_1845 = arith.subi %add3A_1841, %sub3A_1844 : i32
        %mul3A_1846 = arith.muli %add3A_1841, %sub3A_1845 : i32
        %jit3A_1847 = arith.constant 2 : i32
        %div3A_1848 = arith.divsi %mul3A_1846, %jit3A_1847 : i32
        %sign3A_1849 = arith.constant 0 : i32
        %sign3A_1850 = arith.cmpi sgt, %mul3A_1846, %sign3A_1849 : i32
        %sign3A_1851 = arith.extui %sign3A_1850 : i1 to i32
        %sign3A_1852 = arith.constant 0 : i32
        %sign3A_1853 = arith.cmpi slt, %mul3A_1846, %sign3A_1852 : i32
        %sign3A_1854 = arith.extui %sign3A_1853 : i1 to i32
        %sign3A_1855 = arith.subi %sign3A_1851, %sign3A_1854 : i32
        %sign3A_1856 = arith.constant 0 : i32
        %sign3A_1857 = arith.cmpi sgt, %jit3A_1847, %sign3A_1856 : i32
        %sign3A_1858 = arith.extui %sign3A_1857 : i1 to i32
        %sign3A_1859 = arith.constant 0 : i32
        %sign3A_1860 = arith.cmpi slt, %jit3A_1847, %sign3A_1859 : i32
        %sign3A_1861 = arith.extui %sign3A_1860 : i1 to i32
        %sign3A_1862 = arith.subi %sign3A_1858, %sign3A_1861 : i32
        %ne3A_1863 = arith.cmpi ne, %sign3A_1855, %sign3A_1862 : i32
        %rem3A_1864 = arith.remsi %mul3A_1846, %jit3A_1847 : i32
        %ne3A_1865 = arith.constant 0 : i32
        %ne3A_1866 = arith.cmpi ne, %rem3A_1864, %ne3A_1865 : i32
        %and3A_1867 = arith.andi %ne3A_1863, %ne3A_1866 : i1
        %sub3A_1868 = arith.constant 1 : i32
        %sub3A_1869 = arith.subi %div3A_1848, %sub3A_1868 : i32
        %select_n3A_1870 = arith.select %and3A_1867, %sub3A_1869, %div3A_1848 : i32
        %sub3A_1871 = arith.subi %mul3A_1843, %select_n3A_1870 : i32
        %sub3A_1872 = arith.constant 1 : i32
        %sub3A_1873 = arith.subi %sub3A_1871, %sub3A_1872 : i32
        %add3A_1874 = arith.constant 1 : i32
        %add3A_1875 = arith.addi %add3A_1841, %add3A_1874 : i32
        %jit3A_1876 = arith.constant 16 : i32
        %div3A_1877 = arith.divsi %add3A_1875, %jit3A_1876 : i32
        %sign3A_1878 = arith.constant 0 : i32
        %sign3A_1879 = arith.cmpi sgt, %add3A_1875, %sign3A_1878 : i32
        %sign3A_1880 = arith.extui %sign3A_1879 : i1 to i32
        %sign3A_1881 = arith.constant 0 : i32
        %sign3A_1882 = arith.cmpi slt, %add3A_1875, %sign3A_1881 : i32
        %sign3A_1883 = arith.extui %sign3A_1882 : i1 to i32
        %sign3A_1884 = arith.subi %sign3A_1880, %sign3A_1883 : i32
        %sign3A_1885 = arith.constant 0 : i32
        %sign3A_1886 = arith.cmpi sgt, %jit3A_1876, %sign3A_1885 : i32
        %sign3A_1887 = arith.extui %sign3A_1886 : i1 to i32
        %sign3A_1888 = arith.constant 0 : i32
        %sign3A_1889 = arith.cmpi slt, %jit3A_1876, %sign3A_1888 : i32
        %sign3A_1890 = arith.extui %sign3A_1889 : i1 to i32
        %sign3A_1891 = arith.subi %sign3A_1887, %sign3A_1890 : i32
        %ne3A_1892 = arith.cmpi ne, %sign3A_1884, %sign3A_1891 : i32
        %rem3A_1893 = arith.remsi %add3A_1875, %jit3A_1876 : i32
        %ne3A_1894 = arith.constant 0 : i32
        %ne3A_1895 = arith.cmpi ne, %rem3A_1893, %ne3A_1894 : i32
        %and3A_1896 = arith.andi %ne3A_1892, %ne3A_1895 : i1
        %sub3A_1897 = arith.constant 1 : i32
        %sub3A_1898 = arith.subi %div3A_1877, %sub3A_1897 : i32
        %select_n3A_1899 = arith.select %and3A_1896, %sub3A_1898, %div3A_1877 : i32
        %jit3A_1900 = arith.constant 32 : i32
        %div3A_1901 = arith.divsi %select_n3A_1899, %jit3A_1900 : i32
        %sign3A_1902 = arith.constant 0 : i32
        %sign3A_1903 = arith.cmpi sgt, %select_n3A_1899, %sign3A_1902 : i32
        %sign3A_1904 = arith.extui %sign3A_1903 : i1 to i32
        %sign3A_1905 = arith.constant 0 : i32
        %sign3A_1906 = arith.cmpi slt, %select_n3A_1899, %sign3A_1905 : i32
        %sign3A_1907 = arith.extui %sign3A_1906 : i1 to i32
        %sign3A_1908 = arith.subi %sign3A_1904, %sign3A_1907 : i32
        %sign3A_1909 = arith.constant 0 : i32
        %sign3A_1910 = arith.cmpi sgt, %jit3A_1900, %sign3A_1909 : i32
        %sign3A_1911 = arith.extui %sign3A_1910 : i1 to i32
        %sign3A_1912 = arith.constant 0 : i32
        %sign3A_1913 = arith.cmpi slt, %jit3A_1900, %sign3A_1912 : i32
        %sign3A_1914 = arith.extui %sign3A_1913 : i1 to i32
        %sign3A_1915 = arith.subi %sign3A_1911, %sign3A_1914 : i32
        %ne3A_1916 = arith.cmpi ne, %sign3A_1908, %sign3A_1915 : i32
        %rem3A_1917 = arith.remsi %select_n3A_1899, %jit3A_1900 : i32
        %ne3A_1918 = arith.constant 0 : i32
        %ne3A_1919 = arith.cmpi ne, %rem3A_1917, %ne3A_1918 : i32
        %and3A_1920 = arith.andi %ne3A_1916, %ne3A_1919 : i1
        %sub3A_1921 = arith.constant 1 : i32
        %sub3A_1922 = arith.subi %div3A_1901, %sub3A_1921 : i32
        %select_n3A_1923 = arith.select %and3A_1920, %sub3A_1922, %div3A_1901 : i32
        %mul3A_1924 = arith.constant 512 : i32
        %mul3A_1925 = arith.muli %select_n3A_1923, %mul3A_1924 : i32
        %sub3A_1926 = arith.constant 4112 : i32
        %sub3A_1927 = arith.subi %sub3A_1926, %mul3A_1925 : i32
        %add3A_1928 = arith.addi %sub3A_1873, %mul3A_1925 : i32
        %jit3A_1929 = arith.constant 16 : i32
        %div3A_1930 = arith.divsi %add3A_1928, %jit3A_1929 : i32
        %sign3A_1931 = arith.constant 0 : i32
        %sign3A_1932 = arith.cmpi sgt, %add3A_1928, %sign3A_1931 : i32
        %sign3A_1933 = arith.extui %sign3A_1932 : i1 to i32
        %sign3A_1934 = arith.constant 0 : i32
        %sign3A_1935 = arith.cmpi slt, %add3A_1928, %sign3A_1934 : i32
        %sign3A_1936 = arith.extui %sign3A_1935 : i1 to i32
        %sign3A_1937 = arith.subi %sign3A_1933, %sign3A_1936 : i32
        %sign3A_1938 = arith.constant 0 : i32
        %sign3A_1939 = arith.cmpi sgt, %jit3A_1929, %sign3A_1938 : i32
        %sign3A_1940 = arith.extui %sign3A_1939 : i1 to i32
        %sign3A_1941 = arith.constant 0 : i32
        %sign3A_1942 = arith.cmpi slt, %jit3A_1929, %sign3A_1941 : i32
        %sign3A_1943 = arith.extui %sign3A_1942 : i1 to i32
        %sign3A_1944 = arith.subi %sign3A_1940, %sign3A_1943 : i32
        %ne3A_1945 = arith.cmpi ne, %sign3A_1937, %sign3A_1944 : i32
        %rem3A_1946 = arith.remsi %add3A_1928, %jit3A_1929 : i32
        %ne3A_1947 = arith.constant 0 : i32
        %ne3A_1948 = arith.cmpi ne, %rem3A_1946, %ne3A_1947 : i32
        %and3A_1949 = arith.andi %ne3A_1945, %ne3A_1948 : i1
        %sub3A_1950 = arith.constant 1 : i32
        %sub3A_1951 = arith.subi %div3A_1930, %sub3A_1950 : i32
        %select_n3A_1952 = arith.select %and3A_1949, %sub3A_1951, %div3A_1930 : i32
        %mul3A_1953 = arith.constant 16 : i32
        %mul3A_1954 = arith.muli %select_n3A_1952, %mul3A_1953 : i32
        %sub3A_1955 = arith.constant 8386560 : i32
        %sub3A_1956 = arith.subi %sub3A_1955, %sub3A_1927 : i32
        %jit3A_1957 = arith.constant 0 : i32
        %max3A_1958 = arith.maxsi %jit3A_1957, %mul3A_1954 : i32
        %min3A_1959 = arith.minsi %sub3A_1956, %max3A_1958 : i32
        %multiple_of3A_1960 = tpu.assume_multiple %min3A_1959, 16 : i32
        %sub3A_1961 = arith.subi %sub3A_1873, %multiple_of3A_1960 : i32
        %eq3A_1962 = arith.constant 0 : i32
        %eq3A_1963 = arith.cmpi eq, %select_n3A_1923, %eq3A_1962 : i32
        %convert_element_type3A_1964 = arith.extui %eq3A_1963 : i1 to i32
        %cond3A_1965 = arith.constant 0 : i32
        %cond3A_1966 = arith.cmpi ne, %convert_element_type3A_1964, %cond3A_1965 : i32
        scf.if %cond3A_1966 {
          %dma_start3A_2007 = arith.constant 0 : i32
          %dma_start3A_2008 = tpu.memref_slice %arg6[%dma_start3A_2007] : memref<4112xf32, #tpu.memory_space<vmem>> -> memref<4112xf32, #tpu.memory_space<vmem>>
          %dma_start3A_2009 = tpu.memref_slice %arg2[%multiple_of3A_1960] : memref<8386560xf32, #tpu.memory_space<hbm>> -> memref<4112xf32, #tpu.memory_space<hbm>>
          %dma_start3A_2010 = arith.constant 0 : i32
          %dma_start3A_2011 = tpu.memref_slice %arg6[%dma_start3A_2010] : memref<4112xf32, #tpu.memory_space<vmem>> -> memref<4112xf32, #tpu.memory_space<vmem>>
          %dma_start3A_2012 = tpu.memref_slice %arg2[%multiple_of3A_1960] : memref<8386560xf32, #tpu.memory_space<hbm>> -> memref<4112xf32, #tpu.memory_space<hbm>>
          tpu.enqueue_dma source(%dma_start3A_2012 : memref<4112xf32, #tpu.memory_space<hbm>>) target(%dma_start3A_2011 : memref<4112xf32, #tpu.memory_space<vmem>>) target_semaphore(%arg14 : memref<!tpu.dma_semaphore, #tpu.memory_space<semaphore_mem>>)
        } else {
        }
        %eq3A_1967 = arith.constant 1 : i32
        %eq3A_1968 = arith.cmpi eq, %select_n3A_1923, %eq3A_1967 : i32
        %convert_element_type3A_1969 = arith.extui %eq3A_1968 : i1 to i32
        %cond3A_1970 = arith.constant 0 : i32
        %cond3A_1971 = arith.cmpi ne, %convert_element_type3A_1969, %cond3A_1970 : i32
        scf.if %cond3A_1971 {
          %dma_start3A_2007 = arith.constant 0 : i32
          %dma_start3A_2008 = tpu.memref_slice %arg6[%dma_start3A_2007] : memref<4112xf32, #tpu.memory_space<vmem>> -> memref<3600xf32, #tpu.memory_space<vmem>>
          %dma_start3A_2009 = tpu.memref_slice %arg2[%multiple_of3A_1960] : memref<8386560xf32, #tpu.memory_space<hbm>> -> memref<3600xf32, #tpu.memory_space<hbm>>
          %dma_start3A_2010 = arith.constant 0 : i32
          %dma_start3A_2011 = tpu.memref_slice %arg6[%dma_start3A_2010] : memref<4112xf32, #tpu.memory_space<vmem>> -> memref<3600xf32, #tpu.memory_space<vmem>>
          %dma_start3A_2012 = tpu.memref_slice %arg2[%multiple_of3A_1960] : memref<8386560xf32, #tpu.memory_space<hbm>> -> memref<3600xf32, #tpu.memory_space<hbm>>
          tpu.enqueue_dma source(%dma_start3A_2012 : memref<3600xf32, #tpu.memory_space<hbm>>) target(%dma_start3A_2011 : memref<3600xf32, #tpu.memory_space<vmem>>) target_semaphore(%arg14 : memref<!tpu.dma_semaphore, #tpu.memory_space<semaphore_mem>>)
        } else {
        }
        %eq3A_1972 = arith.constant 2 : i32
        %eq3A_1973 = arith.cmpi eq, %select_n3A_1923, %eq3A_1972 : i32
        %convert_element_type3A_1974 = arith.extui %eq3A_1973 : i1 to i32
        %cond3A_1975 = arith.constant 0 : i32
        %cond3A_1976 = arith.cmpi ne, %convert_element_type3A_1974, %cond3A_1975 : i32
        scf.if %cond3A_1976 {
          %dma_start3A_2007 = arith.constant 0 : i32
          %dma_start3A_2008 = tpu.memref_slice %arg6[%dma_start3A_2007] : memref<4112xf32, #tpu.memory_space<vmem>> -> memref<3088xf32, #tpu.memory_space<vmem>>
          %dma_start3A_2009 = tpu.memref_slice %arg2[%multiple_of3A_1960] : memref<8386560xf32, #tpu.memory_space<hbm>> -> memref<3088xf32, #tpu.memory_space<hbm>>
          %dma_start3A_2010 = arith.constant 0 : i32
          %dma_start3A_2011 = tpu.memref_slice %arg6[%dma_start3A_2010] : memref<4112xf32, #tpu.memory_space<vmem>> -> memref<3088xf32, #tpu.memory_space<vmem>>
          %dma_start3A_2012 = tpu.memref_slice %arg2[%multiple_of3A_1960] : memref<8386560xf32, #tpu.memory_space<hbm>> -> memref<3088xf32, #tpu.memory_space<hbm>>
          tpu.enqueue_dma source(%dma_start3A_2012 : memref<3088xf32, #tpu.memory_space<hbm>>) target(%dma_start3A_2011 : memref<3088xf32, #tpu.memory_space<vmem>>) target_semaphore(%arg14 : memref<!tpu.dma_semaphore, #tpu.memory_space<semaphore_mem>>)
        } else {
        }
        %eq3A_1977 = arith.constant 3 : i32
        %eq3A_1978 = arith.cmpi eq, %select_n3A_1923, %eq3A_1977 : i32
        %convert_element_type3A_1979 = arith.extui %eq3A_1978 : i1 to i32
        %cond3A_1980 = arith.constant 0 : i32
        %cond3A_1981 = arith.cmpi ne, %convert_element_type3A_1979, %cond3A_1980 : i32
        scf.if %cond3A_1981 {
          %dma_start3A_2007 = arith.constant 0 : i32
          %dma_start3A_2008 = tpu.memref_slice %arg6[%dma_start3A_2007] : memref<4112xf32, #tpu.memory_space<vmem>> -> memref<2576xf32, #tpu.memory_space<vmem>>
          %dma_start3A_2009 = tpu.memref_slice %arg2[%multiple_of3A_1960] : memref<8386560xf32, #tpu.memory_space<hbm>> -> memref<2576xf32, #tpu.memory_space<hbm>>
          %dma_start3A_2010 = arith.constant 0 : i32
          %dma_start3A_2011 = tpu.memref_slice %arg6[%dma_start3A_2010] : memref<4112xf32, #tpu.memory_space<vmem>> -> memref<2576xf32, #tpu.memory_space<vmem>>
          %dma_start3A_2012 = tpu.memref_slice %arg2[%multiple_of3A_1960] : memref<8386560xf32, #tpu.memory_space<hbm>> -> memref<2576xf32, #tpu.memory_space<hbm>>
          tpu.enqueue_dma source(%dma_start3A_2012 : memref<2576xf32, #tpu.memory_space<hbm>>) target(%dma_start3A_2011 : memref<2576xf32, #tpu.memory_space<vmem>>) target_semaphore(%arg14 : memref<!tpu.dma_semaphore, #tpu.memory_space<semaphore_mem>>)
        } else {
        }
        %eq3A_1982 = arith.constant 4 : i32
        %eq3A_1983 = arith.cmpi eq, %select_n3A_1923, %eq3A_1982 : i32
        %convert_element_type3A_1984 = arith.extui %eq3A_1983 : i1 to i32
        %cond3A_1985 = arith.constant 0 : i32
        %cond3A_1986 = arith.cmpi ne, %convert_element_type3A_1984, %cond3A_1985 : i32
        scf.if %cond3A_1986 {
          %dma_start3A_2007 = arith.constant 0 : i32
          %dma_start3A_2008 = tpu.memref_slice %arg6[%dma_start3A_2007] : memref<4112xf32, #tpu.memory_space<vmem>> -> memref<2064xf32, #tpu.memory_space<vmem>>
          %dma_start3A_2009 = tpu.memref_slice %arg2[%multiple_of3A_1960] : memref<8386560xf32, #tpu.memory_space<hbm>> -> memref<2064xf32, #tpu.memory_space<hbm>>
          %dma_start3A_2010 = arith.constant 0 : i32
          %dma_start3A_2011 = tpu.memref_slice %arg6[%dma_start3A_2010] : memref<4112xf32, #tpu.memory_space<vmem>> -> memref<2064xf32, #tpu.memory_space<vmem>>
          %dma_start3A_2012 = tpu.memref_slice %arg2[%multiple_of3A_1960] : memref<8386560xf32, #tpu.memory_space<hbm>> -> memref<2064xf32, #tpu.memory_space<hbm>>
          tpu.enqueue_dma source(%dma_start3A_2012 : memref<2064xf32, #tpu.memory_space<hbm>>) target(%dma_start3A_2011 : memref<2064xf32, #tpu.memory_space<vmem>>) target_semaphore(%arg14 : memref<!tpu.dma_semaphore, #tpu.memory_space<semaphore_mem>>)
        } else {
        }
        %eq3A_1987 = arith.constant 5 : i32
        %eq3A_1988 = arith.cmpi eq, %select_n3A_1923, %eq3A_1987 : i32
        %convert_element_type3A_1989 = arith.extui %eq3A_1988 : i1 to i32
        %cond3A_1990 = arith.constant 0 : i32
        %cond3A_1991 = arith.cmpi ne, %convert_element_type3A_1989, %cond3A_1990 : i32
        scf.if %cond3A_1991 {
          %dma_start3A_2007 = arith.constant 0 : i32
          %dma_start3A_2008 = tpu.memref_slice %arg6[%dma_start3A_2007] : memref<4112xf32, #tpu.memory_space<vmem>> -> memref<1552xf32, #tpu.memory_space<vmem>>
          %dma_start3A_2009 = tpu.memref_slice %arg2[%multiple_of3A_1960] : memref<8386560xf32, #tpu.memory_space<hbm>> -> memref<1552xf32, #tpu.memory_space<hbm>>
          %dma_start3A_2010 = arith.constant 0 : i32
          %dma_start3A_2011 = tpu.memref_slice %arg6[%dma_start3A_2010] : memref<4112xf32, #tpu.memory_space<vmem>> -> memref<1552xf32, #tpu.memory_space<vmem>>
          %dma_start3A_2012 = tpu.memref_slice %arg2[%multiple_of3A_1960] : memref<8386560xf32, #tpu.memory_space<hbm>> -> memref<1552xf32, #tpu.memory_space<hbm>>
          tpu.enqueue_dma source(%dma_start3A_2012 : memref<1552xf32, #tpu.memory_space<hbm>>) target(%dma_start3A_2011 : memref<1552xf32, #tpu.memory_space<vmem>>) target_semaphore(%arg14 : memref<!tpu.dma_semaphore, #tpu.memory_space<semaphore_mem>>)
        } else {
        }
        %eq3A_1992 = arith.constant 6 : i32
        %eq3A_1993 = arith.cmpi eq, %select_n3A_1923, %eq3A_1992 : i32
        %convert_element_type3A_1994 = arith.extui %eq3A_1993 : i1 to i32
        %cond3A_1995 = arith.constant 0 : i32
        %cond3A_1996 = arith.cmpi ne, %convert_element_type3A_1994, %cond3A_1995 : i32
        scf.if %cond3A_1996 {
          %dma_start3A_2007 = arith.constant 0 : i32
          %dma_start3A_2008 = tpu.memref_slice %arg6[%dma_start3A_2007] : memref<4112xf32, #tpu.memory_space<vmem>> -> memref<1040xf32, #tpu.memory_space<vmem>>
          %dma_start3A_2009 = tpu.memref_slice %arg2[%multiple_of3A_1960] : memref<8386560xf32, #tpu.memory_space<hbm>> -> memref<1040xf32, #tpu.memory_space<hbm>>
          %dma_start3A_2010 = arith.constant 0 : i32
          %dma_start3A_2011 = tpu.memref_slice %arg6[%dma_start3A_2010] : memref<4112xf32, #tpu.memory_space<vmem>> -> memref<1040xf32, #tpu.memory_space<vmem>>
          %dma_start3A_2012 = tpu.memref_slice %arg2[%multiple_of3A_1960] : memref<8386560xf32, #tpu.memory_space<hbm>> -> memref<1040xf32, #tpu.memory_space<hbm>>
          tpu.enqueue_dma source(%dma_start3A_2012 : memref<1040xf32, #tpu.memory_space<hbm>>) target(%dma_start3A_2011 : memref<1040xf32, #tpu.memory_space<vmem>>) target_semaphore(%arg14 : memref<!tpu.dma_semaphore, #tpu.memory_space<semaphore_mem>>)
        } else {
        }
        %eq3A_1997 = arith.constant 7 : i32
        %eq3A_1998 = arith.cmpi eq, %select_n3A_1923, %eq3A_1997 : i32
        %convert_element_type3A_1999 = arith.extui %eq3A_1998 : i1 to i32
        %cond3A_2000 = arith.constant 0 : i32
        %cond3A_2001 = arith.cmpi ne, %convert_element_type3A_1999, %cond3A_2000 : i32
        scf.if %cond3A_2001 {
          %dma_start3A_2007 = arith.constant 0 : i32
          %dma_start3A_2008 = tpu.memref_slice %arg6[%dma_start3A_2007] : memref<4112xf32, #tpu.memory_space<vmem>> -> memref<528xf32, #tpu.memory_space<vmem>>
          %dma_start3A_2009 = tpu.memref_slice %arg2[%multiple_of3A_1960] : memref<8386560xf32, #tpu.memory_space<hbm>> -> memref<528xf32, #tpu.memory_space<hbm>>
          %dma_start3A_2010 = arith.constant 0 : i32
          %dma_start3A_2011 = tpu.memref_slice %arg6[%dma_start3A_2010] : memref<4112xf32, #tpu.memory_space<vmem>> -> memref<528xf32, #tpu.memory_space<vmem>>
          %dma_start3A_2012 = tpu.memref_slice %arg2[%multiple_of3A_1960] : memref<8386560xf32, #tpu.memory_space<hbm>> -> memref<528xf32, #tpu.memory_space<hbm>>
          tpu.enqueue_dma source(%dma_start3A_2012 : memref<528xf32, #tpu.memory_space<hbm>>) target(%dma_start3A_2011 : memref<528xf32, #tpu.memory_space<vmem>>) target_semaphore(%arg14 : memref<!tpu.dma_semaphore, #tpu.memory_space<semaphore_mem>>)
        } else {
        }
        %eq3A_2002 = arith.constant 8 : i32
        %eq3A_2003 = arith.cmpi eq, %select_n3A_1923, %eq3A_2002 : i32
        %convert_element_type3A_2004 = arith.extui %eq3A_2003 : i1 to i32
        %cond3A_2005 = arith.constant 0 : i32
        %cond3A_2006 = arith.cmpi ne, %convert_element_type3A_2004, %cond3A_2005 : i32
        scf.if %cond3A_2006 {
          %dma_start3A_2007 = arith.constant 0 : i32
          %dma_start3A_2008 = tpu.memref_slice %arg6[%dma_start3A_2007] : memref<4112xf32, #tpu.memory_space<vmem>> -> memref<16xf32, #tpu.memory_space<vmem>>
          %dma_start3A_2009 = tpu.memref_slice %arg2[%multiple_of3A_1960] : memref<8386560xf32, #tpu.memory_space<hbm>> -> memref<16xf32, #tpu.memory_space<hbm>>
          %dma_start3A_2010 = arith.constant 0 : i32
          %dma_start3A_2011 = tpu.memref_slice %arg6[%dma_start3A_2010] : memref<4112xf32, #tpu.memory_space<vmem>> -> memref<16xf32, #tpu.memory_space<vmem>>
          %dma_start3A_2012 = tpu.memref_slice %arg2[%multiple_of3A_1960] : memref<8386560xf32, #tpu.memory_space<hbm>> -> memref<16xf32, #tpu.memory_space<hbm>>
          tpu.enqueue_dma source(%dma_start3A_2012 : memref<16xf32, #tpu.memory_space<hbm>>) target(%dma_start3A_2011 : memref<16xf32, #tpu.memory_space<vmem>>) target_semaphore(%arg14 : memref<!tpu.dma_semaphore, #tpu.memory_space<semaphore_mem>>)
        } else {
        }
      } else {
      }
      %gt3A_1692 = arith.constant 0 : i32
      %gt3A_1693 = arith.cmpi sgt, %scan3A_528, %gt3A_1692 : i32
      %convert_element_type3A_1694 = arith.extui %gt3A_1693 : i1 to i32
      %cond3A_1695 = arith.constant 0 : i32
      %cond3A_1696 = arith.cmpi ne, %convert_element_type3A_1694, %cond3A_1695 : i32
      scf.if %cond3A_1696 {
        %dma_wait3A_1833 = arith.constant 0 : i32
        %dma_wait3A_1834 = arith.constant 0 : i32
        %dma_wait3A_1835 = tpu.memref_slice %arg3[%dma_wait3A_1833, %dma_wait3A_1834] : memref<4096x4096xf32, #tpu.memory_space<hbm>> -> memref<1x4096xf32, #tpu.memory_space<hbm>>
        %dma_wait3A_1836 = tpu.memref_squeeze %dma_wait3A_1835 : memref<1x4096xf32, #tpu.memory_space<hbm>> -> memref<4096xf32, #tpu.memory_space<hbm>>
        %dma_wait3A_1837 = arith.constant 0 : i32
        %dma_wait3A_1838 = tpu.memref_slice %arg3[%dma_wait3A_1833, %dma_wait3A_1837] : memref<4096x4096xf32, #tpu.memory_space<hbm>> -> memref<1x4096xf32, #tpu.memory_space<hbm>>
        %dma_wait3A_1839 = tpu.memref_squeeze %dma_wait3A_1838 : memref<1x4096xf32, #tpu.memory_space<hbm>> -> memref<4096xf32, #tpu.memory_space<hbm>>
        tpu.wait_dma2 semaphore(%arg19 : memref<!tpu.dma_semaphore, #tpu.memory_space<semaphore_mem>>) src(%arg11 : memref<4096xf32, #tpu.memory_space<vmem>>) dst(%dma_wait3A_1839 : memref<4096xf32, #tpu.memory_space<hbm>>)
      } else {
      }
      %mul3A_1697 = arith.constant 4094 : i32
      %mul3A_1698 = arith.muli %add3A_1512, %mul3A_1697 : i32
      %sub3A_1699 = arith.constant 1 : i32
      %sub3A_1700 = arith.subi %add3A_1512, %sub3A_1699 : i32
      %mul3A_1701 = arith.muli %add3A_1512, %sub3A_1700 : i32
      %jit3A_1702 = arith.constant 2 : i32
      %div3A_1703 = arith.divsi %mul3A_1701, %jit3A_1702 : i32
      %sign3A_1704 = arith.constant 0 : i32
      %sign3A_1705 = arith.cmpi sgt, %mul3A_1701, %sign3A_1704 : i32
      %sign3A_1706 = arith.extui %sign3A_1705 : i1 to i32
      %sign3A_1707 = arith.constant 0 : i32
      %sign3A_1708 = arith.cmpi slt, %mul3A_1701, %sign3A_1707 : i32
      %sign3A_1709 = arith.extui %sign3A_1708 : i1 to i32
      %sign3A_1710 = arith.subi %sign3A_1706, %sign3A_1709 : i32
      %sign3A_1711 = arith.constant 0 : i32
      %sign3A_1712 = arith.cmpi sgt, %jit3A_1702, %sign3A_1711 : i32
      %sign3A_1713 = arith.extui %sign3A_1712 : i1 to i32
      %sign3A_1714 = arith.constant 0 : i32
      %sign3A_1715 = arith.cmpi slt, %jit3A_1702, %sign3A_1714 : i32
      %sign3A_1716 = arith.extui %sign3A_1715 : i1 to i32
      %sign3A_1717 = arith.subi %sign3A_1713, %sign3A_1716 : i32
      %ne3A_1718 = arith.cmpi ne, %sign3A_1710, %sign3A_1717 : i32
      %rem3A_1719 = arith.remsi %mul3A_1701, %jit3A_1702 : i32
      %ne3A_1720 = arith.constant 0 : i32
      %ne3A_1721 = arith.cmpi ne, %rem3A_1719, %ne3A_1720 : i32
      %and3A_1722 = arith.andi %ne3A_1718, %ne3A_1721 : i1
      %sub3A_1723 = arith.constant 1 : i32
      %sub3A_1724 = arith.subi %div3A_1703, %sub3A_1723 : i32
      %select_n3A_1725 = arith.select %and3A_1722, %sub3A_1724, %div3A_1703 : i32
      %sub3A_1726 = arith.subi %mul3A_1698, %select_n3A_1725 : i32
      %sub3A_1727 = arith.constant 1 : i32
      %sub3A_1728 = arith.subi %sub3A_1726, %sub3A_1727 : i32
      %add3A_1729 = arith.constant 1 : i32
      %add3A_1730 = arith.addi %add3A_1512, %add3A_1729 : i32
      %jit3A_1731 = arith.constant 16 : i32
      %div3A_1732 = arith.divsi %add3A_1730, %jit3A_1731 : i32
      %sign3A_1733 = arith.constant 0 : i32
      %sign3A_1734 = arith.cmpi sgt, %add3A_1730, %sign3A_1733 : i32
      %sign3A_1735 = arith.extui %sign3A_1734 : i1 to i32
      %sign3A_1736 = arith.constant 0 : i32
      %sign3A_1737 = arith.cmpi slt, %add3A_1730, %sign3A_1736 : i32
      %sign3A_1738 = arith.extui %sign3A_1737 : i1 to i32
      %sign3A_1739 = arith.subi %sign3A_1735, %sign3A_1738 : i32
      %sign3A_1740 = arith.constant 0 : i32
      %sign3A_1741 = arith.cmpi sgt, %jit3A_1731, %sign3A_1740 : i32
      %sign3A_1742 = arith.extui %sign3A_1741 : i1 to i32
      %sign3A_1743 = arith.constant 0 : i32
      %sign3A_1744 = arith.cmpi slt, %jit3A_1731, %sign3A_1743 : i32
      %sign3A_1745 = arith.extui %sign3A_1744 : i1 to i32
      %sign3A_1746 = arith.subi %sign3A_1742, %sign3A_1745 : i32
      %ne3A_1747 = arith.cmpi ne, %sign3A_1739, %sign3A_1746 : i32
      %rem3A_1748 = arith.remsi %add3A_1730, %jit3A_1731 : i32
      %ne3A_1749 = arith.constant 0 : i32
      %ne3A_1750 = arith.cmpi ne, %rem3A_1748, %ne3A_1749 : i32
      %and3A_1751 = arith.andi %ne3A_1747, %ne3A_1750 : i1
      %sub3A_1752 = arith.constant 1 : i32
      %sub3A_1753 = arith.subi %div3A_1732, %sub3A_1752 : i32
      %select_n3A_1754 = arith.select %and3A_1751, %sub3A_1753, %div3A_1732 : i32
      %jit3A_1755 = arith.constant 32 : i32
      %div3A_1756 = arith.divsi %select_n3A_1754, %jit3A_1755 : i32
      %sign3A_1757 = arith.constant 0 : i32
      %sign3A_1758 = arith.cmpi sgt, %select_n3A_1754, %sign3A_1757 : i32
      %sign3A_1759 = arith.extui %sign3A_1758 : i1 to i32
      %sign3A_1760 = arith.constant 0 : i32
      %sign3A_1761 = arith.cmpi slt, %select_n3A_1754, %sign3A_1760 : i32
      %sign3A_1762 = arith.extui %sign3A_1761 : i1 to i32
      %sign3A_1763 = arith.subi %sign3A_1759, %sign3A_1762 : i32
      %sign3A_1764 = arith.constant 0 : i32
      %sign3A_1765 = arith.cmpi sgt, %jit3A_1755, %sign3A_1764 : i32
      %sign3A_1766 = arith.extui %sign3A_1765 : i1 to i32
      %sign3A_1767 = arith.constant 0 : i32
      %sign3A_1768 = arith.cmpi slt, %jit3A_1755, %sign3A_1767 : i32
      %sign3A_1769 = arith.extui %sign3A_1768 : i1 to i32
      %sign3A_1770 = arith.subi %sign3A_1766, %sign3A_1769 : i32
      %ne3A_1771 = arith.cmpi ne, %sign3A_1763, %sign3A_1770 : i32
      %rem3A_1772 = arith.remsi %select_n3A_1754, %jit3A_1755 : i32
      %ne3A_1773 = arith.constant 0 : i32
      %ne3A_1774 = arith.cmpi ne, %rem3A_1772, %ne3A_1773 : i32
      %and3A_1775 = arith.andi %ne3A_1771, %ne3A_1774 : i1
      %sub3A_1776 = arith.constant 1 : i32
      %sub3A_1777 = arith.subi %div3A_1756, %sub3A_1776 : i32
      %select_n3A_1778 = arith.select %and3A_1775, %sub3A_1777, %div3A_1756 : i32
      %mul3A_1779 = arith.constant 512 : i32
      %mul3A_1780 = arith.muli %select_n3A_1778, %mul3A_1779 : i32
      %sub3A_1781 = arith.constant 4112 : i32
      %sub3A_1782 = arith.subi %sub3A_1781, %mul3A_1780 : i32
      %add3A_1783 = arith.addi %sub3A_1728, %mul3A_1780 : i32
      %jit3A_1784 = arith.constant 16 : i32
      %div3A_1785 = arith.divsi %add3A_1783, %jit3A_1784 : i32
      %sign3A_1786 = arith.constant 0 : i32
      %sign3A_1787 = arith.cmpi sgt, %add3A_1783, %sign3A_1786 : i32
      %sign3A_1788 = arith.extui %sign3A_1787 : i1 to i32
      %sign3A_1789 = arith.constant 0 : i32
      %sign3A_1790 = arith.cmpi slt, %add3A_1783, %sign3A_1789 : i32
      %sign3A_1791 = arith.extui %sign3A_1790 : i1 to i32
      %sign3A_1792 = arith.subi %sign3A_1788, %sign3A_1791 : i32
      %sign3A_1793 = arith.constant 0 : i32
      %sign3A_1794 = arith.cmpi sgt, %jit3A_1784, %sign3A_1793 : i32
      %sign3A_1795 = arith.extui %sign3A_1794 : i1 to i32
      %sign3A_1796 = arith.constant 0 : i32
      %sign3A_1797 = arith.cmpi slt, %jit3A_1784, %sign3A_1796 : i32
      %sign3A_1798 = arith.extui %sign3A_1797 : i1 to i32
      %sign3A_1799 = arith.subi %sign3A_1795, %sign3A_1798 : i32
      %ne3A_1800 = arith.cmpi ne, %sign3A_1792, %sign3A_1799 : i32
      %rem3A_1801 = arith.remsi %add3A_1783, %jit3A_1784 : i32
      %ne3A_1802 = arith.constant 0 : i32
      %ne3A_1803 = arith.cmpi ne, %rem3A_1801, %ne3A_1802 : i32
      %and3A_1804 = arith.andi %ne3A_1800, %ne3A_1803 : i1
      %sub3A_1805 = arith.constant 1 : i32
      %sub3A_1806 = arith.subi %div3A_1785, %sub3A_1805 : i32
      %select_n3A_1807 = arith.select %and3A_1804, %sub3A_1806, %div3A_1785 : i32
      %mul3A_1808 = arith.constant 16 : i32
      %mul3A_1809 = arith.muli %select_n3A_1807, %mul3A_1808 : i32
      %sub3A_1810 = arith.constant 8386560 : i32
      %sub3A_1811 = arith.subi %sub3A_1810, %sub3A_1782 : i32
      %jit3A_1812 = arith.constant 0 : i32
      %max3A_1813 = arith.maxsi %jit3A_1812, %mul3A_1809 : i32
      %min3A_1814 = arith.minsi %sub3A_1811, %max3A_1813 : i32
      %multiple_of3A_1815 = tpu.assume_multiple %min3A_1814, 16 : i32
      %sub3A_1816 = arith.subi %sub3A_1728, %multiple_of3A_1815 : i32
      %lt3A_1817 = arith.constant 4095 : i32
      %lt3A_1818 = arith.cmpi slt, %add3A_1512, %lt3A_1817 : i32
      %convert_element_type3A_1819 = arith.extui %lt3A_1818 : i1 to i32
      %cond3A_1820 = arith.constant 0 : i32
      %cond3A_1821 = arith.cmpi ne, %convert_element_type3A_1819, %cond3A_1820 : i32
      scf.if %cond3A_1821 {
        %mul3A_1833 = arith.constant 16 : i32
        %mul3A_1834 = arith.muli %select_n3A_1754, %mul3A_1833 : i32
        %add3A_1835 = arith.addi %sub3A_1816, %mul3A_1834 : i32
        %add3A_1836 = vector.broadcast %add3A_1835 : i32 to vector<16xi32>
        %add3A_1837 = arith.addi %iota3A, %add3A_1836 : vector<16xi32>
        %max3A_1838 = arith.constant 0 : i32
        %max3A_1839 = vector.broadcast %max3A_1838 : i32 to vector<16xi32>
        %max3A_1840 = arith.maxsi %add3A_1837, %max3A_1839 : vector<16xi32>
        %gather3A = tpu.vector_load_idx %arg7[%max3A_1840] : memref<4112xf32, #tpu.memory_space<vmem>>[vector<16xi32>], vector<16xf32>,
        %add3A_1841 = vector.broadcast %mul3A_1834 : i32 to vector<16xi32>
        %add3A_1842 = arith.addi %iota3A, %add3A_1841 : vector<16xi32>
        %add3A_1843 = arith.constant 1 : i32
        %add3A_1844 = arith.addi %add3A_1512, %add3A_1843 : i32
        %ge3A = vector.broadcast %add3A_1844 : i32 to vector<16xi32>
        %ge3A_1845 = arith.cmpi sge, %add3A_1842, %ge3A : vector<16xi32>
        %jit3A_1846 = arith.constant 0.000000e+00 : f32
        %broadcast_in_dim3A = vector.broadcast %jit3A_1846 : f32 to vector<16xf32>
        %select_n3A_1847 = arith.select %ge3A_1845, %gather3A, %broadcast_in_dim3A : vector<16xi1>, vector<16xf32>
        %swap3A = arith.index_cast %mul3A_1834 : i32 to index
        %swap3A_1848 = tpu.vector_load %arg11[%swap3A] {strides = array<i32>} : memref<4096xf32, #tpu.memory_space<vmem>>, vector<16xf32>,
        tpu.vector_store %arg11[%swap3A], %select_n3A_1847 {strides = array<i32>} : memref<4096xf32, #tpu.memory_space<vmem>>, vector<16xf32>,
      } else {
      }
      %add3A_1822 = arith.constant 1 : i32
      %add3A_1823 = arith.addi %select_n3A_1754, %add3A_1822 : i32
      %parallel_loop3A_1824 = arith.constant 256 : i32
      %parallel_loop3A_1825 = arith.constant 1 : i32
      scf.for %parallel_loop3A_1833 = %add3A_1823 to %parallel_loop3A_1824 step %parallel_loop3A_1825  : i32 {
        %parallel_loop3A_1834 = arith.constant 16 : i32
        %parallel_loop3A_1835 = arith.muli %parallel_loop3A_1833, %parallel_loop3A_1834 : i32
        %parallel_loop3A_1836 = arith.addi %sub3A_1816, %parallel_loop3A_1835 : i32
        %parallel_loop3A_1837 = vector.broadcast %parallel_loop3A_1836 : i32 to vector<16xi32>
        %parallel_loop3A_1838 = arith.addi %iota3A, %parallel_loop3A_1837 : vector<16xi32>
        %parallel_loop3A_1839 = tpu.vector_load_idx %arg7[%parallel_loop3A_1838] : memref<4112xf32, #tpu.memory_space<vmem>>[vector<16xi32>], vector<16xf32>,
        %parallel_loop3A_1840 = arith.index_cast %parallel_loop3A_1835 : i32 to index
        %parallel_loop3A_1841 = tpu.vector_load %arg11[%parallel_loop3A_1840] {strides = array<i32>} : memref<4096xf32, #tpu.memory_space<vmem>>, vector<16xf32>,
        tpu.vector_store %arg11[%parallel_loop3A_1840], %parallel_loop3A_1839 {strides = array<i32>} : memref<4096xf32, #tpu.memory_space<vmem>>, vector<16xf32>,
      } {sc.loop_unroll_factor = 8 : i64, sc.parallel_access}
      %dma_start3A_1826 = arith.constant 0 : i32
      %dma_start3A_1827 = tpu.memref_slice %arg3[%add3A_1512, %dma_start3A_1826] : memref<4096x4096xf32, #tpu.memory_space<hbm>> -> memref<1x4096xf32, #tpu.memory_space<hbm>>
      %dma_start3A_1828 = tpu.memref_squeeze %dma_start3A_1827 : memref<1x4096xf32, #tpu.memory_space<hbm>> -> memref<4096xf32, #tpu.memory_space<hbm>>
      %dma_start3A_1829 = arith.constant 0 : i32
      %dma_start3A_1830 = tpu.memref_slice %arg3[%add3A_1512, %dma_start3A_1829] : memref<4096x4096xf32, #tpu.memory_space<hbm>> -> memref<1x4096xf32, #tpu.memory_space<hbm>>
      %dma_start3A_1831 = tpu.memref_squeeze %dma_start3A_1830 : memref<1x4096xf32, #tpu.memory_space<hbm>> -> memref<4096xf32, #tpu.memory_space<hbm>>
      tpu.enqueue_dma source(%arg11 : memref<4096xf32, #tpu.memory_space<vmem>>) target(%dma_start3A_1831 : memref<4096xf32, #tpu.memory_space<hbm>>) target_semaphore(%arg19 : memref<!tpu.dma_semaphore, #tpu.memory_space<semaphore_mem>>)
      %scan3A_1832 = arith.constant 0 : i32
      scf.yield %scan3A_1832 : i32
    }
    %scan3A_500 = arith.constant 32 : i32
    %dma_wait3A = arith.constant 0 : i32
    %dma_wait3A_501 = arith.constant 0 : i32
    %dma_wait3A_502 = tpu.memref_slice %arg3[%dma_wait3A, %dma_wait3A_501] : memref<4096x4096xf32, #tpu.memory_space<hbm>> -> memref<1x4096xf32, #tpu.memory_space<hbm>>
    %dma_wait3A_503 = tpu.memref_squeeze %dma_wait3A_502 : memref<1x4096xf32, #tpu.memory_space<hbm>> -> memref<4096xf32, #tpu.memory_space<hbm>>
    %dma_wait3A_504 = arith.constant 0 : i32
    %dma_wait3A_505 = tpu.memref_slice %arg3[%dma_wait3A, %dma_wait3A_504] : memref<4096x4096xf32, #tpu.memory_space<hbm>> -> memref<1x4096xf32, #tpu.memory_space<hbm>>
    %dma_wait3A_506 = tpu.memref_squeeze %dma_wait3A_505 : memref<1x4096xf32, #tpu.memory_space<hbm>> -> memref<4096xf32, #tpu.memory_space<hbm>>
    tpu.wait_dma2 semaphore(%arg16 : memref<!tpu.dma_semaphore, #tpu.memory_space<semaphore_mem>>) src(%arg8 : memref<4096xf32, #tpu.memory_space<vmem>>) dst(%dma_wait3A_506 : memref<4096xf32, #tpu.memory_space<hbm>>)
    %dma_wait3A_507 = arith.constant 0 : i32
    %dma_wait3A_508 = arith.constant 0 : i32
    %dma_wait3A_509 = tpu.memref_slice %arg3[%dma_wait3A_507, %dma_wait3A_508] : memref<4096x4096xf32, #tpu.memory_space<hbm>> -> memref<1x4096xf32, #tpu.memory_space<hbm>>
    %dma_wait3A_510 = tpu.memref_squeeze %dma_wait3A_509 : memref<1x4096xf32, #tpu.memory_space<hbm>> -> memref<4096xf32, #tpu.memory_space<hbm>>
    %dma_wait3A_511 = arith.constant 0 : i32
    %dma_wait3A_512 = tpu.memref_slice %arg3[%dma_wait3A_507, %dma_wait3A_511] : memref<4096x4096xf32, #tpu.memory_space<hbm>> -> memref<1x4096xf32, #tpu.memory_space<hbm>>
    %dma_wait3A_513 = tpu.memref_squeeze %dma_wait3A_512 : memref<1x4096xf32, #tpu.memory_space<hbm>> -> memref<4096xf32, #tpu.memory_space<hbm>>
    tpu.wait_dma2 semaphore(%arg17 : memref<!tpu.dma_semaphore, #tpu.memory_space<semaphore_mem>>) src(%arg9 : memref<4096xf32, #tpu.memory_space<vmem>>) dst(%dma_wait3A_513 : memref<4096xf32, #tpu.memory_space<hbm>>)
    %dma_wait3A_514 = arith.constant 0 : i32
    %dma_wait3A_515 = arith.constant 0 : i32
    %dma_wait3A_516 = tpu.memref_slice %arg3[%dma_wait3A_514, %dma_wait3A_515] : memref<4096x4096xf32, #tpu.memory_space<hbm>> -> memref<1x4096xf32, #tpu.memory_space<hbm>>
    %dma_wait3A_517 = tpu.memref_squeeze %dma_wait3A_516 : memref<1x4096xf32, #tpu.memory_space<hbm>> -> memref<4096xf32, #tpu.memory_space<hbm>>
    %dma_wait3A_518 = arith.constant 0 : i32
    %dma_wait3A_519 = tpu.memref_slice %arg3[%dma_wait3A_514, %dma_wait3A_518] : memref<4096x4096xf32, #tpu.memory_space<hbm>> -> memref<1x4096xf32, #tpu.memory_space<hbm>>
    %dma_wait3A_520 = tpu.memref_squeeze %dma_wait3A_519 : memref<1x4096xf32, #tpu.memory_space<hbm>> -> memref<4096xf32, #tpu.memory_space<hbm>>
    tpu.wait_dma2 semaphore(%arg18 : memref<!tpu.dma_semaphore, #tpu.memory_space<semaphore_mem>>) src(%arg10 : memref<4096xf32, #tpu.memory_space<vmem>>) dst(%dma_wait3A_520 : memref<4096xf32, #tpu.memory_space<hbm>>)
    %dma_wait3A_521 = arith.constant 0 : i32
    %dma_wait3A_522 = arith.constant 0 : i32
    %dma_wait3A_523 = tpu.memref_slice %arg3[%dma_wait3A_521, %dma_wait3A_522] : memref<4096x4096xf32, #tpu.memory_space<hbm>> -> memref<1x4096xf32, #tpu.memory_space<hbm>>
    %dma_wait3A_524 = tpu.memref_squeeze %dma_wait3A_523 : memref<1x4096xf32, #tpu.memory_space<hbm>> -> memref<4096xf32, #tpu.memory_space<hbm>>
    %dma_wait3A_525 = arith.constant 0 : i32
    %dma_wait3A_526 = tpu.memref_slice %arg3[%dma_wait3A_521, %dma_wait3A_525] : memref<4096x4096xf32, #tpu.memory_space<hbm>> -> memref<1x4096xf32, #tpu.memory_space<hbm>>
    %dma_wait3A_527 = tpu.memref_squeeze %dma_wait3A_526 : memref<1x4096xf32, #tpu.memory_space<hbm>> -> memref<4096xf32, #tpu.memory_space<hbm>>
    tpu.wait_dma2 semaphore(%arg19 : memref<!tpu.dma_semaphore, #tpu.memory_space<semaphore_mem>>) src(%arg11 : memref<4096xf32, #tpu.memory_space<vmem>>) dst(%dma_wait3A_527 : memref<4096xf32, #tpu.memory_space<hbm>>)
    return
  }
}

</mosaic_0001>

<sc_bundles>
// kernel: kernel.3.cloned.1.call-start
scs
__scs_entry_jumppad:
0x0: {  	(pc) =	sbr.rel $0x88, $3  }
0x1: {  	(tag) =	ssettag $0x0;
	lr =	simm.s32 $0x1  }
0x2: {  	[smem:$0x3FA0] =	sst lr;
	_ =	strace $0xD0000000  }
0x3: {  	_ = 	snop  }
0x4: {  	_ = 	snop  }
0x5: {  	_ = 	snop  }
0x6: {  	_ = 	snop  }
0x7: {  	_ = 	snop  }
__scs_overlays_trampoline_lowered:
0x8: {  	[smem:$0x3FAF] =	sst s0  }
0x9: {  	[smem:$0x3FB0] =	sst s1  }
0xa: {  	[smem:$0x3FB1] =	sst s2  }
0xb: {  	[smem:$0x3FB2] =	sst s3  }
0xc: {  	[smem:$0x3FB3] =	sst s4  }
0xd: {  	[smem:$0x3FB4] =	sst s5  }
0xe: {  	[smem:$0x3FB5] =	sst s6  }
0xf: {  	[smem:$0x3FB6] =	sst s7  }
0x10: {  	[smem:$0x3FB7] =	sst s8  }
0x11: {  	[smem:$0x3FB8] =	sst s9;
	s0 =	simm.s32 @!p0 $0x0  }
0x12: {  	s1 =	sld [smem:$0x3F9E];
	s0 =	simm.s32 @p0 $0x1  }
0x13: {  	[smem:$0x3FB9] =	sst s0;
	s0 =	simm.s32 @!p1 $0x0  }
0x14: {  	s2 =	sld [smem:$0x3F9D];
	s0 =	simm.s32 @p1 $0x1  }
0x15: {  	[smem:$0x3FBA] =	sst s0;
	s0 =	simm.s32 @!p2 $0x0  }
0x16: {  	s3 =	sld [smem:$0x3FDB];
	s0 =	simm.s32 @p2 $0x1  }
0x17: {  	s4 =	simm.s32 $0x1BF5;
	[smem:$0x3FBC] =	sst s0  }
0x18: {  	s0 =	sld [smem:$0x3F9F];
	_ =	swait.ge [sflag:s4], $0x0  }
0x19: {  	s7 =	sld [smem:$0x3FA0]  }
0x1a: {  	s8 =	sadd.s32 $0xFFFFE003, lr  }
0x1b: {  	s9 =	sadd.s32 $0xFFFFFEF7, lr;
	s5 =	simm.s32 $0xFFFFFFFF;
	p2 =	slt.u32 s8, $0xFFFFF086  }
0x1c: {  	p1 =	slt.u32 s9, $0xF7A;
	s5 =	simm.s32 @!p2 $0x0  }
0x1d: {  	s5 =	simm.s32 @p1 $0x1;
	p0 =	seq.s32 s7, s2  }
0x1e: {  	s7 =	smul.u32 @!p0 $0xF7A, s2;
	p2 =	seq.s32 @!p0 s5, $0x0  }
0x1f: {  	s9 =	smul.u32 $0xF7A, s1;
	s8 =	simm.s32 @!p0 $0x1BF5;
	p2 =	por !p2, p0  }
0x20: {  	[sflag:s8] =	ssyncset.s32 @!p0 $0xFFFFF086;
	s6 =	sadd.s32 @!p0 s3, s7;
	s7 =	simm.s32 @!p0 $0x108  }
0x21: {  	s3 =	sadd.s32 s3, s9;
	s6 =	sadd.s32 @!p0 $0x88, s6;
	s7 =	simm.s32 @p2 $0x1082  }
0x22: {  	[simem:s7], [sflag:s8] =	dma.local @!p0 [hbm:s6], $0xF7A  }
0x23: {  	s9 =	sor.u32 $0xD0000000, s2;
	s6 =	simm.s32 $0x108;
	_ =	swait.ge @!p0 [sflag:s8], $0x0  }
0x24: {  	s3 =	sadd.s32 $0x88, s3;
	s6 =	simm.s32 @!p1 $0x1082;
	[sflag:s4] =	ssyncset.s32 $0xFFFFF086  }
0x25: {  	[simem:s6], [sflag:s4] =	dma.local [hbm:s3], $0xF7A  }
0x26: {  	[smem:$0x3FA0] =	sst s1;
	(tag) =	ssettag s2;
	_ =	strace s9  }
0x27: {  	s1 =	sld [smem:$0x3FB0]  }
0x28: {  	s2 =	sld [smem:$0x3FB1]  }
0x29: {  	s4 =	sld [smem:$0x3FB3]  }
0x2a: {  	p0 =	seq.s32 s5, $0x0;
	s5 =	sld [smem:$0x3FB4]  }
0x2b: {  	s6 =	sld [smem:$0x3FB5]  }
0x2c: {  	s7 =	sld [smem:$0x3FB6]  }
0x2d: {  	s3 =	simm.s32 $0x108;
	s8 =	sld [smem:$0x3FB7]  }
0x2e: {  	s3 =	simm.s32 @!p0 $0x1082;
	s9 =	sld [smem:$0x3FB8]  }
0x2f: {  	lr =	sadd.s32 s0, s3;
	s0 =	sld [smem:$0x3FAF]  }
0x30: {  	s3 =	sld [smem:$0x3FB2]  }
0x31: {  	[smem:$0x3FBB] =	sst s10  }
0x32: {  	s10 =	sld [smem:$0x3FB9];
	_ =	sdelay $0x3  }
0x33: {  	p0 =	seq.s32 s10, $0x1;
	s10 =	sld [smem:$0x3FBB];
	_ =	sdelay $0x3  }
0x34: {  	[smem:$0x3FBB] =	sst s10  }
0x35: {  	s10 =	sld [smem:$0x3FBA];
	_ =	sdelay $0x3  }
0x36: {  	p1 =	seq.s32 s10, $0x1;
	s10 =	sld [smem:$0x3FBB];
	_ =	sdelay $0x3  }
0x37: {  	[smem:$0x3FBB] =	sst s10  }
0x38: {  	s10 =	sld [smem:$0x3FBC]  }
0x39: {  	_ = 	snop;
	(pc) =	sbr.ind lr, $3  }
0x3a: {  	_ = 	snop  }
0x3b: {  	_ = 	snop  }
0x3c: {  	p2 =	seq.s32 s10, $0x1;
	s10 =	sld [smem:$0x3FBB]  }
0x3d: {  	_ =	shalt  }
0x3e: {  	_ =	shalt  }
0x3f: {  	_ =	shalt  }
0x40: {  	_ =	shalt  }
0x41: {  	_ =	shalt  }
0x42: {  	_ =	shalt  }
0x43: {  	_ =	shalt  }
0x44: {  	_ =	shalt  }
0x45: {  	_ =	shalt  }
0x46: {  	_ =	shalt  }
0x47: {  	_ =	shalt  }
0x48: {  	_ =	shalt  }
0x49: {  	_ =	shalt  }
0x4a: {  	_ =	shalt  }
0x4b: {  	_ =	shalt  }
0x4c: {  	_ =	shalt  }
0x4d: {  	_ =	shalt  }
0x4e: {  	_ =	shalt  }
0x4f: {  	_ =	shalt  }
0x50: {  	_ =	shalt  }
0x51: {  	_ =	shalt  }
0x52: {  	_ =	shalt  }
0x53: {  	_ =	shalt  }
0x54: {  	_ =	shalt  }
0x55: {  	_ =	shalt  }
0x56: {  	_ =	shalt  }
0x57: {  	_ =	shalt  }
0x58: {  	_ =	shalt  }
0x59: {  	_ =	shalt  }
0x5a: {  	_ =	shalt  }
0x5b: {  	_ =	shalt  }
0x5c: {  	_ =	shalt  }
0x5d: {  	_ =	shalt  }
0x5e: {  	_ =	shalt  }
0x5f: {  	_ =	shalt  }
0x60: {  	_ =	shalt  }
0x61: {  	_ =	shalt  }
0x62: {  	_ =	shalt  }
0x63: {  	_ =	shalt  }
0x64: {  	_ =	shalt  }
0x65: {  	_ =	shalt  }
0x66: {  	_ =	shalt  }
0x67: {  	_ =	shalt  }
0x68: {  	_ =	shalt  }
0x69: {  	_ =	shalt  }
0x6a: {  	_ =	shalt  }
0x6b: {  	_ =	shalt  }
0x6c: {  	_ =	shalt  }
0x6d: {  	_ =	shalt  }
0x6e: {  	_ =	shalt  }
0x6f: {  	_ =	shalt  }
0x70: {  	_ =	shalt  }
0x71: {  	_ =	shalt  }
0x72: {  	_ =	shalt  }
0x73: {  	_ =	shalt  }
0x74: {  	_ =	shalt  }
0x75: {  	_ =	shalt  }
0x76: {  	_ =	shalt  }
0x77: {  	_ =	shalt  }
0x78: {  	_ =	shalt  }
0x79: {  	_ =	shalt  }
0x7a: {  	_ =	shalt  }
0x7b: {  	_ =	shalt  }
0x7c: {  	_ =	shalt  }
0x7d: {  	_ =	shalt  }
0x7e: {  	_ =	shalt  }
0x7f: {  	_ =	shalt  }
0x80: {  	_ =	shalt  }
0x81: {  	_ =	shalt  }
0x82: {  	_ =	shalt  }
0x83: {  	_ =	shalt  }
0x84: {  	_ =	shalt  }
0x85: {  	_ =	shalt  }
0x86: {  	_ =	shalt  }
0x87: {  	_ =	shalt  }
.Lfunc_end0:
.L_simem_size_0:
called_computation_lowered:
.L_overlay_start_0:
0x88: {  	s2 =	sld [smem:$0x3FD9]  }
0x89: {  	s3 =	sld [smem:$0x3FFE];
	_ =	sdelay $0x1  }
0x8a: {  	s1 =	srdreg.scid  }
0x8b: {  	s0 =	sand.u32 $0x1, s1  }
0x8c: {  	s18 =	sshll.u32 s0, $0xA;
	s2 =	sadd.s32 s3, s2  }
0x8d: {  	s2 =	sadd.s32 s2, s18  }
0x8e: {  	[smem:$0x3FC7] =	sst s2  }
0x8f: {  	_ = 	snop  }
0x90: {  	s2 =	sld [smem:$0x3FC9]  }
0x91: {  	s19 =	sld [smem:$0x3FD0];
	(tm) =	ssettm $0x1  }
0x92: {  	s4 =	sld [smem:$0x3FFB];
	_ =	sdelay $0x3  }
0x93: {  	_ =	strace s4  }
0x94: {  	s4 =	sld [smem:$0x3FFC];
	_ =	sdelay $0x3  }
0x95: {  	_ =	strace s4  }
0x96: {  	s4 =	sld [smem:$0x3FFD];
	_ =	sdelay $0x3  }
0x97: {  	_ =	strace s4  }
0x98: {  	_ =	strace $0x8FFFFFFF  }
0x99: {  	s20 =	sld [smem:$0x3FDB];
	_ =	sdelay $0x1  }
0x9a: {  	s5 =	simm.s32 $_scs_section_size  }
0x9b: {  	s6 =	simm.s32 $_size__tile_overlayer_lowered;
	s7 =	simm.s32 $_tile_overlayer_lowered  }
0x9c: {  	s23 =	simm.s32 $0x1BFF;
	s22 =	sshll.u32 s7, $0x1;
	s4 =	sadd.s32 s5, s20  }
0x9d: {  	s8 =	simm.s32 $0x0;
	s21 =	sshll.u32 s6, $0x1;
	s6 =	sadd.s32 s22, s4  }
0x9e: {  	[timem:s8], [sflag:s23] =	dma.local [hbm:s6], s21  }
0x9f: {  	_ =	swait.ge [sflag:s23], s21  }
0xa0: {  	s5 =	ssub.s32 $0x0, s21;
	[sflag:s23] =	ssyncset.done $0x0  }
0xa1: {  	[sflag:s23] =	ssyncadd.s32 s5;
	_ =	sdelay $0x1  }
0xa2: {  	s24 =	simm.s32 $0x1B8B  }
0xa3: {  	_ =	swait.ge [sflag:s24], $0x1  }
0xa4: {  	[sflag:s24] =	ssyncset.done $0x0  }
0xa5: {  	s25 =	simm.s32 $0x1B8E;
	[sflag:s24] =	ssyncadd.s32 $0xFFFFFFFF  }
0xa6: {  	s26 =	simm.s32 $execute0_lowered;
	[smem:$0x3FD2] =	sst s25  }
0xa7: {  	s5 =	sshll.u32 s26, $0x1;
	_ =	strace $0x80000046;
	[dreg:$0x1] =	wrdreg $0xFFFFFFFF  }
0xa8: {  	s28 =	simm.s32 $_size_execute0_lowered;
	s4 =	sadd.s32 s4, s5;
	[dreg:$0x0] =	wrdreg $0x0  }
0xa9: {  	s5 =	sshll.u32 s28, $0x1;
	[dreg:$0x2] =	wrdreg s4  }
0xaa: {  	[dreg:$0x3] =	wrdreg s5  }
0xab: {  	[dreg:$0x4] =	wrdreg $0xC0  }
0xac: {  	_ =	task [dreg:s8], $0x5FFFF  }
0xad: {  	[dreg:$0x1] =	wrdreg $0xFFFFFFFF  }
0xae: {  	[dreg:$0x0] =	wrdreg $0x60  }
0xaf: {  	[dreg:$0x2] =	wrdreg s2  }
0xb0: {  	[dreg:$0x3] =	wrdreg s19  }
0xb1: {  	[dreg:$0x4] =	wrdreg $0x9  }
0xb2: {  	_ =	task.clear_ibuf [dreg:s8], $0x5FFFF;
	_ =	strace $0x90000046  }
0xb3: {  	s29 =	simm.s32 $0x9;
	_ =	strace $0x80000048  }
0xb4: {  	_ =	swait.ge [sflag:s29], $0x1  }
0xb5: {  	[sflag:s29] =	ssyncadd.s32 $0xFFFFFFFF  }
0xb6: {  	_ =	strace $0x90000048  }
0xb7: {  	_ =	sfence  }
0xb8: {  	s30 =	sld [smem:$0x0];
	_ =	sdelay $0x2  }
0xb9: {  	s31 =	sshll.u32 s1, $0xD;
	s1 =	sshrl.u32 s1, $0x2  }
0xba: {  	s3 =	sand.u32 $0x4000, s31;
	s1 =	sadd.s32 s1, s30  }
0xbb: {  	s0 =	sor.u32 s3, s0;
	s1 =	sshll.u32 s1, $0x11  }
0xbc: {  	s0 =	sor.u32 s1, s0  }
0xbd: {  	s0 =	sadd.s32 $0x8F2B, s0  }
0xbe: {  	[sflag:s0] =	ssyncadd.remote.s32 $0x1  }
0xbf: {  	_ =	sfence.sel $0xFFFF  }
0xc0: {  	[dreg:$0x0] =	wrdreg $0xFFFFFFFF;
	(pc) =	sbr.abs _section_cstart, $3  }
0xc1: {  	[dreg:$0x1] =	wrdreg $0xFFFFFFFF  }
0xc2: {  	_ =	task.clear_ibuf [dreg:s8], $0x2FFFF;
	_ =	strace $0x9FFFFFFF  }
0xc3: {  	(tm) =	ssettm $0x7FFFFFFF  }
tec
execute0_lowered:
.L_overlay_start_1:
0x0: {  	(tag) =	ssettag $0x1  }
0x1: {  	s0 =	srdreg.scid  }
0x2: {  	s9 =	stileid.u32;
	s30 =	rddreg [dreg:$0x0]  }
0x3: {  	s31 =	rddreg [dreg:$0x1];
	s0 =	sand.u32 $0x1, s0;
	s1 =	sshll.u32 s9, $0x1  }
0x4: {  	s5 =	simm.s32 $0x0;
	s25 =	smul.u32 $0x1FFC, s9;
	s10 =	sor.u32 s0, s1  }
0x5: {  	s26 =	smul.u32 $0xFFE, s0;
	s1 =	sor.u32 $0xFE0, s10;
	s2 =	sadd.s32 $0xFDF, s10  }
0x6: {  	[smem:$0x7FF] =	sst s5;
	s4 =	sadd.s32 $0xFE1, s10;
	s2 =	smul.u32 s2, s1  }
0x7: {  	s3 =	sor.u32 $0xFC0, s10;
	s7 =	sadd.s32 $0xFBF, s10;
	s1 =	smul.u32 $0xFFE, s1  }
0x8: {  	s22 =	sor.u32 $0xFA0, s10;
	s8 =	sadd.s32 $0xF9F, s10;
	s6 =	smul.u32 $0xFFE, s3  }
0x9: {  	[dreg:$0x4] =	wrdreg s4;
	s4 =	sand.u32 $0x1E00, s4;
	s3 =	smul.u32 s7, s3  }
0xa: {  	s8 =	smul.u32 s8, s22;
	_ =	strace $0x80000047;
	p0 =	seq.s32 s4, $0x1000  }
0xb: {  	[dreg:$0x3] =	wrdreg s10;
	s1 =	sadd.s32 s1, s4;
	s3 =	sshrl.u32 s3, $0x1  }
0xc: {  	s24 =	sshrl.u32 s8, $0x1;
	s8 =	sadd.s32 $0x7FE7F0, s4;
	s4 =	simm.s32 @!p0 $0x0  }
0xd: {  	s3 =	ssub.s32 s6, s3;
	s6 =	sadd.s32 s26, s25;
	s4 =	simm.s32 @p0 $0x1  }
0xe: {  	s7 =	sadd.s32 $0xFDE04F, s6;
	[smem:$0x7EC] =	sst s4  }
0xf: {  	s28 =	sadd.s32 $0xFDE0BF, s6;
	[dreg:$0x5] =	wrdreg s7  }
0x10: {  	s29 =	sadd.s32 $0xFDE05F, s6;
	[dreg:$0x6] =	wrdreg s28  }
0x11: {  	s9 =	sadd.s32 $0xFDE0AF, s6;
	[dreg:$0x7] =	wrdreg s29  }
0x12: {  	s11 =	sadd.s32 $0xFDE06F, s6;
	[dreg:$0x8] =	wrdreg s9  }
0x13: {  	s12 =	sadd.s32 $0xFDE09F, s6;
	[dreg:$0x9] =	wrdreg s11  }
0x14: {  	s13 =	sadd.s32 $0xFDE07F, s6;
	[dreg:$0xa] =	wrdreg s12  }
0x15: {  	s14 =	sadd.s32 $0xFDE08F, s6;
	[dreg:$0xb] =	wrdreg s13  }
0x16: {  	s16 =	sadd.s32 $0xFDF03F, s6;
	[dreg:$0xc] =	wrdreg s14  }
0x17: {  	s17 =	sadd.s32 $0xFBE08F, s6;
	[dreg:$0xd] =	wrdreg s16  }
0x18: {  	s18 =	sadd.s32 $0xFBE0FF, s6;
	[dreg:$0xe] =	wrdreg s17  }
0x19: {  	s23 =	smul.u32 $0xFFE, s22;
	s19 =	sadd.s32 $0xFBE09F, s6;
	[dreg:$0x10] =	wrdreg s18  }
0x1a: {  	s2 =	sshrl.u32 s2, $0x1;
	s20 =	sadd.s32 $0xFBE0EF, s6;
	[dreg:$0x11] =	wrdreg s19  }
0x1b: {  	s2 =	sxor.u32 $0xFFFFFFFF, s2;
	s21 =	sadd.s32 $0xFBE0AF, s6;
	[dreg:$0x12] =	wrdreg s20  }
0x1c: {  	s1 =	sadd.s32 s2, s1;
	s22 =	sadd.s32 $0xFBE0DF, s6;
	[dreg:$0x13] =	wrdreg s21  }
0x1d: {  	s2 =	ssub.s32 s23, s24;
	s24 =	sadd.s32 $0xFBE0BF, s6;
	[dreg:$0x14] =	wrdreg s22  }
0x1e: {  	s25 =	sadd.s32 $0xFBE0CF, s6;
	[dreg:$0x15] =	wrdreg s24  }
0x1f: {  	s15 =	sshll.u32 s10, $0x7;
	s26 =	sadd.s32 $0xFBF07F, s6;
	[dreg:$0x16] =	wrdreg s25  }
0x20: {  	s7 =	sand.u32 $0x380, s15;
	[dreg:$0x17] =	wrdreg s26  }
0x21: {  	s28 =	sadd.s32 $0xF9E0CF, s6;
	[dreg:$0xf] =	wrdreg s7  }
0x22: {  	s29 =	sadd.s32 $0xF9E13F, s6;
	[dreg:$0x18] =	wrdreg s28  }
0x23: {  	s9 =	sadd.s32 $0xF9E0EF, s6;
	[dreg:$0x19] =	wrdreg s29  }
0x24: {  	s11 =	sadd.s32 $0xF9E11F, s6;
	[dreg:$0x1c] =	wrdreg s9  }
0x25: {  	s12 =	sadd.s32 $0xF9E0FF, s6;
	s14 =	sadd.s32 $0xF9E10F, s6;
	[dreg:$0x1e] =	wrdreg s11  }
0x26: {  	s15 =	sadd.s32 $0xF9F0BF, s6;
	s16 =	sadd.s32 $0xF7E10F, s6;
	[dreg:$0x1f] =	wrdreg s12  }
0x27: {  	s17 =	sadd.s32 $0xF7E17F, s6;
	[smem:$0x7ED] =	sst s14  }
0x28: {  	s19 =	sadd.s32 $0xF7E11F, s6;
	[smem:$0x7EE] =	sst s15  }
0x29: {  	s0 =	ssub.s32 $0x2, s0;
	s20 =	sadd.s32 $0xF7E16F, s6;
	[smem:$0x7F0] =	sst s16  }
0x2a: {  	s3 =	sadd.s32 $0xDFF, s3;
	s21 =	sadd.s32 $0xF7E12F, s6;
	[smem:$0x7F1] =	sst s17  }
0x2b: {  	s23 =	sshrl.u32 s0, $0x1;
	s22 =	sadd.s32 $0xF7E15F, s6;
	[smem:$0x7F2] =	sst s19  }
0x2c: {  	s0 =	ssub.s32 s0, s23;
	s23 =	sadd.s32 $0xF7E13F, s6;
	[smem:$0x7F3] =	sst s20  }
0x2d: {  	s1 =	sand.u32 $0xFFFFFFF0, s1;
	s24 =	sadd.s32 $0xF7E14F, s6;
	[smem:$0x7F5] =	sst s21  }
0x2e: {  	s2 =	sadd.s32 $0xDFF, s2;
	s25 =	sadd.s32 $0xF7F0FF, s6;
	[smem:$0x7F6] =	sst s22  }
0x2f: {  	s3 =	sand.u32 $0x7FFFFFF0, s3;
	s2 =	sand.u32 $0x7FFFFFF0, s2;
	[smem:$0x7F8] =	sst s23  }
0x30: {  	s26 =	sadd.s32 $0xFC1, s10;
	s3 =	smin.u32 s3, $0x7FF5F0;
	[smem:$0x7F9] =	sst s24  }
0x31: {  	s1 =	smin.u32 s8, s1;
	s7 =	sadd.s32 $0xF9E0DF, s6;
	[smem:$0x7FA] =	sst s25  }
0x32: {  	s8 =	sadd.s32 $0xF9E12F, s6;
	s0 =	smax.u32 s0, $0x1;
	[smem:$0x7FB] =	sst s26  }
0x33: {  	s28 =	sadd.s32 $0xFA1, s10;
	s29 =	sadd.s32 $0xF81, s10;
	[dreg:$0x1a] =	wrdreg s7  }
0x34: {  	s15 =	simm.s32 $0x1080;
	s25 =	simm.s32 $0x2100;
	[dreg:$0x1b] =	wrdreg s8  }
0x35: {  	s23 =	simm.s32 $0x80;
	s2 =	smin.u32 s2, $0x7FF5F0;
	[smem:$0x7F7] =	sst s0  }
.Ltmp0:
0x36: {  	s1 =	sshrl.u32 s1, $0x3;
	[smem:$0x7FC] =	sst s28;
	(pc) =	sbr.rel .LBB2_1-.Ltmp0, $4  }
0x37: {  	s13 =	sshrl.u32 s3, $0x3;
	[smem:$0x7FD] =	sst s29;
	s1 =	sadd.s32 s30, s1  }
0x38: {  	s18 =	sshrl.u32 s2, $0x3;
	[dreg:$0x1d] =	wrdreg s1;
	s1 =	sadd.s32 s30, s13  }
0x39: {  	s24 =	simm.s32 $0x400;
	[smem:$0x7EF] =	sst s1;
	s1 =	sadd.s32 s30, s18  }
0x3a: {  	v0 =	vimm.f32 $0.0e+00;
	v1 =	vlaneseq.u32;
	s8 =	simm.s32 $0x3180;
	s2 =	simm.s32 $0x0;
	[smem:$0x7F4] =	sst s1  }
.LBB2_74:
0x3b: {  	s0 =	simm.s32 $0x5  }
0x3c: {  	_ =	swait.ge [sflag:s0], $0x1000  }
0x3d: {  	[sflag:s0] =	ssyncset.done $0x0  }
0x3e: {  	s26 =	simm.s32 $0x6;
	[sflag:s0] =	ssyncadd.s32 $0xFFFFF000  }
0x3f: {  	_ =	swait.ge [sflag:s26], $0x1000  }
0x40: {  	[sflag:s26] =	ssyncset.done $0x0  }
0x41: {  	s28 =	simm.s32 $0x7;
	[sflag:s26] =	ssyncadd.s32 $0xFFFFF000  }
0x42: {  	_ =	swait.ge [sflag:s28], $0x1000  }
0x43: {  	[sflag:s28] =	ssyncset.done $0x0  }
0x44: {  	s1 =	simm.s32 $0x8;
	[sflag:s28] =	ssyncadd.s32 $0xFFFFF000  }
0x45: {  	_ =	swait.ge [sflag:s1], $0x1000  }
0x46: {  	s2 =	sld [smem:$0x7EB]  }
0x47: {  	s29 =	sld [smem:$0x7F7];
	_ =	sdelay $0x1  }
0x48: {  	s2 =	sadd.s32 $0x1, s2  }
0x49: {  	p0 =	sne.s32 s2, s29  }
.Ltmp1:
0x4a: {  	_ = 	snop;
	(pc) =	sbr.rel @!p0 .LBB2_75-.Ltmp1, $3  }
0x4b: {  	_ =	sdelay $0x1  }
0x4c: {  	[sflag:s1] =	ssyncset.done $0x0  }
0x4d: {  	[sflag:s1] =	ssyncadd.s32 $0xFFFFF000  }
.LBB2_1:
0x4e: {  	[smem:$0x7EB] =	sst s2;
	s1 =	simm.s32 $0x40;
	s0 =	simm.s32 $0x0  }
.LBB2_2:
0x4f: {  	p0 =	sne.s32 s1, $0x3FC0;
	[tilespmem:s0+$0x7200] =	vst v0;
	s2 =	smov.u32 s1;
	s1 =	sadd.s32 $0x40, s1  }
.Ltmp2:
0x50: {  	[tilespmem:s0+$0x6200] =	vst v0;
	(pc) =	sbr.rel @p0 .LBB2_2-.Ltmp2, $3  }
0x51: {  	[tilespmem:s0+$0x4200] =	vst v0  }
0x52: {  	[tilespmem:s0+$0x5200] =	vst v0;
	_ =	sdelay $0x1  }
0x53: {  	s0 =	sshra.s32 s2, $0x2  }
0x54: {  	s17 =	sld [smem:$0x7EC]  }
0x55: {  	s1 =	rddreg [dreg:$0x1d]  }
0x56: {  	s18 =	sld [smem:$0x7EF]  }
0x57: {  	s19 =	sld [smem:$0x7F4]  }
0x58: {  	s7 =	sld [smem:$0x7FA]  }
0x59: {  	s26 =	sld [smem:$0x7F9]  }
0x5a: {  	s28 =	sld [smem:$0x7F8]  }
0x5b: {  	s29 =	sld [smem:$0x7F6]  }
0x5c: {  	s20 =	sld [smem:$0x7F5]  }
0x5d: {  	s21 =	sld [smem:$0x7F3]  }
0x5e: {  	s22 =	sld [smem:$0x7F2]  }
0x5f: {  	s2 =	sld [smem:$0x7F0]  }
0x60: {  	s13 =	sld [smem:$0x7FD]  }
0x61: {  	s3 =	sld [smem:$0x7EE]  }
0x62: {  	s4 =	sld [smem:$0x7ED]  }
0x63: {  	s6 =	rddreg [dreg:$0x1f]  }
0x64: {  	s9 =	rddreg [dreg:$0x1e]  }
0x65: {  	s10 =	rddreg [dreg:$0x1c]  }
0x66: {  	s11 =	rddreg [dreg:$0x1b]  }
0x67: {  	s14 =	rddreg [dreg:$0x1a]  }
0x68: {  	s16 =	rddreg [dreg:$0x19]  }
0x69: {  	[smem:$0x7D0] =	sst s6  }
0x6a: {  	[smem:$0x7D1] =	sst s9  }
0x6b: {  	[smem:$0x7D2] =	sst s10  }
0x6c: {  	[smem:$0x7D3] =	sst s11  }
0x6d: {  	[smem:$0x7D4] =	sst s14  }
0x6e: {  	[smem:$0x7D5] =	sst s16  }
0x6f: {  	s10 =	sld [smem:$0x7FC]  }
0x70: {  	s6 =	sld [smem:$0x7FB]  }
0x71: {  	s9 =	rddreg [dreg:$0xd]  }
0x72: {  	s11 =	rddreg [dreg:$0xc]  }
0x73: {  	s14 =	rddreg [dreg:$0xb]  }
0x74: {  	s16 =	rddreg [dreg:$0xa]  }
0x75: {  	[smem:$0x7E1] =	sst s9  }
0x76: {  	[smem:$0x7E2] =	sst s11  }
0x77: {  	[smem:$0x7E3] =	sst s14  }
0x78: {  	[smem:$0x7E4] =	sst s16  }
0x79: {  	[smem:$0x7C9] =	sst s20  }
0x7a: {  	[smem:$0x7CA] =	sst s21  }
0x7b: {  	[smem:$0x7CB] =	sst s22  }
0x7c: {  	[smem:$0x7CD] =	sst s2  }
0x7d: {  	[smem:$0x7CE] =	sst s3  }
0x7e: {  	[smem:$0x7CF] =	sst s4  }
0x7f: {  	p0 =	seq.s32 s17, $0x1;
	s17 =	rddreg [dreg:$0x18]  }
0x80: {  	s20 =	rddreg [dreg:$0x15]  }
0x81: {  	s21 =	rddreg [dreg:$0x14]  }
0x82: {  	s22 =	rddreg [dreg:$0x13]  }
0x83: {  	s2 =	rddreg [dreg:$0x11]  }
0x84: {  	s3 =	rddreg [dreg:$0x10]  }
0x85: {  	s4 =	rddreg [dreg:$0xe]  }
0x86: {  	[smem:$0x7D6] =	sst s17  }
0x87: {  	[smem:$0x7D9] =	sst s20  }
0x88: {  	[smem:$0x7DA] =	sst s21  }
0x89: {  	[smem:$0x7DB] =	sst s22  }
0x8a: {  	[smem:$0x7DD] =	sst s2  }
0x8b: {  	[smem:$0x7DE] =	sst s3  }
0x8c: {  	[smem:$0x7DF] =	sst s4  }
0x8d: {  	[smem:$0x7E0] =	sst s6  }
0x8e: {  	[tilespmem:s0+$0x7200] =	vst v0;
	s17 =	rddreg [dreg:$0x9]  }
0x8f: {  	[tilespmem:s0+$0x6200] =	vst v0;
	s20 =	rddreg [dreg:$0x6]  }
0x90: {  	[tilespmem:s0+$0x4200] =	vst v0;
	s21 =	rddreg [dreg:$0x5]  }
0x91: {  	[tilespmem:s0+$0x5200] =	vst v0;
	s0 =	simm.s32 @p0 $0x0;
	s22 =	rddreg [dreg:$0x4]  }
0x92: {  	[tilespmem:s0], [sflag:$0x1] =	stream.linear.gather @p0 [hbm4b:s1+s0], $0x10, $0x38;
	[tilespmem:$0x8200] =	vst v63  }
0x93: {  	[smem:$0x7E5] =	sst s17  }
0x94: {  	[smem:$0x7E8] =	sst s20  }
0x95: {  	[smem:$0x7E9] =	sst s21  }
0x96: {  	s0 =	simm.s32 @!p0 $0x0;
	[smem:$0x7EA] =	sst s22  }
0x97: {  	[tilespmem:s0], [sflag:$0x1] =	stream.linear.gather @!p0 [hbm4b:s1+s0], $0x210, $0x38;
	[tilespmem:$0x8200] =	vst v63  }
0x98: {  	s12 =	simm.s32 $0x0;
	s1 =	sld [smem:$0x7F1]  }
0x99: {  	[tilespmem:s15], [sflag:$0x2] =	stream.linear.gather [hbm4b:s18+s12], $0x210, $0x38;
	[tilespmem:$0x8200] =	vst v63  }
0x9a: {  	s18 =	rddreg [dreg:$0x17]  }
0x9b: {  	[smem:$0x7CC] =	sst s1  }
0x9c: {  	[smem:$0x7D7] =	sst s18  }
0x9d: {  	s1 =	rddreg [dreg:$0x12]  }
0x9e: {  	s18 =	rddreg [dreg:$0x8]  }
0x9f: {  	[tilespmem:s25], [sflag:$0x3] =	stream.linear.gather [hbm4b:s19+s12], $0x210, $0x38;
	[tilespmem:$0x8200] =	vst v63  }
0xa0: {  	s19 =	rddreg [dreg:$0x16]  }
.Ltmp3:
0xa1: {  	[smem:$0x7DC] =	sst s1;
	(pc) =	sbr.rel .LBB2_4-.Ltmp3, $4  }
0xa2: {  	[smem:$0x7E6] =	sst s18  }
0xa3: {  	[smem:$0x7D8] =	sst s19  }
0xa4: {  	s19 =	rddreg [dreg:$0x7]  }
0xa5: {  	[smem:$0x7E7] =	sst s19  }
.LBB2_73:
0xa6: {  	s0 =	sld [smem:$0x7BA]  }
0xa7: {  	s19 =	sld [smem:$0x7EA]  }
0xa8: {  	s21 =	sld [smem:$0x7E8]  }
0xa9: {  	s22 =	sld [smem:$0x7E7]  }
0xaa: {  	s2 =	sld [smem:$0x7E5]  }
0xab: {  	s3 =	sld [smem:$0x7E4]  }
0xac: {  	s4 =	sld [smem:$0x7E3]  }
0xad: {  	s6 =	sld [smem:$0x7E2]  }
0xae: {  	s9 =	sld [smem:$0x7E1]  }
0xaf: {  	s11 =	sld [smem:$0x7DF]  }
0xb0: {  	s14 =	sld [smem:$0x7DE]  }
0xb1: {  	s16 =	sld [smem:$0x7DD];
	s0 =	sshll.u32 s0, $0xC  }
0xb2: {  	s17 =	sld [smem:$0x7DC];
	s0 =	sand.u32 $0xFFFF8000, s0  }
0xb3: {  	s18 =	sld [smem:$0x7DB];
	s0 =	sor.u32 s20, s0  }
0xb4: {  	s31 =	smov.u32 s10;
	s20 =	sld [smem:$0x7E9];
	s0 =	sshrl.u32 s0, $0x3  }
0xb5: {  	s1 =	simm.s32 $0x7200;
	s0 =	sadd.s32 s10, s0;
	s10 =	sld [smem:$0x7E0]  }
0xb6: {  	[hbm4b:s0+s23] =	stream.strided.scatter [tilespmem:s1], [sflag:$0x8], $0x1000, s24, s23, $0x38;
	[tilespmem:$0x8200] =	vst v63  }
0xb7: {  	s1 =	sld [smem:$0x7E6]  }
0xb8: {  	s0 =	sadd.s32 $0xFFFFFF80, s19;
	s19 =	sld [smem:$0x7DA]  }
0xb9: {  	[smem:$0x7EA] =	sst s0  }
0xba: {  	s0 =	sadd.s32 $0xFFF80100, s20;
	s20 =	sld [smem:$0x7D9]  }
0xbb: {  	[smem:$0x7E9] =	sst s0  }
0xbc: {  	s0 =	sadd.s32 $0xFFF80100, s21;
	s21 =	sld [smem:$0x7D8]  }
0xbd: {  	[smem:$0x7E8] =	sst s0  }
0xbe: {  	s0 =	sadd.s32 $0xFFF80100, s22;
	s22 =	sld [smem:$0x7D7]  }
0xbf: {  	[smem:$0x7E7] =	sst s0  }
0xc0: {  	s0 =	sadd.s32 $0xFFF80100, s1;
	s1 =	sld [smem:$0x7B9]  }
0xc1: {  	[smem:$0x7E6] =	sst s0  }
0xc2: {  	s0 =	sadd.s32 $0xFFF80100, s2;
	s2 =	sld [smem:$0x7D6]  }
0xc3: {  	[smem:$0x7E5] =	sst s0  }
0xc4: {  	s0 =	sadd.s32 $0xFFF80100, s3;
	s3 =	sld [smem:$0x7D5]  }
0xc5: {  	[smem:$0x7E4] =	sst s0  }
0xc6: {  	s0 =	sadd.s32 $0xFFF80100, s4;
	s4 =	sld [smem:$0x7D4]  }
0xc7: {  	[smem:$0x7E3] =	sst s0  }
0xc8: {  	s0 =	sadd.s32 $0xFFF80100, s6;
	s6 =	sld [smem:$0x7D3]  }
0xc9: {  	[smem:$0x7E2] =	sst s0  }
0xca: {  	s0 =	sadd.s32 $0xFFF80100, s9;
	s9 =	sld [smem:$0x7D2]  }
0xcb: {  	[smem:$0x7E1] =	sst s0;
	s0 =	sadd.s32 $0xFFFFFF80, s10  }
0xcc: {  	[smem:$0x7E0] =	sst s0  }
0xcd: {  	s0 =	sadd.s32 $0xFFF80100, s11;
	s11 =	sld [smem:$0x7D1]  }
0xce: {  	[smem:$0x7DF] =	sst s0  }
0xcf: {  	s0 =	sadd.s32 $0xFFF80100, s14;
	s14 =	sld [smem:$0x7D0]  }
0xd0: {  	[smem:$0x7DE] =	sst s0  }
0xd1: {  	s0 =	sadd.s32 $0xFFF80100, s16;
	s16 =	sld [smem:$0x7CF]  }
0xd2: {  	[smem:$0x7DD] =	sst s0  }
0xd3: {  	s0 =	sadd.s32 $0xFFF80100, s17;
	s17 =	sld [smem:$0x7CE]  }
0xd4: {  	[smem:$0x7DC] =	sst s0  }
0xd5: {  	s0 =	sadd.s32 $0xFFF80100, s18;
	s18 =	sld [smem:$0x7CD]  }
0xd6: {  	[smem:$0x7DB] =	sst s0  }
0xd7: {  	s0 =	sadd.s32 $0xFFF80100, s19;
	s19 =	sld [smem:$0x7CC]  }
0xd8: {  	[smem:$0x7DA] =	sst s0  }
0xd9: {  	s0 =	sadd.s32 $0xFFF80100, s20;
	s20 =	sld [smem:$0x7CB]  }
0xda: {  	[smem:$0x7D9] =	sst s0  }
0xdb: {  	s0 =	sadd.s32 $0xFFF80100, s21;
	s21 =	sld [smem:$0x7CA]  }
0xdc: {  	[smem:$0x7D8] =	sst s0  }
0xdd: {  	s0 =	sadd.s32 $0xFFF80100, s22;
	s22 =	sld [smem:$0x7C9]  }
0xde: {  	[smem:$0x7D7] =	sst s0;
	s0 =	sadd.s32 $0xFFF80100, s2  }
0xdf: {  	[smem:$0x7D6] =	sst s0;
	s0 =	sadd.s32 $0xFFF80100, s3  }
0xe0: {  	[smem:$0x7D5] =	sst s0;
	s0 =	sadd.s32 $0xFFF80100, s4  }
0xe1: {  	[smem:$0x7D4] =	sst s0;
	s0 =	sadd.s32 $0xFFF80100, s6  }
0xe2: {  	[smem:$0x7D3] =	sst s0;
	s0 =	sadd.s32 $0xFFF80100, s9  }
0xe3: {  	[smem:$0x7D2] =	sst s0;
	s0 =	sadd.s32 $0xFFF80100, s11  }
0xe4: {  	[smem:$0x7D1] =	sst s0;
	s0 =	sadd.s32 $0xFFF80100, s14  }
0xe5: {  	s12 =	sadd.s32 $0x1, s12;
	[smem:$0x7D0] =	sst s0;
	s0 =	sadd.s32 $0xFFF80100, s16  }
0xe6: {  	s13 =	sadd.s32 $0xFFFFFF80, s13;
	[smem:$0x7CF] =	sst s0;
	s0 =	sadd.s32 $0xFFF80100, s17  }
0xe7: {  	p0 =	sne.s32 s12, $0x20;
	[smem:$0x7CE] =	sst s0;
	s0 =	sadd.s32 $0xFFF80100, s18  }
.Ltmp4:
0xe8: {  	[smem:$0x7CD] =	sst s0;
	s0 =	sadd.s32 $0xFFF80100, s19;
	(pc) =	sbr.rel @!p0 .LBB2_74-.Ltmp4, $4  }
0xe9: {  	s29 =	sadd.s32 $0xFFF80100, s29;
	[smem:$0x7CC] =	sst s0;
	s0 =	sadd.s32 $0xFFF80100, s20  }
0xea: {  	s28 =	sadd.s32 $0xFFF80100, s28;
	[smem:$0x7CB] =	sst s0;
	s0 =	sadd.s32 $0xFFF80100, s21  }
0xeb: {  	s26 =	sadd.s32 $0xFFF80100, s26;
	[smem:$0x7CA] =	sst s0;
	s0 =	sadd.s32 $0xFFF80100, s22  }
0xec: {  	s7 =	sadd.s32 $0xFFF80100, s7;
	s10 =	sadd.s32 $0xFFFFFF80, s1;
	[smem:$0x7C9] =	sst s0  }
.LBB2_4:
0xed: {  	s0 =	sshll.u32 s12, $0x7;
	s1 =	rddreg [dreg:$0x3]  }
0xee: {  	s6 =	ssub.s32 s1, s0  }
0xef: {  	[smem:$0x7C6] =	sst s26;
	s26 =	sadd.s32 $0xFE1, s6  }
0xf0: {  	[smem:$0x7C5] =	sst s29;
	s29 =	sshrl.u32 s26, $0x4;
	s21 =	sand.u32 $0x1F0, s26  }
0xf1: {  	p0 =	seq.s32 s29, $0x0;
	p1 =	sne.s32 s21, $0x0  }
0xf2: {  	p0 =	por !p0, !p1  }
0xf3: {  	s0 =	simm.s32 $0x1;
	p0 =	por !p0, !p0  }
0xf4: {  	s22 =	sshrl.u32 s26, $0x9;
	s0 =	simm.s32 @!p0 $0x0  }
0xf5: {  	s2 =	simm.s32 @!p0 $0x0;
	s19 =	ssub.s32 s22, s0  }
0xf6: {  	s2 =	simm.s32 @p0 $0x1;
	p0 =	sgt.s32 s19, $0x3  }
.Ltmp5:
0xf7: {  	_ = 	snop;
	(pc) =	sbr.rel @!p0 .LBB2_5-.Ltmp5, $3  }
0xf8: {  	_ =	sdelay $0x1  }
0xf9: {  	[smem:$0x7C8] =	sst s28  }
0xfa: {  	[smem:$0x7C7] =	sst s2  }
0xfb: {  	p1 =	sgt.s32 s19, $0x5  }
0xfc: {  	p0 =	seq.s32 @p1 s19, $0x6  }
0xfd: {  	p2 =	por p0, !p1  }
0xfe: {  	p3 =	por !p0, !p1;
	p5 =	seq.s32 @!p2 s19, $0x7  }
0xff: {  	s0 =	simm.s32 @!p3 $0x1;
	p6 =	por @p1 p5, p0  }
0x100: {  	_ =	swait.ge @!p3 [sflag:s0], $0x410;
	p4 =	por @p1 !p5, p0;
	p6 =	por p6, !p1  }
0x101: {  	[sflag:s0] =	ssyncset.done @!p3 $0x0;
	p4 =	por p4, !p1;
	p6 =	seq.s32 @!p6 s19, $0x8  }
0x102: {  	[sflag:s0] =	ssyncadd.s32 @!p3 $0xFFFFFBF0;
	s0 =	simm.s32 @!p4 $0x1;
	p2 =	por @!p2 !p6, p5  }
0x103: {  	_ =	swait.ge @!p4 [sflag:s0], $0x210;
	p0 =	por @p1 p2, p0  }
0x104: {  	[sflag:s0] =	ssyncset.done @!p4 $0x0;
	p0 =	por p0, !p1  }
0x105: {  	[sflag:s0] =	ssyncadd.s32 @!p4 $0xFFFFFDF0;
	s0 =	simm.s32 @!p0 $0x1  }
0x106: {  	p2 =	seq.s32 @!p1 s19, $0x4;
	_ =	swait.ge @!p0 [sflag:s0], $0x10  }
0x107: {  	p3 =	por !p2, p1;
	p4 =	por p2, p1;
	[sflag:s0] =	ssyncset.done @!p0 $0x0  }
0x108: {  	[sflag:s0] =	ssyncadd.s32 @!p0 $0xFFFFFFF0;
	s0 =	simm.s32 @!p3 $0x1;
	p0 =	seq.s32 @!p4 s19, $0x5  }
0x109: {  	_ =	swait.ge @!p3 [sflag:s0], $0x810;
	p0 =	por @!p1 !p0, p2  }
.Ltmp6:
0x10a: {  	[sflag:s0] =	ssyncset.done @!p3 $0x0;
	p0 =	por p0, p1;
	(pc) =	sbr.rel .LBB2_7-.Ltmp6, $4  }
0x10b: {  	[sflag:s0] =	ssyncadd.s32 @!p3 $0xFFFFF7F0;
	s0 =	simm.s32 @!p0 $0x1  }
0x10c: {  	_ =	swait.ge @!p0 [sflag:s0], $0x610  }
0x10d: {  	[sflag:s0] =	ssyncset.done @!p0 $0x0  }
0x10e: {  	[sflag:s0] =	ssyncadd.s32 @!p0 $0xFFFFF9F0  }
.LBB2_5:
0x10f: {  	p1 =	sgt.s32 s19, $0x1  }
0x110: {  	p0 =	seq.s32 @p1 s19, $0x2  }
0x111: {  	p2 =	por !p0, !p1;
	p3 =	por p0, !p1  }
0x112: {  	s0 =	simm.s32 @!p2 $0x1;
	p3 =	seq.s32 @!p3 s19, $0x3  }
0x113: {  	_ =	swait.ge @!p2 [sflag:s0], $0xC10;
	p0 =	por @p1 !p3, p0  }
0x114: {  	[sflag:s0] =	ssyncset.done @!p2 $0x0;
	p0 =	por p0, !p1  }
0x115: {  	[sflag:s0] =	ssyncadd.s32 @!p2 $0xFFFFF3F0;
	s0 =	simm.s32 @!p0 $0x1  }
0x116: {  	p2 =	seq.s32 @!p1 s19, $0x0;
	_ =	swait.ge @!p0 [sflag:s0], $0xA10  }
0x117: {  	p3 =	por !p2, p1;
	p5 =	por p2, p1;
	[sflag:s0] =	ssyncset.done @!p0 $0x0  }
0x118: {  	[sflag:s0] =	ssyncadd.s32 @!p0 $0xFFFFF5F0;
	s0 =	simm.s32 @!p3 $0x1;
	p0 =	seq.s32 @!p5 s19, $0x1  }
0x119: {  	p0 =	por @!p1 !p0, p2;
	_ =	swait.ge @!p3 [sflag:s0], $0x1010  }
0x11a: {  	[sflag:s0] =	ssyncset.done @!p3 $0x0;
	p0 =	por p0, p1  }
0x11b: {  	[sflag:s0] =	ssyncadd.s32 @!p3 $0xFFFFEFF0;
	s0 =	simm.s32 @!p0 $0x1  }
0x11c: {  	_ =	swait.ge @!p0 [sflag:s0], $0xE10  }
0x11d: {  	[sflag:s0] =	ssyncset.done @!p0 $0x0  }
0x11e: {  	[sflag:s0] =	ssyncadd.s32 @!p0 $0xFFFFF1F0  }
.LBB2_7:
0x11f: {  	s1 =	sadd.s32 $0xF80, s6;
	s9 =	sadd.s32 $0xF81, s6  }
0x120: {  	s0 =	sadd.s32 $0xF7F, s6;
	s4 =	sshrl.u32 s9, $0x4;
	s17 =	sand.u32 $0x1B0, s9  }
0x121: {  	s0 =	smul.u32 s0, s1;
	p0 =	seq.s32 s4, $0x0;
	p1 =	sne.s32 s17, $0x0  }
0x122: {  	s18 =	smul.u32 $0xFFE, s6;
	[smem:$0x7BA] =	sst s1;
	p0 =	por !p0, !p1  }
0x123: {  	s1 =	simm.s32 $0x1;
	s2 =	sshrl.u32 s0, $0x1F;
	p0 =	por !p0, !p0  }
0x124: {  	s20 =	sshrl.u32 s9, $0x9;
	s0 =	sadd.s32 s2, s0;
	s3 =	simm.s32 @!p0 $0x0  }
0x125: {  	s11 =	sshra.s32 s0, $0x1;
	s1 =	simm.s32 @!p0 $0x0;
	s3 =	simm.s32 @p0 $0x1  }
0x126: {  	s2 =	ssub.s32 s18, s11;
	[smem:$0x7BB] =	sst s3;
	s3 =	ssub.s32 s20, s1  }
0x127: {  	[smem:$0x7BF] =	sst s7;
	s14 =	sadd.s32 $0xF7E0FF, s2;
	s1 =	sshll.u32 s3, $0x9  }
0x128: {  	[smem:$0x7C0] =	sst s13;
	s2 =	sand.u32 $0xF, s14;
	s21 =	sadd.s32 s14, s1  }
0x129: {  	p6 =	sne.s32 s2, $0x0;
	s22 =	sshra.s32 s21, $0x1F;
	p2 =	slt.s32 s21, $0x1  }
0x12a: {  	[smem:$0x7C2] =	sst s9;
	s2 =	sshrl.u32 s22, $0x1C;
	p0 =	por !p6, !p2  }
0x12b: {  	s0 =	sadd.s32 s2, s21;
	p0 =	por !p0, !p0;
	s2 =	simm.s32 $0x1  }
0x12c: {  	[smem:$0x7BC] =	sst s18;
	s0 =	sshrl.u32 s0, $0x4;
	s2 =	simm.s32 @!p0 $0x0  }
0x12d: {  	[smem:$0x7C1] =	sst s4;
	p1 =	sgt.s32 s3, $0x3;
	s0 =	ssub.s32 s0, s2  }
.Ltmp7:
0x12e: {  	[smem:$0x7C3] =	sst s11;
	s28 =	sshll.u32 s0, $0x4;
	(pc) =	sbr.rel @!p1 .LBB2_8-.Ltmp7, $4  }
0x12f: {  	[smem:$0x7C4] =	sst s14;
	s0 =	simm.s32 @!p1 $0x0;
	p0 =	sgt.s32 s28, $0x0  }
0x130: {  	s1 =	sadd.s32 $0x7FE7F0, s1;
	s0 =	simm.s32 @p1 $0x1;
	s28 =	simm.s32 @!p0 $0x0  }
0x131: {  	[smem:$0x7BE] =	sst s0;
	p0 =	slt.s32 s1, s28  }
0x132: {  	[smem:$0x7BD] =	sst s28;
	s28 =	smov.u32 @p0 s1  }
0x133: {  	p2 =	sgt.s32 s3, $0x5  }
0x134: {  	p5 =	seq.s32 @p2 s3, $0x6  }
0x135: {  	p0 =	por !p5, !p2  }
0x136: {  	s1 =	sshrl.u32 @!p0 s28, $0x3  }
0x137: {  	s2 =	simm.s32 @!p0 $0x0;
	s4 =	simm.s32 @!p0 $0x3180;
	s1 =	sadd.s32 @!p0 s30, s1  }
0x138: {  	[tilespmem:s4], [sflag:$0x4] =	stream.linear.gather @!p0 [hbm4b:s1+s2], $0x410, $0x38;
	[tilespmem:$0x8200] =	vst v63  }
0x139: {  	p0 =	por p5, !p2  }
0x13a: {  	p4 =	seq.s32 @!p0 s3, $0x7  }
0x13b: {  	p6 =	por @p2 !p4, p5  }
0x13c: {  	p6 =	por p6, !p2  }
0x13d: {  	s1 =	sshrl.u32 @!p6 s28, $0x3  }
0x13e: {  	s2 =	simm.s32 @!p6 $0x0;
	s4 =	simm.s32 @!p6 $0x3180;
	s1 =	sadd.s32 @!p6 s30, s1  }
0x13f: {  	[tilespmem:s4], [sflag:$0x4] =	stream.linear.gather @!p6 [hbm4b:s1+s2], $0x210, $0x38;
	[tilespmem:$0x8200] =	vst v63  }
0x140: {  	p6 =	por @p2 p4, p5  }
0x141: {  	p6 =	por p6, !p2  }
0x142: {  	p6 =	seq.s32 @!p6 s3, $0x8  }
0x143: {  	p0 =	por @!p0 !p6, p4  }
0x144: {  	p0 =	por @p2 p0, p5  }
0x145: {  	p0 =	por p0, !p2  }
0x146: {  	s1 =	sshrl.u32 @!p0 s28, $0x3  }
0x147: {  	s2 =	simm.s32 @!p0 $0x0;
	s4 =	simm.s32 @!p0 $0x3180;
	s1 =	sadd.s32 @!p0 s30, s1  }
0x148: {  	[tilespmem:s4], [sflag:$0x4] =	stream.linear.gather @!p0 [hbm4b:s1+s2], $0x10, $0x38;
	[tilespmem:$0x8200] =	vst v63  }
0x149: {  	p0 =	seq.s32 @!p2 s3, $0x4  }
0x14a: {  	p4 =	por !p0, p2  }
0x14b: {  	s1 =	sshrl.u32 @!p4 s28, $0x3  }
0x14c: {  	s2 =	simm.s32 @!p4 $0x0;
	s4 =	simm.s32 @!p4 $0x3180;
	s1 =	sadd.s32 @!p4 s30, s1  }
0x14d: {  	[tilespmem:s4], [sflag:$0x4] =	stream.linear.gather @!p4 [hbm4b:s1+s2], $0x810, $0x38;
	[tilespmem:$0x8200] =	vst v63  }
0x14e: {  	p4 =	por p0, p2  }
0x14f: {  	s0 =	sld [smem:$0x7C7];
	p4 =	seq.s32 @!p4 s3, $0x5  }
.Ltmp8:
0x150: {  	p0 =	por @!p2 !p4, p0;
	(pc) =	sbr.rel .LBB2_10-.Ltmp8, $4  }
0x151: {  	p0 =	por p0, p2  }
0x152: {  	p1 =	seq.s32 s0, $0x1;
	s1 =	sshrl.u32 @!p0 s28, $0x3  }
0x153: {  	s2 =	simm.s32 @!p0 $0x0;
	s4 =	simm.s32 @!p0 $0x3180;
	s1 =	sadd.s32 @!p0 s30, s1  }
0x154: {  	[tilespmem:s4], [sflag:$0x4] =	stream.linear.gather @!p0 [hbm4b:s1+s2], $0x610, $0x38;
	[tilespmem:$0x8200] =	vst v63  }
.LBB2_8:
0x155: {  	p2 =	sgt.s32 s3, $0x1  }
0x156: {  	p0 =	seq.s32 @p2 s3, $0x2  }
0x157: {  	p4 =	por !p0, !p2  }
0x158: {  	s1 =	sshrl.u32 @!p4 s28, $0x3  }
0x159: {  	s2 =	simm.s32 @!p4 $0x0;
	s4 =	simm.s32 @!p4 $0x3180;
	s1 =	sadd.s32 @!p4 s30, s1  }
0x15a: {  	[tilespmem:s4], [sflag:$0x4] =	stream.linear.gather @!p4 [hbm4b:s1+s2], $0xC10, $0x38;
	[tilespmem:$0x8200] =	vst v63  }
0x15b: {  	p4 =	por p0, !p2  }
0x15c: {  	p4 =	seq.s32 @!p4 s3, $0x3  }
0x15d: {  	p0 =	por @p2 !p4, p0  }
0x15e: {  	p0 =	por p0, !p2  }
0x15f: {  	s1 =	sshrl.u32 @!p0 s28, $0x3  }
0x160: {  	s2 =	simm.s32 @!p0 $0x0;
	s4 =	simm.s32 @!p0 $0x3180;
	s1 =	sadd.s32 @!p0 s30, s1  }
0x161: {  	[tilespmem:s4], [sflag:$0x4] =	stream.linear.gather @!p0 [hbm4b:s1+s2], $0xA10, $0x38;
	[tilespmem:$0x8200] =	vst v63  }
0x162: {  	p0 =	seq.s32 @!p2 s3, $0x0  }
0x163: {  	p4 =	por !p0, p2  }
0x164: {  	s1 =	sshrl.u32 @!p4 s28, $0x3  }
0x165: {  	s2 =	simm.s32 @!p4 $0x0;
	s4 =	simm.s32 @!p4 $0x3180;
	s1 =	sadd.s32 @!p4 s30, s1  }
0x166: {  	[tilespmem:s4], [sflag:$0x4] =	stream.linear.gather @!p4 [hbm4b:s1+s2], $0x1010, $0x38;
	[tilespmem:$0x8200] =	vst v63  }
0x167: {  	p4 =	por p0, p2  }
0x168: {  	s0 =	sld [smem:$0x7C7];
	p4 =	seq.s32 @!p4 s3, $0x1  }
0x169: {  	p0 =	por @!p2 !p4, p0  }
0x16a: {  	p0 =	por p0, p2  }
0x16b: {  	p1 =	seq.s32 s0, $0x1;
	s1 =	sshrl.u32 @!p0 s28, $0x3  }
0x16c: {  	s2 =	simm.s32 @!p0 $0x0;
	s4 =	simm.s32 @!p0 $0x3180;
	s1 =	sadd.s32 @!p0 s30, s1  }
0x16d: {  	[tilespmem:s4], [sflag:$0x4] =	stream.linear.gather @!p0 [hbm4b:s1+s2], $0xE10, $0x38;
	[tilespmem:$0x8200] =	vst v63  }
.LBB2_10:
0x16e: {  	s4 =	sadd.s32 $0xFE0, s6;
	s1 =	sadd.s32 $0xFDF, s6  }
0x16f: {  	s1 =	smul.u32 s1, s4;
	_ =	sdelay $0x1  }
0x170: {  	s2 =	sshrl.u32 s1, $0x1F  }
0x171: {  	s1 =	sadd.s32 s2, s1  }
0x172: {  	s17 =	smul.u32 $0xFFE, s4;
	s1 =	sshra.s32 s1, $0x1  }
0x173: {  	s7 =	sxor.u32 $0xFFFFFFFF, s1  }
0x174: {  	s18 =	sshll.u32 s19, $0x9;
	s2 =	sadd.s32 s17, s7  }
0x175: {  	s9 =	sadd.s32 s2, s18;
	s11 =	sand.u32 $0xF, s2  }
0x176: {  	s13 =	sshra.s32 s9, $0x1F;
	p0 =	slt.s32 s9, $0x1;
	p2 =	sne.s32 s11, $0x0  }
0x177: {  	s19 =	sshrl.u32 s13, $0x1C;
	p0 =	por !p2, !p0  }
0x178: {  	s11 =	simm.s32 $0x1;
	s9 =	sadd.s32 s19, s9;
	p0 =	por !p0, !p0  }
0x179: {  	s9 =	sshrl.u32 s9, $0x4;
	s11 =	simm.s32 @!p0 $0x0  }
0x17a: {  	s9 =	ssub.s32 s9, s11  }
0x17b: {  	s19 =	sshll.u32 s9, $0x4  }
0x17c: {  	p0 =	sgt.s32 s19, $0x0  }
0x17d: {  	s7 =	sadd.s32 $0x7FE7F0, s18;
	s19 =	simm.s32 @!p0 $0x0  }
0x17e: {  	p0 =	slt.s32 s7, s19;
	s9 =	smov.u32 s19  }
0x17f: {  	p5 =	sgt.s32 s6, $0x1E;
	s9 =	smov.u32 @p0 s7  }
0x180: {  	s7 =	sand.u32 @!p5 $0xFFFFFFF0, s26;
	s2 =	ssub.s32 s2, s9  }
0x181: {  	v2 =	vlaneseq.u32 @!p5;
	s2 =	sadd.s32 @!p5 s7, s2  }
0x182: {  	v3 =	vadd.s32 @!p5 s2, v2  }
0x183: {  	vm0 =	vgt.s32 @!p5 v3, $0x0  }
0x184: {  	p0 =	seq.s32 s12, $0x0;
	v3 =	vnsel @!p5 vm0, $0x0, v3  }
0x185: {  	s2 =	simm.s32 @!p0 $0x5  }
0x186: {  	_ =	swait.ge @!p0 [sflag:s2], $0x1000  }
0x187: {  	s17 =	ssub.s32 $0xFF, s29;
	[sflag:s2] =	ssyncset.done @!p0 $0x0  }
0x188: {  	s20 =	sshrl.u32 s17, $0x1D;
	[sflag:s2] =	ssyncadd.s32 @!p0 $0xFFFFF000;
	s2 =	simm.s32 @!p5 $0x0  }
0x189: {  	v3 =	vld.idx.msk @!p5 [tilespmem:v3+s2+$0x0], $0xffff;
	s2 =	sadd.s32 s20, s17  }
0x18a: {  	s0 =	simm.s32 @!p0 $0x0;
	s2 =	sand.u32 $0xFFFFFFF8, s2  }
0x18b: {  	s0 =	simm.s32 @p0 $0x1;
	p0 =	slt.s32 s2, $0x1  }
.Ltmp9:
0x18c: {  	s21 =	sld [smem:$0x7EA];
	(pc) =	sbr.rel @p0 .LBB2_13-.Ltmp9, $4  }
0x18d: {  	s11 =	simm.s32 $0xFFFFFFFF;
	v2 =	vor.u32 @!p5 s7, v2  }
0x18e: {  	s18 =	sadd.s32 $0x1, s29;
	s11 =	simm.s32 @!p1 $0x0;
	vm0 =	vlt.s32 @!p5 v2, s26  }
0x18f: {  	[smem:$0x7B8] =	sst s0;
	s26 =	ssub.s32 $0x0, s1;
	s22 =	sshrl.u32 s21, $0x9;
	v2 =	vsel @!p5 vm0, $0x0, v3  }
0x190: {  	[smem:$0x7B9] =	sst s10;
	s29 =	sadd.s32 s11, s22;
	s21 =	sadd.s32 s18, s2;
	[tilespmem:s7+$0x4200] =	vst @!p5 v2  }
0x191: {  	s10 =	sld [smem:$0x7EA]  }
0x192: {  	s1 =	sshll.u32 s29, $0x9;
	s13 =	sld [smem:$0x7E8]  }
0x193: {  	s9 =	sld [smem:$0x7E9];
	s11 =	sadd.s32 $0x7FE7F0, s1  }
0x194: {  	s14 =	sld [smem:$0x7E6];
	p0 =	slt.s32 s19, s11  }
0x195: {  	s22 =	sld [smem:$0x7E5];
	s11 =	smov.u32 @p0 s19;
	s13 =	sadd.s32 s13, s26  }
0x196: {  	s20 =	ssub.s32 s13, s11;
	s13 =	sld [smem:$0x7E7]  }
0x197: {  	s24 =	sld [smem:$0x7E4];
	s1 =	sand.u32 $0x3FFFFFF0, s10;
	s9 =	sadd.s32 s9, s26  }
0x198: {  	s23 =	sadd.s32 $0x4240, s1;
	s16 =	ssub.s32 s9, s11;
	s9 =	sadd.s32 s14, s26  }
0x199: {  	s14 =	sadd.s32 s22, s26;
	s22 =	sld [smem:$0x7E3];
	s1 =	sadd.s32 s13, s26  }
0x19a: {  	s13 =	ssub.s32 s1, s11;
	s1 =	sadd.s32 s24, s26;
	s24 =	sld [smem:$0x7E2]  }
0x19b: {  	s18 =	sadd.s32 $0x8, s18;
	s7 =	sand.u32 $0xFFFFFFF0, s10;
	s10 =	smov.u32 s30  }
0x19c: {  	s9 =	ssub.s32 s9, s11;
	s14 =	ssub.s32 s14, s11;
	s22 =	sadd.s32 s22, s26  }
0x19d: {  	s30 =	sadd.s32 s16, s7;
	s22 =	ssub.s32 s22, s11;
	s24 =	sadd.s32 s24, s26  }
0x19e: {  	v3 =	vadd.s32 s30, v1;
	s1 =	ssub.s32 s1, s11;
	s11 =	ssub.s32 s24, s11;
	s24 =	sadd.s32 s20, s7  }
0x19f: {  	p0 =	slt.u32 s18, s21;
	v2 =	vadd.s32 s24, v1  }
.Ltmp10:
0x1a0: {  	_ = 	snop;
	(pc) =	sbr.rel @!p0 .LBB2_12-.Ltmp10, $4  }
0x1a1: {  	_ = 	snop  }
0x1a2: {  	s0 =	smov.u32 s31;
	s30 =	sadd.s32 s14, s7;
	s24 =	sadd.s32 s13, s7  }
0x1a3: {  	v5 =	vadd.s32 s30, v1;
	s31 =	sadd.s32 s1, s7;
	v3 =	vld.idx.msk [tilespmem:v3+s5+$0x0], $0xffff;
	s30 =	sadd.s32 s11, s7;
	v8 =	vadd.s32 s24, v1;
	s24 =	sadd.s32 s22, s7  }
0x1a4: {  	p4 =	por $0x0, $0x0;
	v4 =	vadd.s32 s31, v1;
	s31 =	sadd.s32 s9, s7;
	v7 =	vadd.s32 s30, v1;
	v6 =	vadd.s32 s24, v1;
	s24 =	sadd.s32 $0x80, s20;
	v2 =	vld.idx.msk [tilespmem:v2+s5+$0x0], $0xffff  }
0x1a5: {  	_ =	sdelay $0x2  }
0x1a6: {  	s20 =	sadd.s32 $0x80, s16  }
0x1a7: {  	s30 =	sadd.s32 s24, s7;
	v13 =	vld.idx.msk [tilespmem:v8+s5+$0x0], $0xffff;
	v12 =	vadd.s32 s31, v1;
	s16 =	sadd.s32 s20, s7  }
0x1a8: {  	v15 =	vld.idx.msk [tilespmem:v5+s5+$0x0], $0xffff;
	s18 =	sadd.s32 $0x8, s18;
	v14 =	vadd.s32 s30, v1;
	v16 =	vadd.s32 s16, v1;
	s16 =	sadd.s32 $0x80, s13  }
0x1a9: {  	v9 =	vld.idx.msk [tilespmem:v6+s5+$0x0], $0xffff;
	s14 =	sadd.s32 $0x80, s14;
	p5 =	slt.u32 s18, s21;
	s30 =	sadd.s32 s16, s7  }
.Ltmp11:
0x1aa: {  	v10 =	vld.idx.msk [tilespmem:v7+s5+$0x0], $0xffff;
	s31 =	sadd.s32 s14, s7;
	s13 =	sadd.s32 $0x80, s22;
	v8 =	vadd.s32 s30, v1;
	(pc) =	sbr.rel @!p5 .LBB2_19-.Ltmp11, $4  }
0x1ab: {  	v11 =	vld.idx.msk [tilespmem:v4+s5+$0x0], $0xffff;
	s22 =	sadd.s32 $0x80, s11;
	v5 =	vadd.s32 s31, v1;
	[tilespmem:s23+$0xFFFFFFD0] =	vst v3;
	s30 =	sadd.s32 s13, s7  }
0x1ac: {  	s1 =	sadd.s32 $0x80, s1;
	s11 =	sadd.s32 s22, s7;
	[tilespmem:s23+$0x40] =	vst v2;
	v12 =	vld.idx.msk [tilespmem:v12+s5+$0x0], $0xffff;
	v6 =	vadd.s32 s30, v1  }
0x1ad: {  	p4 =	por $0x1, $0x1;
	s31 =	sadd.s32 s1, s7;
	v7 =	vadd.s32 s11, v1;
	[tilespmem:s23+$0xFFFFFFE0] =	vst v13;
	s30 =	sadd.s32 $0x80, s9;
	v2 =	vld.idx.msk [tilespmem:v14+s5+$0x0], $0xffff  }
0x1ae: {  	v4 =	vadd.s32 s31, v1;
	s11 =	sadd.s32 $0x80, s24;
	[tilespmem:s23+$0xFFFFFFF0] =	vst v15;
	s9 =	smov.u32 s23;
	s31 =	sadd.s32 s30, s7;
	v3 =	vld.idx.msk [tilespmem:v16+s5+$0x0], $0xffff  }
.LBB2_20:
0x1af: {  	s24 =	sadd.s32 s11, s7;
	s18 =	sadd.s32 $0x8, s18;
	v13 =	vld.idx.msk [tilespmem:v8+s5+$0x0], $0xffff;
	v14 =	vadd.s32 s31, v1;
	s20 =	sadd.s32 $0x80, s20;
	[tilespmem:s9+$0x0] =	vst v9  }
0x1b0: {  	s16 =	sadd.s32 $0x80, s16;
	s31 =	sadd.s32 s20, s7;
	v15 =	vadd.s32 s24, v1;
	p5 =	slt.u32 s18, s21;
	v16 =	vld.idx.msk [tilespmem:v5+s5+$0x0], $0xffff;
	[tilespmem:s9+$0x10] =	vst v10  }
0x1b1: {  	s14 =	sadd.s32 $0x80, s14;
	s13 =	sadd.s32 $0x80, s13;
	s24 =	sadd.s32 s16, s7;
	v17 =	vadd.s32 s31, v1;
	v9 =	vld.idx.msk [tilespmem:v6+s5+$0x0], $0xffff;
	[tilespmem:s9+$0x20] =	vst v11  }
.Ltmp12:
0x1b2: {  	v8 =	vadd.s32 s24, v1;
	s24 =	sadd.s32 s14, s7;
	v10 =	vld.idx.msk [tilespmem:v7+s5+$0x0], $0xffff;
	[tilespmem:s9+$0x30] =	vst v12;
	s9 =	sadd.s32 $0x80, s9;
	(pc) =	sbr.rel @p5 .LBB2_20-.Ltmp12, $4  }
0x1b3: {  	s22 =	sadd.s32 $0x80, s22;
	v5 =	vadd.s32 s24, v1;
	s24 =	sadd.s32 s13, s7;
	v11 =	vld.idx.msk [tilespmem:v4+s5+$0x0], $0xffff;
	[tilespmem:s9+$0x40] =	vst v2  }
0x1b4: {  	s1 =	sadd.s32 $0x80, s1;
	v6 =	vadd.s32 s24, v1;
	s24 =	sadd.s32 s22, s7;
	[tilespmem:s9+$0xFFFFFFD0] =	vst v3;
	v12 =	vld.idx.msk [tilespmem:v14+s5+$0x0], $0xffff  }
0x1b5: {  	s30 =	sadd.s32 $0x80, s30;
	v7 =	vadd.s32 s24, v1;
	s24 =	sadd.s32 s1, s7;
	v2 =	vld.idx.msk [tilespmem:v15+s5+$0x0], $0xffff;
	[tilespmem:s9+$0xFFFFFFE0] =	vst v13  }
0x1b6: {  	s11 =	sadd.s32 $0x80, s11;
	s31 =	sadd.s32 s30, s7;
	v4 =	vadd.s32 s24, v1;
	v3 =	vld.idx.msk [tilespmem:v17+s5+$0x0], $0xffff;
	[tilespmem:s9+$0xFFFFFFF0] =	vst v16  }
.LBB2_21:
0x1b7: {  	_ =	sdelay $0x2  }
0x1b8: {  	[tilespmem:s9+$0x0] =	vst @p4 v9  }
0x1b9: {  	v8 =	vld.idx.msk [tilespmem:v8+s5+$0x0], $0xffff;
	v63 =	vadd.s32 s31, v1;
	[tilespmem:s9+$0x10] =	vst @p4 v10  }
0x1ba: {  	v5 =	vld.idx.msk [tilespmem:v5+s5+$0x0], $0xffff;
	s1 =	sadd.s32 @p4 $0x80, s9;
	[tilespmem:s9+$0x20] =	vst @p4 v11  }
0x1bb: {  	v6 =	vld.idx.msk [tilespmem:v6+s5+$0x0], $0xffff;
	s23 =	smov.u32 @p4 s1;
	[tilespmem:s9+$0x30] =	vst @p4 v12  }
0x1bc: {  	v7 =	vld.idx.msk [tilespmem:v7+s5+$0x0], $0xffff;
	[tilespmem:s23+$0x40] =	vst v2  }
0x1bd: {  	v2 =	vld.idx.msk [tilespmem:v4+s5+$0x0], $0xffff;
	[tilespmem:s23+$0xFFFFFFD0] =	vst v3  }
0x1be: {  	v3 =	vld.idx.msk [tilespmem:v63+s5+$0x0], $0xffff;
	[tilespmem:s23+$0xFFFFFFE0] =	vst v8  }
0x1bf: {  	[tilespmem:s23+$0xFFFFFFF0] =	vst v5  }
0x1c0: {  	[tilespmem:s23+$0x0] =	vst v6  }
0x1c1: {  	[tilespmem:s23+$0x10] =	vst v7  }
0x1c2: {  	[tilespmem:s23+$0x20] =	vst v2  }
0x1c3: {  	s30 =	smov.u32 s10;
	s31 =	smov.u32 s0;
	[tilespmem:s23+$0x30] =	vst v3  }
0x1c4: {  	s24 =	simm.s32 $0x400;
	s23 =	simm.s32 $0x80;
	s10 =	sld [smem:$0x7B9]  }
.LBB2_13:
0x1c5: {  	p0 =	sgt.s32 s21, $0xFF  }
.Ltmp13:
0x1c6: {  	_ = 	snop;
	(pc) =	sbr.rel @p0 .LBB2_16-.Ltmp13, $1  }
0x1c7: {  	_ =	sdelay $0x3  }
0x1c8: {  	s7 =	sshll.u32 s29, $0x9;
	s0 =	sld [smem:$0x7E1]  }
0x1c9: {  	s1 =	ssub.s32 s17, s2;
	s2 =	sadd.s32 $0x7FE7F0, s7  }
0x1ca: {  	s29 =	sshll.u32 s1, $0x6;
	p0 =	slt.s32 s19, s2  }
0x1cb: {  	s7 =	ssub.s32 $0x0, s29;
	s9 =	sadd.s32 s0, s26;
	s2 =	smov.u32 @p0 s19  }
0x1cc: {  	s11 =	sshll.u32 s1, $0x4;
	s7 =	sshra.s32 s7, $0x2;
	s9 =	ssub.s32 s9, s2  }
0x1cd: {  	s2 =	sadd.s32 $0x5200, s7;
	s7 =	ssub.s32 s9, s11  }
.LBB2_15:
0x1ce: {  	v2 =	vadd.s32 s7, v1;
	_ =	sdelay $0x4  }
0x1cf: {  	p0 =	sne.s32 s1, $0x1;
	v2 =	vld.idx.msk [tilespmem:v2+s5+$0x0], $0xffff  }
.Ltmp14:
0x1d0: {  	_ = 	snop;
	(pc) =	sbr.rel @p0 .LBB2_15-.Ltmp14, $2  }
0x1d1: {  	_ =	sdelay $0x2  }
0x1d2: {  	s7 =	sadd.s32 $0x10, s7;
	s1 =	sadd.s32 $0xFFFFFFFF, s1;
	[tilespmem:s2+$0x0] =	vst v2;
	s2 =	sadd.s32 $0x10, s2  }
.LBB2_16:
0x1d3: {  	s1 =	sshll.u32 s4, $0xC  }
0x1d4: {  	s20 =	rddreg [dreg:$0xf];
	s1 =	sand.u32 $0xFFFF8000, s1  }
0x1d5: {  	s1 =	sor.u32 s20, s1  }
0x1d6: {  	s1 =	sshrl.u32 s1, $0x3  }
0x1d7: {  	s0 =	simm.s32 $0x4200;
	s4 =	sadd.s32 $0xFC1, s6;
	s1 =	sadd.s32 s31, s1  }
0x1d8: {  	[hbm4b:s1+s23] =	stream.strided.scatter [tilespmem:s0], [sflag:$0x5], $0x1000, s24, s23, $0x38;
	[tilespmem:$0x8200] =	vst v63  }
0x1d9: {  	s1 =	sshrl.u32 s4, $0x9  }
0x1da: {  	p0 =	sgt.s32 s1, $0x3  }
.Ltmp15:
0x1db: {  	_ = 	snop;
	(pc) =	sbr.rel @!p0 .LBB2_17-.Ltmp15, $1  }
0x1dc: {  	_ =	sdelay $0x3  }
0x1dd: {  	p4 =	sgt.s32 s1, $0x5  }
0x1de: {  	p0 =	seq.s32 @p4 s1, $0x6  }
0x1df: {  	p1 =	por p0, !p4  }
0x1e0: {  	p5 =	por !p0, !p4;
	p6 =	seq.s32 @!p1 s1, $0x7  }
0x1e1: {  	s2 =	simm.s32 @!p5 $0x2;
	p3 =	por @p4 p6, p0  }
0x1e2: {  	_ =	swait.ge @!p5 [sflag:s2], $0x410;
	p2 =	por @p4 !p6, p0;
	p3 =	por p3, !p4  }
0x1e3: {  	[sflag:s2] =	ssyncset.done @!p5 $0x0;
	p2 =	por p2, !p4;
	p3 =	seq.s32 @!p3 s1, $0x8  }
0x1e4: {  	[sflag:s2] =	ssyncadd.s32 @!p5 $0xFFFFFBF0;
	s2 =	simm.s32 @!p2 $0x2;
	p1 =	por @!p1 !p3, p6  }
0x1e5: {  	_ =	swait.ge @!p2 [sflag:s2], $0x210;
	p0 =	por @p4 p1, p0  }
0x1e6: {  	[sflag:s2] =	ssyncset.done @!p2 $0x0;
	p0 =	por p0, !p4  }
0x1e7: {  	[sflag:s2] =	ssyncadd.s32 @!p2 $0xFFFFFDF0;
	s2 =	simm.s32 @!p0 $0x2  }
0x1e8: {  	p1 =	seq.s32 @!p4 s1, $0x4;
	_ =	swait.ge @!p0 [sflag:s2], $0x10  }
0x1e9: {  	p2 =	por !p1, p4;
	p3 =	por p1, p4;
	[sflag:s2] =	ssyncset.done @!p0 $0x0  }
0x1ea: {  	[sflag:s2] =	ssyncadd.s32 @!p0 $0xFFFFFFF0;
	s2 =	simm.s32 @!p2 $0x2;
	p0 =	seq.s32 @!p3 s1, $0x5  }
0x1eb: {  	_ =	swait.ge @!p2 [sflag:s2], $0x810;
	p0 =	por @!p4 !p0, p1  }
.Ltmp16:
0x1ec: {  	[sflag:s2] =	ssyncset.done @!p2 $0x0;
	p0 =	por p0, p4;
	(pc) =	sbr.rel .LBB2_23-.Ltmp16, $4  }
0x1ed: {  	[sflag:s2] =	ssyncadd.s32 @!p2 $0xFFFFF7F0;
	s1 =	simm.s32 @!p0 $0x2  }
0x1ee: {  	_ =	swait.ge @!p0 [sflag:s1], $0x610  }
0x1ef: {  	[sflag:s1] =	ssyncset.done @!p0 $0x0  }
0x1f0: {  	s29 =	sld [smem:$0x7E0];
	[sflag:s1] =	ssyncadd.s32 @!p0 $0xFFFFF9F0  }
.LBB2_17:
0x1f1: {  	p4 =	sgt.s32 s1, $0x1  }
0x1f2: {  	p0 =	seq.s32 @p4 s1, $0x2  }
0x1f3: {  	p5 =	por !p0, !p4;
	p6 =	por p0, !p4  }
0x1f4: {  	s2 =	simm.s32 @!p5 $0x2;
	p6 =	seq.s32 @!p6 s1, $0x3  }
0x1f5: {  	_ =	swait.ge @!p5 [sflag:s2], $0xC10;
	p0 =	por @p4 !p6, p0  }
0x1f6: {  	[sflag:s2] =	ssyncset.done @!p5 $0x0;
	p0 =	por p0, !p4  }
0x1f7: {  	[sflag:s2] =	ssyncadd.s32 @!p5 $0xFFFFF3F0;
	s2 =	simm.s32 @!p0 $0x2  }
0x1f8: {  	p5 =	seq.s32 @!p4 s1, $0x0;
	_ =	swait.ge @!p0 [sflag:s2], $0xA10  }
0x1f9: {  	p6 =	por !p5, p4;
	p1 =	por p5, p4;
	[sflag:s2] =	ssyncset.done @!p0 $0x0  }
0x1fa: {  	[sflag:s2] =	ssyncadd.s32 @!p0 $0xFFFFF5F0;
	s2 =	simm.s32 @!p6 $0x2;
	p0 =	seq.s32 @!p1 s1, $0x1  }
0x1fb: {  	p0 =	por @!p4 !p0, p5;
	_ =	swait.ge @!p6 [sflag:s2], $0x1010  }
0x1fc: {  	[sflag:s2] =	ssyncset.done @!p6 $0x0;
	p0 =	por p0, p4  }
0x1fd: {  	[sflag:s2] =	ssyncadd.s32 @!p6 $0xFFFFEFF0;
	s1 =	simm.s32 @!p0 $0x2  }
0x1fe: {  	_ =	swait.ge @!p0 [sflag:s1], $0xE10  }
0x1ff: {  	[sflag:s1] =	ssyncset.done @!p0 $0x0  }
0x200: {  	s29 =	sld [smem:$0x7E0];
	[sflag:s1] =	ssyncadd.s32 @!p0 $0xFFFFF1F0  }
.LBB2_23:
0x201: {  	p0 =	seq.s32 s12, $0x1F  }
.Ltmp17:
0x202: {  	_ = 	snop;
	(pc) =	sbr.rel @p0 .LBB2_28-.Ltmp17, $4  }
0x203: {  	_ = 	snop  }
0x204: {  	s0 =	simm.s32 @!p0 $0x0  }
0x205: {  	s0 =	simm.s32 @p0 $0x1  }
0x206: {  	[smem:$0x7B7] =	sst s0  }
0x207: {  	s1 =	sadd.s32 $0xF61, s6  }
0x208: {  	s2 =	sadd.s32 $0xF60, s6;
	s7 =	sand.u32 $0xF, s1  }
0x209: {  	p0 =	slt.s32 s6, $0xFFFFF0A0;
	s9 =	sshra.s32 s1, $0x1F;
	p1 =	sne.s32 s7, $0x0  }
0x20a: {  	s14 =	sadd.s32 $0xF5F, s6;
	s9 =	sshrl.u32 s9, $0x1C;
	p0 =	por !p0, !p1  }
0x20b: {  	s1 =	sadd.s32 s9, s1;
	s9 =	simm.s32 $0x1;
	p0 =	por !p0, !p0  }
0x20c: {  	s2 =	smul.u32 s14, s2;
	s1 =	sshra.s32 s1, $0x4;
	s9 =	simm.s32 @!p0 $0x0  }
0x20d: {  	s1 =	ssub.s32 s1, s9  }
0x20e: {  	s0 =	sld [smem:$0x7BC];
	s7 =	sshrl.u32 s2, $0x1F;
	s9 =	sand.u32 $0x1F, s1  }
0x20f: {  	s11 =	sshra.s32 s1, $0x1F;
	p3 =	slt.s32 s1, $0x1;
	p4 =	sne.s32 s9, $0x0  }
0x210: {  	s2 =	sadd.s32 s7, s2;
	s16 =	sshrl.u32 s11, $0x1B;
	p0 =	por !p3, !p4  }
0x211: {  	s7 =	simm.s32 $0x1;
	s1 =	sadd.s32 s16, s1;
	p0 =	por !p0, !p0  }
0x212: {  	s2 =	sshra.s32 s2, $0x1;
	s1 =	sshra.s32 s1, $0x5;
	s7 =	simm.s32 @!p0 $0x0  }
0x213: {  	s17 =	ssub.s32 s0, s2;
	s2 =	ssub.s32 s1, s7  }
0x214: {  	s18 =	sadd.s32 $0xF5E13F, s17;
	s19 =	sshll.u32 s2, $0x9  }
0x215: {  	s1 =	sand.u32 $0xF, s18;
	s21 =	sadd.s32 s18, s19  }
0x216: {  	p6 =	sne.s32 s1, $0x0;
	s22 =	sshra.s32 s21, $0x1F;
	p5 =	slt.s32 s21, $0x1  }
0x217: {  	s26 =	sshrl.u32 s22, $0x1C;
	p0 =	por !p6, !p5  }
0x218: {  	s7 =	simm.s32 $0x1;
	s1 =	sadd.s32 s26, s21;
	p0 =	por !p0, !p0  }
0x219: {  	s1 =	sshrl.u32 s1, $0x4;
	s7 =	simm.s32 @!p0 $0x0  }
0x21a: {  	p1 =	sgt.s32 s2, $0x3;
	s1 =	ssub.s32 s1, s7  }
.Ltmp18:
0x21b: {  	s7 =	sshll.u32 s1, $0x4;
	(pc) =	sbr.rel @!p1 .LBB2_25-.Ltmp18, $4  }
0x21c: {  	p0 =	sgt.s32 s7, $0x0  }
0x21d: {  	s1 =	sadd.s32 $0x7FE7F0, s19;
	s7 =	simm.s32 @!p0 $0x0  }
0x21e: {  	p0 =	slt.s32 s1, s7  }
0x21f: {  	s7 =	smov.u32 @p0 s1  }
0x220: {  	p5 =	sgt.s32 s2, $0x5  }
0x221: {  	p0 =	seq.s32 @p5 s2, $0x6  }
0x222: {  	p1 =	por !p0, !p5  }
0x223: {  	s1 =	sshrl.u32 @!p1 s7, $0x3  }
0x224: {  	s9 =	simm.s32 @!p1 $0x0;
	s1 =	sadd.s32 @!p1 s30, s1  }
0x225: {  	[tilespmem:s9], [sflag:$0x1] =	stream.linear.gather @!p1 [hbm4b:s1+s9], $0x410, $0x38;
	[tilespmem:$0x8200] =	vst v63  }
0x226: {  	p1 =	por p0, !p5  }
0x227: {  	p2 =	seq.s32 @!p1 s2, $0x7  }
0x228: {  	p3 =	por @p5 !p2, p0  }
0x229: {  	p3 =	por p3, !p5  }
0x22a: {  	s1 =	sshrl.u32 @!p3 s7, $0x3  }
0x22b: {  	s9 =	simm.s32 @!p3 $0x0;
	s1 =	sadd.s32 @!p3 s30, s1  }
0x22c: {  	[tilespmem:s9], [sflag:$0x1] =	stream.linear.gather @!p3 [hbm4b:s1+s9], $0x210, $0x38;
	[tilespmem:$0x8200] =	vst v63  }
0x22d: {  	p3 =	por @p5 p2, p0  }
0x22e: {  	p3 =	por p3, !p5  }
0x22f: {  	p3 =	seq.s32 @!p3 s2, $0x8  }
0x230: {  	p1 =	por @!p1 !p3, p2  }
0x231: {  	p0 =	por @p5 p1, p0  }
0x232: {  	p0 =	por p0, !p5  }
0x233: {  	s1 =	sshrl.u32 @!p0 s7, $0x3  }
0x234: {  	s9 =	simm.s32 @!p0 $0x0;
	s1 =	sadd.s32 @!p0 s30, s1  }
0x235: {  	[tilespmem:s9], [sflag:$0x1] =	stream.linear.gather @!p0 [hbm4b:s1+s9], $0x10, $0x38;
	[tilespmem:$0x8200] =	vst v63  }
0x236: {  	p0 =	seq.s32 @!p5 s2, $0x4  }
0x237: {  	p1 =	por !p0, p5  }
0x238: {  	s1 =	sshrl.u32 @!p1 s7, $0x3  }
0x239: {  	s9 =	simm.s32 @!p1 $0x0;
	s1 =	sadd.s32 @!p1 s30, s1  }
0x23a: {  	[tilespmem:s9], [sflag:$0x1] =	stream.linear.gather @!p1 [hbm4b:s1+s9], $0x810, $0x38;
	[tilespmem:$0x8200] =	vst v63  }
0x23b: {  	p1 =	por p0, p5  }
0x23c: {  	p1 =	seq.s32 @!p1 s2, $0x5  }
.Ltmp19:
0x23d: {  	p0 =	por @!p5 !p1, p0;
	(pc) =	sbr.rel .LBB2_27-.Ltmp19, $4  }
0x23e: {  	p0 =	por p0, p5  }
0x23f: {  	s1 =	sshrl.u32 @!p0 s7, $0x3  }
0x240: {  	s2 =	simm.s32 @!p0 $0x0;
	s1 =	sadd.s32 @!p0 s30, s1  }
0x241: {  	[tilespmem:s2], [sflag:$0x1] =	stream.linear.gather @!p0 [hbm4b:s1+s2], $0x610, $0x38;
	[tilespmem:$0x8200] =	vst v63  }
.LBB2_25:
0x242: {  	p5 =	sgt.s32 s2, $0x1  }
0x243: {  	p0 =	seq.s32 @p5 s2, $0x2  }
0x244: {  	p1 =	por !p0, !p5  }
0x245: {  	s1 =	sshrl.u32 @!p1 s7, $0x3  }
0x246: {  	s9 =	simm.s32 @!p1 $0x0;
	s1 =	sadd.s32 @!p1 s30, s1  }
0x247: {  	[tilespmem:s9], [sflag:$0x1] =	stream.linear.gather @!p1 [hbm4b:s1+s9], $0xC10, $0x38;
	[tilespmem:$0x8200] =	vst v63  }
0x248: {  	p1 =	por p0, !p5  }
0x249: {  	p1 =	seq.s32 @!p1 s2, $0x3  }
0x24a: {  	p0 =	por @p5 !p1, p0  }
0x24b: {  	p0 =	por p0, !p5  }
0x24c: {  	s1 =	sshrl.u32 @!p0 s7, $0x3  }
0x24d: {  	s9 =	simm.s32 @!p0 $0x0;
	s1 =	sadd.s32 @!p0 s30, s1  }
0x24e: {  	[tilespmem:s9], [sflag:$0x1] =	stream.linear.gather @!p0 [hbm4b:s1+s9], $0xA10, $0x38;
	[tilespmem:$0x8200] =	vst v63  }
0x24f: {  	p0 =	seq.s32 @!p5 s2, $0x0  }
0x250: {  	p1 =	por !p0, p5  }
0x251: {  	s1 =	sshrl.u32 @!p1 s7, $0x3  }
0x252: {  	s9 =	simm.s32 @!p1 $0x0;
	s1 =	sadd.s32 @!p1 s30, s1  }
0x253: {  	[tilespmem:s9], [sflag:$0x1] =	stream.linear.gather @!p1 [hbm4b:s1+s9], $0x1010, $0x38;
	[tilespmem:$0x8200] =	vst v63  }
0x254: {  	p1 =	por p0, p5  }
0x255: {  	p1 =	seq.s32 @!p1 s2, $0x1  }
0x256: {  	p0 =	por @!p5 !p1, p0  }
0x257: {  	p0 =	por p0, p5  }
0x258: {  	s1 =	sshrl.u32 @!p0 s7, $0x3  }
0x259: {  	s2 =	simm.s32 @!p0 $0x0;
	s1 =	sadd.s32 @!p0 s30, s1  }
0x25a: {  	[tilespmem:s2], [sflag:$0x1] =	stream.linear.gather @!p0 [hbm4b:s1+s2], $0xE10, $0x38;
	[tilespmem:$0x8200] =	vst v63  }
.LBB2_27:
0x25b: {  	s0 =	sld [smem:$0x7B8];
	_ =	sdelay $0x2  }
0x25c: {  	p0 =	seq.s32 s0, $0x1  }
.Ltmp20:
0x25d: {  	_ = 	snop;
	(pc) =	sbr.rel @p0 .LBB2_29-.Ltmp20, $1  }
0x25e: {  	_ =	sdelay $0x3  }
.LBB2_28:
0x25f: {  	s0 =	simm.s32 $0x6  }
0x260: {  	_ =	swait.ge [sflag:s0], $0x1000  }
0x261: {  	[sflag:s0] =	ssyncset.done $0x0  }
0x262: {  	[sflag:s0] =	ssyncadd.s32 $0xFFFFF000  }
.LBB2_29:
0x263: {  	s26 =	sadd.s32 $0xFC0, s6;
	s1 =	sadd.s32 $0xFBF, s6  }
0x264: {  	s1 =	smul.u32 s1, s26;
	_ =	sdelay $0x1  }
0x265: {  	s2 =	sshrl.u32 s1, $0x1F  }
0x266: {  	s1 =	sadd.s32 s2, s1  }
0x267: {  	s22 =	smul.u32 $0xFFE, s26;
	s1 =	sshra.s32 s1, $0x1  }
0x268: {  	s7 =	sxor.u32 $0xFFFFFFFF, s1  }
0x269: {  	s0 =	sand.u32 $0xFFFFFE00, s4;
	s2 =	sadd.s32 s22, s7  }
0x26a: {  	s9 =	sadd.s32 s2, s0;
	s11 =	sand.u32 $0xF, s2  }
0x26b: {  	s13 =	sshra.s32 s9, $0x1F;
	p0 =	slt.s32 s9, $0x1;
	p1 =	sne.s32 s11, $0x0  }
0x26c: {  	s14 =	sshrl.u32 s13, $0x1C;
	p0 =	por !p1, !p0  }
0x26d: {  	s11 =	simm.s32 $0x1;
	s9 =	sadd.s32 s14, s9;
	p0 =	por !p0, !p0  }
0x26e: {  	s9 =	sshrl.u32 s9, $0x4;
	s11 =	simm.s32 @!p0 $0x0  }
0x26f: {  	s9 =	ssub.s32 s9, s11  }
0x270: {  	s9 =	sshll.u32 s9, $0x4  }
0x271: {  	p0 =	sgt.s32 s9, $0x0  }
0x272: {  	s7 =	sadd.s32 $0x7FE7F0, s0;
	s9 =	simm.s32 @!p0 $0x0  }
0x273: {  	p0 =	slt.s32 s7, s9;
	s11 =	smov.u32 s9  }
0x274: {  	s11 =	smov.u32 @p0 s7  }
0x275: {  	s16 =	sand.u32 $0xFFFFFFF0, s4;
	s2 =	ssub.s32 s2, s11  }
0x276: {  	s2 =	sadd.s32 s16, s2  }
0x277: {  	v2 =	vadd.s32 s2, v1  }
0x278: {  	vm0 =	vgt.s32 v2, $0x0  }
0x279: {  	v2 =	vnsel vm0, $0x0, v2  }
0x27a: {  	s18 =	sshrl.u32 s4, $0x4  }
0x27b: {  	s19 =	ssub.s32 $0xFF, s18  }
0x27c: {  	s21 =	sshrl.u32 s19, $0x1D  }
0x27d: {  	s11 =	sadd.s32 s21, s19  }
0x27e: {  	s22 =	sand.u32 $0xFFFFFFF8, s11;
	v2 =	vld.idx.msk [tilespmem:v2+s15+$0x0], $0xffff  }
0x27f: {  	p0 =	slt.s32 s22, $0x1  }
.Ltmp21:
0x280: {  	_ = 	snop;
	(pc) =	sbr.rel @p0 .LBB2_32-.Ltmp21, $4  }
0x281: {  	v3 =	vor.u32 s16, v1;
	s14 =	sand.u32 $0xFFFFFE00, s29  }
0x282: {  	vm15 =	vlt.s32 v3, s4;
	s17 =	sadd.s32 $0x7FE7F0, s14  }
0x283: {  	s18 =	sadd.s32 $0x1, s18;
	p1 =	slt.s32 s9, s17;
	v2 =	vsel vm15, $0x0, v2  }
0x284: {  	s17 =	smov.u32 @p1 s9;
	s2 =	ssub.s32 $0x0, s1;
	s4 =	sadd.s32 s18, s22;
	[tilespmem:s16+$0x5200] =	vst v2  }
0x285: {  	s0 =	sld [smem:$0x7DF]  }
0x286: {  	s19 =	sld [smem:$0x7DE]  }
0x287: {  	s22 =	sld [smem:$0x7DC]  }
0x288: {  	s7 =	sand.u32 $0xFFFFFFF0, s29;
	s1 =	sand.u32 $0x3FFFFFF0, s29;
	s20 =	sld [smem:$0x7DD]  }
0x289: {  	s24 =	sld [smem:$0x7DB];
	s18 =	sadd.s32 $0x8, s18;
	s9 =	sadd.s32 $0x5240, s1  }
0x28a: {  	s11 =	sadd.s32 s0, s2;
	s23 =	sadd.s32 s22, s2;
	s22 =	sld [smem:$0x7D9]  }
0x28b: {  	s13 =	sadd.s32 s19, s2;
	s16 =	ssub.s32 s11, s17;
	s11 =	sld [smem:$0x7DA]  }
0x28c: {  	s21 =	sadd.s32 s20, s2;
	s14 =	sadd.s32 s24, s2;
	s24 =	sld [smem:$0x7D8]  }
0x28d: {  	s19 =	ssub.s32 s13, s17;
	s13 =	ssub.s32 s21, s17;
	s21 =	ssub.s32 s23, s17  }
0x28e: {  	s0 =	sadd.s32 s19, s7;
	s23 =	sadd.s32 s22, s2;
	s20 =	sadd.s32 s11, s2  }
0x28f: {  	v2 =	vadd.s32 s0, v1;
	s1 =	ssub.s32 s20, s17;
	s20 =	ssub.s32 s23, s17;
	s23 =	sadd.s32 s16, s7  }
0x290: {  	p0 =	slt.u32 s18, s4;
	v3 =	vadd.s32 s23, v1  }
.Ltmp22:
0x291: {  	_ = 	snop;
	(pc) =	sbr.rel @!p0 .LBB2_31-.Ltmp22, $4  }
0x292: {  	s14 =	ssub.s32 s14, s17;
	s22 =	sadd.s32 s24, s2  }
0x293: {  	s24 =	sadd.s32 s13, s7;
	s0 =	sadd.s32 s14, s7;
	s11 =	ssub.s32 s22, s17  }
0x294: {  	v8 =	vadd.s32 s24, v1;
	v5 =	vadd.s32 s0, v1;
	s0 =	sadd.s32 s11, s7;
	s23 =	sadd.s32 s20, s7;
	s24 =	sadd.s32 s1, s7;
	v2 =	vld.idx.msk [tilespmem:v2+s15+$0x0], $0xffff  }
0x295: {  	p5 =	por $0x0, $0x0;
	v7 =	vadd.s32 s0, v1;
	v6 =	vadd.s32 s23, v1;
	v4 =	vadd.s32 s24, v1;
	s24 =	sadd.s32 s21, s7;
	s23 =	sadd.s32 $0x80, s19;
	v3 =	vld.idx.msk [tilespmem:v3+s15+$0x0], $0xffff  }
0x296: {  	_ =	sdelay $0x2  }
0x297: {  	s19 =	sadd.s32 $0x80, s16  }
0x298: {  	s22 =	sadd.s32 s23, s7;
	v13 =	vld.idx.msk [tilespmem:v8+s15+$0x0], $0xffff;
	v12 =	vadd.s32 s24, v1;
	s16 =	sadd.s32 s19, s7  }
0x299: {  	v15 =	vld.idx.msk [tilespmem:v5+s15+$0x0], $0xffff;
	s18 =	sadd.s32 $0x8, s18;
	v14 =	vadd.s32 s22, v1;
	v16 =	vadd.s32 s16, v1;
	s16 =	sadd.s32 $0x80, s13  }
0x29a: {  	v9 =	vld.idx.msk [tilespmem:v6+s15+$0x0], $0xffff;
	s14 =	sadd.s32 $0x80, s14;
	p6 =	slt.u32 s18, s4;
	s0 =	sadd.s32 s16, s7  }
.Ltmp23:
0x29b: {  	v10 =	vld.idx.msk [tilespmem:v7+s15+$0x0], $0xffff;
	s24 =	sadd.s32 s14, s7;
	s13 =	sadd.s32 $0x80, s20;
	v8 =	vadd.s32 s0, v1;
	(pc) =	sbr.rel @!p6 .LBB2_38-.Ltmp23, $4  }
0x29c: {  	v11 =	vld.idx.msk [tilespmem:v4+s15+$0x0], $0xffff;
	s20 =	sadd.s32 $0x80, s11;
	v5 =	vadd.s32 s24, v1;
	[tilespmem:s9+$0x40] =	vst v2;
	s0 =	sadd.s32 s13, s7  }
0x29d: {  	s1 =	sadd.s32 $0x80, s1;
	s11 =	sadd.s32 s20, s7;
	[tilespmem:s9+$0xFFFFFFD0] =	vst v3;
	v12 =	vld.idx.msk [tilespmem:v12+s15+$0x0], $0xffff;
	v6 =	vadd.s32 s0, v1  }
0x29e: {  	p5 =	por $0x1, $0x1;
	s22 =	sadd.s32 $0x80, s21;
	v7 =	vadd.s32 s11, v1;
	s0 =	sadd.s32 s1, s7;
	[tilespmem:s9+$0xFFFFFFE0] =	vst v13;
	v2 =	vld.idx.msk [tilespmem:v14+s15+$0x0], $0xffff  }
0x29f: {  	s21 =	smov.u32 s9;
	s24 =	sadd.s32 s22, s7;
	s11 =	sadd.s32 $0x80, s23;
	[tilespmem:s9+$0xFFFFFFF0] =	vst v15;
	v4 =	vadd.s32 s0, v1;
	v3 =	vld.idx.msk [tilespmem:v16+s15+$0x0], $0xffff  }
.LBB2_39:
0x2a0: {  	s23 =	sadd.s32 s11, s7;
	s18 =	sadd.s32 $0x8, s18;
	v13 =	vld.idx.msk [tilespmem:v8+s15+$0x0], $0xffff;
	v14 =	vadd.s32 s24, v1;
	s19 =	sadd.s32 $0x80, s19;
	[tilespmem:s21+$0x0] =	vst v9  }
0x2a1: {  	s16 =	sadd.s32 $0x80, s16;
	s24 =	sadd.s32 s19, s7;
	v15 =	vadd.s32 s23, v1;
	p6 =	slt.u32 s18, s4;
	v16 =	vld.idx.msk [tilespmem:v5+s15+$0x0], $0xffff;
	[tilespmem:s21+$0x10] =	vst v10  }
0x2a2: {  	s14 =	sadd.s32 $0x80, s14;
	s13 =	sadd.s32 $0x80, s13;
	s23 =	sadd.s32 s16, s7;
	v17 =	vadd.s32 s24, v1;
	v9 =	vld.idx.msk [tilespmem:v6+s15+$0x0], $0xffff;
	[tilespmem:s21+$0x20] =	vst v11  }
.Ltmp24:
0x2a3: {  	v8 =	vadd.s32 s23, v1;
	s23 =	sadd.s32 s14, s7;
	v10 =	vld.idx.msk [tilespmem:v7+s15+$0x0], $0xffff;
	[tilespmem:s21+$0x30] =	vst v12;
	s21 =	sadd.s32 $0x80, s21;
	(pc) =	sbr.rel @p6 .LBB2_39-.Ltmp24, $4  }
0x2a4: {  	s20 =	sadd.s32 $0x80, s20;
	v5 =	vadd.s32 s23, v1;
	s23 =	sadd.s32 s13, s7;
	v11 =	vld.idx.msk [tilespmem:v4+s15+$0x0], $0xffff;
	[tilespmem:s21+$0x40] =	vst v2  }
0x2a5: {  	s1 =	sadd.s32 $0x80, s1;
	v6 =	vadd.s32 s23, v1;
	s23 =	sadd.s32 s20, s7;
	[tilespmem:s21+$0xFFFFFFD0] =	vst v3;
	v12 =	vld.idx.msk [tilespmem:v14+s15+$0x0], $0xffff  }
0x2a6: {  	s22 =	sadd.s32 $0x80, s22;
	v7 =	vadd.s32 s23, v1;
	s23 =	sadd.s32 s1, s7;
	v2 =	vld.idx.msk [tilespmem:v15+s15+$0x0], $0xffff;
	[tilespmem:s21+$0xFFFFFFE0] =	vst v13  }
0x2a7: {  	s11 =	sadd.s32 $0x80, s11;
	s24 =	sadd.s32 s22, s7;
	v4 =	vadd.s32 s23, v1;
	v3 =	vld.idx.msk [tilespmem:v17+s15+$0x0], $0xffff;
	[tilespmem:s21+$0xFFFFFFF0] =	vst v16  }
.LBB2_40:
0x2a8: {  	_ =	sdelay $0x2  }
0x2a9: {  	[tilespmem:s21+$0x0] =	vst @p5 v9  }
0x2aa: {  	v8 =	vld.idx.msk [tilespmem:v8+s15+$0x0], $0xffff;
	v63 =	vadd.s32 s24, v1;
	[tilespmem:s21+$0x10] =	vst @p5 v10  }
0x2ab: {  	v5 =	vld.idx.msk [tilespmem:v5+s15+$0x0], $0xffff;
	s1 =	sadd.s32 @p5 $0x80, s21;
	[tilespmem:s21+$0x20] =	vst @p5 v11  }
0x2ac: {  	v6 =	vld.idx.msk [tilespmem:v6+s15+$0x0], $0xffff;
	s9 =	smov.u32 @p5 s1;
	[tilespmem:s21+$0x30] =	vst @p5 v12  }
0x2ad: {  	v7 =	vld.idx.msk [tilespmem:v7+s15+$0x0], $0xffff;
	[tilespmem:s9+$0x40] =	vst v2  }
0x2ae: {  	v2 =	vld.idx.msk [tilespmem:v4+s15+$0x0], $0xffff;
	[tilespmem:s9+$0xFFFFFFD0] =	vst v3  }
0x2af: {  	v3 =	vld.idx.msk [tilespmem:v63+s15+$0x0], $0xffff;
	[tilespmem:s9+$0xFFFFFFE0] =	vst v8  }
0x2b0: {  	[tilespmem:s9+$0xFFFFFFF0] =	vst v5  }
0x2b1: {  	[tilespmem:s9+$0x0] =	vst v6  }
0x2b2: {  	[tilespmem:s9+$0x10] =	vst v7  }
0x2b3: {  	[tilespmem:s9+$0x20] =	vst v2  }
0x2b4: {  	[tilespmem:s9+$0x30] =	vst v3  }
0x2b5: {  	s23 =	simm.s32 $0x80;
	s24 =	simm.s32 $0x400;
	s20 =	rddreg [dreg:$0xf]  }
.LBB2_32:
0x2b6: {  	p0 =	sgt.s32 s4, $0xFF  }
.Ltmp25:
0x2b7: {  	_ = 	snop;
	(pc) =	sbr.rel @p0 .LBB2_35-.Ltmp25, $1  }
0x2b8: {  	_ =	sdelay $0x3  }
0x2b9: {  	s1 =	sxor.u32 $0xFFFFFFFF, s29  }
0x2ba: {  	s0 =	sld [smem:$0x7D7];
	s1 =	sshrl.u32 s1, $0x4  }
0x2bb: {  	s1 =	sand.u32 $0x7, s1  }
0x2bc: {  	s4 =	sshll.u32 s1, $0x6  }
0x2bd: {  	s2 =	sadd.s32 s0, s2;
	s4 =	ssub.s32 $0x0, s4  }
0x2be: {  	s7 =	sshll.u32 s1, $0x4;
	s9 =	ssub.s32 s2, s17;
	s4 =	sshra.s32 s4, $0x2  }
0x2bf: {  	s1 =	sxor.u32 $0xFF, s1;
	s2 =	sadd.s32 $0x6200, s4;
	s4 =	ssub.s32 s9, s7  }
.LBB2_34:
0x2c0: {  	v2 =	vadd.s32 s4, v1;
	_ =	sdelay $0x3  }
0x2c1: {  	s1 =	sadd.s32 $0x1, s1  }
0x2c2: {  	p0 =	slt.u32 s1, $0xFF;
	v2 =	vld.idx.msk [tilespmem:v2+s15+$0x0], $0xffff  }
.Ltmp26:
0x2c3: {  	_ = 	snop;
	(pc) =	sbr.rel @p0 .LBB2_34-.Ltmp26, $2  }
0x2c4: {  	_ =	sdelay $0x2  }
0x2c5: {  	s4 =	sadd.s32 $0x10, s4;
	[tilespmem:s2+$0x0] =	vst v2;
	s2 =	sadd.s32 $0x10, s2  }
.LBB2_35:
0x2c6: {  	s1 =	sshll.u32 s26, $0xC  }
0x2c7: {  	s4 =	sadd.s32 $0xFA1, s6;
	s1 =	sand.u32 $0xFFFF8000, s1  }
0x2c8: {  	s29 =	sshrl.u32 s4, $0x4;
	s26 =	sand.u32 $0x1F0, s4;
	s1 =	sor.u32 s20, s1  }
0x2c9: {  	p0 =	seq.s32 s29, $0x0;
	p1 =	sne.s32 s26, $0x0;
	s1 =	sshrl.u32 s1, $0x3  }
0x2ca: {  	s0 =	simm.s32 $0x5200;
	p0 =	por !p0, !p1;
	s1 =	sadd.s32 s31, s1  }
0x2cb: {  	[hbm4b:s1+s23] =	stream.strided.scatter [tilespmem:s0], [sflag:$0x6], $0x1000, s24, s23, $0x38;
	[tilespmem:$0x8200] =	vst v63  }
0x2cc: {  	p5 =	por !p0, !p0;
	s1 =	simm.s32 $0x1  }
0x2cd: {  	s2 =	sshrl.u32 s4, $0x9;
	s1 =	simm.s32 @!p5 $0x0  }
0x2ce: {  	s19 =	ssub.s32 s2, s1  }
0x2cf: {  	p0 =	sgt.s32 s19, $0x3  }
.Ltmp27:
0x2d0: {  	_ = 	snop;
	(pc) =	sbr.rel @!p0 .LBB2_36-.Ltmp27, $1  }
0x2d1: {  	_ =	sdelay $0x3  }
0x2d2: {  	p6 =	sgt.s32 s19, $0x5  }
0x2d3: {  	p0 =	seq.s32 @p6 s19, $0x6  }
0x2d4: {  	p1 =	por p0, !p6;
	p2 =	por !p0, !p6  }
0x2d5: {  	s0 =	simm.s32 @!p5 $0x0;
	p3 =	seq.s32 @!p1 s19, $0x7;
	s1 =	simm.s32 @!p2 $0x3  }
0x2d6: {  	s0 =	simm.s32 @p5 $0x1;
	p4 =	por @p6 p3, p0;
	_ =	swait.ge @!p2 [sflag:s1], $0x410  }
0x2d7: {  	p5 =	por @p6 !p3, p0;
	[smem:$0x7B6] =	sst s0;
	p4 =	por p4, !p6  }
0x2d8: {  	[sflag:s1] =	ssyncset.done @!p2 $0x0;
	p5 =	por p5, !p6;
	p4 =	seq.s32 @!p4 s19, $0x8  }
0x2d9: {  	[sflag:s1] =	ssyncadd.s32 @!p2 $0xFFFFFBF0;
	s1 =	simm.s32 @!p5 $0x3;
	p1 =	por @!p1 !p4, p3  }
0x2da: {  	_ =	swait.ge @!p5 [sflag:s1], $0x210;
	p0 =	por @p6 p1, p0  }
0x2db: {  	[sflag:s1] =	ssyncset.done @!p5 $0x0;
	p0 =	por p0, !p6  }
0x2dc: {  	[sflag:s1] =	ssyncadd.s32 @!p5 $0xFFFFFDF0;
	s1 =	simm.s32 @!p0 $0x3  }
0x2dd: {  	s22 =	sld [smem:$0x7B6];
	p1 =	seq.s32 @!p6 s19, $0x4;
	_ =	swait.ge @!p0 [sflag:s1], $0x10  }
0x2de: {  	p2 =	por !p1, p6;
	p3 =	por p1, p6;
	[sflag:s1] =	ssyncset.done @!p0 $0x0  }
0x2df: {  	[sflag:s1] =	ssyncadd.s32 @!p0 $0xFFFFFFF0;
	s1 =	simm.s32 @!p2 $0x3;
	p0 =	seq.s32 @!p3 s19, $0x5  }
0x2e0: {  	_ =	swait.ge @!p2 [sflag:s1], $0x810;
	p0 =	por @!p6 !p0, p1  }
0x2e1: {  	[sflag:s1] =	ssyncset.done @!p2 $0x0;
	p0 =	por p0, p6  }
0x2e2: {  	[sflag:s1] =	ssyncadd.s32 @!p2 $0xFFFFF7F0;
	s1 =	simm.s32 @!p0 $0x3  }
.Ltmp28:
0x2e3: {  	_ =	swait.ge @!p0 [sflag:s1], $0x610;
	(pc) =	sbr.rel .LBB2_42-.Ltmp28, $3  }
0x2e4: {  	s26 =	sld [smem:$0x7BE];
	_ =	sdelay $0x1  }
0x2e5: {  	[sflag:s1] =	ssyncset.done @!p0 $0x0  }
0x2e6: {  	p5 =	seq.s32 s22, $0x1;
	[sflag:s1] =	ssyncadd.s32 @!p0 $0xFFFFF9F0;
	p4 =	seq.s32 s26, $0x1  }
.LBB2_36:
0x2e7: {  	p6 =	sgt.s32 s19, $0x1  }
0x2e8: {  	p0 =	seq.s32 @p6 s19, $0x2  }
0x2e9: {  	p1 =	por !p0, !p6;
	p2 =	por p0, !p6  }
0x2ea: {  	s1 =	simm.s32 @!p1 $0x3;
	p2 =	seq.s32 @!p2 s19, $0x3  }
0x2eb: {  	_ =	swait.ge @!p1 [sflag:s1], $0xC10;
	p0 =	por @p6 !p2, p0  }
0x2ec: {  	[sflag:s1] =	ssyncset.done @!p1 $0x0;
	p0 =	por p0, !p6  }
0x2ed: {  	[sflag:s1] =	ssyncadd.s32 @!p1 $0xFFFFF3F0;
	s1 =	simm.s32 @!p0 $0x3  }
0x2ee: {  	p1 =	seq.s32 @!p6 s19, $0x0;
	_ =	swait.ge @!p0 [sflag:s1], $0xA10  }
0x2ef: {  	p2 =	por !p1, p6;
	p3 =	por p1, p6;
	[sflag:s1] =	ssyncset.done @!p0 $0x0  }
0x2f0: {  	[sflag:s1] =	ssyncadd.s32 @!p0 $0xFFFFF5F0;
	s1 =	simm.s32 @!p2 $0x3;
	p0 =	seq.s32 @!p3 s19, $0x1  }
0x2f1: {  	p0 =	por @!p6 !p0, p1;
	_ =	swait.ge @!p2 [sflag:s1], $0x1010  }
0x2f2: {  	[sflag:s1] =	ssyncset.done @!p2 $0x0;
	p0 =	por p0, p6  }
0x2f3: {  	[sflag:s1] =	ssyncadd.s32 @!p2 $0xFFFFEFF0;
	s1 =	simm.s32 @!p0 $0x3  }
0x2f4: {  	_ =	swait.ge @!p0 [sflag:s1], $0xE10  }
0x2f5: {  	s0 =	sld [smem:$0x7BE];
	_ =	sdelay $0x1  }
0x2f6: {  	[sflag:s1] =	ssyncset.done @!p0 $0x0  }
0x2f7: {  	[sflag:s1] =	ssyncadd.s32 @!p0 $0xFFFFF1F0;
	p4 =	seq.s32 s0, $0x1  }
.LBB2_42:
0x2f8: {  	s0 =	sld [smem:$0x7B7];
	_ =	sdelay $0x2  }
0x2f9: {  	p0 =	seq.s32 s0, $0x1  }
.Ltmp29:
0x2fa: {  	_ = 	snop;
	(pc) =	sbr.rel @p0 .LBB2_47-.Ltmp29, $1  }
0x2fb: {  	_ =	sdelay $0x3  }
0x2fc: {  	s1 =	sadd.s32 $0xF41, s6  }
0x2fd: {  	s2 =	sadd.s32 $0xF40, s6;
	s7 =	sand.u32 $0xF, s1  }
0x2fe: {  	p0 =	slt.s32 s6, $0xFFFFF0C0;
	s9 =	sshra.s32 s1, $0x1F;
	p1 =	sne.s32 s7, $0x0  }
0x2ff: {  	s13 =	sadd.s32 $0xF3F, s6;
	s9 =	sshrl.u32 s9, $0x1C;
	p0 =	por !p0, !p1  }
0x300: {  	s1 =	sadd.s32 s9, s1;
	s9 =	simm.s32 $0x1;
	p0 =	por !p0, !p0  }
0x301: {  	s2 =	smul.u32 s13, s2;
	s1 =	sshra.s32 s1, $0x4;
	s9 =	simm.s32 @!p0 $0x0  }
0x302: {  	s1 =	ssub.s32 s1, s9  }
0x303: {  	s0 =	sld [smem:$0x7BC];
	s7 =	sshrl.u32 s2, $0x1F;
	s9 =	sand.u32 $0x1F, s1  }
0x304: {  	s11 =	sshra.s32 s1, $0x1F;
	p1 =	slt.s32 s1, $0x1;
	p2 =	sne.s32 s9, $0x0  }
0x305: {  	s2 =	sadd.s32 s7, s2;
	s14 =	sshrl.u32 s11, $0x1B;
	p0 =	por !p1, !p2  }
0x306: {  	s7 =	simm.s32 $0x1;
	s1 =	sadd.s32 s14, s1;
	p0 =	por !p0, !p0  }
0x307: {  	s2 =	sshra.s32 s2, $0x1;
	s1 =	sshra.s32 s1, $0x5;
	s7 =	simm.s32 @!p0 $0x0  }
0x308: {  	s16 =	ssub.s32 s0, s2;
	s2 =	ssub.s32 s1, s7  }
0x309: {  	s17 =	sadd.s32 $0xF3E17F, s16;
	s18 =	sshll.u32 s2, $0x9  }
0x30a: {  	s1 =	sand.u32 $0xF, s17;
	s21 =	sadd.s32 s17, s18  }
0x30b: {  	p6 =	sne.s32 s1, $0x0;
	s22 =	sshra.s32 s21, $0x1F;
	p3 =	slt.s32 s21, $0x1  }
0x30c: {  	s26 =	sshrl.u32 s22, $0x1C;
	p0 =	por !p6, !p3  }
0x30d: {  	s7 =	simm.s32 $0x1;
	s1 =	sadd.s32 s26, s21;
	p0 =	por !p0, !p0  }
0x30e: {  	s1 =	sshrl.u32 s1, $0x4;
	s7 =	simm.s32 @!p0 $0x0  }
0x30f: {  	p1 =	sgt.s32 s2, $0x3;
	s1 =	ssub.s32 s1, s7  }
.Ltmp30:
0x310: {  	s7 =	sshll.u32 s1, $0x4;
	(pc) =	sbr.rel @!p1 .LBB2_44-.Ltmp30, $4  }
0x311: {  	p0 =	sgt.s32 s7, $0x0  }
0x312: {  	s1 =	sadd.s32 $0x7FE7F0, s18;
	s7 =	simm.s32 @!p0 $0x0  }
0x313: {  	p0 =	slt.s32 s1, s7  }
0x314: {  	s7 =	smov.u32 @p0 s1  }
0x315: {  	p6 =	sgt.s32 s2, $0x5  }
0x316: {  	p0 =	seq.s32 @p6 s2, $0x6  }
0x317: {  	p1 =	por !p0, !p6  }
0x318: {  	s1 =	sshrl.u32 @!p1 s7, $0x3  }
0x319: {  	s9 =	simm.s32 @!p1 $0x0;
	s11 =	simm.s32 @!p1 $0x1080;
	s1 =	sadd.s32 @!p1 s30, s1  }
0x31a: {  	[tilespmem:s11], [sflag:$0x2] =	stream.linear.gather @!p1 [hbm4b:s1+s9], $0x410, $0x38;
	[tilespmem:$0x8200] =	vst v63  }
0x31b: {  	p1 =	por p0, !p6  }
0x31c: {  	p2 =	seq.s32 @!p1 s2, $0x7  }
0x31d: {  	p3 =	por @p6 !p2, p0  }
0x31e: {  	p3 =	por p3, !p6  }
0x31f: {  	s1 =	sshrl.u32 @!p3 s7, $0x3  }
0x320: {  	s9 =	simm.s32 @!p3 $0x0;
	s11 =	simm.s32 @!p3 $0x1080;
	s1 =	sadd.s32 @!p3 s30, s1  }
0x321: {  	[tilespmem:s11], [sflag:$0x2] =	stream.linear.gather @!p3 [hbm4b:s1+s9], $0x210, $0x38;
	[tilespmem:$0x8200] =	vst v63  }
0x322: {  	p3 =	por @p6 p2, p0  }
0x323: {  	p3 =	por p3, !p6  }
0x324: {  	p3 =	seq.s32 @!p3 s2, $0x8  }
0x325: {  	p1 =	por @!p1 !p3, p2  }
0x326: {  	p0 =	por @p6 p1, p0  }
0x327: {  	p0 =	por p0, !p6  }
0x328: {  	s1 =	sshrl.u32 @!p0 s7, $0x3  }
0x329: {  	s9 =	simm.s32 @!p0 $0x0;
	s11 =	simm.s32 @!p0 $0x1080;
	s1 =	sadd.s32 @!p0 s30, s1  }
0x32a: {  	[tilespmem:s11], [sflag:$0x2] =	stream.linear.gather @!p0 [hbm4b:s1+s9], $0x10, $0x38;
	[tilespmem:$0x8200] =	vst v63  }
0x32b: {  	p0 =	seq.s32 @!p6 s2, $0x4  }
0x32c: {  	p1 =	por !p0, p6  }
0x32d: {  	s1 =	sshrl.u32 @!p1 s7, $0x3  }
0x32e: {  	s9 =	simm.s32 @!p1 $0x0;
	s11 =	simm.s32 @!p1 $0x1080;
	s1 =	sadd.s32 @!p1 s30, s1  }
0x32f: {  	[tilespmem:s11], [sflag:$0x2] =	stream.linear.gather @!p1 [hbm4b:s1+s9], $0x810, $0x38;
	[tilespmem:$0x8200] =	vst v63  }
0x330: {  	p1 =	por p0, p6  }
0x331: {  	p1 =	seq.s32 @!p1 s2, $0x5  }
.Ltmp31:
0x332: {  	p0 =	por @!p6 !p1, p0;
	(pc) =	sbr.rel .LBB2_46-.Ltmp31, $4  }
0x333: {  	p0 =	por p0, p6  }
0x334: {  	s1 =	sshrl.u32 @!p0 s7, $0x3  }
0x335: {  	s2 =	simm.s32 @!p0 $0x0;
	s7 =	simm.s32 @!p0 $0x1080;
	s1 =	sadd.s32 @!p0 s30, s1  }
0x336: {  	[tilespmem:s7], [sflag:$0x2] =	stream.linear.gather @!p0 [hbm4b:s1+s2], $0x610, $0x38;
	[tilespmem:$0x8200] =	vst v63  }
.LBB2_44:
0x337: {  	p6 =	sgt.s32 s2, $0x1  }
0x338: {  	p0 =	seq.s32 @p6 s2, $0x2  }
0x339: {  	p1 =	por !p0, !p6  }
0x33a: {  	s1 =	sshrl.u32 @!p1 s7, $0x3  }
0x33b: {  	s9 =	simm.s32 @!p1 $0x0;
	s11 =	simm.s32 @!p1 $0x1080;
	s1 =	sadd.s32 @!p1 s30, s1  }
0x33c: {  	[tilespmem:s11], [sflag:$0x2] =	stream.linear.gather @!p1 [hbm4b:s1+s9], $0xC10, $0x38;
	[tilespmem:$0x8200] =	vst v63  }
0x33d: {  	p1 =	por p0, !p6  }
0x33e: {  	p1 =	seq.s32 @!p1 s2, $0x3  }
0x33f: {  	p0 =	por @p6 !p1, p0  }
0x340: {  	p0 =	por p0, !p6  }
0x341: {  	s1 =	sshrl.u32 @!p0 s7, $0x3  }
0x342: {  	s9 =	simm.s32 @!p0 $0x0;
	s11 =	simm.s32 @!p0 $0x1080;
	s1 =	sadd.s32 @!p0 s30, s1  }
0x343: {  	[tilespmem:s11], [sflag:$0x2] =	stream.linear.gather @!p0 [hbm4b:s1+s9], $0xA10, $0x38;
	[tilespmem:$0x8200] =	vst v63  }
0x344: {  	p0 =	seq.s32 @!p6 s2, $0x0  }
0x345: {  	p1 =	por !p0, p6  }
0x346: {  	s1 =	sshrl.u32 @!p1 s7, $0x3  }
0x347: {  	s9 =	simm.s32 @!p1 $0x0;
	s11 =	simm.s32 @!p1 $0x1080;
	s1 =	sadd.s32 @!p1 s30, s1  }
0x348: {  	[tilespmem:s11], [sflag:$0x2] =	stream.linear.gather @!p1 [hbm4b:s1+s9], $0x1010, $0x38;
	[tilespmem:$0x8200] =	vst v63  }
0x349: {  	p1 =	por p0, p6  }
0x34a: {  	p1 =	seq.s32 @!p1 s2, $0x1  }
0x34b: {  	p0 =	por @!p6 !p1, p0  }
0x34c: {  	p0 =	por p0, p6  }
0x34d: {  	s1 =	sshrl.u32 @!p0 s7, $0x3  }
0x34e: {  	s2 =	simm.s32 @!p0 $0x0;
	s7 =	simm.s32 @!p0 $0x1080;
	s1 =	sadd.s32 @!p0 s30, s1  }
0x34f: {  	[tilespmem:s7], [sflag:$0x2] =	stream.linear.gather @!p0 [hbm4b:s1+s2], $0xE10, $0x38;
	[tilespmem:$0x8200] =	vst v63  }
.LBB2_46:
0x350: {  	s0 =	sld [smem:$0x7B8];
	_ =	sdelay $0x2  }
0x351: {  	p0 =	seq.s32 s0, $0x1  }
.Ltmp32:
0x352: {  	_ = 	snop;
	(pc) =	sbr.rel @p0 .LBB2_48-.Ltmp32, $1  }
0x353: {  	_ =	sdelay $0x3  }
.LBB2_47:
0x354: {  	s0 =	simm.s32 $0x7  }
0x355: {  	_ =	swait.ge [sflag:s0], $0x1000  }
0x356: {  	[sflag:s0] =	ssyncset.done $0x0  }
0x357: {  	[sflag:s0] =	ssyncadd.s32 $0xFFFFF000  }
.LBB2_48:
0x358: {  	s26 =	sadd.s32 $0xFA0, s6;
	s1 =	sadd.s32 $0xF9F, s6  }
0x359: {  	s1 =	smul.u32 s1, s26;
	_ =	sdelay $0x1  }
0x35a: {  	s2 =	sshrl.u32 s1, $0x1F  }
0x35b: {  	s1 =	sadd.s32 s2, s1  }
0x35c: {  	s13 =	smul.u32 $0xFFE, s26;
	s1 =	sshra.s32 s1, $0x1  }
0x35d: {  	s7 =	sxor.u32 $0xFFFFFFFF, s1  }
0x35e: {  	s14 =	sshll.u32 s19, $0x9;
	s2 =	sadd.s32 s13, s7  }
0x35f: {  	s9 =	sadd.s32 s2, s14;
	s11 =	sand.u32 $0xF, s2  }
0x360: {  	s13 =	sshra.s32 s9, $0x1F;
	p0 =	slt.s32 s9, $0x1;
	p1 =	sne.s32 s11, $0x0  }
0x361: {  	p0 =	por !p1, !p0;
	s16 =	sshrl.u32 s13, $0x1C  }
0x362: {  	s11 =	simm.s32 $0x1;
	s9 =	sadd.s32 s16, s9;
	p0 =	por !p0, !p0  }
0x363: {  	s9 =	sshrl.u32 s9, $0x4;
	s11 =	simm.s32 @!p0 $0x0  }
0x364: {  	s9 =	ssub.s32 s9, s11  }
0x365: {  	s19 =	sshll.u32 s9, $0x4  }
0x366: {  	p0 =	sgt.s32 s19, $0x0  }
0x367: {  	s7 =	sadd.s32 $0x7FE7F0, s14;
	s19 =	simm.s32 @!p0 $0x0  }
0x368: {  	p0 =	slt.s32 s7, s19;
	s9 =	smov.u32 s19  }
0x369: {  	s9 =	smov.u32 @p0 s7  }
0x36a: {  	s17 =	sand.u32 $0xFFFFFFF0, s4;
	s2 =	ssub.s32 s2, s9  }
0x36b: {  	s2 =	sadd.s32 s17, s2  }
0x36c: {  	v2 =	vadd.s32 s2, v1  }
0x36d: {  	vm0 =	vgt.s32 v2, $0x0  }
0x36e: {  	v2 =	vnsel vm0, $0x0, v2;
	_ =	sdelay $0x1  }
0x36f: {  	s18 =	ssub.s32 $0xFF, s29  }
0x370: {  	s21 =	sshrl.u32 s18, $0x1D  }
0x371: {  	s2 =	sadd.s32 s21, s18  }
0x372: {  	s2 =	sand.u32 $0xFFFFFFF8, s2;
	v2 =	vld.idx.msk [tilespmem:v2+s25+$0x0], $0xffff  }
0x373: {  	p0 =	slt.s32 s2, $0x1  }
.Ltmp33:
0x374: {  	_ = 	snop;
	(pc) =	sbr.rel @p0 .LBB2_51-.Ltmp33, $4  }
0x375: {  	v3 =	vor.u32 s17, v1  }
0x376: {  	vm15 =	vlt.s32 v3, s4;
	s11 =	simm.s32 $0xFFFFFFFF  }
0x377: {  	s22 =	sshrl.u32 s10, $0x9;
	s16 =	sadd.s32 $0x1, s29;
	s11 =	simm.s32 @!p5 $0x0;
	v2 =	vsel vm15, $0x0, v2  }
0x378: {  	s4 =	ssub.s32 $0x0, s1;
	[tilespmem:s17+$0x6200] =	vst v2;
	s17 =	sadd.s32 s16, s2;
	s2 =	sadd.s32 s11, s22  }
0x379: {  	s1 =	sshll.u32 s2, $0x9;
	s20 =	sld [smem:$0x7D5]  }
0x37a: {  	s11 =	sadd.s32 $0x7FE7F0, s1  }
0x37b: {  	s18 =	sand.u32 $0x3FFFFFF0, s10;
	s22 =	sld [smem:$0x7D4];
	p0 =	slt.s32 s19, s11  }
0x37c: {  	s24 =	sld [smem:$0x7D3];
	s11 =	smov.u32 @p0 s19;
	s13 =	sadd.s32 s20, s4  }
0x37d: {  	s9 =	sadd.s32 $0x6240, s18;
	s18 =	ssub.s32 s13, s11;
	s13 =	sld [smem:$0x7D2]  }
0x37e: {  	_ = 	snop  }
0x37f: {  	s0 =	sld [smem:$0x7D6];
	s23 =	sadd.s32 s22, s4  }
0x380: {  	s14 =	sadd.s32 s24, s4;
	s24 =	sld [smem:$0x7CF];
	s20 =	sadd.s32 s13, s4  }
0x381: {  	s22 =	ssub.s32 s14, s11;
	s14 =	ssub.s32 s20, s11;
	s20 =	sld [smem:$0x7D1]  }
0x382: {  	s13 =	ssub.s32 s23, s11;
	s23 =	sld [smem:$0x7D0]  }
0x383: {  	s21 =	sand.u32 $0xFFFFFFF0, s10;
	s16 =	sadd.s32 $0x8, s16;
	s7 =	sadd.s32 s0, s4  }
0x384: {  	s7 =	ssub.s32 s7, s11;
	s0 =	sadd.s32 s18, s21;
	s1 =	sadd.s32 s20, s4  }
0x385: {  	v2 =	vadd.s32 s0, v1;
	s20 =	sadd.s32 s23, s4;
	s23 =	sadd.s32 s24, s4;
	s24 =	sadd.s32 s7, s21  }
0x386: {  	p0 =	slt.u32 s16, s17;
	v3 =	vadd.s32 s24, v1  }
.Ltmp34:
0x387: {  	_ = 	snop;
	(pc) =	sbr.rel @!p0 .LBB2_50-.Ltmp34, $4  }
0x388: {  	s0 =	sadd.s32 s14, s21;
	s1 =	ssub.s32 s1, s11  }
0x389: {  	s20 =	ssub.s32 s20, s11;
	s11 =	ssub.s32 s23, s11;
	s24 =	sadd.s32 s13, s21  }
0x38a: {  	v5 =	vadd.s32 s0, v1;
	v2 =	vld.idx.msk [tilespmem:v2+s25+$0x0], $0xffff;
	v8 =	vadd.s32 s24, v1;
	s24 =	sadd.s32 s20, s21;
	s0 =	sadd.s32 s11, s21;
	s29 =	sadd.s32 s1, s21  }
0x38b: {  	p5 =	por $0x0, $0x0;
	v6 =	vadd.s32 s24, v1;
	v7 =	vadd.s32 s0, v1;
	v4 =	vadd.s32 s29, v1;
	s29 =	sadd.s32 s22, s21;
	s24 =	sadd.s32 $0x80, s18;
	v3 =	vld.idx.msk [tilespmem:v3+s25+$0x0], $0xffff  }
0x38c: {  	_ =	sdelay $0x3  }
0x38d: {  	s18 =	sadd.s32 s24, s21;
	v13 =	vld.idx.msk [tilespmem:v8+s25+$0x0], $0xffff;
	v12 =	vadd.s32 s29, v1;
	s7 =	sadd.s32 $0x80, s7  }
0x38e: {  	v15 =	vld.idx.msk [tilespmem:v5+s25+$0x0], $0xffff;
	s23 =	sadd.s32 s7, s21;
	v14 =	vadd.s32 s18, v1;
	s18 =	sadd.s32 $0x8, s16;
	s16 =	sadd.s32 $0x80, s13  }
0x38f: {  	v9 =	vld.idx.msk [tilespmem:v6+s25+$0x0], $0xffff;
	s14 =	sadd.s32 $0x80, s14;
	v16 =	vadd.s32 s23, v1;
	p6 =	slt.u32 s18, s17;
	s0 =	sadd.s32 s16, s21  }
.Ltmp35:
0x390: {  	v10 =	vld.idx.msk [tilespmem:v7+s25+$0x0], $0xffff;
	s29 =	sadd.s32 s14, s21;
	s13 =	sadd.s32 $0x80, s20;
	v8 =	vadd.s32 s0, v1;
	(pc) =	sbr.rel @!p6 .LBB2_57-.Ltmp35, $4  }
0x391: {  	v11 =	vld.idx.msk [tilespmem:v4+s25+$0x0], $0xffff;
	s20 =	sadd.s32 $0x80, s11;
	v5 =	vadd.s32 s29, v1;
	[tilespmem:s9+$0x40] =	vst v2;
	s0 =	sadd.s32 s13, s21  }
0x392: {  	s1 =	sadd.s32 $0x80, s1;
	s11 =	sadd.s32 s20, s21;
	[tilespmem:s9+$0xFFFFFFD0] =	vst v3;
	v6 =	vadd.s32 s0, v1;
	v12 =	vld.idx.msk [tilespmem:v12+s25+$0x0], $0xffff  }
0x393: {  	p5 =	por $0x1, $0x1;
	s29 =	sadd.s32 s1, s21;
	s23 =	sadd.s32 $0x80, s22;
	v7 =	vadd.s32 s11, v1;
	[tilespmem:s9+$0xFFFFFFE0] =	vst v13;
	v2 =	vld.idx.msk [tilespmem:v14+s25+$0x0], $0xffff  }
0x394: {  	s22 =	smov.u32 s9;
	v4 =	vadd.s32 s29, v1;
	s29 =	sadd.s32 s23, s21;
	s11 =	sadd.s32 $0x80, s24;
	[tilespmem:s9+$0xFFFFFFF0] =	vst v15;
	v3 =	vld.idx.msk [tilespmem:v16+s25+$0x0], $0xffff  }
.LBB2_58:
0x395: {  	s24 =	sadd.s32 s11, s21;
	s18 =	sadd.s32 $0x8, s18;
	v13 =	vld.idx.msk [tilespmem:v8+s25+$0x0], $0xffff;
	v14 =	vadd.s32 s29, v1;
	s7 =	sadd.s32 $0x80, s7;
	[tilespmem:s22+$0x0] =	vst v9  }
0x396: {  	s16 =	sadd.s32 $0x80, s16;
	s29 =	sadd.s32 s7, s21;
	v15 =	vadd.s32 s24, v1;
	p6 =	slt.u32 s18, s17;
	v16 =	vld.idx.msk [tilespmem:v5+s25+$0x0], $0xffff;
	[tilespmem:s22+$0x10] =	vst v10  }
0x397: {  	s14 =	sadd.s32 $0x80, s14;
	s13 =	sadd.s32 $0x80, s13;
	s24 =	sadd.s32 s16, s21;
	v17 =	vadd.s32 s29, v1;
	v9 =	vld.idx.msk [tilespmem:v6+s25+$0x0], $0xffff;
	[tilespmem:s22+$0x20] =	vst v11  }
.Ltmp36:
0x398: {  	v8 =	vadd.s32 s24, v1;
	s24 =	sadd.s32 s14, s21;
	v10 =	vld.idx.msk [tilespmem:v7+s25+$0x0], $0xffff;
	[tilespmem:s22+$0x30] =	vst v12;
	s22 =	sadd.s32 $0x80, s22;
	(pc) =	sbr.rel @p6 .LBB2_58-.Ltmp36, $4  }
0x399: {  	s20 =	sadd.s32 $0x80, s20;
	v5 =	vadd.s32 s24, v1;
	s24 =	sadd.s32 s13, s21;
	v11 =	vld.idx.msk [tilespmem:v4+s25+$0x0], $0xffff;
	[tilespmem:s22+$0x40] =	vst v2  }
0x39a: {  	s1 =	sadd.s32 $0x80, s1;
	v6 =	vadd.s32 s24, v1;
	s24 =	sadd.s32 s20, s21;
	[tilespmem:s22+$0xFFFFFFD0] =	vst v3;
	v12 =	vld.idx.msk [tilespmem:v14+s25+$0x0], $0xffff  }
0x39b: {  	s23 =	sadd.s32 $0x80, s23;
	v7 =	vadd.s32 s24, v1;
	s24 =	sadd.s32 s1, s21;
	v2 =	vld.idx.msk [tilespmem:v15+s25+$0x0], $0xffff;
	[tilespmem:s22+$0xFFFFFFE0] =	vst v13  }
0x39c: {  	s11 =	sadd.s32 $0x80, s11;
	s29 =	sadd.s32 s23, s21;
	v4 =	vadd.s32 s24, v1;
	v3 =	vld.idx.msk [tilespmem:v17+s25+$0x0], $0xffff;
	[tilespmem:s22+$0xFFFFFFF0] =	vst v16  }
.LBB2_59:
0x39d: {  	_ =	sdelay $0x2  }
0x39e: {  	[tilespmem:s22+$0x0] =	vst @p5 v9  }
0x39f: {  	v8 =	vld.idx.msk [tilespmem:v8+s25+$0x0], $0xffff;
	v63 =	vadd.s32 s29, v1;
	[tilespmem:s22+$0x10] =	vst @p5 v10  }
0x3a0: {  	v5 =	vld.idx.msk [tilespmem:v5+s25+$0x0], $0xffff;
	s1 =	sadd.s32 @p5 $0x80, s22;
	[tilespmem:s22+$0x20] =	vst @p5 v11  }
0x3a1: {  	v6 =	vld.idx.msk [tilespmem:v6+s25+$0x0], $0xffff;
	s9 =	smov.u32 @p5 s1;
	[tilespmem:s22+$0x30] =	vst @p5 v12  }
0x3a2: {  	v7 =	vld.idx.msk [tilespmem:v7+s25+$0x0], $0xffff;
	[tilespmem:s9+$0x40] =	vst v2  }
0x3a3: {  	v2 =	vld.idx.msk [tilespmem:v4+s25+$0x0], $0xffff;
	[tilespmem:s9+$0xFFFFFFD0] =	vst v3  }
0x3a4: {  	v3 =	vld.idx.msk [tilespmem:v63+s25+$0x0], $0xffff;
	[tilespmem:s9+$0xFFFFFFE0] =	vst v8  }
0x3a5: {  	[tilespmem:s9+$0xFFFFFFF0] =	vst v5  }
0x3a6: {  	[tilespmem:s9+$0x0] =	vst v6  }
0x3a7: {  	[tilespmem:s9+$0x10] =	vst v7  }
0x3a8: {  	[tilespmem:s9+$0x20] =	vst v2  }
0x3a9: {  	[tilespmem:s9+$0x30] =	vst v3  }
0x3aa: {  	s23 =	simm.s32 $0x80;
	s24 =	simm.s32 $0x400;
	s20 =	rddreg [dreg:$0xf]  }
.LBB2_51:
0x3ab: {  	p0 =	sgt.s32 s17, $0xFF  }
.Ltmp37:
0x3ac: {  	_ = 	snop;
	(pc) =	sbr.rel @p0 .LBB2_54-.Ltmp37, $4  }
0x3ad: {  	_ = 	snop  }
0x3ae: {  	s29 =	sld [smem:$0x7C5]  }
0x3af: {  	s13 =	sld [smem:$0x7C0]  }
0x3b0: {  	s11 =	sld [smem:$0x7C3]  }
0x3b1: {  	s1 =	sxor.u32 $0xFFFFFFFF, s10  }
0x3b2: {  	s2 =	sshll.u32 s2, $0x9;
	s0 =	sld [smem:$0x7CE];
	s1 =	sshrl.u32 s1, $0x4  }
0x3b3: {  	s2 =	sadd.s32 $0x7FE7F0, s2;
	s1 =	sand.u32 $0x7, s1  }
0x3b4: {  	p0 =	slt.s32 s19, s2;
	s7 =	sshll.u32 s1, $0x6  }
0x3b5: {  	s4 =	sadd.s32 s0, s4;
	s2 =	smov.u32 @p0 s19;
	s7 =	ssub.s32 $0x0, s7  }
0x3b6: {  	s9 =	sshll.u32 s1, $0x4;
	s4 =	ssub.s32 s4, s2;
	s7 =	sshra.s32 s7, $0x2  }
0x3b7: {  	s1 =	sxor.u32 $0xFF, s1;
	s4 =	ssub.s32 s4, s9;
	s2 =	sadd.s32 $0x7200, s7  }
.LBB2_53:
0x3b8: {  	v2 =	vadd.s32 s4, v1;
	_ =	sdelay $0x3  }
0x3b9: {  	s1 =	sadd.s32 $0x1, s1  }
0x3ba: {  	p0 =	slt.u32 s1, $0xFF;
	v2 =	vld.idx.msk [tilespmem:v2+s25+$0x0], $0xffff  }
.Ltmp38:
0x3bb: {  	_ = 	snop;
	(pc) =	sbr.rel @p0 .LBB2_53-.Ltmp38, $2  }
0x3bc: {  	_ =	sdelay $0x2  }
0x3bd: {  	s4 =	sadd.s32 $0x10, s4;
	[tilespmem:s2+$0x0] =	vst v2;
	s2 =	sadd.s32 $0x10, s2  }
.LBB2_54:
0x3be: {  	s1 =	sshll.u32 s26, $0xC  }
.Ltmp39:
0x3bf: {  	s1 =	sand.u32 $0xFFFF8000, s1;
	(pc) =	sbr.rel @!p4 .LBB2_55-.Ltmp39, $4  }
0x3c0: {  	s1 =	sor.u32 s20, s1  }
0x3c1: {  	s1 =	sshrl.u32 s1, $0x3  }
0x3c2: {  	s0 =	simm.s32 $0x6200;
	s7 =	sld [smem:$0x7C4];
	s1 =	sadd.s32 s31, s1  }
0x3c3: {  	[hbm4b:s1+s23] =	stream.strided.scatter [tilespmem:s0], [sflag:$0x7], $0x1000, s24, s23, $0x38;
	[tilespmem:$0x8200] =	vst v63  }
0x3c4: {  	p3 =	sgt.s32 s3, $0x5  }
0x3c5: {  	p0 =	seq.s32 @p3 s3, $0x6  }
0x3c6: {  	p1 =	por p0, !p3  }
0x3c7: {  	p2 =	por !p0, !p3;
	p4 =	seq.s32 @!p1 s3, $0x7  }
0x3c8: {  	s1 =	simm.s32 @!p2 $0x4;
	p5 =	por @p3 p4, p0  }
0x3c9: {  	_ =	swait.ge @!p2 [sflag:s1], $0x410;
	p6 =	por @p3 !p4, p0;
	p5 =	por p5, !p3  }
0x3ca: {  	[sflag:s1] =	ssyncset.done @!p2 $0x0;
	p6 =	por p6, !p3;
	p5 =	seq.s32 @!p5 s3, $0x8  }
0x3cb: {  	[sflag:s1] =	ssyncadd.s32 @!p2 $0xFFFFFBF0;
	s1 =	simm.s32 @!p6 $0x4;
	p1 =	por @!p1 !p5, p4  }
0x3cc: {  	_ =	swait.ge @!p6 [sflag:s1], $0x210;
	p0 =	por @p3 p1, p0  }
0x3cd: {  	[sflag:s1] =	ssyncset.done @!p6 $0x0;
	p0 =	por p0, !p3  }
0x3ce: {  	[sflag:s1] =	ssyncadd.s32 @!p6 $0xFFFFFDF0;
	s1 =	simm.s32 @!p0 $0x4  }
0x3cf: {  	p1 =	seq.s32 @!p3 s3, $0x4;
	_ =	swait.ge @!p0 [sflag:s1], $0x10  }
0x3d0: {  	p2 =	por !p1, p3;
	p4 =	por p1, p3;
	[sflag:s1] =	ssyncset.done @!p0 $0x0  }
0x3d1: {  	[sflag:s1] =	ssyncadd.s32 @!p0 $0xFFFFFFF0;
	s1 =	simm.s32 @!p2 $0x4;
	p0 =	seq.s32 @!p4 s3, $0x5  }
0x3d2: {  	_ =	swait.ge @!p2 [sflag:s1], $0x810;
	p0 =	por @!p3 !p0, p1  }
0x3d3: {  	[sflag:s1] =	ssyncset.done @!p2 $0x0;
	p0 =	por p0, p3  }
0x3d4: {  	[sflag:s1] =	ssyncadd.s32 @!p2 $0xFFFFF7F0;
	s1 =	simm.s32 @!p0 $0x4  }
.Ltmp40:
0x3d5: {  	_ =	swait.ge @!p0 [sflag:s1], $0x610;
	(pc) =	sbr.rel .LBB2_61-.Ltmp40, $3  }
0x3d6: {  	s0 =	sld [smem:$0x7BB];
	_ =	sdelay $0x1  }
0x3d7: {  	[sflag:s1] =	ssyncset.done @!p0 $0x0;
	s26 =	sld [smem:$0x7C6]  }
0x3d8: {  	s9 =	sld [smem:$0x7C1];
	[sflag:s1] =	ssyncadd.s32 @!p0 $0xFFFFF9F0;
	p5 =	seq.s32 s0, $0x1  }
.LBB2_55:
0x3d9: {  	p3 =	sgt.s32 s3, $0x1  }
0x3da: {  	p0 =	seq.s32 @p3 s3, $0x2  }
0x3db: {  	p1 =	por !p0, !p3;
	p2 =	por p0, !p3  }
0x3dc: {  	s1 =	simm.s32 @!p1 $0x4;
	p2 =	seq.s32 @!p2 s3, $0x3  }
0x3dd: {  	_ =	swait.ge @!p1 [sflag:s1], $0xC10;
	p0 =	por @p3 !p2, p0  }
0x3de: {  	[sflag:s1] =	ssyncset.done @!p1 $0x0;
	p0 =	por p0, !p3  }
0x3df: {  	[sflag:s1] =	ssyncadd.s32 @!p1 $0xFFFFF3F0;
	s1 =	simm.s32 @!p0 $0x4  }
0x3e0: {  	p1 =	seq.s32 @!p3 s3, $0x0;
	_ =	swait.ge @!p0 [sflag:s1], $0xA10  }
0x3e1: {  	p2 =	por !p1, p3;
	p4 =	por p1, p3;
	[sflag:s1] =	ssyncset.done @!p0 $0x0  }
0x3e2: {  	[sflag:s1] =	ssyncadd.s32 @!p0 $0xFFFFF5F0;
	s1 =	simm.s32 @!p2 $0x4;
	p0 =	seq.s32 @!p4 s3, $0x1  }
0x3e3: {  	p0 =	por @!p3 !p0, p1;
	_ =	swait.ge @!p2 [sflag:s1], $0x1010  }
0x3e4: {  	[sflag:s1] =	ssyncset.done @!p2 $0x0;
	p0 =	por p0, p3  }
0x3e5: {  	[sflag:s1] =	ssyncadd.s32 @!p2 $0xFFFFEFF0;
	s1 =	simm.s32 @!p0 $0x4  }
0x3e6: {  	_ =	swait.ge @!p0 [sflag:s1], $0xE10  }
0x3e7: {  	s0 =	sld [smem:$0x7BB];
	_ =	sdelay $0x1  }
0x3e8: {  	[sflag:s1] =	ssyncset.done @!p0 $0x0;
	s26 =	sld [smem:$0x7C6]  }
0x3e9: {  	s9 =	sld [smem:$0x7C1];
	[sflag:s1] =	ssyncadd.s32 @!p0 $0xFFFFF1F0;
	p5 =	seq.s32 s0, $0x1  }
.LBB2_61:
0x3ea: {  	s0 =	sld [smem:$0x7B7];
	_ =	sdelay $0x2  }
0x3eb: {  	p0 =	seq.s32 s0, $0x1  }
.Ltmp41:
0x3ec: {  	_ = 	snop;
	(pc) =	sbr.rel @p0 .LBB2_66-.Ltmp41, $2  }
0x3ed: {  	_ =	sdelay $0x2  }
0x3ee: {  	s10 =	smov.u32 s31  }
0x3ef: {  	s1 =	sadd.s32 $0xF21, s6  }
0x3f0: {  	s2 =	sadd.s32 $0xF20, s6;
	p1 =	slt.s32 s6, $0xFFFFF0E0;
	s3 =	sand.u32 $0xF, s1  }
0x3f1: {  	s4 =	sadd.s32 $0xF1F, s6;
	s31 =	sshra.s32 s1, $0x1F;
	p0 =	sne.s32 s3, $0x0  }
0x3f2: {  	s2 =	smul.u32 s4, s2;
	s3 =	sshrl.u32 s31, $0x1C;
	p0 =	por !p1, !p0  }
0x3f3: {  	s1 =	sadd.s32 s3, s1;
	s3 =	simm.s32 $0x1;
	p0 =	por !p0, !p0  }
0x3f4: {  	s1 =	sshra.s32 s1, $0x4;
	s3 =	simm.s32 @!p0 $0x0  }
0x3f5: {  	s0 =	sshrl.u32 s2, $0x1F;
	s1 =	ssub.s32 s1, s3  }
0x3f6: {  	s2 =	sadd.s32 s0, s2;
	s6 =	sand.u32 $0x1F, s1  }
0x3f7: {  	s14 =	sshra.s32 s1, $0x1F;
	p3 =	slt.s32 s1, $0x1;
	p2 =	sne.s32 s6, $0x0  }
0x3f8: {  	s0 =	sld [smem:$0x7BC];
	s16 =	sshrl.u32 s14, $0x1B;
	p0 =	por !p3, !p2  }
0x3f9: {  	s3 =	simm.s32 $0x1;
	s1 =	sadd.s32 s16, s1;
	p0 =	por !p0, !p0  }
0x3fa: {  	s2 =	sshra.s32 s2, $0x1;
	s1 =	sshra.s32 s1, $0x5;
	s3 =	simm.s32 @!p0 $0x0  }
0x3fb: {  	s17 =	ssub.s32 s0, s2;
	s2 =	ssub.s32 s1, s3  }
0x3fc: {  	s18 =	sadd.s32 $0xF1E1BF, s17;
	s19 =	sshll.u32 s2, $0x9  }
0x3fd: {  	s1 =	sand.u32 $0xF, s18;
	s21 =	sadd.s32 s18, s19  }
0x3fe: {  	p6 =	sne.s32 s1, $0x0;
	s22 =	sshra.s32 s21, $0x1F;
	p4 =	slt.s32 s21, $0x1  }
0x3ff: {  	s31 =	sshrl.u32 s22, $0x1C;
	p0 =	por !p6, !p4  }
0x400: {  	s3 =	simm.s32 $0x1;
	s1 =	sadd.s32 s31, s21;
	p0 =	por !p0, !p0  }
0x401: {  	s1 =	sshrl.u32 s1, $0x4;
	s3 =	simm.s32 @!p0 $0x0  }
0x402: {  	p1 =	sgt.s32 s2, $0x3;
	s1 =	ssub.s32 s1, s3  }
.Ltmp42:
0x403: {  	s3 =	sshll.u32 s1, $0x4;
	(pc) =	sbr.rel @!p1 .LBB2_63-.Ltmp42, $4  }
0x404: {  	p0 =	sgt.s32 s3, $0x0  }
0x405: {  	s1 =	sadd.s32 $0x7FE7F0, s19;
	s3 =	simm.s32 @!p0 $0x0  }
0x406: {  	p0 =	slt.s32 s1, s3  }
0x407: {  	s3 =	smov.u32 @p0 s1  }
0x408: {  	p3 =	sgt.s32 s2, $0x5  }
0x409: {  	p0 =	seq.s32 @p3 s2, $0x6  }
0x40a: {  	p1 =	por !p0, !p3  }
0x40b: {  	s1 =	sshrl.u32 @!p1 s3, $0x3  }
0x40c: {  	s4 =	simm.s32 @!p1 $0x0;
	s6 =	simm.s32 @!p1 $0x2100;
	s1 =	sadd.s32 @!p1 s30, s1  }
0x40d: {  	[tilespmem:s6], [sflag:$0x3] =	stream.linear.gather @!p1 [hbm4b:s1+s4], $0x410, $0x38;
	[tilespmem:$0x8200] =	vst v63  }
0x40e: {  	p1 =	por p0, !p3  }
0x40f: {  	p2 =	seq.s32 @!p1 s2, $0x7  }
0x410: {  	p4 =	por @p3 !p2, p0  }
0x411: {  	p4 =	por p4, !p3  }
0x412: {  	s1 =	sshrl.u32 @!p4 s3, $0x3  }
0x413: {  	s4 =	simm.s32 @!p4 $0x0;
	s6 =	simm.s32 @!p4 $0x2100;
	s1 =	sadd.s32 @!p4 s30, s1  }
0x414: {  	[tilespmem:s6], [sflag:$0x3] =	stream.linear.gather @!p4 [hbm4b:s1+s4], $0x210, $0x38;
	[tilespmem:$0x8200] =	vst v63  }
0x415: {  	p4 =	por @p3 p2, p0  }
0x416: {  	p4 =	por p4, !p3  }
0x417: {  	p4 =	seq.s32 @!p4 s2, $0x8  }
0x418: {  	p1 =	por @!p1 !p4, p2  }
0x419: {  	p0 =	por @p3 p1, p0  }
0x41a: {  	p0 =	por p0, !p3  }
0x41b: {  	s1 =	sshrl.u32 @!p0 s3, $0x3  }
0x41c: {  	s4 =	simm.s32 @!p0 $0x0;
	s6 =	simm.s32 @!p0 $0x2100;
	s1 =	sadd.s32 @!p0 s30, s1  }
0x41d: {  	[tilespmem:s6], [sflag:$0x3] =	stream.linear.gather @!p0 [hbm4b:s1+s4], $0x10, $0x38;
	[tilespmem:$0x8200] =	vst v63  }
0x41e: {  	p0 =	seq.s32 @!p3 s2, $0x4  }
0x41f: {  	p1 =	por !p0, p3  }
0x420: {  	s1 =	sshrl.u32 @!p1 s3, $0x3  }
0x421: {  	s4 =	simm.s32 @!p1 $0x0;
	s6 =	simm.s32 @!p1 $0x2100;
	s1 =	sadd.s32 @!p1 s30, s1  }
0x422: {  	[tilespmem:s6], [sflag:$0x3] =	stream.linear.gather @!p1 [hbm4b:s1+s4], $0x810, $0x38;
	[tilespmem:$0x8200] =	vst v63  }
0x423: {  	p1 =	por p0, p3  }
0x424: {  	p1 =	seq.s32 @!p1 s2, $0x5  }
.Ltmp43:
0x425: {  	p0 =	por @!p3 !p1, p0;
	(pc) =	sbr.rel .LBB2_65-.Ltmp43, $4  }
0x426: {  	p0 =	por p0, p3  }
0x427: {  	s1 =	sshrl.u32 @!p0 s3, $0x3  }
0x428: {  	s2 =	simm.s32 @!p0 $0x0;
	s3 =	simm.s32 @!p0 $0x2100;
	s1 =	sadd.s32 @!p0 s30, s1  }
0x429: {  	[tilespmem:s3], [sflag:$0x3] =	stream.linear.gather @!p0 [hbm4b:s1+s2], $0x610, $0x38;
	[tilespmem:$0x8200] =	vst v63  }
.LBB2_63:
0x42a: {  	p3 =	sgt.s32 s2, $0x1  }
0x42b: {  	p0 =	seq.s32 @p3 s2, $0x2  }
0x42c: {  	p1 =	por !p0, !p3  }
0x42d: {  	s1 =	sshrl.u32 @!p1 s3, $0x3  }
0x42e: {  	s4 =	simm.s32 @!p1 $0x0;
	s6 =	simm.s32 @!p1 $0x2100;
	s1 =	sadd.s32 @!p1 s30, s1  }
0x42f: {  	[tilespmem:s6], [sflag:$0x3] =	stream.linear.gather @!p1 [hbm4b:s1+s4], $0xC10, $0x38;
	[tilespmem:$0x8200] =	vst v63  }
0x430: {  	p1 =	por p0, !p3  }
0x431: {  	p1 =	seq.s32 @!p1 s2, $0x3  }
0x432: {  	p0 =	por @p3 !p1, p0  }
0x433: {  	p0 =	por p0, !p3  }
0x434: {  	s1 =	sshrl.u32 @!p0 s3, $0x3  }
0x435: {  	s4 =	simm.s32 @!p0 $0x0;
	s6 =	simm.s32 @!p0 $0x2100;
	s1 =	sadd.s32 @!p0 s30, s1  }
0x436: {  	[tilespmem:s6], [sflag:$0x3] =	stream.linear.gather @!p0 [hbm4b:s1+s4], $0xA10, $0x38;
	[tilespmem:$0x8200] =	vst v63  }
0x437: {  	p0 =	seq.s32 @!p3 s2, $0x0  }
0x438: {  	p1 =	por !p0, p3  }
0x439: {  	s1 =	sshrl.u32 @!p1 s3, $0x3  }
0x43a: {  	s4 =	simm.s32 @!p1 $0x0;
	s6 =	simm.s32 @!p1 $0x2100;
	s1 =	sadd.s32 @!p1 s30, s1  }
0x43b: {  	[tilespmem:s6], [sflag:$0x3] =	stream.linear.gather @!p1 [hbm4b:s1+s4], $0x1010, $0x38;
	[tilespmem:$0x8200] =	vst v63  }
0x43c: {  	p1 =	por p0, p3  }
0x43d: {  	p1 =	seq.s32 @!p1 s2, $0x1  }
0x43e: {  	p0 =	por @!p3 !p1, p0  }
0x43f: {  	p0 =	por p0, p3  }
0x440: {  	s1 =	sshrl.u32 @!p0 s3, $0x3  }
0x441: {  	s2 =	simm.s32 @!p0 $0x0;
	s3 =	simm.s32 @!p0 $0x2100;
	s1 =	sadd.s32 @!p0 s30, s1  }
0x442: {  	[tilespmem:s3], [sflag:$0x3] =	stream.linear.gather @!p0 [hbm4b:s1+s2], $0xE10, $0x38;
	[tilespmem:$0x8200] =	vst v63  }
.LBB2_65:
0x443: {  	s0 =	sld [smem:$0x7B8];
	_ =	sdelay $0x2  }
0x444: {  	p0 =	seq.s32 s0, $0x1  }
.Ltmp44:
0x445: {  	_ = 	snop;
	(pc) =	sbr.rel @p0 .LBB2_67-.Ltmp44, $1  }
0x446: {  	_ =	sdelay $0x3  }
.LBB2_66:
0x447: {  	s0 =	simm.s32 $0x8  }
0x448: {  	_ =	swait.ge [sflag:s0], $0x1000  }
0x449: {  	[sflag:s0] =	ssyncset.done $0x0  }
0x44a: {  	[sflag:s0] =	ssyncadd.s32 $0xFFFFF000  }
.LBB2_67:
0x44b: {  	s0 =	sld [smem:$0x7C2];
	_ =	sdelay $0x2  }
0x44c: {  	s1 =	ssub.s32 s7, s28;
	s2 =	sand.u32 $0xFFFFFFB0, s0  }
0x44d: {  	s1 =	sadd.s32 s2, s1  }
0x44e: {  	v2 =	vadd.s32 s1, v1  }
0x44f: {  	vm0 =	vgt.s32 v2, $0x0  }
0x450: {  	v2 =	vnsel vm0, $0x0, v2;
	_ =	sdelay $0x1  }
0x451: {  	s31 =	ssub.s32 $0xFF, s9  }
0x452: {  	s3 =	sshrl.u32 s31, $0x1D  }
0x453: {  	s1 =	sadd.s32 s3, s31  }
0x454: {  	s1 =	sand.u32 $0xFFFFFFF8, s1;
	v2 =	vld.idx.msk [tilespmem:v2+s8+$0x0], $0xffff  }
0x455: {  	p0 =	slt.s32 s1, $0x1  }
.Ltmp45:
0x456: {  	_ = 	snop;
	(pc) =	sbr.rel @p0 .LBB2_70-.Ltmp45, $4  }
0x457: {  	v3 =	vor.u32 s2, v1  }
0x458: {  	s6 =	sshrl.u32 s13, $0x9;
	s7 =	simm.s32 $0xFFFFFFFF;
	vm15 =	vlt.s32 v3, s0  }
0x459: {  	s16 =	sadd.s32 $0x1, s9;
	s28 =	sld [smem:$0x7C8];
	s7 =	simm.s32 @!p5 $0x0;
	v2 =	vsel vm15, $0x0, v2  }
0x45a: {  	s3 =	ssub.s32 $0x0, s11;
	s4 =	sadd.s32 s16, s1;
	[tilespmem:s2+$0x7200] =	vst v2;
	s2 =	sadd.s32 s7, s6  }
0x45b: {  	s6 =	sld [smem:$0x7BD]  }
0x45c: {  	s0 =	sld [smem:$0x7CD]  }
0x45d: {  	s1 =	sshll.u32 s2, $0x9;
	s22 =	sld [smem:$0x7CC]  }
0x45e: {  	s9 =	sand.u32 $0xFFFFFFF0, s13;
	s21 =	sand.u32 $0x3FFFFFF0, s13;
	s19 =	sld [smem:$0x7CA]  }
0x45f: {  	s31 =	smov.u32 s13;
	s20 =	sld [smem:$0x7C9];
	s11 =	sadd.s32 $0x7FE7F0, s1  }
0x460: {  	s16 =	sadd.s32 $0x8, s16;
	s1 =	sld [smem:$0x7CB];
	p0 =	slt.s32 s6, s11  }
0x461: {  	s7 =	sadd.s32 s0, s3;
	s0 =	sadd.s32 s22, s3;
	s11 =	smov.u32 @p0 s6  }
0x462: {  	s14 =	sadd.s32 s19, s3;
	s6 =	sadd.s32 $0x7240, s21;
	s17 =	ssub.s32 s0, s11  }
0x463: {  	s21 =	sadd.s32 s29, s3;
	s7 =	ssub.s32 s7, s11;
	s0 =	sadd.s32 s17, s9  }
0x464: {  	s13 =	sadd.s32 s1, s3;
	s1 =	ssub.s32 s21, s11;
	s21 =	sadd.s32 s7, s9;
	v2 =	vadd.s32 s0, v1  }
0x465: {  	s18 =	sadd.s32 s20, s3;
	s22 =	sadd.s32 s28, s3;
	p0 =	slt.u32 s16, s4;
	v3 =	vadd.s32 s21, v1  }
.Ltmp46:
0x466: {  	s20 =	sadd.s32 s26, s3;
	s13 =	ssub.s32 s13, s11;
	(pc) =	sbr.rel @!p0 .LBB2_69-.Ltmp46, $4  }
0x467: {  	s19 =	ssub.s32 s14, s11;
	s14 =	ssub.s32 s18, s11;
	s18 =	ssub.s32 s22, s11  }
0x468: {  	s11 =	ssub.s32 s20, s11;
	s22 =	sadd.s32 s13, s9;
	s0 =	sadd.s32 s14, s9  }
0x469: {  	v8 =	vadd.s32 s22, v1;
	s21 =	sadd.s32 s18, s9;
	s22 =	sadd.s32 s1, s9;
	v5 =	vadd.s32 s0, v1;
	s0 =	sadd.s32 s11, s9;
	v2 =	vld.idx.msk [tilespmem:v2+s8+$0x0], $0xffff  }
0x46a: {  	p1 =	por $0x0, $0x0;
	v6 =	vadd.s32 s21, v1;
	v4 =	vadd.s32 s22, v1;
	s22 =	sadd.s32 s19, s9;
	s21 =	sadd.s32 $0x80, s17;
	v7 =	vadd.s32 s0, v1;
	v3 =	vld.idx.msk [tilespmem:v3+s8+$0x0], $0xffff  }
0x46b: {  	_ =	sdelay $0x3  }
0x46c: {  	s17 =	sadd.s32 s21, s9;
	v13 =	vld.idx.msk [tilespmem:v8+s8+$0x0], $0xffff;
	v12 =	vadd.s32 s22, v1;
	s7 =	sadd.s32 $0x80, s7  }
0x46d: {  	v15 =	vld.idx.msk [tilespmem:v5+s8+$0x0], $0xffff;
	s20 =	sadd.s32 s7, s9;
	v14 =	vadd.s32 s17, v1;
	s17 =	sadd.s32 $0x8, s16;
	s16 =	sadd.s32 $0x80, s13  }
0x46e: {  	v9 =	vld.idx.msk [tilespmem:v6+s8+$0x0], $0xffff;
	s14 =	sadd.s32 $0x80, s14;
	v16 =	vadd.s32 s20, v1;
	p2 =	slt.u32 s17, s4;
	s0 =	sadd.s32 s16, s9  }
.Ltmp47:
0x46f: {  	v10 =	vld.idx.msk [tilespmem:v7+s8+$0x0], $0xffff;
	s22 =	sadd.s32 s14, s9;
	s13 =	sadd.s32 $0x80, s18;
	v8 =	vadd.s32 s0, v1;
	(pc) =	sbr.rel @!p2 .LBB2_77-.Ltmp47, $4  }
0x470: {  	v11 =	vld.idx.msk [tilespmem:v4+s8+$0x0], $0xffff;
	s18 =	sadd.s32 $0x80, s11;
	v5 =	vadd.s32 s22, v1;
	[tilespmem:s6+$0x40] =	vst v2;
	s0 =	sadd.s32 s13, s9  }
0x471: {  	s1 =	sadd.s32 $0x80, s1;
	s11 =	sadd.s32 s18, s9;
	[tilespmem:s6+$0xFFFFFFD0] =	vst v3;
	v6 =	vadd.s32 s0, v1;
	v12 =	vld.idx.msk [tilespmem:v12+s8+$0x0], $0xffff  }
0x472: {  	p1 =	por $0x1, $0x1;
	s20 =	sadd.s32 $0x80, s19;
	v7 =	vadd.s32 s11, v1;
	s0 =	sadd.s32 s1, s9;
	[tilespmem:s6+$0xFFFFFFE0] =	vst v13;
	v2 =	vld.idx.msk [tilespmem:v14+s8+$0x0], $0xffff  }
0x473: {  	s19 =	smov.u32 s6;
	s22 =	sadd.s32 s20, s9;
	s11 =	sadd.s32 $0x80, s21;
	v4 =	vadd.s32 s0, v1;
	[tilespmem:s6+$0xFFFFFFF0] =	vst v15;
	v3 =	vld.idx.msk [tilespmem:v16+s8+$0x0], $0xffff  }
.LBB2_78:
0x474: {  	s21 =	sadd.s32 s11, s9;
	s17 =	sadd.s32 $0x8, s17;
	v13 =	vld.idx.msk [tilespmem:v8+s8+$0x0], $0xffff;
	v14 =	vadd.s32 s22, v1;
	s7 =	sadd.s32 $0x80, s7;
	[tilespmem:s19+$0x0] =	vst v9  }
0x475: {  	s16 =	sadd.s32 $0x80, s16;
	s22 =	sadd.s32 s7, s9;
	v15 =	vadd.s32 s21, v1;
	p2 =	slt.u32 s17, s4;
	v16 =	vld.idx.msk [tilespmem:v5+s8+$0x0], $0xffff;
	[tilespmem:s19+$0x10] =	vst v10  }
0x476: {  	s14 =	sadd.s32 $0x80, s14;
	s13 =	sadd.s32 $0x80, s13;
	s21 =	sadd.s32 s16, s9;
	v17 =	vadd.s32 s22, v1;
	v9 =	vld.idx.msk [tilespmem:v6+s8+$0x0], $0xffff;
	[tilespmem:s19+$0x20] =	vst v11  }
.Ltmp48:
0x477: {  	v8 =	vadd.s32 s21, v1;
	s21 =	sadd.s32 s14, s9;
	v10 =	vld.idx.msk [tilespmem:v7+s8+$0x0], $0xffff;
	[tilespmem:s19+$0x30] =	vst v12;
	s19 =	sadd.s32 $0x80, s19;
	(pc) =	sbr.rel @p2 .LBB2_78-.Ltmp48, $4  }
0x478: {  	s18 =	sadd.s32 $0x80, s18;
	v5 =	vadd.s32 s21, v1;
	s21 =	sadd.s32 s13, s9;
	v11 =	vld.idx.msk [tilespmem:v4+s8+$0x0], $0xffff;
	[tilespmem:s19+$0x40] =	vst v2  }
0x479: {  	s1 =	sadd.s32 $0x80, s1;
	v6 =	vadd.s32 s21, v1;
	s21 =	sadd.s32 s18, s9;
	[tilespmem:s19+$0xFFFFFFD0] =	vst v3;
	v12 =	vld.idx.msk [tilespmem:v14+s8+$0x0], $0xffff  }
0x47a: {  	s20 =	sadd.s32 $0x80, s20;
	v7 =	vadd.s32 s21, v1;
	s21 =	sadd.s32 s1, s9;
	v2 =	vld.idx.msk [tilespmem:v15+s8+$0x0], $0xffff;
	[tilespmem:s19+$0xFFFFFFE0] =	vst v13  }
0x47b: {  	s11 =	sadd.s32 $0x80, s11;
	s22 =	sadd.s32 s20, s9;
	v4 =	vadd.s32 s21, v1;
	v3 =	vld.idx.msk [tilespmem:v17+s8+$0x0], $0xffff;
	[tilespmem:s19+$0xFFFFFFF0] =	vst v16  }
.LBB2_79:
0x47c: {  	_ =	sdelay $0x2  }
0x47d: {  	[tilespmem:s19+$0x0] =	vst @p1 v9  }
0x47e: {  	v8 =	vld.idx.msk [tilespmem:v8+s8+$0x0], $0xffff;
	v63 =	vadd.s32 s22, v1;
	[tilespmem:s19+$0x10] =	vst @p1 v10  }
0x47f: {  	v5 =	vld.idx.msk [tilespmem:v5+s8+$0x0], $0xffff;
	s1 =	sadd.s32 @p1 $0x80, s19;
	[tilespmem:s19+$0x20] =	vst @p1 v11  }
0x480: {  	v6 =	vld.idx.msk [tilespmem:v6+s8+$0x0], $0xffff;
	s6 =	smov.u32 @p1 s1;
	[tilespmem:s19+$0x30] =	vst @p1 v12  }
0x481: {  	v7 =	vld.idx.msk [tilespmem:v7+s8+$0x0], $0xffff;
	[tilespmem:s6+$0x40] =	vst v2  }
0x482: {  	v2 =	vld.idx.msk [tilespmem:v4+s8+$0x0], $0xffff;
	[tilespmem:s6+$0xFFFFFFD0] =	vst v3  }
0x483: {  	v3 =	vld.idx.msk [tilespmem:v63+s8+$0x0], $0xffff;
	[tilespmem:s6+$0xFFFFFFE0] =	vst v8  }
0x484: {  	[tilespmem:s6+$0xFFFFFFF0] =	vst v5  }
0x485: {  	[tilespmem:s6+$0x0] =	vst v6  }
0x486: {  	[tilespmem:s6+$0x10] =	vst v7  }
0x487: {  	[tilespmem:s6+$0x20] =	vst v2  }
0x488: {  	[tilespmem:s6+$0x30] =	vst v3  }
0x489: {  	s13 =	smov.u32 s31;
	s20 =	rddreg [dreg:$0xf]  }
.LBB2_70:
0x48a: {  	p0 =	sgt.s32 s4, $0xFF  }
.Ltmp49:
0x48b: {  	_ = 	snop;
	(pc) =	sbr.rel @p0 .LBB2_73-.Ltmp49, $2  }
0x48c: {  	_ =	sdelay $0x2  }
0x48d: {  	s7 =	sld [smem:$0x7BF]  }
0x48e: {  	s1 =	sxor.u32 $0xFFFFFFFF, s13;
	s0 =	sld [smem:$0x7BD]  }
0x48f: {  	s2 =	sshll.u32 s2, $0x9;
	s1 =	sshrl.u32 s1, $0x4  }
0x490: {  	s2 =	sadd.s32 $0x7FE7F0, s2;
	s1 =	sand.u32 $0x7, s1  }
0x491: {  	s4 =	sshll.u32 s1, $0x6;
	p0 =	slt.s32 s0, s2  }
0x492: {  	s3 =	sadd.s32 s7, s3;
	s4 =	ssub.s32 $0x0, s4;
	s2 =	smov.u32 @p0 s0  }
0x493: {  	s6 =	sshll.u32 s1, $0x4;
	s4 =	sshra.s32 s4, $0x2;
	s2 =	ssub.s32 s3, s2  }
0x494: {  	s0 =	sxor.u32 $0xFF, s1;
	s1 =	sadd.s32 $0x8200, s4;
	s2 =	ssub.s32 s2, s6  }
.LBB2_72:
0x495: {  	v2 =	vadd.s32 s2, v1;
	_ =	sdelay $0x3  }
0x496: {  	s0 =	sadd.s32 $0x1, s0  }
0x497: {  	p0 =	slt.u32 s0, $0xFF;
	v2 =	vld.idx.msk [tilespmem:v2+s8+$0x0], $0xffff  }
.Ltmp50:
0x498: {  	_ = 	snop;
	(pc) =	sbr.rel @p0 .LBB2_72-.Ltmp50, $2  }
0x499: {  	_ =	sdelay $0x2  }
0x49a: {  	s2 =	sadd.s32 $0x10, s2;
	[tilespmem:s1+$0x0] =	vst v2;
	s1 =	sadd.s32 $0x10, s1  }
.Ltmp51:
0x49b: {  	_ = 	snop;
	(pc) =	sbr.rel .LBB2_73-.Ltmp51, $1  }
0x49c: {  	_ =	sdelay $0x3  }
.LBB2_12:
.Ltmp52:
0x49d: {  	(pc) =	sbr.rel .LBB2_21-.Ltmp52, $2  }
0x49e: {  	_ =	sdelay $0x2  }
0x49f: {  	s9 =	smov.u32 s23  }
.LBB2_31:
.Ltmp53:
0x4a0: {  	(pc) =	sbr.rel .LBB2_40-.Ltmp53, $2  }
0x4a1: {  	_ =	sdelay $0x2  }
0x4a2: {  	s21 =	smov.u32 s9  }
.LBB2_50:
.Ltmp54:
0x4a3: {  	(pc) =	sbr.rel .LBB2_59-.Ltmp54, $2  }
0x4a4: {  	_ =	sdelay $0x2  }
0x4a5: {  	s22 =	smov.u32 s9  }
.LBB2_69:
.Ltmp55:
0x4a6: {  	(pc) =	sbr.rel .LBB2_79-.Ltmp55, $2  }
0x4a7: {  	_ =	sdelay $0x2  }
0x4a8: {  	s19 =	smov.u32 s6  }
.LBB2_19:
.Ltmp56:
0x4a9: {  	(pc) =	sbr.rel .LBB2_21-.Ltmp56, $2  }
0x4aa: {  	_ =	sdelay $0x2  }
0x4ab: {  	s9 =	smov.u32 s23  }
.LBB2_38:
.Ltmp57:
0x4ac: {  	(pc) =	sbr.rel .LBB2_40-.Ltmp57, $2  }
0x4ad: {  	_ =	sdelay $0x2  }
0x4ae: {  	s21 =	smov.u32 s9  }
.LBB2_57:
.Ltmp58:
0x4af: {  	(pc) =	sbr.rel .LBB2_59-.Ltmp58, $2  }
0x4b0: {  	_ =	sdelay $0x2  }
0x4b1: {  	s22 =	smov.u32 s9  }
.LBB2_77:
.Ltmp59:
0x4b2: {  	(pc) =	sbr.rel .LBB2_79-.Ltmp59, $2  }
0x4b3: {  	_ =	sdelay $0x2  }
0x4b4: {  	s19 =	smov.u32 s6  }
.LBB2_75:
0x4b5: {  	_ =	sfence.sel $0x180000  }
0x4b6: {  	[bflag:$0x0] =	sbarrier.arrive $0xFFFF  }
0x4b7: {  	_ =	strace $0x90000047  }
0x4b8: {  	s0 =	stileid.u32;
	[bflag:$0x2] =	sbarrier.arrive $0xFFFF  }
0x4b9: {  	p0 =	sne.s32 s0, $0x0;
	s0 =	rddreg [dreg:$0x2]  }
0x4ba: {  	s0 =	sadd.s32 @!p0 $0x100000, s0  }
0x4bb: {  	[sflag:s0] =	ssyncadd.tile.s32 @!p0 $0x1;
	_ =	shalt  }
.Lfunc_end2:
_tile_overlayer_lowered:
.L_overlay_start_2:
0x4bc: {  	(tag) =	ssettag $0x2  }
0x4bd: {  	s0 =	rddreg [dreg:$0x0];
	s2 =	stileid.u32  }
0x4be: {  	s1 =	rddreg [dreg:$0x1];
	p0 =	sne.s32 s2, $0x0  }
0x4bf: {  	s3 =	rddreg [dreg:$0x2];
	[bflag:$0x3] =	sbarrier.arrive $0xFFFF;
	s2 =	simm.s32 @!p0 $0x1C09  }
0x4c0: {  	[timem:s3], [sflag:s2] =	dma.local @!p0 [hbm:s0], s1  }
0x4c1: {  	s0 =	simm.s32 @!p0 $0x9  }
0x4c2: {  	_ =	swait.ge @!p0 [sflag:s0], s1  }
0x4c3: {  	s1 =	ssub.s32 @!p0 $0x0, s1;
	[sflag:s0] =	ssyncset.done @!p0 $0x0  }
0x4c4: {  	[sflag:s0] =	ssyncadd.s32 @!p0 s1  }
0x4c5: {  	[bflag:$0x3] =	sbarrier.arrive $0xFFFF  }
0x4c6: {  	_ =	shalt  }

</sc_bundles>
